<compile_context>
chip_gen: v7x
topology: tpu7x:2x2x1
jax: 0.10.2.dev20260603
libtpu: 0.0.44.dev20260713+nightly
codegen_flags: <defaults>
</compile_context>

<pallas_src>
import functools

import jax
import jax.numpy as jnp
from jax import lax
from jax.experimental import pallas as pl
from jax.experimental.pallas import tpu as pltpu
from jax.experimental.pallas import tpu_sc as plsc

N = 10000
E = 320000
D = 128

NC = 2
NS = 16
NW = NC * NS
CHUNK = 64
EPT = E // NW
CPT = ((-(-EPT // CHUNK) + 7) // 8) * 8
PAD_PER_TILE = CPT * CHUNK - EPT
NROWS = NW * CPT
CPD = NROWS // NS
N_PAD = 10240
RPT = N_PAD // NS

_mesh = plsc.VectorSubcoreMesh(core_axis_name="c", subcore_axis_name="s")


DHALF = CPD // 2


@functools.partial(
    pl.kernel,
    out_type=jax.ShapeDtypeStruct((2, N_PAD), jnp.float32),
    mesh=_mesh,
    scratch_types=[
        pltpu.VMEM((DHALF, CHUNK), jnp.int32),
        pltpu.VMEM((CHUNK,), jnp.float32),
        pltpu.VMEM((RPT,), jnp.float32),
        pltpu.VMEM_SHARED((N_PAD,), jnp.float32),
        [pltpu.SemaphoreType.DMA for _ in range(4)],
    ],
)
def _deg_kernel(src_hbm, dst_hbm, out_hbm, idx_v, ones_v, zer_v, acc_sh,
                dsem):
    c = lax.axis_index("c")
    s = lax.axis_index("s")

    def fill_ones(i, _):
        ones_v[pl.ds(i * 16, 16)] = jnp.full((16,), 1.0, jnp.float32)
        return 0

    lax.fori_loop(0, CHUNK // 16, fill_ones, 0)

    def fill_zeros(i, _):
        zer_v[pl.ds(i * 16, 16)] = jnp.zeros((16,), jnp.float32)
        return 0

    lax.fori_loop(0, RPT // 16, fill_zeros, 0)

    pltpu.sync_copy(zer_v, acc_sh.at[pl.ds(s * RPT, RPT)])
    plsc.subcore_barrier()

    def run(edge_hbm):
        def start(j, b):
            pltpu.async_copy(ones_v, acc_sh.at[idx_v.at[j]], dsem[b],
                             add=True)

        def wait(j, b):
            pltpu.make_async_copy(ones_v, acc_sh.at[idx_v.at[j]],
                                  dsem[b]).wait()

        for h in range(2):
            pltpu.sync_copy(edge_hbm.at[pl.ds(s * CPD + h * DHALF, DHALF)],
                            idx_v)

            def quad(m, _):
                for i in range(4):
                    j = 4 * m + i

                    @pl.when(j >= 4)
                    def _():
                        wait(j - 4, i)

                    start(j, i)
                return 0

            lax.fori_loop(0, DHALF // 4, quad, 0)
            for i in range(4):
                wait(DHALF - 4 + i, i)

    @pl.when(c == 0)
    def _():
        run(src_hbm)

    @pl.when(c == 1)
    def _():
        run(dst_hbm)

    plsc.subcore_barrier()
    pltpu.sync_copy(acc_sh.at[pl.ds(s * RPT, RPT)],
                    out_hbm.at[c, pl.ds(s * RPT, RPT)])


ZR = 16
NHALF = 4
CPH = CPT // NHALF
NBUF = 4


@functools.partial(
    pl.kernel,
    out_type=jax.ShapeDtypeStruct((2, N_PAD, D), jnp.float32),
    mesh=_mesh,
    scratch_types=[
        pltpu.VMEM((CPH, CHUNK), jnp.int32),
        pltpu.VMEM((CPH, CHUNK), jnp.int32),
        [pltpu.VMEM((CHUNK, D), jnp.float32) for _ in range(NBUF)],
        pltpu.VMEM((ZR, D), jnp.float32),
        pltpu.VMEM_SHARED((N_PAD, D), jnp.float32),
        [pltpu.SemaphoreType.DMA for _ in range(NBUF)],
        [pltpu.SemaphoreType.DMA for _ in range(NBUF)],
    ],
)
def _edge_kernel(h_hbm, src_hbm, dst_hbm, out_hbm,
                 sidx, didx, bufs, zbuf, acc_sh, gsem, ssem):
    c = lax.axis_index("c")
    s = lax.axis_index("s")
    wid = s * NC + c
    base = wid * CPT

    def zfill(r, _):
        for k in range(D // 16):
            zbuf[r, pl.ds(k * 16, 16)] = jnp.zeros((16,), jnp.float32)
        return 0

    lax.fori_loop(0, ZR, zfill, 0)

    pltpu.async_copy(src_hbm.at[pl.ds(base, CPH)], sidx, ssem[0])
    pltpu.async_copy(dst_hbm.at[pl.ds(base, CPH)], didx, ssem[1])

    def zstart(i, b):
        pltpu.async_copy(zbuf, acc_sh.at[pl.ds(s * RPT + i * ZR, ZR)],
                         gsem[b])

    def zwait(i, b):
        pltpu.make_async_copy(zbuf, acc_sh.at[pl.ds(s * RPT + i * ZR, ZR)],
                              gsem[b]).wait()

    def zero_acc(m, _):
        for b in range(4):
            i = 4 * m + b

            @pl.when(i >= 4)
            def _():
                zwait(i - 4, b)

            zstart(i, b)
        return 0

    lax.fori_loop(0, RPT // ZR // 4, zero_acc, 0)
    for b in range(4):
        zwait(RPT // ZR - 4 + b, b)
    pltpu.make_async_copy(src_hbm.at[pl.ds(base, CPH)], sidx, ssem[0]).wait()
    pltpu.make_async_copy(dst_hbm.at[pl.ds(base, CPH)], didx, ssem[1]).wait()
    plsc.subcore_barrier()

    def start_g(j, b):
        pltpu.async_copy(h_hbm.at[sidx.at[j]], bufs[b], gsem[b])

    def wait_g(j, b):
        pltpu.make_async_copy(h_hbm.at[sidx.at[j]], bufs[b], gsem[b]).wait()

    def start_s(j, b):
        pltpu.async_copy(bufs[b], acc_sh.at[didx.at[j]], ssem[b], add=True)

    def wait_s(j, b):
        pltpu.make_async_copy(bufs[b], acc_sh.at[didx.at[j]], ssem[b]).wait()

    for h in range(NHALF):
        if h > 0:
            pltpu.sync_copy(src_hbm.at[pl.ds(base + h * CPH, CPH)], sidx)
            pltpu.sync_copy(dst_hbm.at[pl.ds(base + h * CPH, CPH)], didx)

        for b in range(NBUF - 1):
            start_g(b, b)

        def ring_body(m, _):
            for i in range(NBUF):
                j = NBUF * m + i
                wait_g(j, i)
                start_s(j, i)
                bn = (i + NBUF - 1) % NBUF

                @pl.when(j >= 1)
                def _():
                    wait_s(j - 1, bn)

                @pl.when(j + NBUF - 1 < CPH)
                def _():
                    start_g(j + NBUF - 1, bn)
            return 0

        lax.fori_loop(0, CPH // NBUF, ring_body, 0)
        wait_s(CPH - 1, (CPH - 1) % NBUF)

    plsc.subcore_barrier()
    pltpu.sync_copy(acc_sh.at[pl.ds(s * RPT, RPT)],
                    out_hbm.at[c, pl.ds(s * RPT, RPT)])


BR = 400
GRID = N // BR


def _norm_body(x_ref, dego_ref, degi_ref, corr_ref, h1_ref, ns_ref, nd_ref):
    dego = dego_ref[...] - corr_ref[...]
    degi = degi_ref[...]
    ns = jnp.where(dego > 0, lax.rsqrt(dego), 0.0)
    nd = jnp.where(degi > 0, lax.rsqrt(degi), 0.0)
    ns_ref[...] = ns
    nd_ref[...] = nd
    h1_ref[...] = x_ref[...] * ns


_norm_call = pl.pallas_call(
    _norm_body,
    grid=(GRID,),
    in_specs=[
        pl.BlockSpec((BR, D), lambda i: (i, 0)),
        pl.BlockSpec((BR, 1), lambda i: (i, 0)),
        pl.BlockSpec((BR, 1), lambda i: (i, 0)),
        pl.BlockSpec((BR, 1), lambda i: (i, 0)),
    ],
    out_specs=[
        pl.BlockSpec((BR, D), lambda i: (i, 0)),
        pl.BlockSpec((BR, 1), lambda i: (i, 0)),
        pl.BlockSpec((BR, 1), lambda i: (i, 0)),
    ],
    out_shape=[
        jax.ShapeDtypeStruct((N, D), jnp.float32),
        jax.ShapeDtypeStruct((N, 1), jnp.float32),
        jax.ShapeDtypeStruct((N, 1), jnp.float32),
    ],
)


def _mm_body_scaled(p_ref, nd_ref, w_ref, b_ref, ns_ref, o_ref):
    p = (p_ref[0] + p_ref[1]) * nd_ref[...]
    y = jnp.dot(p, w_ref[...], preferred_element_type=jnp.float32) + b_ref[...]
    o_ref[...] = y * ns_ref[...]


def _mm_body_plain(p_ref, nd_ref, w_ref, b_ref, o_ref):
    p = (p_ref[0] + p_ref[1]) * nd_ref[...]
    y = jnp.dot(p, w_ref[...], preferred_element_type=jnp.float32) + b_ref[...]
    o_ref[...] = y


def _make_mm(scaled):
    in_specs = [
        pl.BlockSpec((2, BR, D), lambda i: (0, i, 0)),
        pl.BlockSpec((BR, 1), lambda i: (i, 0)),
        pl.BlockSpec((D, D), lambda i: (0, 0)),
        pl.BlockSpec((1, D), lambda i: (0, 0)),
    ]
    if scaled:
        in_specs.append(pl.BlockSpec((BR, 1), lambda i: (i, 0)))
    return pl.pallas_call(
        _mm_body_scaled if scaled else _mm_body_plain,
        grid=(GRID,),
        in_specs=in_specs,
        out_specs=pl.BlockSpec((BR, D), lambda i: (i, 0)),
        out_shape=jax.ShapeDtypeStruct((N, D), jnp.float32),
    )


_mm_scaled = _make_mm(True)
_mm_plain = _make_mm(False)


import numpy as _np

_CORR = _np.zeros((N, 1), dtype=_np.float32)
_CORR[(_np.arange(PAD_PER_TILE) * 89) % N, 0] += float(NW)


def kernel(in_feat, edge_index, W1, b1, W2, b2):
    src = edge_index[0]
    dst = edge_index[1]

    pad_i = jnp.arange(PAD_PER_TILE, dtype=jnp.int32)
    gat_pad = jnp.broadcast_to((pad_i * 89) % N, (NW, PAD_PER_TILE))
    dis_pad = jnp.broadcast_to(N + (pad_i % (N_PAD - N)), (NW, PAD_PER_TILE))

    src2 = src.reshape(NW, EPT)
    dst2 = dst.reshape(NW, EPT)
    src_gat = jnp.concatenate([src2, gat_pad], axis=1).reshape(NROWS, CHUNK)
    dst_deg = jnp.concatenate([dst2, dis_pad], axis=1).reshape(NROWS, CHUNK)

    deg = _deg_kernel(src_gat, dst_deg)
    dego = deg[0, :N].reshape(N, 1)
    degi = deg[1, :N].reshape(N, 1)

    h1, ns, nd = _norm_call(in_feat, dego, degi, _CORR)

    p1 = _edge_kernel(h1, src_gat, dst_deg)
    h2 = _mm_scaled(p1, nd, W1, b1.reshape(1, D), ns)

    p2 = _edge_kernel(h2, src_gat, dst_deg)
    out = _mm_plain(p2, nd, W2, b2.reshape(1, D))
    return out

# --- scband reference (transcript-rebuilt; emitter-appended) ---
"""Pipeline reference for scband-gcn-60155311947854 (READ-ONLY COPY).

The authoritative reference and input builder live on the scoring server;
editing this copy changes nothing except your own understanding.
"""

import jax, jax.numpy as jnp
import numpy as np

N = 10000
E = 320000
D_IN = 128
D_H = 128


def setup_inputs(seed: int = 0) -> dict:
    key = jax.random.key(seed)
    k1, k2, k3, k4, k5, k6 = jax.random.split(key, 6)
    x = jax.random.normal(k1, (N, D_IN), dtype=jnp.float32)
    edge_index = jax.random.randint(k2, (2, E), 0, N, dtype=jnp.int32)
    # GraphConv weights (glorot-ish init)
    W1 = jax.random.normal(k3, (D_IN, D_H), dtype=jnp.float32) * (1.0 / np.sqrt(D_IN))
    b1 = jnp.zeros((D_H,), dtype=jnp.float32)
    W2 = jax.random.normal(k4, (D_H, D_H), dtype=jnp.float32) * (1.0 / np.sqrt(D_H))
    b2 = jnp.zeros((D_H,), dtype=jnp.float32)
    return {"in_feat": x, "edge_index": edge_index, "W1": W1, "b1": b1, "W2": W2, "b2": b2}


def _gcn_conv(x, edge_index, W, b):
    # DGL GraphConv with norm='both': D^{-1/2} A D^{-1/2} X W + b
    src = edge_index[0]
    dst = edge_index[1]
    ones = jnp.ones((edge_index.shape[1],), dtype=jnp.float32)
    deg_out = jax.ops.segment_sum(ones, src, num_segments=N)
    deg_in = jax.ops.segment_sum(ones, dst, num_segments=N)
    norm_src = jnp.where(deg_out > 0, deg_out ** -0.5, 0.0)
    norm_dst = jnp.where(deg_in > 0, deg_in ** -0.5, 0.0)
    h = x * norm_src[:, None]
    msg = h[src]  # gather
    agg = jax.ops.segment_sum(msg, dst, num_segments=N)  # scatter-add
    agg = agg * norm_dst[:, None]
    return agg @ W + b


def reference(in_feat, edge_index, W1, b1, W2, b2):
    # GCN.forward with conv='GCN', prop_step=2, residual=0, norm/relu/linear off,
    # drop_edge off (eval-time faithful path). Dropout inactive in eval.
    h = _gcn_conv(in_feat, edge_index, W1, b1)  # conv1, flatten(1) is identity
    h = _gcn_conv(h, edge_index, W2, b2)        # conv2 (prop_step=2 -> one more hop)
    return h

if __name__ == "__main__":
    import jax
    _d = setup_inputs()
    print(jax.jit(kernel)(*tuple(_d.values())))

</pallas_src>

<mosaic_0001>
#map = affine_map<(d0, d1) -> (0, 0)>
#map1 = affine_map<(d0, d1) -> (0, 0, 0)>
module attributes {stable_mosaic.version = 14 : i64} {
  func.func @_edge_kernel(%arg0: i32, %arg1: i32, %arg2: memref<10000x128xf32, #tpu.memory_space<hbm>>, %arg3: memref<5120x64xi32, #tpu.memory_space<hbm>>, %arg4: memref<5120x64xi32, #tpu.memory_space<hbm>>, %arg5: memref<2x10240x128xf32, #tpu.memory_space<hbm>>, %arg6: memref<40x64xi32, #tpu.memory_space<vmem>>, %arg7: memref<40x64xi32, #tpu.memory_space<vmem>>, %arg8: memref<64x128xf32, #tpu.memory_space<vmem>>, %arg9: memref<64x128xf32, #tpu.memory_space<vmem>>, %arg10: memref<64x128xf32, #tpu.memory_space<vmem>>, %arg11: memref<64x128xf32, #tpu.memory_space<vmem>>, %arg12: memref<16x128xf32, #tpu.memory_space<vmem>>, %arg13: memref<10240x128xf32, #tpu.memory_space<vmem_shared>>, %arg14: memref<!tpu.dma_semaphore, #tpu.memory_space<semaphore_mem>>, %arg15: memref<!tpu.dma_semaphore, #tpu.memory_space<semaphore_mem>>, %arg16: memref<!tpu.dma_semaphore, #tpu.memory_space<semaphore_mem>>, %arg17: memref<!tpu.dma_semaphore, #tpu.memory_space<semaphore_mem>>, %arg18: memref<!tpu.dma_semaphore, #tpu.memory_space<semaphore_mem>>, %arg19: memref<!tpu.dma_semaphore, #tpu.memory_space<semaphore_mem>>, %arg20: memref<!tpu.dma_semaphore, #tpu.memory_space<semaphore_mem>>, %arg21: memref<!tpu.dma_semaphore, #tpu.memory_space<semaphore_mem>>) attributes {dimension_semantics = [#tpu.dimension_semantics<core_parallel>, #tpu.dimension_semantics<subcore_parallel>], iteration_bounds = array<i64: 2, 16>, scalar_prefetch = 0 : i64, scratch_operands = 16 : i64, tpu.core_type = #tpu.core_type<sc_vector_subcore>, window_params = [{transform_indices = #map}, {transform_indices = #map}, {transform_indices = #map}, {transform_indices = #map1}]} {
    %mul3A = arith.constant 2 : i32
    %mul3A_0 = arith.muli %arg1, %mul3A : i32
    %add3A = arith.addi %mul3A_0, %arg0 : i32
    %mul3A_1 = arith.constant 160 : i32
    %mul3A_2 = arith.muli %add3A, %mul3A_1 : i32
    %scan3A = arith.constant 0 : i32
    %scan3A_3 = arith.constant 0 : i32
    %scan3A_4 = arith.constant 16 : i32
    %scan3A_5 = arith.addi %scan3A_3, %scan3A_4 : i32
    %scan3A_6 = arith.constant 1 : i32
    %scan3A_7 = scf.for %scan3A_219 = %scan3A_3 to %scan3A_5 step %scan3A_6 iter_args(%scan3A_220 = %scan3A) -> (i32)  : i32 {
      %broadcast_in_dim3A = arith.constant 0.000000e+00 : f32
      %broadcast_in_dim3A_221 = vector.broadcast %broadcast_in_dim3A : f32 to vector<16xf32>
      %swap3A = arith.index_cast %scan3A_219 : i32 to index
      %swap3A_222 = arith.constant 0 : index
      %swap3A_223 = tpu.vector_load %arg12[%swap3A, %swap3A_222] {strides = array<i32>} : memref<16x128xf32, #tpu.memory_space<vmem>>, vector<1x16xf32>,
      %swap3A_224 = vector.shape_cast %swap3A_223 : vector<1x16xf32> to vector<16xf32>
      %swap3A_225 = vector.shape_cast %broadcast_in_dim3A_221 : vector<16xf32> to vector<1x16xf32>
      tpu.vector_store %arg12[%swap3A, %swap3A_222], %swap3A_225 {strides = array<i32>} : memref<16x128xf32, #tpu.memory_space<vmem>>, vector<1x16xf32>,
      %broadcast_in_dim3A_226 = arith.constant 0.000000e+00 : f32
      %broadcast_in_dim3A_227 = vector.broadcast %broadcast_in_dim3A_226 : f32 to vector<16xf32>
      %swap3A_228 = arith.index_cast %scan3A_219 : i32 to index
      %swap3A_229 = arith.constant 16 : index
      %swap3A_230 = tpu.vector_load %arg12[%swap3A_228, %swap3A_229] {strides = array<i32>} : memref<16x128xf32, #tpu.memory_space<vmem>>, vector<1x16xf32>,
      %swap3A_231 = vector.shape_cast %swap3A_230 : vector<1x16xf32> to vector<16xf32>
      %swap3A_232 = vector.shape_cast %broadcast_in_dim3A_227 : vector<16xf32> to vector<1x16xf32>
      tpu.vector_store %arg12[%swap3A_228, %swap3A_229], %swap3A_232 {strides = array<i32>} : memref<16x128xf32, #tpu.memory_space<vmem>>, vector<1x16xf32>,
      %broadcast_in_dim3A_233 = arith.constant 0.000000e+00 : f32
      %broadcast_in_dim3A_234 = vector.broadcast %broadcast_in_dim3A_233 : f32 to vector<16xf32>
      %swap3A_235 = arith.index_cast %scan3A_219 : i32 to index
      %swap3A_236 = arith.constant 32 : index
      %swap3A_237 = tpu.vector_load %arg12[%swap3A_235, %swap3A_236] {strides = array<i32>} : memref<16x128xf32, #tpu.memory_space<vmem>>, vector<1x16xf32>,
      %swap3A_238 = vector.shape_cast %swap3A_237 : vector<1x16xf32> to vector<16xf32>
      %swap3A_239 = vector.shape_cast %broadcast_in_dim3A_234 : vector<16xf32> to vector<1x16xf32>
      tpu.vector_store %arg12[%swap3A_235, %swap3A_236], %swap3A_239 {strides = array<i32>} : memref<16x128xf32, #tpu.memory_space<vmem>>, vector<1x16xf32>,
      %broadcast_in_dim3A_240 = arith.constant 0.000000e+00 : f32
      %broadcast_in_dim3A_241 = vector.broadcast %broadcast_in_dim3A_240 : f32 to vector<16xf32>
      %swap3A_242 = arith.index_cast %scan3A_219 : i32 to index
      %swap3A_243 = arith.constant 48 : index
      %swap3A_244 = tpu.vector_load %arg12[%swap3A_242, %swap3A_243] {strides = array<i32>} : memref<16x128xf32, #tpu.memory_space<vmem>>, vector<1x16xf32>,
      %swap3A_245 = vector.shape_cast %swap3A_244 : vector<1x16xf32> to vector<16xf32>
      %swap3A_246 = vector.shape_cast %broadcast_in_dim3A_241 : vector<16xf32> to vector<1x16xf32>
      tpu.vector_store %arg12[%swap3A_242, %swap3A_243], %swap3A_246 {strides = array<i32>} : memref<16x128xf32, #tpu.memory_space<vmem>>, vector<1x16xf32>,
      %broadcast_in_dim3A_247 = arith.constant 0.000000e+00 : f32
      %broadcast_in_dim3A_248 = vector.broadcast %broadcast_in_dim3A_247 : f32 to vector<16xf32>
      %swap3A_249 = arith.index_cast %scan3A_219 : i32 to index
      %swap3A_250 = arith.constant 64 : index
      %swap3A_251 = tpu.vector_load %arg12[%swap3A_249, %swap3A_250] {strides = array<i32>} : memref<16x128xf32, #tpu.memory_space<vmem>>, vector<1x16xf32>,
      %swap3A_252 = vector.shape_cast %swap3A_251 : vector<1x16xf32> to vector<16xf32>
      %swap3A_253 = vector.shape_cast %broadcast_in_dim3A_248 : vector<16xf32> to vector<1x16xf32>
      tpu.vector_store %arg12[%swap3A_249, %swap3A_250], %swap3A_253 {strides = array<i32>} : memref<16x128xf32, #tpu.memory_space<vmem>>, vector<1x16xf32>,
      %broadcast_in_dim3A_254 = arith.constant 0.000000e+00 : f32
      %broadcast_in_dim3A_255 = vector.broadcast %broadcast_in_dim3A_254 : f32 to vector<16xf32>
      %swap3A_256 = arith.index_cast %scan3A_219 : i32 to index
      %swap3A_257 = arith.constant 80 : index
      %swap3A_258 = tpu.vector_load %arg12[%swap3A_256, %swap3A_257] {strides = array<i32>} : memref<16x128xf32, #tpu.memory_space<vmem>>, vector<1x16xf32>,
      %swap3A_259 = vector.shape_cast %swap3A_258 : vector<1x16xf32> to vector<16xf32>
      %swap3A_260 = vector.shape_cast %broadcast_in_dim3A_255 : vector<16xf32> to vector<1x16xf32>
      tpu.vector_store %arg12[%swap3A_256, %swap3A_257], %swap3A_260 {strides = array<i32>} : memref<16x128xf32, #tpu.memory_space<vmem>>, vector<1x16xf32>,
      %broadcast_in_dim3A_261 = arith.constant 0.000000e+00 : f32
      %broadcast_in_dim3A_262 = vector.broadcast %broadcast_in_dim3A_261 : f32 to vector<16xf32>
      %swap3A_263 = arith.index_cast %scan3A_219 : i32 to index
      %swap3A_264 = arith.constant 96 : index
      %swap3A_265 = tpu.vector_load %arg12[%swap3A_263, %swap3A_264] {strides = array<i32>} : memref<16x128xf32, #tpu.memory_space<vmem>>, vector<1x16xf32>,
      %swap3A_266 = vector.shape_cast %swap3A_265 : vector<1x16xf32> to vector<16xf32>
      %swap3A_267 = vector.shape_cast %broadcast_in_dim3A_262 : vector<16xf32> to vector<1x16xf32>
      tpu.vector_store %arg12[%swap3A_263, %swap3A_264], %swap3A_267 {strides = array<i32>} : memref<16x128xf32, #tpu.memory_space<vmem>>, vector<1x16xf32>,
      %broadcast_in_dim3A_268 = arith.constant 0.000000e+00 : f32
      %broadcast_in_dim3A_269 = vector.broadcast %broadcast_in_dim3A_268 : f32 to vector<16xf32>
      %swap3A_270 = arith.index_cast %scan3A_219 : i32 to index
      %swap3A_271 = arith.constant 112 : index
      %swap3A_272 = tpu.vector_load %arg12[%swap3A_270, %swap3A_271] {strides = array<i32>} : memref<16x128xf32, #tpu.memory_space<vmem>>, vector<1x16xf32>,
      %swap3A_273 = vector.shape_cast %swap3A_272 : vector<1x16xf32> to vector<16xf32>
      %swap3A_274 = vector.shape_cast %broadcast_in_dim3A_269 : vector<16xf32> to vector<1x16xf32>
      tpu.vector_store %arg12[%swap3A_270, %swap3A_271], %swap3A_274 {strides = array<i32>} : memref<16x128xf32, #tpu.memory_space<vmem>>, vector<1x16xf32>,
      %scan3A_275 = arith.constant 0 : i32
      scf.yield %scan3A_275 : i32
    }
    %scan3A_8 = arith.constant 16 : i32
    %dma_start3A = arith.constant 0 : i32
    %dma_start3A_9 = tpu.memref_slice %arg3[%mul3A_2, %dma_start3A] : memref<5120x64xi32, #tpu.memory_space<hbm>> -> memref<40x64xi32, #tpu.memory_space<hbm>>
    %dma_start3A_10 = arith.constant 0 : i32
    %dma_start3A_11 = tpu.memref_slice %arg3[%mul3A_2, %dma_start3A_10] : memref<5120x64xi32, #tpu.memory_space<hbm>> -> memref<40x64xi32, #tpu.memory_space<hbm>>
    tpu.enqueue_dma source(%dma_start3A_11 : memref<40x64xi32, #tpu.memory_space<hbm>>) target(%arg6 : memref<40x64xi32, #tpu.memory_space<vmem>>) target_semaphore(%arg18 : memref<!tpu.dma_semaphore, #tpu.memory_space<semaphore_mem>>)
    %dma_start3A_12 = arith.constant 0 : i32
    %dma_start3A_13 = tpu.memref_slice %arg4[%mul3A_2, %dma_start3A_12] : memref<5120x64xi32, #tpu.memory_space<hbm>> -> memref<40x64xi32, #tpu.memory_space<hbm>>
    %dma_start3A_14 = arith.constant 0 : i32
    %dma_start3A_15 = tpu.memref_slice %arg4[%mul3A_2, %dma_start3A_14] : memref<5120x64xi32, #tpu.memory_space<hbm>> -> memref<40x64xi32, #tpu.memory_space<hbm>>
    tpu.enqueue_dma source(%dma_start3A_15 : memref<40x64xi32, #tpu.memory_space<hbm>>) target(%arg7 : memref<40x64xi32, #tpu.memory_space<vmem>>) target_semaphore(%arg19 : memref<!tpu.dma_semaphore, #tpu.memory_space<semaphore_mem>>)
    %scan3A_16 = arith.constant 0 : i32
    %scan3A_17 = arith.constant 0 : i32
    %scan3A_18 = arith.constant 10 : i32
    %scan3A_19 = arith.addi %scan3A_17, %scan3A_18 : i32
    %scan3A_20 = arith.constant 1 : i32
    %scan3A_21 = scf.for %scan3A_219 = %scan3A_17 to %scan3A_19 step %scan3A_20 iter_args(%scan3A_220 = %scan3A_16) -> (i32)  : i32 {
      %mul3A_221 = arith.constant 4 : i32
      %mul3A_222 = arith.muli %mul3A_221, %scan3A_219 : i32
      %add3A_223 = arith.constant 0 : i32
      %add3A_224 = arith.addi %mul3A_222, %add3A_223 : i32
      %ge3A = arith.constant 4 : i32
      %ge3A_225 = arith.cmpi sge, %add3A_224, %ge3A : i32
      %convert_element_type3A = arith.extui %ge3A_225 : i1 to i32
      %cond3A = arith.constant 0 : i32
      %cond3A_226 = arith.cmpi ne, %convert_element_type3A, %cond3A : i32
      scf.if %cond3A_226 {
        %sub3A = arith.constant 4 : i32
        %sub3A_291 = arith.subi %add3A_224, %sub3A : i32
        %mul3A_292 = arith.constant 640 : i32
        %mul3A_293 = arith.muli %arg1, %mul3A_292 : i32
        %mul3A_294 = arith.constant 16 : i32
        %mul3A_295 = arith.muli %sub3A_291, %mul3A_294 : i32
        %add3A_296 = arith.addi %mul3A_293, %mul3A_295 : i32
        %dma_wait3A_297 = arith.constant 0 : i32
        %dma_wait3A_298 = tpu.memref_slice %arg13[%add3A_296, %dma_wait3A_297] : memref<10240x128xf32, #tpu.memory_space<vmem_shared>> -> memref<16x128xf32, #tpu.memory_space<vmem_shared>>
        %dma_wait3A_299 = arith.constant 0 : i32
        %dma_wait3A_300 = tpu.memref_slice %arg13[%add3A_296, %dma_wait3A_299] : memref<10240x128xf32, #tpu.memory_space<vmem_shared>> -> memref<16x128xf32, #tpu.memory_space<vmem_shared>>
        tpu.wait_dma2 semaphore(%arg14 : memref<!tpu.dma_semaphore, #tpu.memory_space<semaphore_mem>>) src(%arg12 : memref<16x128xf32, #tpu.memory_space<vmem>>) dst(%dma_wait3A_300 : memref<16x128xf32, #tpu.memory_space<vmem_shared>>)
      } else {
      }
      %mul3A_227 = arith.constant 640 : i32
      %mul3A_228 = arith.muli %arg1, %mul3A_227 : i32
      %mul3A_229 = arith.constant 16 : i32
      %mul3A_230 = arith.muli %add3A_224, %mul3A_229 : i32
      %add3A_231 = arith.addi %mul3A_228, %mul3A_230 : i32
      %dma_start3A_232 = arith.constant 0 : i32
      %dma_start3A_233 = tpu.memref_slice %arg13[%add3A_231, %dma_start3A_232] : memref<10240x128xf32, #tpu.memory_space<vmem_shared>> -> memref<16x128xf32, #tpu.memory_space<vmem_shared>>
      %dma_start3A_234 = arith.constant 0 : i32
      %dma_start3A_235 = tpu.memref_slice %arg13[%add3A_231, %dma_start3A_234] : memref<10240x128xf32, #tpu.memory_space<vmem_shared>> -> memref<16x128xf32, #tpu.memory_space<vmem_shared>>
      tpu.enqueue_dma source(%arg12 : memref<16x128xf32, #tpu.memory_space<vmem>>) target(%dma_start3A_235 : memref<16x128xf32, #tpu.memory_space<vmem_shared>>) target_semaphore(%arg14 : memref<!tpu.dma_semaphore, #tpu.memory_space<semaphore_mem>>)
      %mul3A_236 = arith.constant 4 : i32
      %mul3A_237 = arith.muli %mul3A_236, %scan3A_219 : i32
      %add3A_238 = arith.constant 1 : i32
      %add3A_239 = arith.addi %mul3A_237, %add3A_238 : i32
      %ge3A_240 = arith.constant 4 : i32
      %ge3A_241 = arith.cmpi sge, %add3A_239, %ge3A_240 : i32
      %convert_element_type3A_242 = arith.extui %ge3A_241 : i1 to i32
      %cond3A_243 = arith.constant 0 : i32
      %cond3A_244 = arith.cmpi ne, %convert_element_type3A_242, %cond3A_243 : i32
      scf.if %cond3A_244 {
        %sub3A = arith.constant 4 : i32
        %sub3A_291 = arith.subi %add3A_239, %sub3A : i32
        %mul3A_292 = arith.constant 640 : i32
        %mul3A_293 = arith.muli %arg1, %mul3A_292 : i32
        %mul3A_294 = arith.constant 16 : i32
        %mul3A_295 = arith.muli %sub3A_291, %mul3A_294 : i32
        %add3A_296 = arith.addi %mul3A_293, %mul3A_295 : i32
        %dma_wait3A_297 = arith.constant 0 : i32
        %dma_wait3A_298 = tpu.memref_slice %arg13[%add3A_296, %dma_wait3A_297] : memref<10240x128xf32, #tpu.memory_space<vmem_shared>> -> memref<16x128xf32, #tpu.memory_space<vmem_shared>>
        %dma_wait3A_299 = arith.constant 0 : i32
        %dma_wait3A_300 = tpu.memref_slice %arg13[%add3A_296, %dma_wait3A_299] : memref<10240x128xf32, #tpu.memory_space<vmem_shared>> -> memref<16x128xf32, #tpu.memory_space<vmem_shared>>
        tpu.wait_dma2 semaphore(%arg15 : memref<!tpu.dma_semaphore, #tpu.memory_space<semaphore_mem>>) src(%arg12 : memref<16x128xf32, #tpu.memory_space<vmem>>) dst(%dma_wait3A_300 : memref<16x128xf32, #tpu.memory_space<vmem_shared>>)
      } else {
      }
      %mul3A_245 = arith.constant 640 : i32
      %mul3A_246 = arith.muli %arg1, %mul3A_245 : i32
      %mul3A_247 = arith.constant 16 : i32
      %mul3A_248 = arith.muli %add3A_239, %mul3A_247 : i32
      %add3A_249 = arith.addi %mul3A_246, %mul3A_248 : i32
      %dma_start3A_250 = arith.constant 0 : i32
      %dma_start3A_251 = tpu.memref_slice %arg13[%add3A_249, %dma_start3A_250] : memref<10240x128xf32, #tpu.memory_space<vmem_shared>> -> memref<16x128xf32, #tpu.memory_space<vmem_shared>>
      %dma_start3A_252 = arith.constant 0 : i32
      %dma_start3A_253 = tpu.memref_slice %arg13[%add3A_249, %dma_start3A_252] : memref<10240x128xf32, #tpu.memory_space<vmem_shared>> -> memref<16x128xf32, #tpu.memory_space<vmem_shared>>
      tpu.enqueue_dma source(%arg12 : memref<16x128xf32, #tpu.memory_space<vmem>>) target(%dma_start3A_253 : memref<16x128xf32, #tpu.memory_space<vmem_shared>>) target_semaphore(%arg15 : memref<!tpu.dma_semaphore, #tpu.memory_space<semaphore_mem>>)
      %mul3A_254 = arith.constant 4 : i32
      %mul3A_255 = arith.muli %mul3A_254, %scan3A_219 : i32
      %add3A_256 = arith.constant 2 : i32
      %add3A_257 = arith.addi %mul3A_255, %add3A_256 : i32
      %ge3A_258 = arith.constant 4 : i32
      %ge3A_259 = arith.cmpi sge, %add3A_257, %ge3A_258 : i32
      %convert_element_type3A_260 = arith.extui %ge3A_259 : i1 to i32
      %cond3A_261 = arith.constant 0 : i32
      %cond3A_262 = arith.cmpi ne, %convert_element_type3A_260, %cond3A_261 : i32
      scf.if %cond3A_262 {
        %sub3A = arith.constant 4 : i32
        %sub3A_291 = arith.subi %add3A_257, %sub3A : i32
        %mul3A_292 = arith.constant 640 : i32
        %mul3A_293 = arith.muli %arg1, %mul3A_292 : i32
        %mul3A_294 = arith.constant 16 : i32
        %mul3A_295 = arith.muli %sub3A_291, %mul3A_294 : i32
        %add3A_296 = arith.addi %mul3A_293, %mul3A_295 : i32
        %dma_wait3A_297 = arith.constant 0 : i32
        %dma_wait3A_298 = tpu.memref_slice %arg13[%add3A_296, %dma_wait3A_297] : memref<10240x128xf32, #tpu.memory_space<vmem_shared>> -> memref<16x128xf32, #tpu.memory_space<vmem_shared>>
        %dma_wait3A_299 = arith.constant 0 : i32
        %dma_wait3A_300 = tpu.memref_slice %arg13[%add3A_296, %dma_wait3A_299] : memref<10240x128xf32, #tpu.memory_space<vmem_shared>> -> memref<16x128xf32, #tpu.memory_space<vmem_shared>>
        tpu.wait_dma2 semaphore(%arg16 : memref<!tpu.dma_semaphore, #tpu.memory_space<semaphore_mem>>) src(%arg12 : memref<16x128xf32, #tpu.memory_space<vmem>>) dst(%dma_wait3A_300 : memref<16x128xf32, #tpu.memory_space<vmem_shared>>)
      } else {
      }
      %mul3A_263 = arith.constant 640 : i32
      %mul3A_264 = arith.muli %arg1, %mul3A_263 : i32
      %mul3A_265 = arith.constant 16 : i32
      %mul3A_266 = arith.muli %add3A_257, %mul3A_265 : i32
      %add3A_267 = arith.addi %mul3A_264, %mul3A_266 : i32
      %dma_start3A_268 = arith.constant 0 : i32
      %dma_start3A_269 = tpu.memref_slice %arg13[%add3A_267, %dma_start3A_268] : memref<10240x128xf32, #tpu.memory_space<vmem_shared>> -> memref<16x128xf32, #tpu.memory_space<vmem_shared>>
      %dma_start3A_270 = arith.constant 0 : i32
      %dma_start3A_271 = tpu.memref_slice %arg13[%add3A_267, %dma_start3A_270] : memref<10240x128xf32, #tpu.memory_space<vmem_shared>> -> memref<16x128xf32, #tpu.memory_space<vmem_shared>>
      tpu.enqueue_dma source(%arg12 : memref<16x128xf32, #tpu.memory_space<vmem>>) target(%dma_start3A_271 : memref<16x128xf32, #tpu.memory_space<vmem_shared>>) target_semaphore(%arg16 : memref<!tpu.dma_semaphore, #tpu.memory_space<semaphore_mem>>)
      %mul3A_272 = arith.constant 4 : i32
      %mul3A_273 = arith.muli %mul3A_272, %scan3A_219 : i32
      %add3A_274 = arith.constant 3 : i32
      %add3A_275 = arith.addi %mul3A_273, %add3A_274 : i32
      %ge3A_276 = arith.constant 4 : i32
      %ge3A_277 = arith.cmpi sge, %add3A_275, %ge3A_276 : i32
      %convert_element_type3A_278 = arith.extui %ge3A_277 : i1 to i32
      %cond3A_279 = arith.constant 0 : i32
      %cond3A_280 = arith.cmpi ne, %convert_element_type3A_278, %cond3A_279 : i32
      scf.if %cond3A_280 {
        %sub3A = arith.constant 4 : i32
        %sub3A_291 = arith.subi %add3A_275, %sub3A : i32
        %mul3A_292 = arith.constant 640 : i32
        %mul3A_293 = arith.muli %arg1, %mul3A_292 : i32
        %mul3A_294 = arith.constant 16 : i32
        %mul3A_295 = arith.muli %sub3A_291, %mul3A_294 : i32
        %add3A_296 = arith.addi %mul3A_293, %mul3A_295 : i32
        %dma_wait3A_297 = arith.constant 0 : i32
        %dma_wait3A_298 = tpu.memref_slice %arg13[%add3A_296, %dma_wait3A_297] : memref<10240x128xf32, #tpu.memory_space<vmem_shared>> -> memref<16x128xf32, #tpu.memory_space<vmem_shared>>
        %dma_wait3A_299 = arith.constant 0 : i32
        %dma_wait3A_300 = tpu.memref_slice %arg13[%add3A_296, %dma_wait3A_299] : memref<10240x128xf32, #tpu.memory_space<vmem_shared>> -> memref<16x128xf32, #tpu.memory_space<vmem_shared>>
        tpu.wait_dma2 semaphore(%arg17 : memref<!tpu.dma_semaphore, #tpu.memory_space<semaphore_mem>>) src(%arg12 : memref<16x128xf32, #tpu.memory_space<vmem>>) dst(%dma_wait3A_300 : memref<16x128xf32, #tpu.memory_space<vmem_shared>>)
      } else {
      }
      %mul3A_281 = arith.constant 640 : i32
      %mul3A_282 = arith.muli %arg1, %mul3A_281 : i32
      %mul3A_283 = arith.constant 16 : i32
      %mul3A_284 = arith.muli %add3A_275, %mul3A_283 : i32
      %add3A_285 = arith.addi %mul3A_282, %mul3A_284 : i32
      %dma_start3A_286 = arith.constant 0 : i32
      %dma_start3A_287 = tpu.memref_slice %arg13[%add3A_285, %dma_start3A_286] : memref<10240x128xf32, #tpu.memory_space<vmem_shared>> -> memref<16x128xf32, #tpu.memory_space<vmem_shared>>
      %dma_start3A_288 = arith.constant 0 : i32
      %dma_start3A_289 = tpu.memref_slice %arg13[%add3A_285, %dma_start3A_288] : memref<10240x128xf32, #tpu.memory_space<vmem_shared>> -> memref<16x128xf32, #tpu.memory_space<vmem_shared>>
      tpu.enqueue_dma source(%arg12 : memref<16x128xf32, #tpu.memory_space<vmem>>) target(%dma_start3A_289 : memref<16x128xf32, #tpu.memory_space<vmem_shared>>) target_semaphore(%arg17 : memref<!tpu.dma_semaphore, #tpu.memory_space<semaphore_mem>>)
      %scan3A_290 = arith.constant 0 : i32
      scf.yield %scan3A_290 : i32
    }
    %scan3A_22 = arith.constant 10 : i32
    %mul3A_23 = arith.constant 640 : i32
    %mul3A_24 = arith.muli %arg1, %mul3A_23 : i32
    %add3A_25 = arith.constant 576 : i32
    %add3A_26 = arith.addi %mul3A_24, %add3A_25 : i32
    %dma_wait3A = arith.constant 0 : i32
    %dma_wait3A_27 = tpu.memref_slice %arg13[%add3A_26, %dma_wait3A] : memref<10240x128xf32, #tpu.memory_space<vmem_shared>> -> memref<16x128xf32, #tpu.memory_space<vmem_shared>>
    %dma_wait3A_28 = arith.constant 0 : i32
    %dma_wait3A_29 = tpu.memref_slice %arg13[%add3A_26, %dma_wait3A_28] : memref<10240x128xf32, #tpu.memory_space<vmem_shared>> -> memref<16x128xf32, #tpu.memory_space<vmem_shared>>
    tpu.wait_dma2 semaphore(%arg14 : memref<!tpu.dma_semaphore, #tpu.memory_space<semaphore_mem>>) src(%arg12 : memref<16x128xf32, #tpu.memory_space<vmem>>) dst(%dma_wait3A_29 : memref<16x128xf32, #tpu.memory_space<vmem_shared>>)
    %mul3A_30 = arith.constant 640 : i32
    %mul3A_31 = arith.muli %arg1, %mul3A_30 : i32
    %add3A_32 = arith.constant 592 : i32
    %add3A_33 = arith.addi %mul3A_31, %add3A_32 : i32
    %dma_wait3A_34 = arith.constant 0 : i32
    %dma_wait3A_35 = tpu.memref_slice %arg13[%add3A_33, %dma_wait3A_34] : memref<10240x128xf32, #tpu.memory_space<vmem_shared>> -> memref<16x128xf32, #tpu.memory_space<vmem_shared>>
    %dma_wait3A_36 = arith.constant 0 : i32
    %dma_wait3A_37 = tpu.memref_slice %arg13[%add3A_33, %dma_wait3A_36] : memref<10240x128xf32, #tpu.memory_space<vmem_shared>> -> memref<16x128xf32, #tpu.memory_space<vmem_shared>>
    tpu.wait_dma2 semaphore(%arg15 : memref<!tpu.dma_semaphore, #tpu.memory_space<semaphore_mem>>) src(%arg12 : memref<16x128xf32, #tpu.memory_space<vmem>>) dst(%dma_wait3A_37 : memref<16x128xf32, #tpu.memory_space<vmem_shared>>)
    %mul3A_38 = arith.constant 640 : i32
    %mul3A_39 = arith.muli %arg1, %mul3A_38 : i32
    %add3A_40 = arith.constant 608 : i32
    %add3A_41 = arith.addi %mul3A_39, %add3A_40 : i32
    %dma_wait3A_42 = arith.constant 0 : i32
    %dma_wait3A_43 = tpu.memref_slice %arg13[%add3A_41, %dma_wait3A_42] : memref<10240x128xf32, #tpu.memory_space<vmem_shared>> -> memref<16x128xf32, #tpu.memory_space<vmem_shared>>
    %dma_wait3A_44 = arith.constant 0 : i32
    %dma_wait3A_45 = tpu.memref_slice %arg13[%add3A_41, %dma_wait3A_44] : memref<10240x128xf32, #tpu.memory_space<vmem_shared>> -> memref<16x128xf32, #tpu.memory_space<vmem_shared>>
    tpu.wait_dma2 semaphore(%arg16 : memref<!tpu.dma_semaphore, #tpu.memory_space<semaphore_mem>>) src(%arg12 : memref<16x128xf32, #tpu.memory_space<vmem>>) dst(%dma_wait3A_45 : memref<16x128xf32, #tpu.memory_space<vmem_shared>>)
    %mul3A_46 = arith.constant 640 : i32
    %mul3A_47 = arith.muli %arg1, %mul3A_46 : i32
    %add3A_48 = arith.constant 624 : i32
    %add3A_49 = arith.addi %mul3A_47, %add3A_48 : i32
    %dma_wait3A_50 = arith.constant 0 : i32
    %dma_wait3A_51 = tpu.memref_slice %arg13[%add3A_49, %dma_wait3A_50] : memref<10240x128xf32, #tpu.memory_space<vmem_shared>> -> memref<16x128xf32, #tpu.memory_space<vmem_shared>>
    %dma_wait3A_52 = arith.constant 0 : i32
    %dma_wait3A_53 = tpu.memref_slice %arg13[%add3A_49, %dma_wait3A_52] : memref<10240x128xf32, #tpu.memory_space<vmem_shared>> -> memref<16x128xf32, #tpu.memory_space<vmem_shared>>
    tpu.wait_dma2 semaphore(%arg17 : memref<!tpu.dma_semaphore, #tpu.memory_space<semaphore_mem>>) src(%arg12 : memref<16x128xf32, #tpu.memory_space<vmem>>) dst(%dma_wait3A_53 : memref<16x128xf32, #tpu.memory_space<vmem_shared>>)
    %dma_wait3A_54 = arith.constant 0 : i32
    %dma_wait3A_55 = tpu.memref_slice %arg3[%mul3A_2, %dma_wait3A_54] : memref<5120x64xi32, #tpu.memory_space<hbm>> -> memref<40x64xi32, #tpu.memory_space<hbm>>
    %dma_wait3A_56 = arith.constant 0 : i32
    %dma_wait3A_57 = tpu.memref_slice %arg3[%mul3A_2, %dma_wait3A_56] : memref<5120x64xi32, #tpu.memory_space<hbm>> -> memref<40x64xi32, #tpu.memory_space<hbm>>
    tpu.wait_dma2 semaphore(%arg18 : memref<!tpu.dma_semaphore, #tpu.memory_space<semaphore_mem>>) src(%dma_wait3A_57 : memref<40x64xi32, #tpu.memory_space<hbm>>) dst(%arg6 : memref<40x64xi32, #tpu.memory_space<vmem>>)
    %dma_wait3A_58 = arith.constant 0 : i32
    %dma_wait3A_59 = tpu.memref_slice %arg4[%mul3A_2, %dma_wait3A_58] : memref<5120x64xi32, #tpu.memory_space<hbm>> -> memref<40x64xi32, #tpu.memory_space<hbm>>
    %dma_wait3A_60 = arith.constant 0 : i32
    %dma_wait3A_61 = tpu.memref_slice %arg4[%mul3A_2, %dma_wait3A_60] : memref<5120x64xi32, #tpu.memory_space<hbm>> -> memref<40x64xi32, #tpu.memory_space<hbm>>
    tpu.wait_dma2 semaphore(%arg19 : memref<!tpu.dma_semaphore, #tpu.memory_space<semaphore_mem>>) src(%dma_wait3A_61 : memref<40x64xi32, #tpu.memory_space<hbm>>) dst(%arg7 : memref<40x64xi32, #tpu.memory_space<vmem>>)
    %barrier3A = arith.constant 0 : index
    tpu.barrier barrier_id(%barrier3A)
    %dma_start3A_62 = arith.constant 0 : i32
    %dma_start3A_63 = arith.constant 0 : i32
    %dma_start3A_64 = tpu.memref_slice %arg6[%dma_start3A_62, %dma_start3A_63] : memref<40x64xi32, #tpu.memory_space<vmem>> -> memref<1x64xi32, #tpu.memory_space<vmem>>
    %dma_start3A_65 = tpu.memref_squeeze %dma_start3A_64 : memref<1x64xi32, #tpu.memory_space<vmem>> -> memref<64xi32, #tpu.memory_space<vmem>>
    %dma_start3A_66 = arith.constant 0 : i32
    %dma_start3A_67 = arith.constant 0 : i32
    %dma_start3A_68 = tpu.memref_slice %arg2[%dma_start3A_66, %dma_start3A_67] : memref<10000x128xf32, #tpu.memory_space<hbm>> -> memref<10000x128xf32, #tpu.memory_space<hbm>>
    tpu.enqueue_indirect_dma source(%dma_start3A_68 : memref<10000x128xf32, #tpu.memory_space<hbm>>) target(%arg8 : memref<64x128xf32, #tpu.memory_space<vmem>>) offsets(%dma_start3A_65 : memref<64xi32, #tpu.memory_space<vmem>>) semaphore(%arg14 : memref<!tpu.dma_semaphore, #tpu.memory_space<semaphore_mem>>)
    %dma_start3A_69 = arith.constant 1 : i32
    %dma_start3A_70 = arith.constant 0 : i32
    %dma_start3A_71 = tpu.memref_slice %arg6[%dma_start3A_69, %dma_start3A_70] : memref<40x64xi32, #tpu.memory_space<vmem>> -> memref<1x64xi32, #tpu.memory_space<vmem>>
    %dma_start3A_72 = tpu.memref_squeeze %dma_start3A_71 : memref<1x64xi32, #tpu.memory_space<vmem>> -> memref<64xi32, #tpu.memory_space<vmem>>
    %dma_start3A_73 = arith.constant 0 : i32
    %dma_start3A_74 = arith.constant 0 : i32
    %dma_start3A_75 = tpu.memref_slice %arg2[%dma_start3A_73, %dma_start3A_74] : memref<10000x128xf32, #tpu.memory_space<hbm>> -> memref<10000x128xf32, #tpu.memory_space<hbm>>
    tpu.enqueue_indirect_dma source(%dma_start3A_75 : memref<10000x128xf32, #tpu.memory_space<hbm>>) target(%arg9 : memref<64x128xf32, #tpu.memory_space<vmem>>) offsets(%dma_start3A_72 : memref<64xi32, #tpu.memory_space<vmem>>) semaphore(%arg15 : memref<!tpu.dma_semaphore, #tpu.memory_space<semaphore_mem>>)
    %dma_start3A_76 = arith.constant 2 : i32
    %dma_start3A_77 = arith.constant 0 : i32
    %dma_start3A_78 = tpu.memref_slice %arg6[%dma_start3A_76, %dma_start3A_77] : memref<40x64xi32, #tpu.memory_space<vmem>> -> memref<1x64xi32, #tpu.memory_space<vmem>>
    %dma_start3A_79 = tpu.memref_squeeze %dma_start3A_78 : memref<1x64xi32, #tpu.memory_space<vmem>> -> memref<64xi32, #tpu.memory_space<vmem>>
    %dma_start3A_80 = arith.constant 0 : i32
    %dma_start3A_81 = arith.constant 0 : i32
    %dma_start3A_82 = tpu.memref_slice %arg2[%dma_start3A_80, %dma_start3A_81] : memref<10000x128xf32, #tpu.memory_space<hbm>> -> memref<10000x128xf32, #tpu.memory_space<hbm>>
    tpu.enqueue_indirect_dma source(%dma_start3A_82 : memref<10000x128xf32, #tpu.memory_space<hbm>>) target(%arg10 : memref<64x128xf32, #tpu.memory_space<vmem>>) offsets(%dma_start3A_79 : memref<64xi32, #tpu.memory_space<vmem>>) semaphore(%arg16 : memref<!tpu.dma_semaphore, #tpu.memory_space<semaphore_mem>>)
    %scan3A_83 = arith.constant 0 : i32
    %scan3A_84 = arith.constant 0 : i32
    %scan3A_85 = arith.constant 10 : i32
    %scan3A_86 = arith.addi %scan3A_84, %scan3A_85 : i32
    %scan3A_87 = arith.constant 1 : i32
    %scan3A_88 = scf.for %scan3A_219 = %scan3A_84 to %scan3A_86 step %scan3A_87 iter_args(%scan3A_220 = %scan3A_83) -> (i32)  : i32 {
      %mul3A_221 = arith.constant 4 : i32
      %mul3A_222 = arith.muli %mul3A_221, %scan3A_219 : i32
      %add3A_223 = arith.constant 0 : i32
      %add3A_224 = arith.addi %mul3A_222, %add3A_223 : i32
      %dma_wait3A_225 = arith.constant 0 : i32
      %dma_wait3A_226 = tpu.memref_slice %arg6[%add3A_224, %dma_wait3A_225] : memref<40x64xi32, #tpu.memory_space<vmem>> -> memref<1x64xi32, #tpu.memory_space<vmem>>
      %dma_wait3A_227 = tpu.memref_squeeze %dma_wait3A_226 : memref<1x64xi32, #tpu.memory_space<vmem>> -> memref<64xi32, #tpu.memory_space<vmem>>
      %dma_wait3A_228 = arith.constant 0 : i32
      %dma_wait3A_229 = arith.constant 0 : i32
      %dma_wait3A_230 = tpu.memref_slice %arg2[%dma_wait3A_228, %dma_wait3A_229] : memref<10000x128xf32, #tpu.memory_space<hbm>> -> memref<10000x128xf32, #tpu.memory_space<hbm>>
      tpu.wait_indirect_dma semaphore(%arg14 : memref<!tpu.dma_semaphore, #tpu.memory_space<semaphore_mem>>) src(%dma_wait3A_230 : memref<10000x128xf32, #tpu.memory_space<hbm>>) dst(%arg8 : memref<64x128xf32, #tpu.memory_space<vmem>>)
      %dma_start3A_231 = arith.constant 0 : i32
      %dma_start3A_232 = tpu.memref_slice %arg7[%add3A_224, %dma_start3A_231] : memref<40x64xi32, #tpu.memory_space<vmem>> -> memref<1x64xi32, #tpu.memory_space<vmem>>
      %dma_start3A_233 = tpu.memref_squeeze %dma_start3A_232 : memref<1x64xi32, #tpu.memory_space<vmem>> -> memref<64xi32, #tpu.memory_space<vmem>>
      %dma_start3A_234 = arith.constant 0 : i32
      %dma_start3A_235 = arith.constant 0 : i32
      %dma_start3A_236 = tpu.memref_slice %arg13[%dma_start3A_234, %dma_start3A_235] : memref<10240x128xf32, #tpu.memory_space<vmem_shared>> -> memref<10240x128xf32, #tpu.memory_space<vmem_shared>>
      tpu.enqueue_indirect_dma source(%arg8 : memref<64x128xf32, #tpu.memory_space<vmem>>) target(%dma_start3A_236 : memref<10240x128xf32, #tpu.memory_space<vmem_shared>>) offsets(%dma_start3A_233 : memref<64xi32, #tpu.memory_space<vmem>>) semaphore(%arg18 : memref<!tpu.dma_semaphore, #tpu.memory_space<semaphore_mem>>) {add = true}
      %ge3A = arith.constant 1 : i32
      %ge3A_237 = arith.cmpi sge, %add3A_224, %ge3A : i32
      %convert_element_type3A = arith.extui %ge3A_237 : i1 to i32
      %cond3A = arith.constant 0 : i32
      %cond3A_238 = arith.cmpi ne, %convert_element_type3A, %cond3A : i32
      scf.if %cond3A_238 {
        %sub3A_337 = arith.constant 1 : i32
        %sub3A_338 = arith.subi %add3A_224, %sub3A_337 : i32
        %dma_wait3A_339 = arith.constant 0 : i32
        %dma_wait3A_340 = tpu.memref_slice %arg7[%sub3A_338, %dma_wait3A_339] : memref<40x64xi32, #tpu.memory_space<vmem>> -> memref<1x64xi32, #tpu.memory_space<vmem>>
        %dma_wait3A_341 = tpu.memref_squeeze %dma_wait3A_340 : memref<1x64xi32, #tpu.memory_space<vmem>> -> memref<64xi32, #tpu.memory_space<vmem>>
        %dma_wait3A_342 = arith.constant 0 : i32
        %dma_wait3A_343 = arith.constant 0 : i32
        %dma_wait3A_344 = tpu.memref_slice %arg13[%dma_wait3A_342, %dma_wait3A_343] : memref<10240x128xf32, #tpu.memory_space<vmem_shared>> -> memref<10240x128xf32, #tpu.memory_space<vmem_shared>>
        tpu.wait_indirect_dma semaphore(%arg21 : memref<!tpu.dma_semaphore, #tpu.memory_space<semaphore_mem>>) src(%arg11 : memref<64x128xf32, #tpu.memory_space<vmem>>) dst(%dma_wait3A_344 : memref<10240x128xf32, #tpu.memory_space<vmem_shared>>)
      } else {
      }
      %add3A_239 = arith.constant 4 : i32
      %add3A_240 = arith.addi %add3A_224, %add3A_239 : i32
      %sub3A = arith.constant 1 : i32
      %sub3A_241 = arith.subi %add3A_240, %sub3A : i32
      %lt3A = arith.constant 40 : i32
      %lt3A_242 = arith.cmpi slt, %sub3A_241, %lt3A : i32
      %convert_element_type3A_243 = arith.extui %lt3A_242 : i1 to i32
      %cond3A_244 = arith.constant 0 : i32
      %cond3A_245 = arith.cmpi ne, %convert_element_type3A_243, %cond3A_244 : i32
      scf.if %cond3A_245 {
        %add3A_337 = arith.constant 4 : i32
        %add3A_338 = arith.addi %add3A_224, %add3A_337 : i32
        %sub3A_339 = arith.constant 1 : i32
        %sub3A_340 = arith.subi %add3A_338, %sub3A_339 : i32
        %dma_start3A_341 = arith.constant 0 : i32
        %dma_start3A_342 = tpu.memref_slice %arg6[%sub3A_340, %dma_start3A_341] : memref<40x64xi32, #tpu.memory_space<vmem>> -> memref<1x64xi32, #tpu.memory_space<vmem>>
        %dma_start3A_343 = tpu.memref_squeeze %dma_start3A_342 : memref<1x64xi32, #tpu.memory_space<vmem>> -> memref<64xi32, #tpu.memory_space<vmem>>
        %dma_start3A_344 = arith.constant 0 : i32
        %dma_start3A_345 = arith.constant 0 : i32
        %dma_start3A_346 = tpu.memref_slice %arg2[%dma_start3A_344, %dma_start3A_345] : memref<10000x128xf32, #tpu.memory_space<hbm>> -> memref<10000x128xf32, #tpu.memory_space<hbm>>
        tpu.enqueue_indirect_dma source(%dma_start3A_346 : memref<10000x128xf32, #tpu.memory_space<hbm>>) target(%arg11 : memref<64x128xf32, #tpu.memory_space<vmem>>) offsets(%dma_start3A_343 : memref<64xi32, #tpu.memory_space<vmem>>) semaphore(%arg17 : memref<!tpu.dma_semaphore, #tpu.memory_space<semaphore_mem>>)
      } else {
      }
      %mul3A_246 = arith.constant 4 : i32
      %mul3A_247 = arith.muli %mul3A_246, %scan3A_219 : i32
      %add3A_248 = arith.constant 1 : i32
      %add3A_249 = arith.addi %mul3A_247, %add3A_248 : i32
      %dma_wait3A_250 = arith.constant 0 : i32
      %dma_wait3A_251 = tpu.memref_slice %arg6[%add3A_249, %dma_wait3A_250] : memref<40x64xi32, #tpu.memory_space<vmem>> -> memref<1x64xi32, #tpu.memory_space<vmem>>
      %dma_wait3A_252 = tpu.memref_squeeze %dma_wait3A_251 : memref<1x64xi32, #tpu.memory_space<vmem>> -> memref<64xi32, #tpu.memory_space<vmem>>
      %dma_wait3A_253 = arith.constant 0 : i32
      %dma_wait3A_254 = arith.constant 0 : i32
      %dma_wait3A_255 = tpu.memref_slice %arg2[%dma_wait3A_253, %dma_wait3A_254] : memref<10000x128xf32, #tpu.memory_space<hbm>> -> memref<10000x128xf32, #tpu.memory_space<hbm>>
      tpu.wait_indirect_dma semaphore(%arg15 : memref<!tpu.dma_semaphore, #tpu.memory_space<semaphore_mem>>) src(%dma_wait3A_255 : memref<10000x128xf32, #tpu.memory_space<hbm>>) dst(%arg9 : memref<64x128xf32, #tpu.memory_space<vmem>>)
      %dma_start3A_256 = arith.constant 0 : i32
      %dma_start3A_257 = tpu.memref_slice %arg7[%add3A_249, %dma_start3A_256] : memref<40x64xi32, #tpu.memory_space<vmem>> -> memref<1x64xi32, #tpu.memory_space<vmem>>
      %dma_start3A_258 = tpu.memref_squeeze %dma_start3A_257 : memref<1x64xi32, #tpu.memory_space<vmem>> -> memref<64xi32, #tpu.memory_space<vmem>>
      %dma_start3A_259 = arith.constant 0 : i32
      %dma_start3A_260 = arith.constant 0 : i32
      %dma_start3A_261 = tpu.memref_slice %arg13[%dma_start3A_259, %dma_start3A_260] : memref<10240x128xf32, #tpu.memory_space<vmem_shared>> -> memref<10240x128xf32, #tpu.memory_space<vmem_shared>>
      tpu.enqueue_indirect_dma source(%arg9 : memref<64x128xf32, #tpu.memory_space<vmem>>) target(%dma_start3A_261 : memref<10240x128xf32, #tpu.memory_space<vmem_shared>>) offsets(%dma_start3A_258 : memref<64xi32, #tpu.memory_space<vmem>>) semaphore(%arg19 : memref<!tpu.dma_semaphore, #tpu.memory_space<semaphore_mem>>) {add = true}
      %ge3A_262 = arith.constant 1 : i32
      %ge3A_263 = arith.cmpi sge, %add3A_249, %ge3A_262 : i32
      %convert_element_type3A_264 = arith.extui %ge3A_263 : i1 to i32
      %cond3A_265 = arith.constant 0 : i32
      %cond3A_266 = arith.cmpi ne, %convert_element_type3A_264, %cond3A_265 : i32
      scf.if %cond3A_266 {
        %sub3A_337 = arith.constant 1 : i32
        %sub3A_338 = arith.subi %add3A_249, %sub3A_337 : i32
        %dma_wait3A_339 = arith.constant 0 : i32
        %dma_wait3A_340 = tpu.memref_slice %arg7[%sub3A_338, %dma_wait3A_339] : memref<40x64xi32, #tpu.memory_space<vmem>> -> memref<1x64xi32, #tpu.memory_space<vmem>>
        %dma_wait3A_341 = tpu.memref_squeeze %dma_wait3A_340 : memref<1x64xi32, #tpu.memory_space<vmem>> -> memref<64xi32, #tpu.memory_space<vmem>>
        %dma_wait3A_342 = arith.constant 0 : i32
        %dma_wait3A_343 = arith.constant 0 : i32
        %dma_wait3A_344 = tpu.memref_slice %arg13[%dma_wait3A_342, %dma_wait3A_343] : memref<10240x128xf32, #tpu.memory_space<vmem_shared>> -> memref<10240x128xf32, #tpu.memory_space<vmem_shared>>
        tpu.wait_indirect_dma semaphore(%arg18 : memref<!tpu.dma_semaphore, #tpu.memory_space<semaphore_mem>>) src(%arg8 : memref<64x128xf32, #tpu.memory_space<vmem>>) dst(%dma_wait3A_344 : memref<10240x128xf32, #tpu.memory_space<vmem_shared>>)
      } else {
      }
      %add3A_267 = arith.constant 4 : i32
      %add3A_268 = arith.addi %add3A_249, %add3A_267 : i32
      %sub3A_269 = arith.constant 1 : i32
      %sub3A_270 = arith.subi %add3A_268, %sub3A_269 : i32
      %lt3A_271 = arith.constant 40 : i32
      %lt3A_272 = arith.cmpi slt, %sub3A_270, %lt3A_271 : i32
      %convert_element_type3A_273 = arith.extui %lt3A_272 : i1 to i32
      %cond3A_274 = arith.constant 0 : i32
      %cond3A_275 = arith.cmpi ne, %convert_element_type3A_273, %cond3A_274 : i32
      scf.if %cond3A_275 {
        %add3A_337 = arith.constant 4 : i32
        %add3A_338 = arith.addi %add3A_249, %add3A_337 : i32
        %sub3A_339 = arith.constant 1 : i32
        %sub3A_340 = arith.subi %add3A_338, %sub3A_339 : i32
        %dma_start3A_341 = arith.constant 0 : i32
        %dma_start3A_342 = tpu.memref_slice %arg6[%sub3A_340, %dma_start3A_341] : memref<40x64xi32, #tpu.memory_space<vmem>> -> memref<1x64xi32, #tpu.memory_space<vmem>>
        %dma_start3A_343 = tpu.memref_squeeze %dma_start3A_342 : memref<1x64xi32, #tpu.memory_space<vmem>> -> memref<64xi32, #tpu.memory_space<vmem>>
        %dma_start3A_344 = arith.constant 0 : i32
        %dma_start3A_345 = arith.constant 0 : i32
        %dma_start3A_346 = tpu.memref_slice %arg2[%dma_start3A_344, %dma_start3A_345] : memref<10000x128xf32, #tpu.memory_space<hbm>> -> memref<10000x128xf32, #tpu.memory_space<hbm>>
        tpu.enqueue_indirect_dma source(%dma_start3A_346 : memref<10000x128xf32, #tpu.memory_space<hbm>>) target(%arg8 : memref<64x128xf32, #tpu.memory_space<vmem>>) offsets(%dma_start3A_343 : memref<64xi32, #tpu.memory_space<vmem>>) semaphore(%arg14 : memref<!tpu.dma_semaphore, #tpu.memory_space<semaphore_mem>>)
      } else {
      }
      %mul3A_276 = arith.constant 4 : i32
      %mul3A_277 = arith.muli %mul3A_276, %scan3A_219 : i32
      %add3A_278 = arith.constant 2 : i32
      %add3A_279 = arith.addi %mul3A_277, %add3A_278 : i32
      %dma_wait3A_280 = arith.constant 0 : i32
      %dma_wait3A_281 = tpu.memref_slice %arg6[%add3A_279, %dma_wait3A_280] : memref<40x64xi32, #tpu.memory_space<vmem>> -> memref<1x64xi32, #tpu.memory_space<vmem>>
      %dma_wait3A_282 = tpu.memref_squeeze %dma_wait3A_281 : memref<1x64xi32, #tpu.memory_space<vmem>> -> memref<64xi32, #tpu.memory_space<vmem>>
      %dma_wait3A_283 = arith.constant 0 : i32
      %dma_wait3A_284 = arith.constant 0 : i32
      %dma_wait3A_285 = tpu.memref_slice %arg2[%dma_wait3A_283, %dma_wait3A_284] : memref<10000x128xf32, #tpu.memory_space<hbm>> -> memref<10000x128xf32, #tpu.memory_space<hbm>>
      tpu.wait_indirect_dma semaphore(%arg16 : memref<!tpu.dma_semaphore, #tpu.memory_space<semaphore_mem>>) src(%dma_wait3A_285 : memref<10000x128xf32, #tpu.memory_space<hbm>>) dst(%arg10 : memref<64x128xf32, #tpu.memory_space<vmem>>)
      %dma_start3A_286 = arith.constant 0 : i32
      %dma_start3A_287 = tpu.memref_slice %arg7[%add3A_279, %dma_start3A_286] : memref<40x64xi32, #tpu.memory_space<vmem>> -> memref<1x64xi32, #tpu.memory_space<vmem>>
      %dma_start3A_288 = tpu.memref_squeeze %dma_start3A_287 : memref<1x64xi32, #tpu.memory_space<vmem>> -> memref<64xi32, #tpu.memory_space<vmem>>
      %dma_start3A_289 = arith.constant 0 : i32
      %dma_start3A_290 = arith.constant 0 : i32
      %dma_start3A_291 = tpu.memref_slice %arg13[%dma_start3A_289, %dma_start3A_290] : memref<10240x128xf32, #tpu.memory_space<vmem_shared>> -> memref<10240x128xf32, #tpu.memory_space<vmem_shared>>
      tpu.enqueue_indirect_dma source(%arg10 : memref<64x128xf32, #tpu.memory_space<vmem>>) target(%dma_start3A_291 : memref<10240x128xf32, #tpu.memory_space<vmem_shared>>) offsets(%dma_start3A_288 : memref<64xi32, #tpu.memory_space<vmem>>) semaphore(%arg20 : memref<!tpu.dma_semaphore, #tpu.memory_space<semaphore_mem>>) {add = true}
      %ge3A_292 = arith.constant 1 : i32
      %ge3A_293 = arith.cmpi sge, %add3A_279, %ge3A_292 : i32
      %convert_element_type3A_294 = arith.extui %ge3A_293 : i1 to i32
      %cond3A_295 = arith.constant 0 : i32
      %cond3A_296 = arith.cmpi ne, %convert_element_type3A_294, %cond3A_295 : i32
      scf.if %cond3A_296 {
        %sub3A_337 = arith.constant 1 : i32
        %sub3A_338 = arith.subi %add3A_279, %sub3A_337 : i32
        %dma_wait3A_339 = arith.constant 0 : i32
        %dma_wait3A_340 = tpu.memref_slice %arg7[%sub3A_338, %dma_wait3A_339] : memref<40x64xi32, #tpu.memory_space<vmem>> -> memref<1x64xi32, #tpu.memory_space<vmem>>
        %dma_wait3A_341 = tpu.memref_squeeze %dma_wait3A_340 : memref<1x64xi32, #tpu.memory_space<vmem>> -> memref<64xi32, #tpu.memory_space<vmem>>
        %dma_wait3A_342 = arith.constant 0 : i32
        %dma_wait3A_343 = arith.constant 0 : i32
        %dma_wait3A_344 = tpu.memref_slice %arg13[%dma_wait3A_342, %dma_wait3A_343] : memref<10240x128xf32, #tpu.memory_space<vmem_shared>> -> memref<10240x128xf32, #tpu.memory_space<vmem_shared>>
        tpu.wait_indirect_dma semaphore(%arg19 : memref<!tpu.dma_semaphore, #tpu.memory_space<semaphore_mem>>) src(%arg9 : memref<64x128xf32, #tpu.memory_space<vmem>>) dst(%dma_wait3A_344 : memref<10240x128xf32, #tpu.memory_space<vmem_shared>>)
      } else {
      }
      %add3A_297 = arith.constant 4 : i32
      %add3A_298 = arith.addi %add3A_279, %add3A_297 : i32
      %sub3A_299 = arith.constant 1 : i32
      %sub3A_300 = arith.subi %add3A_298, %sub3A_299 : i32
      %lt3A_301 = arith.constant 40 : i32
      %lt3A_302 = arith.cmpi slt, %sub3A_300, %lt3A_301 : i32
      %convert_element_type3A_303 = arith.extui %lt3A_302 : i1 to i32
      %cond3A_304 = arith.constant 0 : i32
      %cond3A_305 = arith.cmpi ne, %convert_element_type3A_303, %cond3A_304 : i32
      scf.if %cond3A_305 {
        %add3A_337 = arith.constant 4 : i32
        %add3A_338 = arith.addi %add3A_279, %add3A_337 : i32
        %sub3A_339 = arith.constant 1 : i32
        %sub3A_340 = arith.subi %add3A_338, %sub3A_339 : i32
        %dma_start3A_341 = arith.constant 0 : i32
        %dma_start3A_342 = tpu.memref_slice %arg6[%sub3A_340, %dma_start3A_341] : memref<40x64xi32, #tpu.memory_space<vmem>> -> memref<1x64xi32, #tpu.memory_space<vmem>>
        %dma_start3A_343 = tpu.memref_squeeze %dma_start3A_342 : memref<1x64xi32, #tpu.memory_space<vmem>> -> memref<64xi32, #tpu.memory_space<vmem>>
        %dma_start3A_344 = arith.constant 0 : i32
        %dma_start3A_345 = arith.constant 0 : i32
        %dma_start3A_346 = tpu.memref_slice %arg2[%dma_start3A_344, %dma_start3A_345] : memref<10000x128xf32, #tpu.memory_space<hbm>> -> memref<10000x128xf32, #tpu.memory_space<hbm>>
        tpu.enqueue_indirect_dma source(%dma_start3A_346 : memref<10000x128xf32, #tpu.memory_space<hbm>>) target(%arg9 : memref<64x128xf32, #tpu.memory_space<vmem>>) offsets(%dma_start3A_343 : memref<64xi32, #tpu.memory_space<vmem>>) semaphore(%arg15 : memref<!tpu.dma_semaphore, #tpu.memory_space<semaphore_mem>>)
      } else {
      }
      %mul3A_306 = arith.constant 4 : i32
      %mul3A_307 = arith.muli %mul3A_306, %scan3A_219 : i32
      %add3A_308 = arith.constant 3 : i32
      %add3A_309 = arith.addi %mul3A_307, %add3A_308 : i32
      %dma_wait3A_310 = arith.constant 0 : i32
      %dma_wait3A_311 = tpu.memref_slice %arg6[%add3A_309, %dma_wait3A_310] : memref<40x64xi32, #tpu.memory_space<vmem>> -> memref<1x64xi32, #tpu.memory_space<vmem>>
      %dma_wait3A_312 = tpu.memref_squeeze %dma_wait3A_311 : memref<1x64xi32, #tpu.memory_space<vmem>> -> memref<64xi32, #tpu.memory_space<vmem>>
      %dma_wait3A_313 = arith.constant 0 : i32
      %dma_wait3A_314 = arith.constant 0 : i32
      %dma_wait3A_315 = tpu.memref_slice %arg2[%dma_wait3A_313, %dma_wait3A_314] : memref<10000x128xf32, #tpu.memory_space<hbm>> -> memref<10000x128xf32, #tpu.memory_space<hbm>>
      tpu.wait_indirect_dma semaphore(%arg17 : memref<!tpu.dma_semaphore, #tpu.memory_space<semaphore_mem>>) src(%dma_wait3A_315 : memref<10000x128xf32, #tpu.memory_space<hbm>>) dst(%arg11 : memref<64x128xf32, #tpu.memory_space<vmem>>)
      %dma_start3A_316 = arith.constant 0 : i32
      %dma_start3A_317 = tpu.memref_slice %arg7[%add3A_309, %dma_start3A_316] : memref<40x64xi32, #tpu.memory_space<vmem>> -> memref<1x64xi32, #tpu.memory_space<vmem>>
      %dma_start3A_318 = tpu.memref_squeeze %dma_start3A_317 : memref<1x64xi32, #tpu.memory_space<vmem>> -> memref<64xi32, #tpu.memory_space<vmem>>
      %dma_start3A_319 = arith.constant 0 : i32
      %dma_start3A_320 = arith.constant 0 : i32
      %dma_start3A_321 = tpu.memref_slice %arg13[%dma_start3A_319, %dma_start3A_320] : memref<10240x128xf32, #tpu.memory_space<vmem_shared>> -> memref<10240x128xf32, #tpu.memory_space<vmem_shared>>
      tpu.enqueue_indirect_dma source(%arg11 : memref<64x128xf32, #tpu.memory_space<vmem>>) target(%dma_start3A_321 : memref<10240x128xf32, #tpu.memory_space<vmem_shared>>) offsets(%dma_start3A_318 : memref<64xi32, #tpu.memory_space<vmem>>) semaphore(%arg21 : memref<!tpu.dma_semaphore, #tpu.memory_space<semaphore_mem>>) {add = true}
      %ge3A_322 = arith.constant 1 : i32
      %ge3A_323 = arith.cmpi sge, %add3A_309, %ge3A_322 : i32
      %convert_element_type3A_324 = arith.extui %ge3A_323 : i1 to i32
      %cond3A_325 = arith.constant 0 : i32
      %cond3A_326 = arith.cmpi ne, %convert_element_type3A_324, %cond3A_325 : i32
      scf.if %cond3A_326 {
        %sub3A_337 = arith.constant 1 : i32
        %sub3A_338 = arith.subi %add3A_309, %sub3A_337 : i32
        %dma_wait3A_339 = arith.constant 0 : i32
        %dma_wait3A_340 = tpu.memref_slice %arg7[%sub3A_338, %dma_wait3A_339] : memref<40x64xi32, #tpu.memory_space<vmem>> -> memref<1x64xi32, #tpu.memory_space<vmem>>
        %dma_wait3A_341 = tpu.memref_squeeze %dma_wait3A_340 : memref<1x64xi32, #tpu.memory_space<vmem>> -> memref<64xi32, #tpu.memory_space<vmem>>
        %dma_wait3A_342 = arith.constant 0 : i32
        %dma_wait3A_343 = arith.constant 0 : i32
        %dma_wait3A_344 = tpu.memref_slice %arg13[%dma_wait3A_342, %dma_wait3A_343] : memref<10240x128xf32, #tpu.memory_space<vmem_shared>> -> memref<10240x128xf32, #tpu.memory_space<vmem_shared>>
        tpu.wait_indirect_dma semaphore(%arg20 : memref<!tpu.dma_semaphore, #tpu.memory_space<semaphore_mem>>) src(%arg10 : memref<64x128xf32, #tpu.memory_space<vmem>>) dst(%dma_wait3A_344 : memref<10240x128xf32, #tpu.memory_space<vmem_shared>>)
      } else {
      }
      %add3A_327 = arith.constant 4 : i32
      %add3A_328 = arith.addi %add3A_309, %add3A_327 : i32
      %sub3A_329 = arith.constant 1 : i32
      %sub3A_330 = arith.subi %add3A_328, %sub3A_329 : i32
      %lt3A_331 = arith.constant 40 : i32
      %lt3A_332 = arith.cmpi slt, %sub3A_330, %lt3A_331 : i32
      %convert_element_type3A_333 = arith.extui %lt3A_332 : i1 to i32
      %cond3A_334 = arith.constant 0 : i32
      %cond3A_335 = arith.cmpi ne, %convert_element_type3A_333, %cond3A_334 : i32
      scf.if %cond3A_335 {
        %add3A_337 = arith.constant 4 : i32
        %add3A_338 = arith.addi %add3A_309, %add3A_337 : i32
        %sub3A_339 = arith.constant 1 : i32
        %sub3A_340 = arith.subi %add3A_338, %sub3A_339 : i32
        %dma_start3A_341 = arith.constant 0 : i32
        %dma_start3A_342 = tpu.memref_slice %arg6[%sub3A_340, %dma_start3A_341] : memref<40x64xi32, #tpu.memory_space<vmem>> -> memref<1x64xi32, #tpu.memory_space<vmem>>
        %dma_start3A_343 = tpu.memref_squeeze %dma_start3A_342 : memref<1x64xi32, #tpu.memory_space<vmem>> -> memref<64xi32, #tpu.memory_space<vmem>>
        %dma_start3A_344 = arith.constant 0 : i32
        %dma_start3A_345 = arith.constant 0 : i32
        %dma_start3A_346 = tpu.memref_slice %arg2[%dma_start3A_344, %dma_start3A_345] : memref<10000x128xf32, #tpu.memory_space<hbm>> -> memref<10000x128xf32, #tpu.memory_space<hbm>>
        tpu.enqueue_indirect_dma source(%dma_start3A_346 : memref<10000x128xf32, #tpu.memory_space<hbm>>) target(%arg10 : memref<64x128xf32, #tpu.memory_space<vmem>>) offsets(%dma_start3A_343 : memref<64xi32, #tpu.memory_space<vmem>>) semaphore(%arg16 : memref<!tpu.dma_semaphore, #tpu.memory_space<semaphore_mem>>)
      } else {
      }
      %scan3A_336 = arith.constant 0 : i32
      scf.yield %scan3A_336 : i32
    }
    %scan3A_89 = arith.constant 10 : i32
    %dma_wait3A_90 = arith.constant 39 : i32
    %dma_wait3A_91 = arith.constant 0 : i32
    %dma_wait3A_92 = tpu.memref_slice %arg7[%dma_wait3A_90, %dma_wait3A_91] : memref<40x64xi32, #tpu.memory_space<vmem>> -> memref<1x64xi32, #tpu.memory_space<vmem>>
    %dma_wait3A_93 = tpu.memref_squeeze %dma_wait3A_92 : memref<1x64xi32, #tpu.memory_space<vmem>> -> memref<64xi32, #tpu.memory_space<vmem>>
    %dma_wait3A_94 = arith.constant 0 : i32
    %dma_wait3A_95 = arith.constant 0 : i32
    %dma_wait3A_96 = tpu.memref_slice %arg13[%dma_wait3A_94, %dma_wait3A_95] : memref<10240x128xf32, #tpu.memory_space<vmem_shared>> -> memref<10240x128xf32, #tpu.memory_space<vmem_shared>>
    tpu.wait_indirect_dma semaphore(%arg21 : memref<!tpu.dma_semaphore, #tpu.memory_space<semaphore_mem>>) src(%arg11 : memref<64x128xf32, #tpu.memory_space<vmem>>) dst(%dma_wait3A_96 : memref<10240x128xf32, #tpu.memory_space<vmem_shared>>)
    %add3A_97 = arith.constant 40 : i32
    %add3A_98 = arith.addi %mul3A_2, %add3A_97 : i32
    "tpu.region"() ({
      %run_scoped3A = tpu.sem_alloc : memref<!tpu.dma_semaphore, #tpu.memory_space<semaphore_mem>>
      %dma_start3A_219 = arith.constant 0 : i32
      %dma_start3A_220 = tpu.memref_slice %arg3[%add3A_98, %dma_start3A_219] : memref<5120x64xi32, #tpu.memory_space<hbm>> -> memref<40x64xi32, #tpu.memory_space<hbm>>
      %dma_start3A_221 = arith.constant 0 : i32
      %dma_start3A_222 = tpu.memref_slice %arg3[%add3A_98, %dma_start3A_221] : memref<5120x64xi32, #tpu.memory_space<hbm>> -> memref<40x64xi32, #tpu.memory_space<hbm>>
      tpu.enqueue_dma source(%dma_start3A_222 : memref<40x64xi32, #tpu.memory_space<hbm>>) target(%arg6 : memref<40x64xi32, #tpu.memory_space<vmem>>) target_semaphore(%run_scoped3A : memref<!tpu.dma_semaphore, #tpu.memory_space<semaphore_mem>>)
      %dma_wait3A_223 = arith.constant 0 : i32
      %dma_wait3A_224 = tpu.memref_slice %arg3[%add3A_98, %dma_wait3A_223] : memref<5120x64xi32, #tpu.memory_space<hbm>> -> memref<40x64xi32, #tpu.memory_space<hbm>>
      %dma_wait3A_225 = arith.constant 0 : i32
      %dma_wait3A_226 = tpu.memref_slice %arg3[%add3A_98, %dma_wait3A_225] : memref<5120x64xi32, #tpu.memory_space<hbm>> -> memref<40x64xi32, #tpu.memory_space<hbm>>
      tpu.wait_dma2 semaphore(%run_scoped3A : memref<!tpu.dma_semaphore, #tpu.memory_space<semaphore_mem>>) src(%dma_wait3A_226 : memref<40x64xi32, #tpu.memory_space<hbm>>) dst(%arg6 : memref<40x64xi32, #tpu.memory_space<vmem>>)
      tpu.yield
    }) : () -> ()
    %add3A_99 = arith.constant 40 : i32
    %add3A_100 = arith.addi %mul3A_2, %add3A_99 : i32
    "tpu.region"() ({
      %run_scoped3A = tpu.sem_alloc : memref<!tpu.dma_semaphore, #tpu.memory_space<semaphore_mem>>
      %dma_start3A_219 = arith.constant 0 : i32
      %dma_start3A_220 = tpu.memref_slice %arg4[%add3A_100, %dma_start3A_219] : memref<5120x64xi32, #tpu.memory_space<hbm>> -> memref<40x64xi32, #tpu.memory_space<hbm>>
      %dma_start3A_221 = arith.constant 0 : i32
      %dma_start3A_222 = tpu.memref_slice %arg4[%add3A_100, %dma_start3A_221] : memref<5120x64xi32, #tpu.memory_space<hbm>> -> memref<40x64xi32, #tpu.memory_space<hbm>>
      tpu.enqueue_dma source(%dma_start3A_222 : memref<40x64xi32, #tpu.memory_space<hbm>>) target(%arg7 : memref<40x64xi32, #tpu.memory_space<vmem>>) target_semaphore(%run_scoped3A : memref<!tpu.dma_semaphore, #tpu.memory_space<semaphore_mem>>)
      %dma_wait3A_223 = arith.constant 0 : i32
      %dma_wait3A_224 = tpu.memref_slice %arg4[%add3A_100, %dma_wait3A_223] : memref<5120x64xi32, #tpu.memory_space<hbm>> -> memref<40x64xi32, #tpu.memory_space<hbm>>
      %dma_wait3A_225 = arith.constant 0 : i32
      %dma_wait3A_226 = tpu.memref_slice %arg4[%add3A_100, %dma_wait3A_225] : memref<5120x64xi32, #tpu.memory_space<hbm>> -> memref<40x64xi32, #tpu.memory_space<hbm>>
      tpu.wait_dma2 semaphore(%run_scoped3A : memref<!tpu.dma_semaphore, #tpu.memory_space<semaphore_mem>>) src(%dma_wait3A_226 : memref<40x64xi32, #tpu.memory_space<hbm>>) dst(%arg7 : memref<40x64xi32, #tpu.memory_space<vmem>>)
      tpu.yield
    }) : () -> ()
    %dma_start3A_101 = arith.constant 0 : i32
    %dma_start3A_102 = arith.constant 0 : i32
    %dma_start3A_103 = tpu.memref_slice %arg6[%dma_start3A_101, %dma_start3A_102] : memref<40x64xi32, #tpu.memory_space<vmem>> -> memref<1x64xi32, #tpu.memory_space<vmem>>
    %dma_start3A_104 = tpu.memref_squeeze %dma_start3A_103 : memref<1x64xi32, #tpu.memory_space<vmem>> -> memref<64xi32, #tpu.memory_space<vmem>>
    %dma_start3A_105 = arith.constant 0 : i32
    %dma_start3A_106 = arith.constant 0 : i32
    %dma_start3A_107 = tpu.memref_slice %arg2[%dma_start3A_105, %dma_start3A_106] : memref<10000x128xf32, #tpu.memory_space<hbm>> -> memref<10000x128xf32, #tpu.memory_space<hbm>>
    tpu.enqueue_indirect_dma source(%dma_start3A_107 : memref<10000x128xf32, #tpu.memory_space<hbm>>) target(%arg8 : memref<64x128xf32, #tpu.memory_space<vmem>>) offsets(%dma_start3A_104 : memref<64xi32, #tpu.memory_space<vmem>>) semaphore(%arg14 : memref<!tpu.dma_semaphore, #tpu.memory_space<semaphore_mem>>)
    %dma_start3A_108 = arith.constant 1 : i32
    %dma_start3A_109 = arith.constant 0 : i32
    %dma_start3A_110 = tpu.memref_slice %arg6[%dma_start3A_108, %dma_start3A_109] : memref<40x64xi32, #tpu.memory_space<vmem>> -> memref<1x64xi32, #tpu.memory_space<vmem>>
    %dma_start3A_111 = tpu.memref_squeeze %dma_start3A_110 : memref<1x64xi32, #tpu.memory_space<vmem>> -> memref<64xi32, #tpu.memory_space<vmem>>
    %dma_start3A_112 = arith.constant 0 : i32
    %dma_start3A_113 = arith.constant 0 : i32
    %dma_start3A_114 = tpu.memref_slice %arg2[%dma_start3A_112, %dma_start3A_113] : memref<10000x128xf32, #tpu.memory_space<hbm>> -> memref<10000x128xf32, #tpu.memory_space<hbm>>
    tpu.enqueue_indirect_dma source(%dma_start3A_114 : memref<10000x128xf32, #tpu.memory_space<hbm>>) target(%arg9 : memref<64x128xf32, #tpu.memory_space<vmem>>) offsets(%dma_start3A_111 : memref<64xi32, #tpu.memory_space<vmem>>) semaphore(%arg15 : memref<!tpu.dma_semaphore, #tpu.memory_space<semaphore_mem>>)
    %dma_start3A_115 = arith.constant 2 : i32
    %dma_start3A_116 = arith.constant 0 : i32
    %dma_start3A_117 = tpu.memref_slice %arg6[%dma_start3A_115, %dma_start3A_116] : memref<40x64xi32, #tpu.memory_space<vmem>> -> memref<1x64xi32, #tpu.memory_space<vmem>>
    %dma_start3A_118 = tpu.memref_squeeze %dma_start3A_117 : memref<1x64xi32, #tpu.memory_space<vmem>> -> memref<64xi32, #tpu.memory_space<vmem>>
    %dma_start3A_119 = arith.constant 0 : i32
    %dma_start3A_120 = arith.constant 0 : i32
    %dma_start3A_121 = tpu.memref_slice %arg2[%dma_start3A_119, %dma_start3A_120] : memref<10000x128xf32, #tpu.memory_space<hbm>> -> memref<10000x128xf32, #tpu.memory_space<hbm>>
    tpu.enqueue_indirect_dma source(%dma_start3A_121 : memref<10000x128xf32, #tpu.memory_space<hbm>>) target(%arg10 : memref<64x128xf32, #tpu.memory_space<vmem>>) offsets(%dma_start3A_118 : memref<64xi32, #tpu.memory_space<vmem>>) semaphore(%arg16 : memref<!tpu.dma_semaphore, #tpu.memory_space<semaphore_mem>>)
    %scan3A_122 = arith.constant 0 : i32
    %scan3A_123 = arith.constant 0 : i32
    %scan3A_124 = arith.constant 10 : i32
    %scan3A_125 = arith.addi %scan3A_123, %scan3A_124 : i32
    %scan3A_126 = arith.constant 1 : i32
    %scan3A_127 = scf.for %scan3A_219 = %scan3A_123 to %scan3A_125 step %scan3A_126 iter_args(%scan3A_220 = %scan3A_122) -> (i32)  : i32 {
      %mul3A_221 = arith.constant 4 : i32
      %mul3A_222 = arith.muli %mul3A_221, %scan3A_219 : i32
      %add3A_223 = arith.constant 0 : i32
      %add3A_224 = arith.addi %mul3A_222, %add3A_223 : i32
      %dma_wait3A_225 = arith.constant 0 : i32
      %dma_wait3A_226 = tpu.memref_slice %arg6[%add3A_224, %dma_wait3A_225] : memref<40x64xi32, #tpu.memory_space<vmem>> -> memref<1x64xi32, #tpu.memory_space<vmem>>
      %dma_wait3A_227 = tpu.memref_squeeze %dma_wait3A_226 : memref<1x64xi32, #tpu.memory_space<vmem>> -> memref<64xi32, #tpu.memory_space<vmem>>
      %dma_wait3A_228 = arith.constant 0 : i32
      %dma_wait3A_229 = arith.constant 0 : i32
      %dma_wait3A_230 = tpu.memref_slice %arg2[%dma_wait3A_228, %dma_wait3A_229] : memref<10000x128xf32, #tpu.memory_space<hbm>> -> memref<10000x128xf32, #tpu.memory_space<hbm>>
      tpu.wait_indirect_dma semaphore(%arg14 : memref<!tpu.dma_semaphore, #tpu.memory_space<semaphore_mem>>) src(%dma_wait3A_230 : memref<10000x128xf32, #tpu.memory_space<hbm>>) dst(%arg8 : memref<64x128xf32, #tpu.memory_space<vmem>>)
      %dma_start3A_231 = arith.constant 0 : i32
      %dma_start3A_232 = tpu.memref_slice %arg7[%add3A_224, %dma_start3A_231] : memref<40x64xi32, #tpu.memory_space<vmem>> -> memref<1x64xi32, #tpu.memory_space<vmem>>
      %dma_start3A_233 = tpu.memref_squeeze %dma_start3A_232 : memref<1x64xi32, #tpu.memory_space<vmem>> -> memref<64xi32, #tpu.memory_space<vmem>>
      %dma_start3A_234 = arith.constant 0 : i32
      %dma_start3A_235 = arith.constant 0 : i32
      %dma_start3A_236 = tpu.memref_slice %arg13[%dma_start3A_234, %dma_start3A_235] : memref<10240x128xf32, #tpu.memory_space<vmem_shared>> -> memref<10240x128xf32, #tpu.memory_space<vmem_shared>>
      tpu.enqueue_indirect_dma source(%arg8 : memref<64x128xf32, #tpu.memory_space<vmem>>) target(%dma_start3A_236 : memref<10240x128xf32, #tpu.memory_space<vmem_shared>>) offsets(%dma_start3A_233 : memref<64xi32, #tpu.memory_space<vmem>>) semaphore(%arg18 : memref<!tpu.dma_semaphore, #tpu.memory_space<semaphore_mem>>) {add = true}
      %ge3A = arith.constant 1 : i32
      %ge3A_237 = arith.cmpi sge, %add3A_224, %ge3A : i32
      %convert_element_type3A = arith.extui %ge3A_237 : i1 to i32
      %cond3A = arith.constant 0 : i32
      %cond3A_238 = arith.cmpi ne, %convert_element_type3A, %cond3A : i32
      scf.if %cond3A_238 {
        %sub3A_337 = arith.constant 1 : i32
        %sub3A_338 = arith.subi %add3A_224, %sub3A_337 : i32
        %dma_wait3A_339 = arith.constant 0 : i32
        %dma_wait3A_340 = tpu.memref_slice %arg7[%sub3A_338, %dma_wait3A_339] : memref<40x64xi32, #tpu.memory_space<vmem>> -> memref<1x64xi32, #tpu.memory_space<vmem>>
        %dma_wait3A_341 = tpu.memref_squeeze %dma_wait3A_340 : memref<1x64xi32, #tpu.memory_space<vmem>> -> memref<64xi32, #tpu.memory_space<vmem>>
        %dma_wait3A_342 = arith.constant 0 : i32
        %dma_wait3A_343 = arith.constant 0 : i32
        %dma_wait3A_344 = tpu.memref_slice %arg13[%dma_wait3A_342, %dma_wait3A_343] : memref<10240x128xf32, #tpu.memory_space<vmem_shared>> -> memref<10240x128xf32, #tpu.memory_space<vmem_shared>>
        tpu.wait_indirect_dma semaphore(%arg21 : memref<!tpu.dma_semaphore, #tpu.memory_space<semaphore_mem>>) src(%arg11 : memref<64x128xf32, #tpu.memory_space<vmem>>) dst(%dma_wait3A_344 : memref<10240x128xf32, #tpu.memory_space<vmem_shared>>)
      } else {
      }
      %add3A_239 = arith.constant 4 : i32
      %add3A_240 = arith.addi %add3A_224, %add3A_239 : i32
      %sub3A = arith.constant 1 : i32
      %sub3A_241 = arith.subi %add3A_240, %sub3A : i32
      %lt3A = arith.constant 40 : i32
      %lt3A_242 = arith.cmpi slt, %sub3A_241, %lt3A : i32
      %convert_element_type3A_243 = arith.extui %lt3A_242 : i1 to i32
      %cond3A_244 = arith.constant 0 : i32
      %cond3A_245 = arith.cmpi ne, %convert_element_type3A_243, %cond3A_244 : i32
      scf.if %cond3A_245 {
        %add3A_337 = arith.constant 4 : i32
        %add3A_338 = arith.addi %add3A_224, %add3A_337 : i32
        %sub3A_339 = arith.constant 1 : i32
        %sub3A_340 = arith.subi %add3A_338, %sub3A_339 : i32
        %dma_start3A_341 = arith.constant 0 : i32
        %dma_start3A_342 = tpu.memref_slice %arg6[%sub3A_340, %dma_start3A_341] : memref<40x64xi32, #tpu.memory_space<vmem>> -> memref<1x64xi32, #tpu.memory_space<vmem>>
        %dma_start3A_343 = tpu.memref_squeeze %dma_start3A_342 : memref<1x64xi32, #tpu.memory_space<vmem>> -> memref<64xi32, #tpu.memory_space<vmem>>
        %dma_start3A_344 = arith.constant 0 : i32
        %dma_start3A_345 = arith.constant 0 : i32
        %dma_start3A_346 = tpu.memref_slice %arg2[%dma_start3A_344, %dma_start3A_345] : memref<10000x128xf32, #tpu.memory_space<hbm>> -> memref<10000x128xf32, #tpu.memory_space<hbm>>
        tpu.enqueue_indirect_dma source(%dma_start3A_346 : memref<10000x128xf32, #tpu.memory_space<hbm>>) target(%arg11 : memref<64x128xf32, #tpu.memory_space<vmem>>) offsets(%dma_start3A_343 : memref<64xi32, #tpu.memory_space<vmem>>) semaphore(%arg17 : memref<!tpu.dma_semaphore, #tpu.memory_space<semaphore_mem>>)
      } else {
      }
      %mul3A_246 = arith.constant 4 : i32
      %mul3A_247 = arith.muli %mul3A_246, %scan3A_219 : i32
      %add3A_248 = arith.constant 1 : i32
      %add3A_249 = arith.addi %mul3A_247, %add3A_248 : i32
      %dma_wait3A_250 = arith.constant 0 : i32
      %dma_wait3A_251 = tpu.memref_slice %arg6[%add3A_249, %dma_wait3A_250] : memref<40x64xi32, #tpu.memory_space<vmem>> -> memref<1x64xi32, #tpu.memory_space<vmem>>
      %dma_wait3A_252 = tpu.memref_squeeze %dma_wait3A_251 : memref<1x64xi32, #tpu.memory_space<vmem>> -> memref<64xi32, #tpu.memory_space<vmem>>
      %dma_wait3A_253 = arith.constant 0 : i32
      %dma_wait3A_254 = arith.constant 0 : i32
      %dma_wait3A_255 = tpu.memref_slice %arg2[%dma_wait3A_253, %dma_wait3A_254] : memref<10000x128xf32, #tpu.memory_space<hbm>> -> memref<10000x128xf32, #tpu.memory_space<hbm>>
      tpu.wait_indirect_dma semaphore(%arg15 : memref<!tpu.dma_semaphore, #tpu.memory_space<semaphore_mem>>) src(%dma_wait3A_255 : memref<10000x128xf32, #tpu.memory_space<hbm>>) dst(%arg9 : memref<64x128xf32, #tpu.memory_space<vmem>>)
      %dma_start3A_256 = arith.constant 0 : i32
      %dma_start3A_257 = tpu.memref_slice %arg7[%add3A_249, %dma_start3A_256] : memref<40x64xi32, #tpu.memory_space<vmem>> -> memref<1x64xi32, #tpu.memory_space<vmem>>
      %dma_start3A_258 = tpu.memref_squeeze %dma_start3A_257 : memref<1x64xi32, #tpu.memory_space<vmem>> -> memref<64xi32, #tpu.memory_space<vmem>>
      %dma_start3A_259 = arith.constant 0 : i32
      %dma_start3A_260 = arith.constant 0 : i32
      %dma_start3A_261 = tpu.memref_slice %arg13[%dma_start3A_259, %dma_start3A_260] : memref<10240x128xf32, #tpu.memory_space<vmem_shared>> -> memref<10240x128xf32, #tpu.memory_space<vmem_shared>>
      tpu.enqueue_indirect_dma source(%arg9 : memref<64x128xf32, #tpu.memory_space<vmem>>) target(%dma_start3A_261 : memref<10240x128xf32, #tpu.memory_space<vmem_shared>>) offsets(%dma_start3A_258 : memref<64xi32, #tpu.memory_space<vmem>>) semaphore(%arg19 : memref<!tpu.dma_semaphore, #tpu.memory_space<semaphore_mem>>) {add = true}
      %ge3A_262 = arith.constant 1 : i32
      %ge3A_263 = arith.cmpi sge, %add3A_249, %ge3A_262 : i32
      %convert_element_type3A_264 = arith.extui %ge3A_263 : i1 to i32
      %cond3A_265 = arith.constant 0 : i32
      %cond3A_266 = arith.cmpi ne, %convert_element_type3A_264, %cond3A_265 : i32
      scf.if %cond3A_266 {
        %sub3A_337 = arith.constant 1 : i32
        %sub3A_338 = arith.subi %add3A_249, %sub3A_337 : i32
        %dma_wait3A_339 = arith.constant 0 : i32
        %dma_wait3A_340 = tpu.memref_slice %arg7[%sub3A_338, %dma_wait3A_339] : memref<40x64xi32, #tpu.memory_space<vmem>> -> memref<1x64xi32, #tpu.memory_space<vmem>>
        %dma_wait3A_341 = tpu.memref_squeeze %dma_wait3A_340 : memref<1x64xi32, #tpu.memory_space<vmem>> -> memref<64xi32, #tpu.memory_space<vmem>>
        %dma_wait3A_342 = arith.constant 0 : i32
        %dma_wait3A_343 = arith.constant 0 : i32
        %dma_wait3A_344 = tpu.memref_slice %arg13[%dma_wait3A_342, %dma_wait3A_343] : memref<10240x128xf32, #tpu.memory_space<vmem_shared>> -> memref<10240x128xf32, #tpu.memory_space<vmem_shared>>
        tpu.wait_indirect_dma semaphore(%arg18 : memref<!tpu.dma_semaphore, #tpu.memory_space<semaphore_mem>>) src(%arg8 : memref<64x128xf32, #tpu.memory_space<vmem>>) dst(%dma_wait3A_344 : memref<10240x128xf32, #tpu.memory_space<vmem_shared>>)
      } else {
      }
      %add3A_267 = arith.constant 4 : i32
      %add3A_268 = arith.addi %add3A_249, %add3A_267 : i32
      %sub3A_269 = arith.constant 1 : i32
      %sub3A_270 = arith.subi %add3A_268, %sub3A_269 : i32
      %lt3A_271 = arith.constant 40 : i32
      %lt3A_272 = arith.cmpi slt, %sub3A_270, %lt3A_271 : i32
      %convert_element_type3A_273 = arith.extui %lt3A_272 : i1 to i32
      %cond3A_274 = arith.constant 0 : i32
      %cond3A_275 = arith.cmpi ne, %convert_element_type3A_273, %cond3A_274 : i32
      scf.if %cond3A_275 {
        %add3A_337 = arith.constant 4 : i32
        %add3A_338 = arith.addi %add3A_249, %add3A_337 : i32
        %sub3A_339 = arith.constant 1 : i32
        %sub3A_340 = arith.subi %add3A_338, %sub3A_339 : i32
        %dma_start3A_341 = arith.constant 0 : i32
        %dma_start3A_342 = tpu.memref_slice %arg6[%sub3A_340, %dma_start3A_341] : memref<40x64xi32, #tpu.memory_space<vmem>> -> memref<1x64xi32, #tpu.memory_space<vmem>>
        %dma_start3A_343 = tpu.memref_squeeze %dma_start3A_342 : memref<1x64xi32, #tpu.memory_space<vmem>> -> memref<64xi32, #tpu.memory_space<vmem>>
        %dma_start3A_344 = arith.constant 0 : i32
        %dma_start3A_345 = arith.constant 0 : i32
        %dma_start3A_346 = tpu.memref_slice %arg2[%dma_start3A_344, %dma_start3A_345] : memref<10000x128xf32, #tpu.memory_space<hbm>> -> memref<10000x128xf32, #tpu.memory_space<hbm>>
        tpu.enqueue_indirect_dma source(%dma_start3A_346 : memref<10000x128xf32, #tpu.memory_space<hbm>>) target(%arg8 : memref<64x128xf32, #tpu.memory_space<vmem>>) offsets(%dma_start3A_343 : memref<64xi32, #tpu.memory_space<vmem>>) semaphore(%arg14 : memref<!tpu.dma_semaphore, #tpu.memory_space<semaphore_mem>>)
      } else {
      }
      %mul3A_276 = arith.constant 4 : i32
      %mul3A_277 = arith.muli %mul3A_276, %scan3A_219 : i32
      %add3A_278 = arith.constant 2 : i32
      %add3A_279 = arith.addi %mul3A_277, %add3A_278 : i32
      %dma_wait3A_280 = arith.constant 0 : i32
      %dma_wait3A_281 = tpu.memref_slice %arg6[%add3A_279, %dma_wait3A_280] : memref<40x64xi32, #tpu.memory_space<vmem>> -> memref<1x64xi32, #tpu.memory_space<vmem>>
      %dma_wait3A_282 = tpu.memref_squeeze %dma_wait3A_281 : memref<1x64xi32, #tpu.memory_space<vmem>> -> memref<64xi32, #tpu.memory_space<vmem>>
      %dma_wait3A_283 = arith.constant 0 : i32
      %dma_wait3A_284 = arith.constant 0 : i32
      %dma_wait3A_285 = tpu.memref_slice %arg2[%dma_wait3A_283, %dma_wait3A_284] : memref<10000x128xf32, #tpu.memory_space<hbm>> -> memref<10000x128xf32, #tpu.memory_space<hbm>>
      tpu.wait_indirect_dma semaphore(%arg16 : memref<!tpu.dma_semaphore, #tpu.memory_space<semaphore_mem>>) src(%dma_wait3A_285 : memref<10000x128xf32, #tpu.memory_space<hbm>>) dst(%arg10 : memref<64x128xf32, #tpu.memory_space<vmem>>)
      %dma_start3A_286 = arith.constant 0 : i32
      %dma_start3A_287 = tpu.memref_slice %arg7[%add3A_279, %dma_start3A_286] : memref<40x64xi32, #tpu.memory_space<vmem>> -> memref<1x64xi32, #tpu.memory_space<vmem>>
      %dma_start3A_288 = tpu.memref_squeeze %dma_start3A_287 : memref<1x64xi32, #tpu.memory_space<vmem>> -> memref<64xi32, #tpu.memory_space<vmem>>
      %dma_start3A_289 = arith.constant 0 : i32
      %dma_start3A_290 = arith.constant 0 : i32
      %dma_start3A_291 = tpu.memref_slice %arg13[%dma_start3A_289, %dma_start3A_290] : memref<10240x128xf32, #tpu.memory_space<vmem_shared>> -> memref<10240x128xf32, #tpu.memory_space<vmem_shared>>
      tpu.enqueue_indirect_dma source(%arg10 : memref<64x128xf32, #tpu.memory_space<vmem>>) target(%dma_start3A_291 : memref<10240x128xf32, #tpu.memory_space<vmem_shared>>) offsets(%dma_start3A_288 : memref<64xi32, #tpu.memory_space<vmem>>) semaphore(%arg20 : memref<!tpu.dma_semaphore, #tpu.memory_space<semaphore_mem>>) {add = true}
      %ge3A_292 = arith.constant 1 : i32
      %ge3A_293 = arith.cmpi sge, %add3A_279, %ge3A_292 : i32
      %convert_element_type3A_294 = arith.extui %ge3A_293 : i1 to i32
      %cond3A_295 = arith.constant 0 : i32
      %cond3A_296 = arith.cmpi ne, %convert_element_type3A_294, %cond3A_295 : i32
      scf.if %cond3A_296 {
        %sub3A_337 = arith.constant 1 : i32
        %sub3A_338 = arith.subi %add3A_279, %sub3A_337 : i32
        %dma_wait3A_339 = arith.constant 0 : i32
        %dma_wait3A_340 = tpu.memref_slice %arg7[%sub3A_338, %dma_wait3A_339] : memref<40x64xi32, #tpu.memory_space<vmem>> -> memref<1x64xi32, #tpu.memory_space<vmem>>
        %dma_wait3A_341 = tpu.memref_squeeze %dma_wait3A_340 : memref<1x64xi32, #tpu.memory_space<vmem>> -> memref<64xi32, #tpu.memory_space<vmem>>
        %dma_wait3A_342 = arith.constant 0 : i32
        %dma_wait3A_343 = arith.constant 0 : i32
        %dma_wait3A_344 = tpu.memref_slice %arg13[%dma_wait3A_342, %dma_wait3A_343] : memref<10240x128xf32, #tpu.memory_space<vmem_shared>> -> memref<10240x128xf32, #tpu.memory_space<vmem_shared>>
        tpu.wait_indirect_dma semaphore(%arg19 : memref<!tpu.dma_semaphore, #tpu.memory_space<semaphore_mem>>) src(%arg9 : memref<64x128xf32, #tpu.memory_space<vmem>>) dst(%dma_wait3A_344 : memref<10240x128xf32, #tpu.memory_space<vmem_shared>>)
      } else {
      }
      %add3A_297 = arith.constant 4 : i32
      %add3A_298 = arith.addi %add3A_279, %add3A_297 : i32
      %sub3A_299 = arith.constant 1 : i32
      %sub3A_300 = arith.subi %add3A_298, %sub3A_299 : i32
      %lt3A_301 = arith.constant 40 : i32
      %lt3A_302 = arith.cmpi slt, %sub3A_300, %lt3A_301 : i32
      %convert_element_type3A_303 = arith.extui %lt3A_302 : i1 to i32
      %cond3A_304 = arith.constant 0 : i32
      %cond3A_305 = arith.cmpi ne, %convert_element_type3A_303, %cond3A_304 : i32
      scf.if %cond3A_305 {
        %add3A_337 = arith.constant 4 : i32
        %add3A_338 = arith.addi %add3A_279, %add3A_337 : i32
        %sub3A_339 = arith.constant 1 : i32
        %sub3A_340 = arith.subi %add3A_338, %sub3A_339 : i32
        %dma_start3A_341 = arith.constant 0 : i32
        %dma_start3A_342 = tpu.memref_slice %arg6[%sub3A_340, %dma_start3A_341] : memref<40x64xi32, #tpu.memory_space<vmem>> -> memref<1x64xi32, #tpu.memory_space<vmem>>
        %dma_start3A_343 = tpu.memref_squeeze %dma_start3A_342 : memref<1x64xi32, #tpu.memory_space<vmem>> -> memref<64xi32, #tpu.memory_space<vmem>>
        %dma_start3A_344 = arith.constant 0 : i32
        %dma_start3A_345 = arith.constant 0 : i32
        %dma_start3A_346 = tpu.memref_slice %arg2[%dma_start3A_344, %dma_start3A_345] : memref<10000x128xf32, #tpu.memory_space<hbm>> -> memref<10000x128xf32, #tpu.memory_space<hbm>>
        tpu.enqueue_indirect_dma source(%dma_start3A_346 : memref<10000x128xf32, #tpu.memory_space<hbm>>) target(%arg9 : memref<64x128xf32, #tpu.memory_space<vmem>>) offsets(%dma_start3A_343 : memref<64xi32, #tpu.memory_space<vmem>>) semaphore(%arg15 : memref<!tpu.dma_semaphore, #tpu.memory_space<semaphore_mem>>)
      } else {
      }
      %mul3A_306 = arith.constant 4 : i32
      %mul3A_307 = arith.muli %mul3A_306, %scan3A_219 : i32
      %add3A_308 = arith.constant 3 : i32
      %add3A_309 = arith.addi %mul3A_307, %add3A_308 : i32
      %dma_wait3A_310 = arith.constant 0 : i32
      %dma_wait3A_311 = tpu.memref_slice %arg6[%add3A_309, %dma_wait3A_310] : memref<40x64xi32, #tpu.memory_space<vmem>> -> memref<1x64xi32, #tpu.memory_space<vmem>>
      %dma_wait3A_312 = tpu.memref_squeeze %dma_wait3A_311 : memref<1x64xi32, #tpu.memory_space<vmem>> -> memref<64xi32, #tpu.memory_space<vmem>>
      %dma_wait3A_313 = arith.constant 0 : i32
      %dma_wait3A_314 = arith.constant 0 : i32
      %dma_wait3A_315 = tpu.memref_slice %arg2[%dma_wait3A_313, %dma_wait3A_314] : memref<10000x128xf32, #tpu.memory_space<hbm>> -> memref<10000x128xf32, #tpu.memory_space<hbm>>
      tpu.wait_indirect_dma semaphore(%arg17 : memref<!tpu.dma_semaphore, #tpu.memory_space<semaphore_mem>>) src(%dma_wait3A_315 : memref<10000x128xf32, #tpu.memory_space<hbm>>) dst(%arg11 : memref<64x128xf32, #tpu.memory_space<vmem>>)
      %dma_start3A_316 = arith.constant 0 : i32
      %dma_start3A_317 = tpu.memref_slice %arg7[%add3A_309, %dma_start3A_316] : memref<40x64xi32, #tpu.memory_space<vmem>> -> memref<1x64xi32, #tpu.memory_space<vmem>>
      %dma_start3A_318 = tpu.memref_squeeze %dma_start3A_317 : memref<1x64xi32, #tpu.memory_space<vmem>> -> memref<64xi32, #tpu.memory_space<vmem>>
      %dma_start3A_319 = arith.constant 0 : i32
      %dma_start3A_320 = arith.constant 0 : i32
      %dma_start3A_321 = tpu.memref_slice %arg13[%dma_start3A_319, %dma_start3A_320] : memref<10240x128xf32, #tpu.memory_space<vmem_shared>> -> memref<10240x128xf32, #tpu.memory_space<vmem_shared>>
      tpu.enqueue_indirect_dma source(%arg11 : memref<64x128xf32, #tpu.memory_space<vmem>>) target(%dma_start3A_321 : memref<10240x128xf32, #tpu.memory_space<vmem_shared>>) offsets(%dma_start3A_318 : memref<64xi32, #tpu.memory_space<vmem>>) semaphore(%arg21 : memref<!tpu.dma_semaphore, #tpu.memory_space<semaphore_mem>>) {add = true}
      %ge3A_322 = arith.constant 1 : i32
      %ge3A_323 = arith.cmpi sge, %add3A_309, %ge3A_322 : i32
      %convert_element_type3A_324 = arith.extui %ge3A_323 : i1 to i32
      %cond3A_325 = arith.constant 0 : i32
      %cond3A_326 = arith.cmpi ne, %convert_element_type3A_324, %cond3A_325 : i32
      scf.if %cond3A_326 {
        %sub3A_337 = arith.constant 1 : i32
        %sub3A_338 = arith.subi %add3A_309, %sub3A_337 : i32
        %dma_wait3A_339 = arith.constant 0 : i32
        %dma_wait3A_340 = tpu.memref_slice %arg7[%sub3A_338, %dma_wait3A_339] : memref<40x64xi32, #tpu.memory_space<vmem>> -> memref<1x64xi32, #tpu.memory_space<vmem>>
        %dma_wait3A_341 = tpu.memref_squeeze %dma_wait3A_340 : memref<1x64xi32, #tpu.memory_space<vmem>> -> memref<64xi32, #tpu.memory_space<vmem>>
        %dma_wait3A_342 = arith.constant 0 : i32
        %dma_wait3A_343 = arith.constant 0 : i32
        %dma_wait3A_344 = tpu.memref_slice %arg13[%dma_wait3A_342, %dma_wait3A_343] : memref<10240x128xf32, #tpu.memory_space<vmem_shared>> -> memref<10240x128xf32, #tpu.memory_space<vmem_shared>>
        tpu.wait_indirect_dma semaphore(%arg20 : memref<!tpu.dma_semaphore, #tpu.memory_space<semaphore_mem>>) src(%arg10 : memref<64x128xf32, #tpu.memory_space<vmem>>) dst(%dma_wait3A_344 : memref<10240x128xf32, #tpu.memory_space<vmem_shared>>)
      } else {
      }
      %add3A_327 = arith.constant 4 : i32
      %add3A_328 = arith.addi %add3A_309, %add3A_327 : i32
      %sub3A_329 = arith.constant 1 : i32
      %sub3A_330 = arith.subi %add3A_328, %sub3A_329 : i32
      %lt3A_331 = arith.constant 40 : i32
      %lt3A_332 = arith.cmpi slt, %sub3A_330, %lt3A_331 : i32
      %convert_element_type3A_333 = arith.extui %lt3A_332 : i1 to i32
      %cond3A_334 = arith.constant 0 : i32
      %cond3A_335 = arith.cmpi ne, %convert_element_type3A_333, %cond3A_334 : i32
      scf.if %cond3A_335 {
        %add3A_337 = arith.constant 4 : i32
        %add3A_338 = arith.addi %add3A_309, %add3A_337 : i32
        %sub3A_339 = arith.constant 1 : i32
        %sub3A_340 = arith.subi %add3A_338, %sub3A_339 : i32
        %dma_start3A_341 = arith.constant 0 : i32
        %dma_start3A_342 = tpu.memref_slice %arg6[%sub3A_340, %dma_start3A_341] : memref<40x64xi32, #tpu.memory_space<vmem>> -> memref<1x64xi32, #tpu.memory_space<vmem>>
        %dma_start3A_343 = tpu.memref_squeeze %dma_start3A_342 : memref<1x64xi32, #tpu.memory_space<vmem>> -> memref<64xi32, #tpu.memory_space<vmem>>
        %dma_start3A_344 = arith.constant 0 : i32
        %dma_start3A_345 = arith.constant 0 : i32
        %dma_start3A_346 = tpu.memref_slice %arg2[%dma_start3A_344, %dma_start3A_345] : memref<10000x128xf32, #tpu.memory_space<hbm>> -> memref<10000x128xf32, #tpu.memory_space<hbm>>
        tpu.enqueue_indirect_dma source(%dma_start3A_346 : memref<10000x128xf32, #tpu.memory_space<hbm>>) target(%arg10 : memref<64x128xf32, #tpu.memory_space<vmem>>) offsets(%dma_start3A_343 : memref<64xi32, #tpu.memory_space<vmem>>) semaphore(%arg16 : memref<!tpu.dma_semaphore, #tpu.memory_space<semaphore_mem>>)
      } else {
      }
      %scan3A_336 = arith.constant 0 : i32
      scf.yield %scan3A_336 : i32
    }
    %scan3A_128 = arith.constant 10 : i32
    %dma_wait3A_129 = arith.constant 39 : i32
    %dma_wait3A_130 = arith.constant 0 : i32
    %dma_wait3A_131 = tpu.memref_slice %arg7[%dma_wait3A_129, %dma_wait3A_130] : memref<40x64xi32, #tpu.memory_space<vmem>> -> memref<1x64xi32, #tpu.memory_space<vmem>>
    %dma_wait3A_132 = tpu.memref_squeeze %dma_wait3A_131 : memref<1x64xi32, #tpu.memory_space<vmem>> -> memref<64xi32, #tpu.memory_space<vmem>>
    %dma_wait3A_133 = arith.constant 0 : i32
    %dma_wait3A_134 = arith.constant 0 : i32
    %dma_wait3A_135 = tpu.memref_slice %arg13[%dma_wait3A_133, %dma_wait3A_134] : memref<10240x128xf32, #tpu.memory_space<vmem_shared>> -> memref<10240x128xf32, #tpu.memory_space<vmem_shared>>
    tpu.wait_indirect_dma semaphore(%arg21 : memref<!tpu.dma_semaphore, #tpu.memory_space<semaphore_mem>>) src(%arg11 : memref<64x128xf32, #tpu.memory_space<vmem>>) dst(%dma_wait3A_135 : memref<10240x128xf32, #tpu.memory_space<vmem_shared>>)
    %add3A_136 = arith.constant 80 : i32
    %add3A_137 = arith.addi %mul3A_2, %add3A_136 : i32
    "tpu.region"() ({
      %run_scoped3A = tpu.sem_alloc : memref<!tpu.dma_semaphore, #tpu.memory_space<semaphore_mem>>
      %dma_start3A_219 = arith.constant 0 : i32
      %dma_start3A_220 = tpu.memref_slice %arg3[%add3A_137, %dma_start3A_219] : memref<5120x64xi32, #tpu.memory_space<hbm>> -> memref<40x64xi32, #tpu.memory_space<hbm>>
      %dma_start3A_221 = arith.constant 0 : i32
      %dma_start3A_222 = tpu.memref_slice %arg3[%add3A_137, %dma_start3A_221] : memref<5120x64xi32, #tpu.memory_space<hbm>> -> memref<40x64xi32, #tpu.memory_space<hbm>>
      tpu.enqueue_dma source(%dma_start3A_222 : memref<40x64xi32, #tpu.memory_space<hbm>>) target(%arg6 : memref<40x64xi32, #tpu.memory_space<vmem>>) target_semaphore(%run_scoped3A : memref<!tpu.dma_semaphore, #tpu.memory_space<semaphore_mem>>)
      %dma_wait3A_223 = arith.constant 0 : i32
      %dma_wait3A_224 = tpu.memref_slice %arg3[%add3A_137, %dma_wait3A_223] : memref<5120x64xi32, #tpu.memory_space<hbm>> -> memref<40x64xi32, #tpu.memory_space<hbm>>
      %dma_wait3A_225 = arith.constant 0 : i32
      %dma_wait3A_226 = tpu.memref_slice %arg3[%add3A_137, %dma_wait3A_225] : memref<5120x64xi32, #tpu.memory_space<hbm>> -> memref<40x64xi32, #tpu.memory_space<hbm>>
      tpu.wait_dma2 semaphore(%run_scoped3A : memref<!tpu.dma_semaphore, #tpu.memory_space<semaphore_mem>>) src(%dma_wait3A_226 : memref<40x64xi32, #tpu.memory_space<hbm>>) dst(%arg6 : memref<40x64xi32, #tpu.memory_space<vmem>>)
      tpu.yield
    }) : () -> ()
    %add3A_138 = arith.constant 80 : i32
    %add3A_139 = arith.addi %mul3A_2, %add3A_138 : i32
    "tpu.region"() ({
      %run_scoped3A = tpu.sem_alloc : memref<!tpu.dma_semaphore, #tpu.memory_space<semaphore_mem>>
      %dma_start3A_219 = arith.constant 0 : i32
      %dma_start3A_220 = tpu.memref_slice %arg4[%add3A_139, %dma_start3A_219] : memref<5120x64xi32, #tpu.memory_space<hbm>> -> memref<40x64xi32, #tpu.memory_space<hbm>>
      %dma_start3A_221 = arith.constant 0 : i32
      %dma_start3A_222 = tpu.memref_slice %arg4[%add3A_139, %dma_start3A_221] : memref<5120x64xi32, #tpu.memory_space<hbm>> -> memref<40x64xi32, #tpu.memory_space<hbm>>
      tpu.enqueue_dma source(%dma_start3A_222 : memref<40x64xi32, #tpu.memory_space<hbm>>) target(%arg7 : memref<40x64xi32, #tpu.memory_space<vmem>>) target_semaphore(%run_scoped3A : memref<!tpu.dma_semaphore, #tpu.memory_space<semaphore_mem>>)
      %dma_wait3A_223 = arith.constant 0 : i32
      %dma_wait3A_224 = tpu.memref_slice %arg4[%add3A_139, %dma_wait3A_223] : memref<5120x64xi32, #tpu.memory_space<hbm>> -> memref<40x64xi32, #tpu.memory_space<hbm>>
      %dma_wait3A_225 = arith.constant 0 : i32
      %dma_wait3A_226 = tpu.memref_slice %arg4[%add3A_139, %dma_wait3A_225] : memref<5120x64xi32, #tpu.memory_space<hbm>> -> memref<40x64xi32, #tpu.memory_space<hbm>>
      tpu.wait_dma2 semaphore(%run_scoped3A : memref<!tpu.dma_semaphore, #tpu.memory_space<semaphore_mem>>) src(%dma_wait3A_226 : memref<40x64xi32, #tpu.memory_space<hbm>>) dst(%arg7 : memref<40x64xi32, #tpu.memory_space<vmem>>)
      tpu.yield
    }) : () -> ()
    %dma_start3A_140 = arith.constant 0 : i32
    %dma_start3A_141 = arith.constant 0 : i32
    %dma_start3A_142 = tpu.memref_slice %arg6[%dma_start3A_140, %dma_start3A_141] : memref<40x64xi32, #tpu.memory_space<vmem>> -> memref<1x64xi32, #tpu.memory_space<vmem>>
    %dma_start3A_143 = tpu.memref_squeeze %dma_start3A_142 : memref<1x64xi32, #tpu.memory_space<vmem>> -> memref<64xi32, #tpu.memory_space<vmem>>
    %dma_start3A_144 = arith.constant 0 : i32
    %dma_start3A_145 = arith.constant 0 : i32
    %dma_start3A_146 = tpu.memref_slice %arg2[%dma_start3A_144, %dma_start3A_145] : memref<10000x128xf32, #tpu.memory_space<hbm>> -> memref<10000x128xf32, #tpu.memory_space<hbm>>
    tpu.enqueue_indirect_dma source(%dma_start3A_146 : memref<10000x128xf32, #tpu.memory_space<hbm>>) target(%arg8 : memref<64x128xf32, #tpu.memory_space<vmem>>) offsets(%dma_start3A_143 : memref<64xi32, #tpu.memory_space<vmem>>) semaphore(%arg14 : memref<!tpu.dma_semaphore, #tpu.memory_space<semaphore_mem>>)
    %dma_start3A_147 = arith.constant 1 : i32
    %dma_start3A_148 = arith.constant 0 : i32
    %dma_start3A_149 = tpu.memref_slice %arg6[%dma_start3A_147, %dma_start3A_148] : memref<40x64xi32, #tpu.memory_space<vmem>> -> memref<1x64xi32, #tpu.memory_space<vmem>>
    %dma_start3A_150 = tpu.memref_squeeze %dma_start3A_149 : memref<1x64xi32, #tpu.memory_space<vmem>> -> memref<64xi32, #tpu.memory_space<vmem>>
    %dma_start3A_151 = arith.constant 0 : i32
    %dma_start3A_152 = arith.constant 0 : i32
    %dma_start3A_153 = tpu.memref_slice %arg2[%dma_start3A_151, %dma_start3A_152] : memref<10000x128xf32, #tpu.memory_space<hbm>> -> memref<10000x128xf32, #tpu.memory_space<hbm>>
    tpu.enqueue_indirect_dma source(%dma_start3A_153 : memref<10000x128xf32, #tpu.memory_space<hbm>>) target(%arg9 : memref<64x128xf32, #tpu.memory_space<vmem>>) offsets(%dma_start3A_150 : memref<64xi32, #tpu.memory_space<vmem>>) semaphore(%arg15 : memref<!tpu.dma_semaphore, #tpu.memory_space<semaphore_mem>>)
    %dma_start3A_154 = arith.constant 2 : i32
    %dma_start3A_155 = arith.constant 0 : i32
    %dma_start3A_156 = tpu.memref_slice %arg6[%dma_start3A_154, %dma_start3A_155] : memref<40x64xi32, #tpu.memory_space<vmem>> -> memref<1x64xi32, #tpu.memory_space<vmem>>
    %dma_start3A_157 = tpu.memref_squeeze %dma_start3A_156 : memref<1x64xi32, #tpu.memory_space<vmem>> -> memref<64xi32, #tpu.memory_space<vmem>>
    %dma_start3A_158 = arith.constant 0 : i32
    %dma_start3A_159 = arith.constant 0 : i32
    %dma_start3A_160 = tpu.memref_slice %arg2[%dma_start3A_158, %dma_start3A_159] : memref<10000x128xf32, #tpu.memory_space<hbm>> -> memref<10000x128xf32, #tpu.memory_space<hbm>>
    tpu.enqueue_indirect_dma source(%dma_start3A_160 : memref<10000x128xf32, #tpu.memory_space<hbm>>) target(%arg10 : memref<64x128xf32, #tpu.memory_space<vmem>>) offsets(%dma_start3A_157 : memref<64xi32, #tpu.memory_space<vmem>>) semaphore(%arg16 : memref<!tpu.dma_semaphore, #tpu.memory_space<semaphore_mem>>)
    %scan3A_161 = arith.constant 0 : i32
    %scan3A_162 = arith.constant 0 : i32
    %scan3A_163 = arith.constant 10 : i32
    %scan3A_164 = arith.addi %scan3A_162, %scan3A_163 : i32
    %scan3A_165 = arith.constant 1 : i32
    %scan3A_166 = scf.for %scan3A_219 = %scan3A_162 to %scan3A_164 step %scan3A_165 iter_args(%scan3A_220 = %scan3A_161) -> (i32)  : i32 {
      %mul3A_221 = arith.constant 4 : i32
      %mul3A_222 = arith.muli %mul3A_221, %scan3A_219 : i32
      %add3A_223 = arith.constant 0 : i32
      %add3A_224 = arith.addi %mul3A_222, %add3A_223 : i32
      %dma_wait3A_225 = arith.constant 0 : i32
      %dma_wait3A_226 = tpu.memref_slice %arg6[%add3A_224, %dma_wait3A_225] : memref<40x64xi32, #tpu.memory_space<vmem>> -> memref<1x64xi32, #tpu.memory_space<vmem>>
      %dma_wait3A_227 = tpu.memref_squeeze %dma_wait3A_226 : memref<1x64xi32, #tpu.memory_space<vmem>> -> memref<64xi32, #tpu.memory_space<vmem>>
      %dma_wait3A_228 = arith.constant 0 : i32
      %dma_wait3A_229 = arith.constant 0 : i32
      %dma_wait3A_230 = tpu.memref_slice %arg2[%dma_wait3A_228, %dma_wait3A_229] : memref<10000x128xf32, #tpu.memory_space<hbm>> -> memref<10000x128xf32, #tpu.memory_space<hbm>>
      tpu.wait_indirect_dma semaphore(%arg14 : memref<!tpu.dma_semaphore, #tpu.memory_space<semaphore_mem>>) src(%dma_wait3A_230 : memref<10000x128xf32, #tpu.memory_space<hbm>>) dst(%arg8 : memref<64x128xf32, #tpu.memory_space<vmem>>)
      %dma_start3A_231 = arith.constant 0 : i32
      %dma_start3A_232 = tpu.memref_slice %arg7[%add3A_224, %dma_start3A_231] : memref<40x64xi32, #tpu.memory_space<vmem>> -> memref<1x64xi32, #tpu.memory_space<vmem>>
      %dma_start3A_233 = tpu.memref_squeeze %dma_start3A_232 : memref<1x64xi32, #tpu.memory_space<vmem>> -> memref<64xi32, #tpu.memory_space<vmem>>
      %dma_start3A_234 = arith.constant 0 : i32
      %dma_start3A_235 = arith.constant 0 : i32
      %dma_start3A_236 = tpu.memref_slice %arg13[%dma_start3A_234, %dma_start3A_235] : memref<10240x128xf32, #tpu.memory_space<vmem_shared>> -> memref<10240x128xf32, #tpu.memory_space<vmem_shared>>
      tpu.enqueue_indirect_dma source(%arg8 : memref<64x128xf32, #tpu.memory_space<vmem>>) target(%dma_start3A_236 : memref<10240x128xf32, #tpu.memory_space<vmem_shared>>) offsets(%dma_start3A_233 : memref<64xi32, #tpu.memory_space<vmem>>) semaphore(%arg18 : memref<!tpu.dma_semaphore, #tpu.memory_space<semaphore_mem>>) {add = true}
      %ge3A = arith.constant 1 : i32
      %ge3A_237 = arith.cmpi sge, %add3A_224, %ge3A : i32
      %convert_element_type3A = arith.extui %ge3A_237 : i1 to i32
      %cond3A = arith.constant 0 : i32
      %cond3A_238 = arith.cmpi ne, %convert_element_type3A, %cond3A : i32
      scf.if %cond3A_238 {
        %sub3A_337 = arith.constant 1 : i32
        %sub3A_338 = arith.subi %add3A_224, %sub3A_337 : i32
        %dma_wait3A_339 = arith.constant 0 : i32
        %dma_wait3A_340 = tpu.memref_slice %arg7[%sub3A_338, %dma_wait3A_339] : memref<40x64xi32, #tpu.memory_space<vmem>> -> memref<1x64xi32, #tpu.memory_space<vmem>>
        %dma_wait3A_341 = tpu.memref_squeeze %dma_wait3A_340 : memref<1x64xi32, #tpu.memory_space<vmem>> -> memref<64xi32, #tpu.memory_space<vmem>>
        %dma_wait3A_342 = arith.constant 0 : i32
        %dma_wait3A_343 = arith.constant 0 : i32
        %dma_wait3A_344 = tpu.memref_slice %arg13[%dma_wait3A_342, %dma_wait3A_343] : memref<10240x128xf32, #tpu.memory_space<vmem_shared>> -> memref<10240x128xf32, #tpu.memory_space<vmem_shared>>
        tpu.wait_indirect_dma semaphore(%arg21 : memref<!tpu.dma_semaphore, #tpu.memory_space<semaphore_mem>>) src(%arg11 : memref<64x128xf32, #tpu.memory_space<vmem>>) dst(%dma_wait3A_344 : memref<10240x128xf32, #tpu.memory_space<vmem_shared>>)
      } else {
      }
      %add3A_239 = arith.constant 4 : i32
      %add3A_240 = arith.addi %add3A_224, %add3A_239 : i32
      %sub3A = arith.constant 1 : i32
      %sub3A_241 = arith.subi %add3A_240, %sub3A : i32
      %lt3A = arith.constant 40 : i32
      %lt3A_242 = arith.cmpi slt, %sub3A_241, %lt3A : i32
      %convert_element_type3A_243 = arith.extui %lt3A_242 : i1 to i32
      %cond3A_244 = arith.constant 0 : i32
      %cond3A_245 = arith.cmpi ne, %convert_element_type3A_243, %cond3A_244 : i32
      scf.if %cond3A_245 {
        %add3A_337 = arith.constant 4 : i32
        %add3A_338 = arith.addi %add3A_224, %add3A_337 : i32
        %sub3A_339 = arith.constant 1 : i32
        %sub3A_340 = arith.subi %add3A_338, %sub3A_339 : i32
        %dma_start3A_341 = arith.constant 0 : i32
        %dma_start3A_342 = tpu.memref_slice %arg6[%sub3A_340, %dma_start3A_341] : memref<40x64xi32, #tpu.memory_space<vmem>> -> memref<1x64xi32, #tpu.memory_space<vmem>>
        %dma_start3A_343 = tpu.memref_squeeze %dma_start3A_342 : memref<1x64xi32, #tpu.memory_space<vmem>> -> memref<64xi32, #tpu.memory_space<vmem>>
        %dma_start3A_344 = arith.constant 0 : i32
        %dma_start3A_345 = arith.constant 0 : i32
        %dma_start3A_346 = tpu.memref_slice %arg2[%dma_start3A_344, %dma_start3A_345] : memref<10000x128xf32, #tpu.memory_space<hbm>> -> memref<10000x128xf32, #tpu.memory_space<hbm>>
        tpu.enqueue_indirect_dma source(%dma_start3A_346 : memref<10000x128xf32, #tpu.memory_space<hbm>>) target(%arg11 : memref<64x128xf32, #tpu.memory_space<vmem>>) offsets(%dma_start3A_343 : memref<64xi32, #tpu.memory_space<vmem>>) semaphore(%arg17 : memref<!tpu.dma_semaphore, #tpu.memory_space<semaphore_mem>>)
      } else {
      }
      %mul3A_246 = arith.constant 4 : i32
      %mul3A_247 = arith.muli %mul3A_246, %scan3A_219 : i32
      %add3A_248 = arith.constant 1 : i32
      %add3A_249 = arith.addi %mul3A_247, %add3A_248 : i32
      %dma_wait3A_250 = arith.constant 0 : i32
      %dma_wait3A_251 = tpu.memref_slice %arg6[%add3A_249, %dma_wait3A_250] : memref<40x64xi32, #tpu.memory_space<vmem>> -> memref<1x64xi32, #tpu.memory_space<vmem>>
      %dma_wait3A_252 = tpu.memref_squeeze %dma_wait3A_251 : memref<1x64xi32, #tpu.memory_space<vmem>> -> memref<64xi32, #tpu.memory_space<vmem>>
      %dma_wait3A_253 = arith.constant 0 : i32
      %dma_wait3A_254 = arith.constant 0 : i32
      %dma_wait3A_255 = tpu.memref_slice %arg2[%dma_wait3A_253, %dma_wait3A_254] : memref<10000x128xf32, #tpu.memory_space<hbm>> -> memref<10000x128xf32, #tpu.memory_space<hbm>>
      tpu.wait_indirect_dma semaphore(%arg15 : memref<!tpu.dma_semaphore, #tpu.memory_space<semaphore_mem>>) src(%dma_wait3A_255 : memref<10000x128xf32, #tpu.memory_space<hbm>>) dst(%arg9 : memref<64x128xf32, #tpu.memory_space<vmem>>)
      %dma_start3A_256 = arith.constant 0 : i32
      %dma_start3A_257 = tpu.memref_slice %arg7[%add3A_249, %dma_start3A_256] : memref<40x64xi32, #tpu.memory_space<vmem>> -> memref<1x64xi32, #tpu.memory_space<vmem>>
      %dma_start3A_258 = tpu.memref_squeeze %dma_start3A_257 : memref<1x64xi32, #tpu.memory_space<vmem>> -> memref<64xi32, #tpu.memory_space<vmem>>
      %dma_start3A_259 = arith.constant 0 : i32
      %dma_start3A_260 = arith.constant 0 : i32
      %dma_start3A_261 = tpu.memref_slice %arg13[%dma_start3A_259, %dma_start3A_260] : memref<10240x128xf32, #tpu.memory_space<vmem_shared>> -> memref<10240x128xf32, #tpu.memory_space<vmem_shared>>
      tpu.enqueue_indirect_dma source(%arg9 : memref<64x128xf32, #tpu.memory_space<vmem>>) target(%dma_start3A_261 : memref<10240x128xf32, #tpu.memory_space<vmem_shared>>) offsets(%dma_start3A_258 : memref<64xi32, #tpu.memory_space<vmem>>) semaphore(%arg19 : memref<!tpu.dma_semaphore, #tpu.memory_space<semaphore_mem>>) {add = true}
      %ge3A_262 = arith.constant 1 : i32
      %ge3A_263 = arith.cmpi sge, %add3A_249, %ge3A_262 : i32
      %convert_element_type3A_264 = arith.extui %ge3A_263 : i1 to i32
      %cond3A_265 = arith.constant 0 : i32
      %cond3A_266 = arith.cmpi ne, %convert_element_type3A_264, %cond3A_265 : i32
      scf.if %cond3A_266 {
        %sub3A_337 = arith.constant 1 : i32
        %sub3A_338 = arith.subi %add3A_249, %sub3A_337 : i32
        %dma_wait3A_339 = arith.constant 0 : i32
        %dma_wait3A_340 = tpu.memref_slice %arg7[%sub3A_338, %dma_wait3A_339] : memref<40x64xi32, #tpu.memory_space<vmem>> -> memref<1x64xi32, #tpu.memory_space<vmem>>
        %dma_wait3A_341 = tpu.memref_squeeze %dma_wait3A_340 : memref<1x64xi32, #tpu.memory_space<vmem>> -> memref<64xi32, #tpu.memory_space<vmem>>
        %dma_wait3A_342 = arith.constant 0 : i32
        %dma_wait3A_343 = arith.constant 0 : i32
        %dma_wait3A_344 = tpu.memref_slice %arg13[%dma_wait3A_342, %dma_wait3A_343] : memref<10240x128xf32, #tpu.memory_space<vmem_shared>> -> memref<10240x128xf32, #tpu.memory_space<vmem_shared>>
        tpu.wait_indirect_dma semaphore(%arg18 : memref<!tpu.dma_semaphore, #tpu.memory_space<semaphore_mem>>) src(%arg8 : memref<64x128xf32, #tpu.memory_space<vmem>>) dst(%dma_wait3A_344 : memref<10240x128xf32, #tpu.memory_space<vmem_shared>>)
      } else {
      }
      %add3A_267 = arith.constant 4 : i32
      %add3A_268 = arith.addi %add3A_249, %add3A_267 : i32
      %sub3A_269 = arith.constant 1 : i32
      %sub3A_270 = arith.subi %add3A_268, %sub3A_269 : i32
      %lt3A_271 = arith.constant 40 : i32
      %lt3A_272 = arith.cmpi slt, %sub3A_270, %lt3A_271 : i32
      %convert_element_type3A_273 = arith.extui %lt3A_272 : i1 to i32
      %cond3A_274 = arith.constant 0 : i32
      %cond3A_275 = arith.cmpi ne, %convert_element_type3A_273, %cond3A_274 : i32
      scf.if %cond3A_275 {
        %add3A_337 = arith.constant 4 : i32
        %add3A_338 = arith.addi %add3A_249, %add3A_337 : i32
        %sub3A_339 = arith.constant 1 : i32
        %sub3A_340 = arith.subi %add3A_338, %sub3A_339 : i32
        %dma_start3A_341 = arith.constant 0 : i32
        %dma_start3A_342 = tpu.memref_slice %arg6[%sub3A_340, %dma_start3A_341] : memref<40x64xi32, #tpu.memory_space<vmem>> -> memref<1x64xi32, #tpu.memory_space<vmem>>
        %dma_start3A_343 = tpu.memref_squeeze %dma_start3A_342 : memref<1x64xi32, #tpu.memory_space<vmem>> -> memref<64xi32, #tpu.memory_space<vmem>>
        %dma_start3A_344 = arith.constant 0 : i32
        %dma_start3A_345 = arith.constant 0 : i32
        %dma_start3A_346 = tpu.memref_slice %arg2[%dma_start3A_344, %dma_start3A_345] : memref<10000x128xf32, #tpu.memory_space<hbm>> -> memref<10000x128xf32, #tpu.memory_space<hbm>>
        tpu.enqueue_indirect_dma source(%dma_start3A_346 : memref<10000x128xf32, #tpu.memory_space<hbm>>) target(%arg8 : memref<64x128xf32, #tpu.memory_space<vmem>>) offsets(%dma_start3A_343 : memref<64xi32, #tpu.memory_space<vmem>>) semaphore(%arg14 : memref<!tpu.dma_semaphore, #tpu.memory_space<semaphore_mem>>)
      } else {
      }
      %mul3A_276 = arith.constant 4 : i32
      %mul3A_277 = arith.muli %mul3A_276, %scan3A_219 : i32
      %add3A_278 = arith.constant 2 : i32
      %add3A_279 = arith.addi %mul3A_277, %add3A_278 : i32
      %dma_wait3A_280 = arith.constant 0 : i32
      %dma_wait3A_281 = tpu.memref_slice %arg6[%add3A_279, %dma_wait3A_280] : memref<40x64xi32, #tpu.memory_space<vmem>> -> memref<1x64xi32, #tpu.memory_space<vmem>>
      %dma_wait3A_282 = tpu.memref_squeeze %dma_wait3A_281 : memref<1x64xi32, #tpu.memory_space<vmem>> -> memref<64xi32, #tpu.memory_space<vmem>>
      %dma_wait3A_283 = arith.constant 0 : i32
      %dma_wait3A_284 = arith.constant 0 : i32
      %dma_wait3A_285 = tpu.memref_slice %arg2[%dma_wait3A_283, %dma_wait3A_284] : memref<10000x128xf32, #tpu.memory_space<hbm>> -> memref<10000x128xf32, #tpu.memory_space<hbm>>
      tpu.wait_indirect_dma semaphore(%arg16 : memref<!tpu.dma_semaphore, #tpu.memory_space<semaphore_mem>>) src(%dma_wait3A_285 : memref<10000x128xf32, #tpu.memory_space<hbm>>) dst(%arg10 : memref<64x128xf32, #tpu.memory_space<vmem>>)
      %dma_start3A_286 = arith.constant 0 : i32
      %dma_start3A_287 = tpu.memref_slice %arg7[%add3A_279, %dma_start3A_286] : memref<40x64xi32, #tpu.memory_space<vmem>> -> memref<1x64xi32, #tpu.memory_space<vmem>>
      %dma_start3A_288 = tpu.memref_squeeze %dma_start3A_287 : memref<1x64xi32, #tpu.memory_space<vmem>> -> memref<64xi32, #tpu.memory_space<vmem>>
      %dma_start3A_289 = arith.constant 0 : i32
      %dma_start3A_290 = arith.constant 0 : i32
      %dma_start3A_291 = tpu.memref_slice %arg13[%dma_start3A_289, %dma_start3A_290] : memref<10240x128xf32, #tpu.memory_space<vmem_shared>> -> memref<10240x128xf32, #tpu.memory_space<vmem_shared>>
      tpu.enqueue_indirect_dma source(%arg10 : memref<64x128xf32, #tpu.memory_space<vmem>>) target(%dma_start3A_291 : memref<10240x128xf32, #tpu.memory_space<vmem_shared>>) offsets(%dma_start3A_288 : memref<64xi32, #tpu.memory_space<vmem>>) semaphore(%arg20 : memref<!tpu.dma_semaphore, #tpu.memory_space<semaphore_mem>>) {add = true}
      %ge3A_292 = arith.constant 1 : i32
      %ge3A_293 = arith.cmpi sge, %add3A_279, %ge3A_292 : i32
      %convert_element_type3A_294 = arith.extui %ge3A_293 : i1 to i32
      %cond3A_295 = arith.constant 0 : i32
      %cond3A_296 = arith.cmpi ne, %convert_element_type3A_294, %cond3A_295 : i32
      scf.if %cond3A_296 {
        %sub3A_337 = arith.constant 1 : i32
        %sub3A_338 = arith.subi %add3A_279, %sub3A_337 : i32
        %dma_wait3A_339 = arith.constant 0 : i32
        %dma_wait3A_340 = tpu.memref_slice %arg7[%sub3A_338, %dma_wait3A_339] : memref<40x64xi32, #tpu.memory_space<vmem>> -> memref<1x64xi32, #tpu.memory_space<vmem>>
        %dma_wait3A_341 = tpu.memref_squeeze %dma_wait3A_340 : memref<1x64xi32, #tpu.memory_space<vmem>> -> memref<64xi32, #tpu.memory_space<vmem>>
        %dma_wait3A_342 = arith.constant 0 : i32
        %dma_wait3A_343 = arith.constant 0 : i32
        %dma_wait3A_344 = tpu.memref_slice %arg13[%dma_wait3A_342, %dma_wait3A_343] : memref<10240x128xf32, #tpu.memory_space<vmem_shared>> -> memref<10240x128xf32, #tpu.memory_space<vmem_shared>>
        tpu.wait_indirect_dma semaphore(%arg19 : memref<!tpu.dma_semaphore, #tpu.memory_space<semaphore_mem>>) src(%arg9 : memref<64x128xf32, #tpu.memory_space<vmem>>) dst(%dma_wait3A_344 : memref<10240x128xf32, #tpu.memory_space<vmem_shared>>)
      } else {
      }
      %add3A_297 = arith.constant 4 : i32
      %add3A_298 = arith.addi %add3A_279, %add3A_297 : i32
      %sub3A_299 = arith.constant 1 : i32
      %sub3A_300 = arith.subi %add3A_298, %sub3A_299 : i32
      %lt3A_301 = arith.constant 40 : i32
      %lt3A_302 = arith.cmpi slt, %sub3A_300, %lt3A_301 : i32
      %convert_element_type3A_303 = arith.extui %lt3A_302 : i1 to i32
      %cond3A_304 = arith.constant 0 : i32
      %cond3A_305 = arith.cmpi ne, %convert_element_type3A_303, %cond3A_304 : i32
      scf.if %cond3A_305 {
        %add3A_337 = arith.constant 4 : i32
        %add3A_338 = arith.addi %add3A_279, %add3A_337 : i32
        %sub3A_339 = arith.constant 1 : i32
        %sub3A_340 = arith.subi %add3A_338, %sub3A_339 : i32
        %dma_start3A_341 = arith.constant 0 : i32
        %dma_start3A_342 = tpu.memref_slice %arg6[%sub3A_340, %dma_start3A_341] : memref<40x64xi32, #tpu.memory_space<vmem>> -> memref<1x64xi32, #tpu.memory_space<vmem>>
        %dma_start3A_343 = tpu.memref_squeeze %dma_start3A_342 : memref<1x64xi32, #tpu.memory_space<vmem>> -> memref<64xi32, #tpu.memory_space<vmem>>
        %dma_start3A_344 = arith.constant 0 : i32
        %dma_start3A_345 = arith.constant 0 : i32
        %dma_start3A_346 = tpu.memref_slice %arg2[%dma_start3A_344, %dma_start3A_345] : memref<10000x128xf32, #tpu.memory_space<hbm>> -> memref<10000x128xf32, #tpu.memory_space<hbm>>
        tpu.enqueue_indirect_dma source(%dma_start3A_346 : memref<10000x128xf32, #tpu.memory_space<hbm>>) target(%arg9 : memref<64x128xf32, #tpu.memory_space<vmem>>) offsets(%dma_start3A_343 : memref<64xi32, #tpu.memory_space<vmem>>) semaphore(%arg15 : memref<!tpu.dma_semaphore, #tpu.memory_space<semaphore_mem>>)
      } else {
      }
      %mul3A_306 = arith.constant 4 : i32
      %mul3A_307 = arith.muli %mul3A_306, %scan3A_219 : i32
      %add3A_308 = arith.constant 3 : i32
      %add3A_309 = arith.addi %mul3A_307, %add3A_308 : i32
      %dma_wait3A_310 = arith.constant 0 : i32
      %dma_wait3A_311 = tpu.memref_slice %arg6[%add3A_309, %dma_wait3A_310] : memref<40x64xi32, #tpu.memory_space<vmem>> -> memref<1x64xi32, #tpu.memory_space<vmem>>
      %dma_wait3A_312 = tpu.memref_squeeze %dma_wait3A_311 : memref<1x64xi32, #tpu.memory_space<vmem>> -> memref<64xi32, #tpu.memory_space<vmem>>
      %dma_wait3A_313 = arith.constant 0 : i32
      %dma_wait3A_314 = arith.constant 0 : i32
      %dma_wait3A_315 = tpu.memref_slice %arg2[%dma_wait3A_313, %dma_wait3A_314] : memref<10000x128xf32, #tpu.memory_space<hbm>> -> memref<10000x128xf32, #tpu.memory_space<hbm>>
      tpu.wait_indirect_dma semaphore(%arg17 : memref<!tpu.dma_semaphore, #tpu.memory_space<semaphore_mem>>) src(%dma_wait3A_315 : memref<10000x128xf32, #tpu.memory_space<hbm>>) dst(%arg11 : memref<64x128xf32, #tpu.memory_space<vmem>>)
      %dma_start3A_316 = arith.constant 0 : i32
      %dma_start3A_317 = tpu.memref_slice %arg7[%add3A_309, %dma_start3A_316] : memref<40x64xi32, #tpu.memory_space<vmem>> -> memref<1x64xi32, #tpu.memory_space<vmem>>
      %dma_start3A_318 = tpu.memref_squeeze %dma_start3A_317 : memref<1x64xi32, #tpu.memory_space<vmem>> -> memref<64xi32, #tpu.memory_space<vmem>>
      %dma_start3A_319 = arith.constant 0 : i32
      %dma_start3A_320 = arith.constant 0 : i32
      %dma_start3A_321 = tpu.memref_slice %arg13[%dma_start3A_319, %dma_start3A_320] : memref<10240x128xf32, #tpu.memory_space<vmem_shared>> -> memref<10240x128xf32, #tpu.memory_space<vmem_shared>>
      tpu.enqueue_indirect_dma source(%arg11 : memref<64x128xf32, #tpu.memory_space<vmem>>) target(%dma_start3A_321 : memref<10240x128xf32, #tpu.memory_space<vmem_shared>>) offsets(%dma_start3A_318 : memref<64xi32, #tpu.memory_space<vmem>>) semaphore(%arg21 : memref<!tpu.dma_semaphore, #tpu.memory_space<semaphore_mem>>) {add = true}
      %ge3A_322 = arith.constant 1 : i32
      %ge3A_323 = arith.cmpi sge, %add3A_309, %ge3A_322 : i32
      %convert_element_type3A_324 = arith.extui %ge3A_323 : i1 to i32
      %cond3A_325 = arith.constant 0 : i32
      %cond3A_326 = arith.cmpi ne, %convert_element_type3A_324, %cond3A_325 : i32
      scf.if %cond3A_326 {
        %sub3A_337 = arith.constant 1 : i32
        %sub3A_338 = arith.subi %add3A_309, %sub3A_337 : i32
        %dma_wait3A_339 = arith.constant 0 : i32
        %dma_wait3A_340 = tpu.memref_slice %arg7[%sub3A_338, %dma_wait3A_339] : memref<40x64xi32, #tpu.memory_space<vmem>> -> memref<1x64xi32, #tpu.memory_space<vmem>>
        %dma_wait3A_341 = tpu.memref_squeeze %dma_wait3A_340 : memref<1x64xi32, #tpu.memory_space<vmem>> -> memref<64xi32, #tpu.memory_space<vmem>>
        %dma_wait3A_342 = arith.constant 0 : i32
        %dma_wait3A_343 = arith.constant 0 : i32
        %dma_wait3A_344 = tpu.memref_slice %arg13[%dma_wait3A_342, %dma_wait3A_343] : memref<10240x128xf32, #tpu.memory_space<vmem_shared>> -> memref<10240x128xf32, #tpu.memory_space<vmem_shared>>
        tpu.wait_indirect_dma semaphore(%arg20 : memref<!tpu.dma_semaphore, #tpu.memory_space<semaphore_mem>>) src(%arg10 : memref<64x128xf32, #tpu.memory_space<vmem>>) dst(%dma_wait3A_344 : memref<10240x128xf32, #tpu.memory_space<vmem_shared>>)
      } else {
      }
      %add3A_327 = arith.constant 4 : i32
      %add3A_328 = arith.addi %add3A_309, %add3A_327 : i32
      %sub3A_329 = arith.constant 1 : i32
      %sub3A_330 = arith.subi %add3A_328, %sub3A_329 : i32
      %lt3A_331 = arith.constant 40 : i32
      %lt3A_332 = arith.cmpi slt, %sub3A_330, %lt3A_331 : i32
      %convert_element_type3A_333 = arith.extui %lt3A_332 : i1 to i32
      %cond3A_334 = arith.constant 0 : i32
      %cond3A_335 = arith.cmpi ne, %convert_element_type3A_333, %cond3A_334 : i32
      scf.if %cond3A_335 {
        %add3A_337 = arith.constant 4 : i32
        %add3A_338 = arith.addi %add3A_309, %add3A_337 : i32
        %sub3A_339 = arith.constant 1 : i32
        %sub3A_340 = arith.subi %add3A_338, %sub3A_339 : i32
        %dma_start3A_341 = arith.constant 0 : i32
        %dma_start3A_342 = tpu.memref_slice %arg6[%sub3A_340, %dma_start3A_341] : memref<40x64xi32, #tpu.memory_space<vmem>> -> memref<1x64xi32, #tpu.memory_space<vmem>>
        %dma_start3A_343 = tpu.memref_squeeze %dma_start3A_342 : memref<1x64xi32, #tpu.memory_space<vmem>> -> memref<64xi32, #tpu.memory_space<vmem>>
        %dma_start3A_344 = arith.constant 0 : i32
        %dma_start3A_345 = arith.constant 0 : i32
        %dma_start3A_346 = tpu.memref_slice %arg2[%dma_start3A_344, %dma_start3A_345] : memref<10000x128xf32, #tpu.memory_space<hbm>> -> memref<10000x128xf32, #tpu.memory_space<hbm>>
        tpu.enqueue_indirect_dma source(%dma_start3A_346 : memref<10000x128xf32, #tpu.memory_space<hbm>>) target(%arg10 : memref<64x128xf32, #tpu.memory_space<vmem>>) offsets(%dma_start3A_343 : memref<64xi32, #tpu.memory_space<vmem>>) semaphore(%arg16 : memref<!tpu.dma_semaphore, #tpu.memory_space<semaphore_mem>>)
      } else {
      }
      %scan3A_336 = arith.constant 0 : i32
      scf.yield %scan3A_336 : i32
    }
    %scan3A_167 = arith.constant 10 : i32
    %dma_wait3A_168 = arith.constant 39 : i32
    %dma_wait3A_169 = arith.constant 0 : i32
    %dma_wait3A_170 = tpu.memref_slice %arg7[%dma_wait3A_168, %dma_wait3A_169] : memref<40x64xi32, #tpu.memory_space<vmem>> -> memref<1x64xi32, #tpu.memory_space<vmem>>
    %dma_wait3A_171 = tpu.memref_squeeze %dma_wait3A_170 : memref<1x64xi32, #tpu.memory_space<vmem>> -> memref<64xi32, #tpu.memory_space<vmem>>
    %dma_wait3A_172 = arith.constant 0 : i32
    %dma_wait3A_173 = arith.constant 0 : i32
    %dma_wait3A_174 = tpu.memref_slice %arg13[%dma_wait3A_172, %dma_wait3A_173] : memref<10240x128xf32, #tpu.memory_space<vmem_shared>> -> memref<10240x128xf32, #tpu.memory_space<vmem_shared>>
    tpu.wait_indirect_dma semaphore(%arg21 : memref<!tpu.dma_semaphore, #tpu.memory_space<semaphore_mem>>) src(%arg11 : memref<64x128xf32, #tpu.memory_space<vmem>>) dst(%dma_wait3A_174 : memref<10240x128xf32, #tpu.memory_space<vmem_shared>>)
    %add3A_175 = arith.constant 120 : i32
    %add3A_176 = arith.addi %mul3A_2, %add3A_175 : i32
    "tpu.region"() ({
      %run_scoped3A = tpu.sem_alloc : memref<!tpu.dma_semaphore, #tpu.memory_space<semaphore_mem>>
      %dma_start3A_219 = arith.constant 0 : i32
      %dma_start3A_220 = tpu.memref_slice %arg3[%add3A_176, %dma_start3A_219] : memref<5120x64xi32, #tpu.memory_space<hbm>> -> memref<40x64xi32, #tpu.memory_space<hbm>>
      %dma_start3A_221 = arith.constant 0 : i32
      %dma_start3A_222 = tpu.memref_slice %arg3[%add3A_176, %dma_start3A_221] : memref<5120x64xi32, #tpu.memory_space<hbm>> -> memref<40x64xi32, #tpu.memory_space<hbm>>
      tpu.enqueue_dma source(%dma_start3A_222 : memref<40x64xi32, #tpu.memory_space<hbm>>) target(%arg6 : memref<40x64xi32, #tpu.memory_space<vmem>>) target_semaphore(%run_scoped3A : memref<!tpu.dma_semaphore, #tpu.memory_space<semaphore_mem>>)
      %dma_wait3A_223 = arith.constant 0 : i32
      %dma_wait3A_224 = tpu.memref_slice %arg3[%add3A_176, %dma_wait3A_223] : memref<5120x64xi32, #tpu.memory_space<hbm>> -> memref<40x64xi32, #tpu.memory_space<hbm>>
      %dma_wait3A_225 = arith.constant 0 : i32
      %dma_wait3A_226 = tpu.memref_slice %arg3[%add3A_176, %dma_wait3A_225] : memref<5120x64xi32, #tpu.memory_space<hbm>> -> memref<40x64xi32, #tpu.memory_space<hbm>>
      tpu.wait_dma2 semaphore(%run_scoped3A : memref<!tpu.dma_semaphore, #tpu.memory_space<semaphore_mem>>) src(%dma_wait3A_226 : memref<40x64xi32, #tpu.memory_space<hbm>>) dst(%arg6 : memref<40x64xi32, #tpu.memory_space<vmem>>)
      tpu.yield
    }) : () -> ()
    %add3A_177 = arith.constant 120 : i32
    %add3A_178 = arith.addi %mul3A_2, %add3A_177 : i32
    "tpu.region"() ({
      %run_scoped3A = tpu.sem_alloc : memref<!tpu.dma_semaphore, #tpu.memory_space<semaphore_mem>>
      %dma_start3A_219 = arith.constant 0 : i32
      %dma_start3A_220 = tpu.memref_slice %arg4[%add3A_178, %dma_start3A_219] : memref<5120x64xi32, #tpu.memory_space<hbm>> -> memref<40x64xi32, #tpu.memory_space<hbm>>
      %dma_start3A_221 = arith.constant 0 : i32
      %dma_start3A_222 = tpu.memref_slice %arg4[%add3A_178, %dma_start3A_221] : memref<5120x64xi32, #tpu.memory_space<hbm>> -> memref<40x64xi32, #tpu.memory_space<hbm>>
      tpu.enqueue_dma source(%dma_start3A_222 : memref<40x64xi32, #tpu.memory_space<hbm>>) target(%arg7 : memref<40x64xi32, #tpu.memory_space<vmem>>) target_semaphore(%run_scoped3A : memref<!tpu.dma_semaphore, #tpu.memory_space<semaphore_mem>>)
      %dma_wait3A_223 = arith.constant 0 : i32
      %dma_wait3A_224 = tpu.memref_slice %arg4[%add3A_178, %dma_wait3A_223] : memref<5120x64xi32, #tpu.memory_space<hbm>> -> memref<40x64xi32, #tpu.memory_space<hbm>>
      %dma_wait3A_225 = arith.constant 0 : i32
      %dma_wait3A_226 = tpu.memref_slice %arg4[%add3A_178, %dma_wait3A_225] : memref<5120x64xi32, #tpu.memory_space<hbm>> -> memref<40x64xi32, #tpu.memory_space<hbm>>
      tpu.wait_dma2 semaphore(%run_scoped3A : memref<!tpu.dma_semaphore, #tpu.memory_space<semaphore_mem>>) src(%dma_wait3A_226 : memref<40x64xi32, #tpu.memory_space<hbm>>) dst(%arg7 : memref<40x64xi32, #tpu.memory_space<vmem>>)
      tpu.yield
    }) : () -> ()
    %dma_start3A_179 = arith.constant 0 : i32
    %dma_start3A_180 = arith.constant 0 : i32
    %dma_start3A_181 = tpu.memref_slice %arg6[%dma_start3A_179, %dma_start3A_180] : memref<40x64xi32, #tpu.memory_space<vmem>> -> memref<1x64xi32, #tpu.memory_space<vmem>>
    %dma_start3A_182 = tpu.memref_squeeze %dma_start3A_181 : memref<1x64xi32, #tpu.memory_space<vmem>> -> memref<64xi32, #tpu.memory_space<vmem>>
    %dma_start3A_183 = arith.constant 0 : i32
    %dma_start3A_184 = arith.constant 0 : i32
    %dma_start3A_185 = tpu.memref_slice %arg2[%dma_start3A_183, %dma_start3A_184] : memref<10000x128xf32, #tpu.memory_space<hbm>> -> memref<10000x128xf32, #tpu.memory_space<hbm>>
    tpu.enqueue_indirect_dma source(%dma_start3A_185 : memref<10000x128xf32, #tpu.memory_space<hbm>>) target(%arg8 : memref<64x128xf32, #tpu.memory_space<vmem>>) offsets(%dma_start3A_182 : memref<64xi32, #tpu.memory_space<vmem>>) semaphore(%arg14 : memref<!tpu.dma_semaphore, #tpu.memory_space<semaphore_mem>>)
    %dma_start3A_186 = arith.constant 1 : i32
    %dma_start3A_187 = arith.constant 0 : i32
    %dma_start3A_188 = tpu.memref_slice %arg6[%dma_start3A_186, %dma_start3A_187] : memref<40x64xi32, #tpu.memory_space<vmem>> -> memref<1x64xi32, #tpu.memory_space<vmem>>
    %dma_start3A_189 = tpu.memref_squeeze %dma_start3A_188 : memref<1x64xi32, #tpu.memory_space<vmem>> -> memref<64xi32, #tpu.memory_space<vmem>>
    %dma_start3A_190 = arith.constant 0 : i32
    %dma_start3A_191 = arith.constant 0 : i32
    %dma_start3A_192 = tpu.memref_slice %arg2[%dma_start3A_190, %dma_start3A_191] : memref<10000x128xf32, #tpu.memory_space<hbm>> -> memref<10000x128xf32, #tpu.memory_space<hbm>>
    tpu.enqueue_indirect_dma source(%dma_start3A_192 : memref<10000x128xf32, #tpu.memory_space<hbm>>) target(%arg9 : memref<64x128xf32, #tpu.memory_space<vmem>>) offsets(%dma_start3A_189 : memref<64xi32, #tpu.memory_space<vmem>>) semaphore(%arg15 : memref<!tpu.dma_semaphore, #tpu.memory_space<semaphore_mem>>)
    %dma_start3A_193 = arith.constant 2 : i32
    %dma_start3A_194 = arith.constant 0 : i32
    %dma_start3A_195 = tpu.memref_slice %arg6[%dma_start3A_193, %dma_start3A_194] : memref<40x64xi32, #tpu.memory_space<vmem>> -> memref<1x64xi32, #tpu.memory_space<vmem>>
    %dma_start3A_196 = tpu.memref_squeeze %dma_start3A_195 : memref<1x64xi32, #tpu.memory_space<vmem>> -> memref<64xi32, #tpu.memory_space<vmem>>
    %dma_start3A_197 = arith.constant 0 : i32
    %dma_start3A_198 = arith.constant 0 : i32
    %dma_start3A_199 = tpu.memref_slice %arg2[%dma_start3A_197, %dma_start3A_198] : memref<10000x128xf32, #tpu.memory_space<hbm>> -> memref<10000x128xf32, #tpu.memory_space<hbm>>
    tpu.enqueue_indirect_dma source(%dma_start3A_199 : memref<10000x128xf32, #tpu.memory_space<hbm>>) target(%arg10 : memref<64x128xf32, #tpu.memory_space<vmem>>) offsets(%dma_start3A_196 : memref<64xi32, #tpu.memory_space<vmem>>) semaphore(%arg16 : memref<!tpu.dma_semaphore, #tpu.memory_space<semaphore_mem>>)
    %scan3A_200 = arith.constant 0 : i32
    %scan3A_201 = arith.constant 0 : i32
    %scan3A_202 = arith.constant 10 : i32
    %scan3A_203 = arith.addi %scan3A_201, %scan3A_202 : i32
    %scan3A_204 = arith.constant 1 : i32
    %scan3A_205 = scf.for %scan3A_219 = %scan3A_201 to %scan3A_203 step %scan3A_204 iter_args(%scan3A_220 = %scan3A_200) -> (i32)  : i32 {
      %mul3A_221 = arith.constant 4 : i32
      %mul3A_222 = arith.muli %mul3A_221, %scan3A_219 : i32
      %add3A_223 = arith.constant 0 : i32
      %add3A_224 = arith.addi %mul3A_222, %add3A_223 : i32
      %dma_wait3A_225 = arith.constant 0 : i32
      %dma_wait3A_226 = tpu.memref_slice %arg6[%add3A_224, %dma_wait3A_225] : memref<40x64xi32, #tpu.memory_space<vmem>> -> memref<1x64xi32, #tpu.memory_space<vmem>>
      %dma_wait3A_227 = tpu.memref_squeeze %dma_wait3A_226 : memref<1x64xi32, #tpu.memory_space<vmem>> -> memref<64xi32, #tpu.memory_space<vmem>>
      %dma_wait3A_228 = arith.constant 0 : i32
      %dma_wait3A_229 = arith.constant 0 : i32
      %dma_wait3A_230 = tpu.memref_slice %arg2[%dma_wait3A_228, %dma_wait3A_229] : memref<10000x128xf32, #tpu.memory_space<hbm>> -> memref<10000x128xf32, #tpu.memory_space<hbm>>
      tpu.wait_indirect_dma semaphore(%arg14 : memref<!tpu.dma_semaphore, #tpu.memory_space<semaphore_mem>>) src(%dma_wait3A_230 : memref<10000x128xf32, #tpu.memory_space<hbm>>) dst(%arg8 : memref<64x128xf32, #tpu.memory_space<vmem>>)
      %dma_start3A_231 = arith.constant 0 : i32
      %dma_start3A_232 = tpu.memref_slice %arg7[%add3A_224, %dma_start3A_231] : memref<40x64xi32, #tpu.memory_space<vmem>> -> memref<1x64xi32, #tpu.memory_space<vmem>>
      %dma_start3A_233 = tpu.memref_squeeze %dma_start3A_232 : memref<1x64xi32, #tpu.memory_space<vmem>> -> memref<64xi32, #tpu.memory_space<vmem>>
      %dma_start3A_234 = arith.constant 0 : i32
      %dma_start3A_235 = arith.constant 0 : i32
      %dma_start3A_236 = tpu.memref_slice %arg13[%dma_start3A_234, %dma_start3A_235] : memref<10240x128xf32, #tpu.memory_space<vmem_shared>> -> memref<10240x128xf32, #tpu.memory_space<vmem_shared>>
      tpu.enqueue_indirect_dma source(%arg8 : memref<64x128xf32, #tpu.memory_space<vmem>>) target(%dma_start3A_236 : memref<10240x128xf32, #tpu.memory_space<vmem_shared>>) offsets(%dma_start3A_233 : memref<64xi32, #tpu.memory_space<vmem>>) semaphore(%arg18 : memref<!tpu.dma_semaphore, #tpu.memory_space<semaphore_mem>>) {add = true}
      %ge3A = arith.constant 1 : i32
      %ge3A_237 = arith.cmpi sge, %add3A_224, %ge3A : i32
      %convert_element_type3A = arith.extui %ge3A_237 : i1 to i32
      %cond3A = arith.constant 0 : i32
      %cond3A_238 = arith.cmpi ne, %convert_element_type3A, %cond3A : i32
      scf.if %cond3A_238 {
        %sub3A_337 = arith.constant 1 : i32
        %sub3A_338 = arith.subi %add3A_224, %sub3A_337 : i32
        %dma_wait3A_339 = arith.constant 0 : i32
        %dma_wait3A_340 = tpu.memref_slice %arg7[%sub3A_338, %dma_wait3A_339] : memref<40x64xi32, #tpu.memory_space<vmem>> -> memref<1x64xi32, #tpu.memory_space<vmem>>
        %dma_wait3A_341 = tpu.memref_squeeze %dma_wait3A_340 : memref<1x64xi32, #tpu.memory_space<vmem>> -> memref<64xi32, #tpu.memory_space<vmem>>
        %dma_wait3A_342 = arith.constant 0 : i32
        %dma_wait3A_343 = arith.constant 0 : i32
        %dma_wait3A_344 = tpu.memref_slice %arg13[%dma_wait3A_342, %dma_wait3A_343] : memref<10240x128xf32, #tpu.memory_space<vmem_shared>> -> memref<10240x128xf32, #tpu.memory_space<vmem_shared>>
        tpu.wait_indirect_dma semaphore(%arg21 : memref<!tpu.dma_semaphore, #tpu.memory_space<semaphore_mem>>) src(%arg11 : memref<64x128xf32, #tpu.memory_space<vmem>>) dst(%dma_wait3A_344 : memref<10240x128xf32, #tpu.memory_space<vmem_shared>>)
      } else {
      }
      %add3A_239 = arith.constant 4 : i32
      %add3A_240 = arith.addi %add3A_224, %add3A_239 : i32
      %sub3A = arith.constant 1 : i32
      %sub3A_241 = arith.subi %add3A_240, %sub3A : i32
      %lt3A = arith.constant 40 : i32
      %lt3A_242 = arith.cmpi slt, %sub3A_241, %lt3A : i32
      %convert_element_type3A_243 = arith.extui %lt3A_242 : i1 to i32
      %cond3A_244 = arith.constant 0 : i32
      %cond3A_245 = arith.cmpi ne, %convert_element_type3A_243, %cond3A_244 : i32
      scf.if %cond3A_245 {
        %add3A_337 = arith.constant 4 : i32
        %add3A_338 = arith.addi %add3A_224, %add3A_337 : i32
        %sub3A_339 = arith.constant 1 : i32
        %sub3A_340 = arith.subi %add3A_338, %sub3A_339 : i32
        %dma_start3A_341 = arith.constant 0 : i32
        %dma_start3A_342 = tpu.memref_slice %arg6[%sub3A_340, %dma_start3A_341] : memref<40x64xi32, #tpu.memory_space<vmem>> -> memref<1x64xi32, #tpu.memory_space<vmem>>
        %dma_start3A_343 = tpu.memref_squeeze %dma_start3A_342 : memref<1x64xi32, #tpu.memory_space<vmem>> -> memref<64xi32, #tpu.memory_space<vmem>>
        %dma_start3A_344 = arith.constant 0 : i32
        %dma_start3A_345 = arith.constant 0 : i32
        %dma_start3A_346 = tpu.memref_slice %arg2[%dma_start3A_344, %dma_start3A_345] : memref<10000x128xf32, #tpu.memory_space<hbm>> -> memref<10000x128xf32, #tpu.memory_space<hbm>>
        tpu.enqueue_indirect_dma source(%dma_start3A_346 : memref<10000x128xf32, #tpu.memory_space<hbm>>) target(%arg11 : memref<64x128xf32, #tpu.memory_space<vmem>>) offsets(%dma_start3A_343 : memref<64xi32, #tpu.memory_space<vmem>>) semaphore(%arg17 : memref<!tpu.dma_semaphore, #tpu.memory_space<semaphore_mem>>)
      } else {
      }
      %mul3A_246 = arith.constant 4 : i32
      %mul3A_247 = arith.muli %mul3A_246, %scan3A_219 : i32
      %add3A_248 = arith.constant 1 : i32
      %add3A_249 = arith.addi %mul3A_247, %add3A_248 : i32
      %dma_wait3A_250 = arith.constant 0 : i32
      %dma_wait3A_251 = tpu.memref_slice %arg6[%add3A_249, %dma_wait3A_250] : memref<40x64xi32, #tpu.memory_space<vmem>> -> memref<1x64xi32, #tpu.memory_space<vmem>>
      %dma_wait3A_252 = tpu.memref_squeeze %dma_wait3A_251 : memref<1x64xi32, #tpu.memory_space<vmem>> -> memref<64xi32, #tpu.memory_space<vmem>>
      %dma_wait3A_253 = arith.constant 0 : i32
      %dma_wait3A_254 = arith.constant 0 : i32
      %dma_wait3A_255 = tpu.memref_slice %arg2[%dma_wait3A_253, %dma_wait3A_254] : memref<10000x128xf32, #tpu.memory_space<hbm>> -> memref<10000x128xf32, #tpu.memory_space<hbm>>
      tpu.wait_indirect_dma semaphore(%arg15 : memref<!tpu.dma_semaphore, #tpu.memory_space<semaphore_mem>>) src(%dma_wait3A_255 : memref<10000x128xf32, #tpu.memory_space<hbm>>) dst(%arg9 : memref<64x128xf32, #tpu.memory_space<vmem>>)
      %dma_start3A_256 = arith.constant 0 : i32
      %dma_start3A_257 = tpu.memref_slice %arg7[%add3A_249, %dma_start3A_256] : memref<40x64xi32, #tpu.memory_space<vmem>> -> memref<1x64xi32, #tpu.memory_space<vmem>>
      %dma_start3A_258 = tpu.memref_squeeze %dma_start3A_257 : memref<1x64xi32, #tpu.memory_space<vmem>> -> memref<64xi32, #tpu.memory_space<vmem>>
      %dma_start3A_259 = arith.constant 0 : i32
      %dma_start3A_260 = arith.constant 0 : i32
      %dma_start3A_261 = tpu.memref_slice %arg13[%dma_start3A_259, %dma_start3A_260] : memref<10240x128xf32, #tpu.memory_space<vmem_shared>> -> memref<10240x128xf32, #tpu.memory_space<vmem_shared>>
      tpu.enqueue_indirect_dma source(%arg9 : memref<64x128xf32, #tpu.memory_space<vmem>>) target(%dma_start3A_261 : memref<10240x128xf32, #tpu.memory_space<vmem_shared>>) offsets(%dma_start3A_258 : memref<64xi32, #tpu.memory_space<vmem>>) semaphore(%arg19 : memref<!tpu.dma_semaphore, #tpu.memory_space<semaphore_mem>>) {add = true}
      %ge3A_262 = arith.constant 1 : i32
      %ge3A_263 = arith.cmpi sge, %add3A_249, %ge3A_262 : i32
      %convert_element_type3A_264 = arith.extui %ge3A_263 : i1 to i32
      %cond3A_265 = arith.constant 0 : i32
      %cond3A_266 = arith.cmpi ne, %convert_element_type3A_264, %cond3A_265 : i32
      scf.if %cond3A_266 {
        %sub3A_337 = arith.constant 1 : i32
        %sub3A_338 = arith.subi %add3A_249, %sub3A_337 : i32
        %dma_wait3A_339 = arith.constant 0 : i32
        %dma_wait3A_340 = tpu.memref_slice %arg7[%sub3A_338, %dma_wait3A_339] : memref<40x64xi32, #tpu.memory_space<vmem>> -> memref<1x64xi32, #tpu.memory_space<vmem>>
        %dma_wait3A_341 = tpu.memref_squeeze %dma_wait3A_340 : memref<1x64xi32, #tpu.memory_space<vmem>> -> memref<64xi32, #tpu.memory_space<vmem>>
        %dma_wait3A_342 = arith.constant 0 : i32
        %dma_wait3A_343 = arith.constant 0 : i32
        %dma_wait3A_344 = tpu.memref_slice %arg13[%dma_wait3A_342, %dma_wait3A_343] : memref<10240x128xf32, #tpu.memory_space<vmem_shared>> -> memref<10240x128xf32, #tpu.memory_space<vmem_shared>>
        tpu.wait_indirect_dma semaphore(%arg18 : memref<!tpu.dma_semaphore, #tpu.memory_space<semaphore_mem>>) src(%arg8 : memref<64x128xf32, #tpu.memory_space<vmem>>) dst(%dma_wait3A_344 : memref<10240x128xf32, #tpu.memory_space<vmem_shared>>)
      } else {
      }
      %add3A_267 = arith.constant 4 : i32
      %add3A_268 = arith.addi %add3A_249, %add3A_267 : i32
      %sub3A_269 = arith.constant 1 : i32
      %sub3A_270 = arith.subi %add3A_268, %sub3A_269 : i32
      %lt3A_271 = arith.constant 40 : i32
      %lt3A_272 = arith.cmpi slt, %sub3A_270, %lt3A_271 : i32
      %convert_element_type3A_273 = arith.extui %lt3A_272 : i1 to i32
      %cond3A_274 = arith.constant 0 : i32
      %cond3A_275 = arith.cmpi ne, %convert_element_type3A_273, %cond3A_274 : i32
      scf.if %cond3A_275 {
        %add3A_337 = arith.constant 4 : i32
        %add3A_338 = arith.addi %add3A_249, %add3A_337 : i32
        %sub3A_339 = arith.constant 1 : i32
        %sub3A_340 = arith.subi %add3A_338, %sub3A_339 : i32
        %dma_start3A_341 = arith.constant 0 : i32
        %dma_start3A_342 = tpu.memref_slice %arg6[%sub3A_340, %dma_start3A_341] : memref<40x64xi32, #tpu.memory_space<vmem>> -> memref<1x64xi32, #tpu.memory_space<vmem>>
        %dma_start3A_343 = tpu.memref_squeeze %dma_start3A_342 : memref<1x64xi32, #tpu.memory_space<vmem>> -> memref<64xi32, #tpu.memory_space<vmem>>
        %dma_start3A_344 = arith.constant 0 : i32
        %dma_start3A_345 = arith.constant 0 : i32
        %dma_start3A_346 = tpu.memref_slice %arg2[%dma_start3A_344, %dma_start3A_345] : memref<10000x128xf32, #tpu.memory_space<hbm>> -> memref<10000x128xf32, #tpu.memory_space<hbm>>
        tpu.enqueue_indirect_dma source(%dma_start3A_346 : memref<10000x128xf32, #tpu.memory_space<hbm>>) target(%arg8 : memref<64x128xf32, #tpu.memory_space<vmem>>) offsets(%dma_start3A_343 : memref<64xi32, #tpu.memory_space<vmem>>) semaphore(%arg14 : memref<!tpu.dma_semaphore, #tpu.memory_space<semaphore_mem>>)
      } else {
      }
      %mul3A_276 = arith.constant 4 : i32
      %mul3A_277 = arith.muli %mul3A_276, %scan3A_219 : i32
      %add3A_278 = arith.constant 2 : i32
      %add3A_279 = arith.addi %mul3A_277, %add3A_278 : i32
      %dma_wait3A_280 = arith.constant 0 : i32
      %dma_wait3A_281 = tpu.memref_slice %arg6[%add3A_279, %dma_wait3A_280] : memref<40x64xi32, #tpu.memory_space<vmem>> -> memref<1x64xi32, #tpu.memory_space<vmem>>
      %dma_wait3A_282 = tpu.memref_squeeze %dma_wait3A_281 : memref<1x64xi32, #tpu.memory_space<vmem>> -> memref<64xi32, #tpu.memory_space<vmem>>
      %dma_wait3A_283 = arith.constant 0 : i32
      %dma_wait3A_284 = arith.constant 0 : i32
      %dma_wait3A_285 = tpu.memref_slice %arg2[%dma_wait3A_283, %dma_wait3A_284] : memref<10000x128xf32, #tpu.memory_space<hbm>> -> memref<10000x128xf32, #tpu.memory_space<hbm>>
      tpu.wait_indirect_dma semaphore(%arg16 : memref<!tpu.dma_semaphore, #tpu.memory_space<semaphore_mem>>) src(%dma_wait3A_285 : memref<10000x128xf32, #tpu.memory_space<hbm>>) dst(%arg10 : memref<64x128xf32, #tpu.memory_space<vmem>>)
      %dma_start3A_286 = arith.constant 0 : i32
      %dma_start3A_287 = tpu.memref_slice %arg7[%add3A_279, %dma_start3A_286] : memref<40x64xi32, #tpu.memory_space<vmem>> -> memref<1x64xi32, #tpu.memory_space<vmem>>
      %dma_start3A_288 = tpu.memref_squeeze %dma_start3A_287 : memref<1x64xi32, #tpu.memory_space<vmem>> -> memref<64xi32, #tpu.memory_space<vmem>>
      %dma_start3A_289 = arith.constant 0 : i32
      %dma_start3A_290 = arith.constant 0 : i32
      %dma_start3A_291 = tpu.memref_slice %arg13[%dma_start3A_289, %dma_start3A_290] : memref<10240x128xf32, #tpu.memory_space<vmem_shared>> -> memref<10240x128xf32, #tpu.memory_space<vmem_shared>>
      tpu.enqueue_indirect_dma source(%arg10 : memref<64x128xf32, #tpu.memory_space<vmem>>) target(%dma_start3A_291 : memref<10240x128xf32, #tpu.memory_space<vmem_shared>>) offsets(%dma_start3A_288 : memref<64xi32, #tpu.memory_space<vmem>>) semaphore(%arg20 : memref<!tpu.dma_semaphore, #tpu.memory_space<semaphore_mem>>) {add = true}
      %ge3A_292 = arith.constant 1 : i32
      %ge3A_293 = arith.cmpi sge, %add3A_279, %ge3A_292 : i32
      %convert_element_type3A_294 = arith.extui %ge3A_293 : i1 to i32
      %cond3A_295 = arith.constant 0 : i32
      %cond3A_296 = arith.cmpi ne, %convert_element_type3A_294, %cond3A_295 : i32
      scf.if %cond3A_296 {
        %sub3A_337 = arith.constant 1 : i32
        %sub3A_338 = arith.subi %add3A_279, %sub3A_337 : i32
        %dma_wait3A_339 = arith.constant 0 : i32
        %dma_wait3A_340 = tpu.memref_slice %arg7[%sub3A_338, %dma_wait3A_339] : memref<40x64xi32, #tpu.memory_space<vmem>> -> memref<1x64xi32, #tpu.memory_space<vmem>>
        %dma_wait3A_341 = tpu.memref_squeeze %dma_wait3A_340 : memref<1x64xi32, #tpu.memory_space<vmem>> -> memref<64xi32, #tpu.memory_space<vmem>>
        %dma_wait3A_342 = arith.constant 0 : i32
        %dma_wait3A_343 = arith.constant 0 : i32
        %dma_wait3A_344 = tpu.memref_slice %arg13[%dma_wait3A_342, %dma_wait3A_343] : memref<10240x128xf32, #tpu.memory_space<vmem_shared>> -> memref<10240x128xf32, #tpu.memory_space<vmem_shared>>
        tpu.wait_indirect_dma semaphore(%arg19 : memref<!tpu.dma_semaphore, #tpu.memory_space<semaphore_mem>>) src(%arg9 : memref<64x128xf32, #tpu.memory_space<vmem>>) dst(%dma_wait3A_344 : memref<10240x128xf32, #tpu.memory_space<vmem_shared>>)
      } else {
      }
      %add3A_297 = arith.constant 4 : i32
      %add3A_298 = arith.addi %add3A_279, %add3A_297 : i32
      %sub3A_299 = arith.constant 1 : i32
      %sub3A_300 = arith.subi %add3A_298, %sub3A_299 : i32
      %lt3A_301 = arith.constant 40 : i32
      %lt3A_302 = arith.cmpi slt, %sub3A_300, %lt3A_301 : i32
      %convert_element_type3A_303 = arith.extui %lt3A_302 : i1 to i32
      %cond3A_304 = arith.constant 0 : i32
      %cond3A_305 = arith.cmpi ne, %convert_element_type3A_303, %cond3A_304 : i32
      scf.if %cond3A_305 {
        %add3A_337 = arith.constant 4 : i32
        %add3A_338 = arith.addi %add3A_279, %add3A_337 : i32
        %sub3A_339 = arith.constant 1 : i32
        %sub3A_340 = arith.subi %add3A_338, %sub3A_339 : i32
        %dma_start3A_341 = arith.constant 0 : i32
        %dma_start3A_342 = tpu.memref_slice %arg6[%sub3A_340, %dma_start3A_341] : memref<40x64xi32, #tpu.memory_space<vmem>> -> memref<1x64xi32, #tpu.memory_space<vmem>>
        %dma_start3A_343 = tpu.memref_squeeze %dma_start3A_342 : memref<1x64xi32, #tpu.memory_space<vmem>> -> memref<64xi32, #tpu.memory_space<vmem>>
        %dma_start3A_344 = arith.constant 0 : i32
        %dma_start3A_345 = arith.constant 0 : i32
        %dma_start3A_346 = tpu.memref_slice %arg2[%dma_start3A_344, %dma_start3A_345] : memref<10000x128xf32, #tpu.memory_space<hbm>> -> memref<10000x128xf32, #tpu.memory_space<hbm>>
        tpu.enqueue_indirect_dma source(%dma_start3A_346 : memref<10000x128xf32, #tpu.memory_space<hbm>>) target(%arg9 : memref<64x128xf32, #tpu.memory_space<vmem>>) offsets(%dma_start3A_343 : memref<64xi32, #tpu.memory_space<vmem>>) semaphore(%arg15 : memref<!tpu.dma_semaphore, #tpu.memory_space<semaphore_mem>>)
      } else {
      }
      %mul3A_306 = arith.constant 4 : i32
      %mul3A_307 = arith.muli %mul3A_306, %scan3A_219 : i32
      %add3A_308 = arith.constant 3 : i32
      %add3A_309 = arith.addi %mul3A_307, %add3A_308 : i32
      %dma_wait3A_310 = arith.constant 0 : i32
      %dma_wait3A_311 = tpu.memref_slice %arg6[%add3A_309, %dma_wait3A_310] : memref<40x64xi32, #tpu.memory_space<vmem>> -> memref<1x64xi32, #tpu.memory_space<vmem>>
      %dma_wait3A_312 = tpu.memref_squeeze %dma_wait3A_311 : memref<1x64xi32, #tpu.memory_space<vmem>> -> memref<64xi32, #tpu.memory_space<vmem>>
      %dma_wait3A_313 = arith.constant 0 : i32
      %dma_wait3A_314 = arith.constant 0 : i32
      %dma_wait3A_315 = tpu.memref_slice %arg2[%dma_wait3A_313, %dma_wait3A_314] : memref<10000x128xf32, #tpu.memory_space<hbm>> -> memref<10000x128xf32, #tpu.memory_space<hbm>>
      tpu.wait_indirect_dma semaphore(%arg17 : memref<!tpu.dma_semaphore, #tpu.memory_space<semaphore_mem>>) src(%dma_wait3A_315 : memref<10000x128xf32, #tpu.memory_space<hbm>>) dst(%arg11 : memref<64x128xf32, #tpu.memory_space<vmem>>)
      %dma_start3A_316 = arith.constant 0 : i32
      %dma_start3A_317 = tpu.memref_slice %arg7[%add3A_309, %dma_start3A_316] : memref<40x64xi32, #tpu.memory_space<vmem>> -> memref<1x64xi32, #tpu.memory_space<vmem>>
      %dma_start3A_318 = tpu.memref_squeeze %dma_start3A_317 : memref<1x64xi32, #tpu.memory_space<vmem>> -> memref<64xi32, #tpu.memory_space<vmem>>
      %dma_start3A_319 = arith.constant 0 : i32
      %dma_start3A_320 = arith.constant 0 : i32
      %dma_start3A_321 = tpu.memref_slice %arg13[%dma_start3A_319, %dma_start3A_320] : memref<10240x128xf32, #tpu.memory_space<vmem_shared>> -> memref<10240x128xf32, #tpu.memory_space<vmem_shared>>
      tpu.enqueue_indirect_dma source(%arg11 : memref<64x128xf32, #tpu.memory_space<vmem>>) target(%dma_start3A_321 : memref<10240x128xf32, #tpu.memory_space<vmem_shared>>) offsets(%dma_start3A_318 : memref<64xi32, #tpu.memory_space<vmem>>) semaphore(%arg21 : memref<!tpu.dma_semaphore, #tpu.memory_space<semaphore_mem>>) {add = true}
      %ge3A_322 = arith.constant 1 : i32
      %ge3A_323 = arith.cmpi sge, %add3A_309, %ge3A_322 : i32
      %convert_element_type3A_324 = arith.extui %ge3A_323 : i1 to i32
      %cond3A_325 = arith.constant 0 : i32
      %cond3A_326 = arith.cmpi ne, %convert_element_type3A_324, %cond3A_325 : i32
      scf.if %cond3A_326 {
        %sub3A_337 = arith.constant 1 : i32
        %sub3A_338 = arith.subi %add3A_309, %sub3A_337 : i32
        %dma_wait3A_339 = arith.constant 0 : i32
        %dma_wait3A_340 = tpu.memref_slice %arg7[%sub3A_338, %dma_wait3A_339] : memref<40x64xi32, #tpu.memory_space<vmem>> -> memref<1x64xi32, #tpu.memory_space<vmem>>
        %dma_wait3A_341 = tpu.memref_squeeze %dma_wait3A_340 : memref<1x64xi32, #tpu.memory_space<vmem>> -> memref<64xi32, #tpu.memory_space<vmem>>
        %dma_wait3A_342 = arith.constant 0 : i32
        %dma_wait3A_343 = arith.constant 0 : i32
        %dma_wait3A_344 = tpu.memref_slice %arg13[%dma_wait3A_342, %dma_wait3A_343] : memref<10240x128xf32, #tpu.memory_space<vmem_shared>> -> memref<10240x128xf32, #tpu.memory_space<vmem_shared>>
        tpu.wait_indirect_dma semaphore(%arg20 : memref<!tpu.dma_semaphore, #tpu.memory_space<semaphore_mem>>) src(%arg10 : memref<64x128xf32, #tpu.memory_space<vmem>>) dst(%dma_wait3A_344 : memref<10240x128xf32, #tpu.memory_space<vmem_shared>>)
      } else {
      }
      %add3A_327 = arith.constant 4 : i32
      %add3A_328 = arith.addi %add3A_309, %add3A_327 : i32
      %sub3A_329 = arith.constant 1 : i32
      %sub3A_330 = arith.subi %add3A_328, %sub3A_329 : i32
      %lt3A_331 = arith.constant 40 : i32
      %lt3A_332 = arith.cmpi slt, %sub3A_330, %lt3A_331 : i32
      %convert_element_type3A_333 = arith.extui %lt3A_332 : i1 to i32
      %cond3A_334 = arith.constant 0 : i32
      %cond3A_335 = arith.cmpi ne, %convert_element_type3A_333, %cond3A_334 : i32
      scf.if %cond3A_335 {
        %add3A_337 = arith.constant 4 : i32
        %add3A_338 = arith.addi %add3A_309, %add3A_337 : i32
        %sub3A_339 = arith.constant 1 : i32
        %sub3A_340 = arith.subi %add3A_338, %sub3A_339 : i32
        %dma_start3A_341 = arith.constant 0 : i32
        %dma_start3A_342 = tpu.memref_slice %arg6[%sub3A_340, %dma_start3A_341] : memref<40x64xi32, #tpu.memory_space<vmem>> -> memref<1x64xi32, #tpu.memory_space<vmem>>
        %dma_start3A_343 = tpu.memref_squeeze %dma_start3A_342 : memref<1x64xi32, #tpu.memory_space<vmem>> -> memref<64xi32, #tpu.memory_space<vmem>>
        %dma_start3A_344 = arith.constant 0 : i32
        %dma_start3A_345 = arith.constant 0 : i32
        %dma_start3A_346 = tpu.memref_slice %arg2[%dma_start3A_344, %dma_start3A_345] : memref<10000x128xf32, #tpu.memory_space<hbm>> -> memref<10000x128xf32, #tpu.memory_space<hbm>>
        tpu.enqueue_indirect_dma source(%dma_start3A_346 : memref<10000x128xf32, #tpu.memory_space<hbm>>) target(%arg10 : memref<64x128xf32, #tpu.memory_space<vmem>>) offsets(%dma_start3A_343 : memref<64xi32, #tpu.memory_space<vmem>>) semaphore(%arg16 : memref<!tpu.dma_semaphore, #tpu.memory_space<semaphore_mem>>)
      } else {
      }
      %scan3A_336 = arith.constant 0 : i32
      scf.yield %scan3A_336 : i32
    }
    %scan3A_206 = arith.constant 10 : i32
    %dma_wait3A_207 = arith.constant 39 : i32
    %dma_wait3A_208 = arith.constant 0 : i32
    %dma_wait3A_209 = tpu.memref_slice %arg7[%dma_wait3A_207, %dma_wait3A_208] : memref<40x64xi32, #tpu.memory_space<vmem>> -> memref<1x64xi32, #tpu.memory_space<vmem>>
    %dma_wait3A_210 = tpu.memref_squeeze %dma_wait3A_209 : memref<1x64xi32, #tpu.memory_space<vmem>> -> memref<64xi32, #tpu.memory_space<vmem>>
    %dma_wait3A_211 = arith.constant 0 : i32
    %dma_wait3A_212 = arith.constant 0 : i32
    %dma_wait3A_213 = tpu.memref_slice %arg13[%dma_wait3A_211, %dma_wait3A_212] : memref<10240x128xf32, #tpu.memory_space<vmem_shared>> -> memref<10240x128xf32, #tpu.memory_space<vmem_shared>>
    tpu.wait_indirect_dma semaphore(%arg21 : memref<!tpu.dma_semaphore, #tpu.memory_space<semaphore_mem>>) src(%arg11 : memref<64x128xf32, #tpu.memory_space<vmem>>) dst(%dma_wait3A_213 : memref<10240x128xf32, #tpu.memory_space<vmem_shared>>)
    %barrier3A_214 = arith.constant 0 : index
    tpu.barrier barrier_id(%barrier3A_214)
    %mul3A_215 = arith.constant 640 : i32
    %mul3A_216 = arith.muli %arg1, %mul3A_215 : i32
    %mul3A_217 = arith.constant 640 : i32
    %mul3A_218 = arith.muli %arg1, %mul3A_217 : i32
    "tpu.region"() ({
      %run_scoped3A = tpu.sem_alloc : memref<!tpu.dma_semaphore, #tpu.memory_space<semaphore_mem>>
      %dma_start3A_219 = arith.constant 0 : i32
      %dma_start3A_220 = tpu.memref_slice %arg5[%arg0, %mul3A_218, %dma_start3A_219] : memref<2x10240x128xf32, #tpu.memory_space<hbm>> -> memref<1x640x128xf32, #tpu.memory_space<hbm>>
      %dma_start3A_221 = tpu.memref_squeeze %dma_start3A_220 : memref<1x640x128xf32, #tpu.memory_space<hbm>> -> memref<640x128xf32, #tpu.memory_space<hbm>>
      %dma_start3A_222 = arith.constant 0 : i32
      %dma_start3A_223 = tpu.memref_slice %arg13[%mul3A_216, %dma_start3A_222] : memref<10240x128xf32, #tpu.memory_space<vmem_shared>> -> memref<640x128xf32, #tpu.memory_space<vmem_shared>>
      tpu.enqueue_dma source(%dma_start3A_223 : memref<640x128xf32, #tpu.memory_space<vmem_shared>>) target(%dma_start3A_221 : memref<640x128xf32, #tpu.memory_space<hbm>>) target_semaphore(%run_scoped3A : memref<!tpu.dma_semaphore, #tpu.memory_space<semaphore_mem>>)
      %dma_wait3A_224 = arith.constant 0 : i32
      %dma_wait3A_225 = tpu.memref_slice %arg5[%arg0, %mul3A_218, %dma_wait3A_224] : memref<2x10240x128xf32, #tpu.memory_space<hbm>> -> memref<1x640x128xf32, #tpu.memory_space<hbm>>
      %dma_wait3A_226 = tpu.memref_squeeze %dma_wait3A_225 : memref<1x640x128xf32, #tpu.memory_space<hbm>> -> memref<640x128xf32, #tpu.memory_space<hbm>>
      %dma_wait3A_227 = arith.constant 0 : i32
      %dma_wait3A_228 = tpu.memref_slice %arg13[%mul3A_216, %dma_wait3A_227] : memref<10240x128xf32, #tpu.memory_space<vmem_shared>> -> memref<640x128xf32, #tpu.memory_space<vmem_shared>>
      tpu.wait_dma2 semaphore(%run_scoped3A : memref<!tpu.dma_semaphore, #tpu.memory_space<semaphore_mem>>) src(%dma_wait3A_228 : memref<640x128xf32, #tpu.memory_space<vmem_shared>>) dst(%dma_wait3A_226 : memref<640x128xf32, #tpu.memory_space<hbm>>)
      tpu.yield
    }) : () -> ()
    return
  }
}

#map = affine_map<(d0, d1) -> (0, 0)>
module attributes {stable_mosaic.version = 14 : i64} {
  func.func @_deg_kernel(%arg0: i32, %arg1: i32, %arg2: memref<5120x64xi32, #tpu.memory_space<hbm>>, %arg3: memref<5120x64xi32, #tpu.memory_space<hbm>>, %arg4: memref<2x10240xf32, #tpu.memory_space<hbm>>, %arg5: memref<160x64xi32, #tpu.memory_space<vmem>>, %arg6: memref<64xf32, #tpu.memory_space<vmem>>, %arg7: memref<640xf32, #tpu.memory_space<vmem>>, %arg8: memref<10240xf32, #tpu.memory_space<vmem_shared>>, %arg9: memref<!tpu.dma_semaphore, #tpu.memory_space<semaphore_mem>>, %arg10: memref<!tpu.dma_semaphore, #tpu.memory_space<semaphore_mem>>, %arg11: memref<!tpu.dma_semaphore, #tpu.memory_space<semaphore_mem>>, %arg12: memref<!tpu.dma_semaphore, #tpu.memory_space<semaphore_mem>>) attributes {dimension_semantics = [#tpu.dimension_semantics<core_parallel>, #tpu.dimension_semantics<subcore_parallel>], iteration_bounds = array<i64: 2, 16>, scalar_prefetch = 0 : i64, scratch_operands = 8 : i64, tpu.core_type = #tpu.core_type<sc_vector_subcore>, window_params = [{transform_indices = #map}, {transform_indices = #map}, {transform_indices = #map}]} {
    %scan3A = arith.constant 0 : i32
    %scan3A_0 = arith.constant 0 : i32
    %scan3A_1 = arith.constant 4 : i32
    %scan3A_2 = arith.addi %scan3A_0, %scan3A_1 : i32
    %scan3A_3 = arith.constant 1 : i32
    %scan3A_4 = scf.for %scan3A_26 = %scan3A_0 to %scan3A_2 step %scan3A_3 iter_args(%scan3A_27 = %scan3A) -> (i32)  : i32 {
      %broadcast_in_dim3A = arith.constant 1.000000e+00 : f32
      %broadcast_in_dim3A_28 = vector.broadcast %broadcast_in_dim3A : f32 to vector<16xf32>
      %mul3A_29 = arith.constant 16 : i32
      %mul3A_30 = arith.muli %scan3A_26, %mul3A_29 : i32
      %swap3A = arith.index_cast %mul3A_30 : i32 to index
      %swap3A_31 = tpu.vector_load %arg6[%swap3A] {strides = array<i32>} : memref<64xf32, #tpu.memory_space<vmem>>, vector<16xf32>,
      %swap3A_32 = vector.shape_cast %swap3A_31 : vector<16xf32> to vector<16xf32>
      %swap3A_33 = vector.shape_cast %broadcast_in_dim3A_28 : vector<16xf32> to vector<16xf32>
      tpu.vector_store %arg6[%swap3A], %swap3A_33 {strides = array<i32>} : memref<64xf32, #tpu.memory_space<vmem>>, vector<16xf32>,
      %scan3A_34 = arith.constant 0 : i32
      scf.yield %scan3A_34 : i32
    }
    %scan3A_5 = arith.constant 4 : i32
    %scan3A_6 = arith.constant 0 : i32
    %scan3A_7 = arith.constant 0 : i32
    %scan3A_8 = arith.constant 40 : i32
    %scan3A_9 = arith.addi %scan3A_7, %scan3A_8 : i32
    %scan3A_10 = arith.constant 1 : i32
    %scan3A_11 = scf.for %scan3A_26 = %scan3A_7 to %scan3A_9 step %scan3A_10 iter_args(%scan3A_27 = %scan3A_6) -> (i32)  : i32 {
      %broadcast_in_dim3A = arith.constant 0.000000e+00 : f32
      %broadcast_in_dim3A_28 = vector.broadcast %broadcast_in_dim3A : f32 to vector<16xf32>
      %mul3A_29 = arith.constant 16 : i32
      %mul3A_30 = arith.muli %scan3A_26, %mul3A_29 : i32
      %swap3A = arith.index_cast %mul3A_30 : i32 to index
      %swap3A_31 = tpu.vector_load %arg7[%swap3A] {strides = array<i32>} : memref<640xf32, #tpu.memory_space<vmem>>, vector<16xf32>,
      %swap3A_32 = vector.shape_cast %swap3A_31 : vector<16xf32> to vector<16xf32>
      %swap3A_33 = vector.shape_cast %broadcast_in_dim3A_28 : vector<16xf32> to vector<16xf32>
      tpu.vector_store %arg7[%swap3A], %swap3A_33 {strides = array<i32>} : memref<640xf32, #tpu.memory_space<vmem>>, vector<16xf32>,
      %scan3A_34 = arith.constant 0 : i32
      scf.yield %scan3A_34 : i32
    }
    %scan3A_12 = arith.constant 40 : i32
    %mul3A = arith.constant 640 : i32
    %mul3A_13 = arith.muli %arg1, %mul3A : i32
    "tpu.region"() ({
      %run_scoped3A = tpu.sem_alloc : memref<!tpu.dma_semaphore, #tpu.memory_space<semaphore_mem>>
      %dma_start3A = tpu.memref_slice %arg8[%mul3A_13] : memref<10240xf32, #tpu.memory_space<vmem_shared>> -> memref<640xf32, #tpu.memory_space<vmem_shared>>
      %dma_start3A_26 = tpu.memref_slice %arg8[%mul3A_13] : memref<10240xf32, #tpu.memory_space<vmem_shared>> -> memref<640xf32, #tpu.memory_space<vmem_shared>>
      tpu.enqueue_dma source(%arg7 : memref<640xf32, #tpu.memory_space<vmem>>) target(%dma_start3A_26 : memref<640xf32, #tpu.memory_space<vmem_shared>>) target_semaphore(%run_scoped3A : memref<!tpu.dma_semaphore, #tpu.memory_space<semaphore_mem>>)
      %dma_wait3A = tpu.memref_slice %arg8[%mul3A_13] : memref<10240xf32, #tpu.memory_space<vmem_shared>> -> memref<640xf32, #tpu.memory_space<vmem_shared>>
      %dma_wait3A_27 = tpu.memref_slice %arg8[%mul3A_13] : memref<10240xf32, #tpu.memory_space<vmem_shared>> -> memref<640xf32, #tpu.memory_space<vmem_shared>>
      tpu.wait_dma2 semaphore(%run_scoped3A : memref<!tpu.dma_semaphore, #tpu.memory_space<semaphore_mem>>) src(%arg7 : memref<640xf32, #tpu.memory_space<vmem>>) dst(%dma_wait3A_27 : memref<640xf32, #tpu.memory_space<vmem_shared>>)
      tpu.yield
    }) : () -> ()
    %barrier3A = arith.constant 0 : index
    tpu.barrier barrier_id(%barrier3A)
    %eq3A = arith.constant 0 : i32
    %eq3A_14 = arith.cmpi eq, %arg0, %eq3A : i32
    %convert_element_type3A = arith.extui %eq3A_14 : i1 to i32
    %cond3A = arith.constant 0 : i32
    %cond3A_15 = arith.cmpi ne, %convert_element_type3A, %cond3A : i32
    scf.if %cond3A_15 {
      %mul3A_26 = arith.constant 320 : i32
      %mul3A_27 = arith.muli %arg1, %mul3A_26 : i32
      %add3A = arith.constant 0 : i32
      %add3A_28 = arith.addi %mul3A_27, %add3A : i32
      "tpu.region"() ({
        %run_scoped3A = tpu.sem_alloc : memref<!tpu.dma_semaphore, #tpu.memory_space<semaphore_mem>>
        %dma_start3A = arith.constant 0 : i32
        %dma_start3A_94 = tpu.memref_slice %arg2[%add3A_28, %dma_start3A] : memref<5120x64xi32, #tpu.memory_space<hbm>> -> memref<160x64xi32, #tpu.memory_space<hbm>>
        %dma_start3A_95 = arith.constant 0 : i32
        %dma_start3A_96 = tpu.memref_slice %arg2[%add3A_28, %dma_start3A_95] : memref<5120x64xi32, #tpu.memory_space<hbm>> -> memref<160x64xi32, #tpu.memory_space<hbm>>
        tpu.enqueue_dma source(%dma_start3A_96 : memref<160x64xi32, #tpu.memory_space<hbm>>) target(%arg5 : memref<160x64xi32, #tpu.memory_space<vmem>>) target_semaphore(%run_scoped3A : memref<!tpu.dma_semaphore, #tpu.memory_space<semaphore_mem>>)
        %dma_wait3A_97 = arith.constant 0 : i32
        %dma_wait3A_98 = tpu.memref_slice %arg2[%add3A_28, %dma_wait3A_97] : memref<5120x64xi32, #tpu.memory_space<hbm>> -> memref<160x64xi32, #tpu.memory_space<hbm>>
        %dma_wait3A_99 = arith.constant 0 : i32
        %dma_wait3A_100 = tpu.memref_slice %arg2[%add3A_28, %dma_wait3A_99] : memref<5120x64xi32, #tpu.memory_space<hbm>> -> memref<160x64xi32, #tpu.memory_space<hbm>>
        tpu.wait_dma2 semaphore(%run_scoped3A : memref<!tpu.dma_semaphore, #tpu.memory_space<semaphore_mem>>) src(%dma_wait3A_100 : memref<160x64xi32, #tpu.memory_space<hbm>>) dst(%arg5 : memref<160x64xi32, #tpu.memory_space<vmem>>)
        tpu.yield
      }) : () -> ()
      %scan3A_29 = arith.constant 0 : i32
      %scan3A_30 = arith.constant 0 : i32
      %scan3A_31 = arith.constant 40 : i32
      %scan3A_32 = arith.addi %scan3A_30, %scan3A_31 : i32
      %scan3A_33 = arith.constant 1 : i32
      %scan3A_34 = scf.for %scan3A_94 = %scan3A_30 to %scan3A_32 step %scan3A_33 iter_args(%scan3A_95 = %scan3A_29) -> (i32)  : i32 {
        %mul3A_96 = arith.constant 4 : i32
        %mul3A_97 = arith.muli %mul3A_96, %scan3A_94 : i32
        %add3A_98 = arith.constant 0 : i32
        %add3A_99 = arith.addi %mul3A_97, %add3A_98 : i32
        %ge3A = arith.constant 4 : i32
        %ge3A_100 = arith.cmpi sge, %add3A_99, %ge3A : i32
        %convert_element_type3A_101 = arith.extui %ge3A_100 : i1 to i32
        %cond3A_102 = arith.constant 0 : i32
        %cond3A_103 = arith.cmpi ne, %convert_element_type3A_101, %cond3A_102 : i32
        scf.if %cond3A_103 {
          %sub3A = arith.constant 4 : i32
          %sub3A_151 = arith.subi %add3A_99, %sub3A : i32
          %dma_wait3A_152 = arith.constant 0 : i32
          %dma_wait3A_153 = tpu.memref_slice %arg5[%sub3A_151, %dma_wait3A_152] : memref<160x64xi32, #tpu.memory_space<vmem>> -> memref<1x64xi32, #tpu.memory_space<vmem>>
          %dma_wait3A_154 = tpu.memref_squeeze %dma_wait3A_153 : memref<1x64xi32, #tpu.memory_space<vmem>> -> memref<64xi32, #tpu.memory_space<vmem>>
          %dma_wait3A_155 = arith.constant 0 : i32
          %dma_wait3A_156 = tpu.memref_slice %arg8[%dma_wait3A_155] : memref<10240xf32, #tpu.memory_space<vmem_shared>> -> memref<10240xf32, #tpu.memory_space<vmem_shared>>
          tpu.wait_indirect_dma semaphore(%arg9 : memref<!tpu.dma_semaphore, #tpu.memory_space<semaphore_mem>>) src(%arg6 : memref<64xf32, #tpu.memory_space<vmem>>) dst(%dma_wait3A_156 : memref<10240xf32, #tpu.memory_space<vmem_shared>>)
        } else {
        }
        %dma_start3A = arith.constant 0 : i32
        %dma_start3A_104 = tpu.memref_slice %arg5[%add3A_99, %dma_start3A] : memref<160x64xi32, #tpu.memory_space<vmem>> -> memref<1x64xi32, #tpu.memory_space<vmem>>
        %dma_start3A_105 = tpu.memref_squeeze %dma_start3A_104 : memref<1x64xi32, #tpu.memory_space<vmem>> -> memref<64xi32, #tpu.memory_space<vmem>>
        %dma_start3A_106 = arith.constant 0 : i32
        %dma_start3A_107 = tpu.memref_slice %arg8[%dma_start3A_106] : memref<10240xf32, #tpu.memory_space<vmem_shared>> -> memref<10240xf32, #tpu.memory_space<vmem_shared>>
        tpu.enqueue_indirect_dma source(%arg6 : memref<64xf32, #tpu.memory_space<vmem>>) target(%dma_start3A_107 : memref<10240xf32, #tpu.memory_space<vmem_shared>>) offsets(%dma_start3A_105 : memref<64xi32, #tpu.memory_space<vmem>>) semaphore(%arg9 : memref<!tpu.dma_semaphore, #tpu.memory_space<semaphore_mem>>) {add = true}
        %mul3A_108 = arith.constant 4 : i32
        %mul3A_109 = arith.muli %mul3A_108, %scan3A_94 : i32
        %add3A_110 = arith.constant 1 : i32
        %add3A_111 = arith.addi %mul3A_109, %add3A_110 : i32
        %ge3A_112 = arith.constant 4 : i32
        %ge3A_113 = arith.cmpi sge, %add3A_111, %ge3A_112 : i32
        %convert_element_type3A_114 = arith.extui %ge3A_113 : i1 to i32
        %cond3A_115 = arith.constant 0 : i32
        %cond3A_116 = arith.cmpi ne, %convert_element_type3A_114, %cond3A_115 : i32
        scf.if %cond3A_116 {
          %sub3A = arith.constant 4 : i32
          %sub3A_151 = arith.subi %add3A_111, %sub3A : i32
          %dma_wait3A_152 = arith.constant 0 : i32
          %dma_wait3A_153 = tpu.memref_slice %arg5[%sub3A_151, %dma_wait3A_152] : memref<160x64xi32, #tpu.memory_space<vmem>> -> memref<1x64xi32, #tpu.memory_space<vmem>>
          %dma_wait3A_154 = tpu.memref_squeeze %dma_wait3A_153 : memref<1x64xi32, #tpu.memory_space<vmem>> -> memref<64xi32, #tpu.memory_space<vmem>>
          %dma_wait3A_155 = arith.constant 0 : i32
          %dma_wait3A_156 = tpu.memref_slice %arg8[%dma_wait3A_155] : memref<10240xf32, #tpu.memory_space<vmem_shared>> -> memref<10240xf32, #tpu.memory_space<vmem_shared>>
          tpu.wait_indirect_dma semaphore(%arg10 : memref<!tpu.dma_semaphore, #tpu.memory_space<semaphore_mem>>) src(%arg6 : memref<64xf32, #tpu.memory_space<vmem>>) dst(%dma_wait3A_156 : memref<10240xf32, #tpu.memory_space<vmem_shared>>)
        } else {
        }
        %dma_start3A_117 = arith.constant 0 : i32
        %dma_start3A_118 = tpu.memref_slice %arg5[%add3A_111, %dma_start3A_117] : memref<160x64xi32, #tpu.memory_space<vmem>> -> memref<1x64xi32, #tpu.memory_space<vmem>>
        %dma_start3A_119 = tpu.memref_squeeze %dma_start3A_118 : memref<1x64xi32, #tpu.memory_space<vmem>> -> memref<64xi32, #tpu.memory_space<vmem>>
        %dma_start3A_120 = arith.constant 0 : i32
        %dma_start3A_121 = tpu.memref_slice %arg8[%dma_start3A_120] : memref<10240xf32, #tpu.memory_space<vmem_shared>> -> memref<10240xf32, #tpu.memory_space<vmem_shared>>
        tpu.enqueue_indirect_dma source(%arg6 : memref<64xf32, #tpu.memory_space<vmem>>) target(%dma_start3A_121 : memref<10240xf32, #tpu.memory_space<vmem_shared>>) offsets(%dma_start3A_119 : memref<64xi32, #tpu.memory_space<vmem>>) semaphore(%arg10 : memref<!tpu.dma_semaphore, #tpu.memory_space<semaphore_mem>>) {add = true}
        %mul3A_122 = arith.constant 4 : i32
        %mul3A_123 = arith.muli %mul3A_122, %scan3A_94 : i32
        %add3A_124 = arith.constant 2 : i32
        %add3A_125 = arith.addi %mul3A_123, %add3A_124 : i32
        %ge3A_126 = arith.constant 4 : i32
        %ge3A_127 = arith.cmpi sge, %add3A_125, %ge3A_126 : i32
        %convert_element_type3A_128 = arith.extui %ge3A_127 : i1 to i32
        %cond3A_129 = arith.constant 0 : i32
        %cond3A_130 = arith.cmpi ne, %convert_element_type3A_128, %cond3A_129 : i32
        scf.if %cond3A_130 {
          %sub3A = arith.constant 4 : i32
          %sub3A_151 = arith.subi %add3A_125, %sub3A : i32
          %dma_wait3A_152 = arith.constant 0 : i32
          %dma_wait3A_153 = tpu.memref_slice %arg5[%sub3A_151, %dma_wait3A_152] : memref<160x64xi32, #tpu.memory_space<vmem>> -> memref<1x64xi32, #tpu.memory_space<vmem>>
          %dma_wait3A_154 = tpu.memref_squeeze %dma_wait3A_153 : memref<1x64xi32, #tpu.memory_space<vmem>> -> memref<64xi32, #tpu.memory_space<vmem>>
          %dma_wait3A_155 = arith.constant 0 : i32
          %dma_wait3A_156 = tpu.memref_slice %arg8[%dma_wait3A_155] : memref<10240xf32, #tpu.memory_space<vmem_shared>> -> memref<10240xf32, #tpu.memory_space<vmem_shared>>
          tpu.wait_indirect_dma semaphore(%arg11 : memref<!tpu.dma_semaphore, #tpu.memory_space<semaphore_mem>>) src(%arg6 : memref<64xf32, #tpu.memory_space<vmem>>) dst(%dma_wait3A_156 : memref<10240xf32, #tpu.memory_space<vmem_shared>>)
        } else {
        }
        %dma_start3A_131 = arith.constant 0 : i32
        %dma_start3A_132 = tpu.memref_slice %arg5[%add3A_125, %dma_start3A_131] : memref<160x64xi32, #tpu.memory_space<vmem>> -> memref<1x64xi32, #tpu.memory_space<vmem>>
        %dma_start3A_133 = tpu.memref_squeeze %dma_start3A_132 : memref<1x64xi32, #tpu.memory_space<vmem>> -> memref<64xi32, #tpu.memory_space<vmem>>
        %dma_start3A_134 = arith.constant 0 : i32
        %dma_start3A_135 = tpu.memref_slice %arg8[%dma_start3A_134] : memref<10240xf32, #tpu.memory_space<vmem_shared>> -> memref<10240xf32, #tpu.memory_space<vmem_shared>>
        tpu.enqueue_indirect_dma source(%arg6 : memref<64xf32, #tpu.memory_space<vmem>>) target(%dma_start3A_135 : memref<10240xf32, #tpu.memory_space<vmem_shared>>) offsets(%dma_start3A_133 : memref<64xi32, #tpu.memory_space<vmem>>) semaphore(%arg11 : memref<!tpu.dma_semaphore, #tpu.memory_space<semaphore_mem>>) {add = true}
        %mul3A_136 = arith.constant 4 : i32
        %mul3A_137 = arith.muli %mul3A_136, %scan3A_94 : i32
        %add3A_138 = arith.constant 3 : i32
        %add3A_139 = arith.addi %mul3A_137, %add3A_138 : i32
        %ge3A_140 = arith.constant 4 : i32
        %ge3A_141 = arith.cmpi sge, %add3A_139, %ge3A_140 : i32
        %convert_element_type3A_142 = arith.extui %ge3A_141 : i1 to i32
        %cond3A_143 = arith.constant 0 : i32
        %cond3A_144 = arith.cmpi ne, %convert_element_type3A_142, %cond3A_143 : i32
        scf.if %cond3A_144 {
          %sub3A = arith.constant 4 : i32
          %sub3A_151 = arith.subi %add3A_139, %sub3A : i32
          %dma_wait3A_152 = arith.constant 0 : i32
          %dma_wait3A_153 = tpu.memref_slice %arg5[%sub3A_151, %dma_wait3A_152] : memref<160x64xi32, #tpu.memory_space<vmem>> -> memref<1x64xi32, #tpu.memory_space<vmem>>
          %dma_wait3A_154 = tpu.memref_squeeze %dma_wait3A_153 : memref<1x64xi32, #tpu.memory_space<vmem>> -> memref<64xi32, #tpu.memory_space<vmem>>
          %dma_wait3A_155 = arith.constant 0 : i32
          %dma_wait3A_156 = tpu.memref_slice %arg8[%dma_wait3A_155] : memref<10240xf32, #tpu.memory_space<vmem_shared>> -> memref<10240xf32, #tpu.memory_space<vmem_shared>>
          tpu.wait_indirect_dma semaphore(%arg12 : memref<!tpu.dma_semaphore, #tpu.memory_space<semaphore_mem>>) src(%arg6 : memref<64xf32, #tpu.memory_space<vmem>>) dst(%dma_wait3A_156 : memref<10240xf32, #tpu.memory_space<vmem_shared>>)
        } else {
        }
        %dma_start3A_145 = arith.constant 0 : i32
        %dma_start3A_146 = tpu.memref_slice %arg5[%add3A_139, %dma_start3A_145] : memref<160x64xi32, #tpu.memory_space<vmem>> -> memref<1x64xi32, #tpu.memory_space<vmem>>
        %dma_start3A_147 = tpu.memref_squeeze %dma_start3A_146 : memref<1x64xi32, #tpu.memory_space<vmem>> -> memref<64xi32, #tpu.memory_space<vmem>>
        %dma_start3A_148 = arith.constant 0 : i32
        %dma_start3A_149 = tpu.memref_slice %arg8[%dma_start3A_148] : memref<10240xf32, #tpu.memory_space<vmem_shared>> -> memref<10240xf32, #tpu.memory_space<vmem_shared>>
        tpu.enqueue_indirect_dma source(%arg6 : memref<64xf32, #tpu.memory_space<vmem>>) target(%dma_start3A_149 : memref<10240xf32, #tpu.memory_space<vmem_shared>>) offsets(%dma_start3A_147 : memref<64xi32, #tpu.memory_space<vmem>>) semaphore(%arg12 : memref<!tpu.dma_semaphore, #tpu.memory_space<semaphore_mem>>) {add = true}
        %scan3A_150 = arith.constant 0 : i32
        scf.yield %scan3A_150 : i32
      }
      %scan3A_35 = arith.constant 40 : i32
      %dma_wait3A = arith.constant 156 : i32
      %dma_wait3A_36 = arith.constant 0 : i32
      %dma_wait3A_37 = tpu.memref_slice %arg5[%dma_wait3A, %dma_wait3A_36] : memref<160x64xi32, #tpu.memory_space<vmem>> -> memref<1x64xi32, #tpu.memory_space<vmem>>
      %dma_wait3A_38 = tpu.memref_squeeze %dma_wait3A_37 : memref<1x64xi32, #tpu.memory_space<vmem>> -> memref<64xi32, #tpu.memory_space<vmem>>
      %dma_wait3A_39 = arith.constant 0 : i32
      %dma_wait3A_40 = tpu.memref_slice %arg8[%dma_wait3A_39] : memref<10240xf32, #tpu.memory_space<vmem_shared>> -> memref<10240xf32, #tpu.memory_space<vmem_shared>>
      tpu.wait_indirect_dma semaphore(%arg9 : memref<!tpu.dma_semaphore, #tpu.memory_space<semaphore_mem>>) src(%arg6 : memref<64xf32, #tpu.memory_space<vmem>>) dst(%dma_wait3A_40 : memref<10240xf32, #tpu.memory_space<vmem_shared>>)
      %dma_wait3A_41 = arith.constant 157 : i32
      %dma_wait3A_42 = arith.constant 0 : i32
      %dma_wait3A_43 = tpu.memref_slice %arg5[%dma_wait3A_41, %dma_wait3A_42] : memref<160x64xi32, #tpu.memory_space<vmem>> -> memref<1x64xi32, #tpu.memory_space<vmem>>
      %dma_wait3A_44 = tpu.memref_squeeze %dma_wait3A_43 : memref<1x64xi32, #tpu.memory_space<vmem>> -> memref<64xi32, #tpu.memory_space<vmem>>
      %dma_wait3A_45 = arith.constant 0 : i32
      %dma_wait3A_46 = tpu.memref_slice %arg8[%dma_wait3A_45] : memref<10240xf32, #tpu.memory_space<vmem_shared>> -> memref<10240xf32, #tpu.memory_space<vmem_shared>>
      tpu.wait_indirect_dma semaphore(%arg10 : memref<!tpu.dma_semaphore, #tpu.memory_space<semaphore_mem>>) src(%arg6 : memref<64xf32, #tpu.memory_space<vmem>>) dst(%dma_wait3A_46 : memref<10240xf32, #tpu.memory_space<vmem_shared>>)
      %dma_wait3A_47 = arith.constant 158 : i32
      %dma_wait3A_48 = arith.constant 0 : i32
      %dma_wait3A_49 = tpu.memref_slice %arg5[%dma_wait3A_47, %dma_wait3A_48] : memref<160x64xi32, #tpu.memory_space<vmem>> -> memref<1x64xi32, #tpu.memory_space<vmem>>
      %dma_wait3A_50 = tpu.memref_squeeze %dma_wait3A_49 : memref<1x64xi32, #tpu.memory_space<vmem>> -> memref<64xi32, #tpu.memory_space<vmem>>
      %dma_wait3A_51 = arith.constant 0 : i32
      %dma_wait3A_52 = tpu.memref_slice %arg8[%dma_wait3A_51] : memref<10240xf32, #tpu.memory_space<vmem_shared>> -> memref<10240xf32, #tpu.memory_space<vmem_shared>>
      tpu.wait_indirect_dma semaphore(%arg11 : memref<!tpu.dma_semaphore, #tpu.memory_space<semaphore_mem>>) src(%arg6 : memref<64xf32, #tpu.memory_space<vmem>>) dst(%dma_wait3A_52 : memref<10240xf32, #tpu.memory_space<vmem_shared>>)
      %dma_wait3A_53 = arith.constant 159 : i32
      %dma_wait3A_54 = arith.constant 0 : i32
      %dma_wait3A_55 = tpu.memref_slice %arg5[%dma_wait3A_53, %dma_wait3A_54] : memref<160x64xi32, #tpu.memory_space<vmem>> -> memref<1x64xi32, #tpu.memory_space<vmem>>
      %dma_wait3A_56 = tpu.memref_squeeze %dma_wait3A_55 : memref<1x64xi32, #tpu.memory_space<vmem>> -> memref<64xi32, #tpu.memory_space<vmem>>
      %dma_wait3A_57 = arith.constant 0 : i32
      %dma_wait3A_58 = tpu.memref_slice %arg8[%dma_wait3A_57] : memref<10240xf32, #tpu.memory_space<vmem_shared>> -> memref<10240xf32, #tpu.memory_space<vmem_shared>>
      tpu.wait_indirect_dma semaphore(%arg12 : memref<!tpu.dma_semaphore, #tpu.memory_space<semaphore_mem>>) src(%arg6 : memref<64xf32, #tpu.memory_space<vmem>>) dst(%dma_wait3A_58 : memref<10240xf32, #tpu.memory_space<vmem_shared>>)
      %mul3A_59 = arith.constant 320 : i32
      %mul3A_60 = arith.muli %arg1, %mul3A_59 : i32
      %add3A_61 = arith.constant 160 : i32
      %add3A_62 = arith.addi %mul3A_60, %add3A_61 : i32
      "tpu.region"() ({
        %run_scoped3A = tpu.sem_alloc : memref<!tpu.dma_semaphore, #tpu.memory_space<semaphore_mem>>
        %dma_start3A = arith.constant 0 : i32
        %dma_start3A_94 = tpu.memref_slice %arg2[%add3A_62, %dma_start3A] : memref<5120x64xi32, #tpu.memory_space<hbm>> -> memref<160x64xi32, #tpu.memory_space<hbm>>
        %dma_start3A_95 = arith.constant 0 : i32
        %dma_start3A_96 = tpu.memref_slice %arg2[%add3A_62, %dma_start3A_95] : memref<5120x64xi32, #tpu.memory_space<hbm>> -> memref<160x64xi32, #tpu.memory_space<hbm>>
        tpu.enqueue_dma source(%dma_start3A_96 : memref<160x64xi32, #tpu.memory_space<hbm>>) target(%arg5 : memref<160x64xi32, #tpu.memory_space<vmem>>) target_semaphore(%run_scoped3A : memref<!tpu.dma_semaphore, #tpu.memory_space<semaphore_mem>>)
        %dma_wait3A_97 = arith.constant 0 : i32
        %dma_wait3A_98 = tpu.memref_slice %arg2[%add3A_62, %dma_wait3A_97] : memref<5120x64xi32, #tpu.memory_space<hbm>> -> memref<160x64xi32, #tpu.memory_space<hbm>>
        %dma_wait3A_99 = arith.constant 0 : i32
        %dma_wait3A_100 = tpu.memref_slice %arg2[%add3A_62, %dma_wait3A_99] : memref<5120x64xi32, #tpu.memory_space<hbm>> -> memref<160x64xi32, #tpu.memory_space<hbm>>
        tpu.wait_dma2 semaphore(%run_scoped3A : memref<!tpu.dma_semaphore, #tpu.memory_space<semaphore_mem>>) src(%dma_wait3A_100 : memref<160x64xi32, #tpu.memory_space<hbm>>) dst(%arg5 : memref<160x64xi32, #tpu.memory_space<vmem>>)
        tpu.yield
      }) : () -> ()
      %scan3A_63 = arith.constant 0 : i32
      %scan3A_64 = arith.constant 0 : i32
      %scan3A_65 = arith.constant 40 : i32
      %scan3A_66 = arith.addi %scan3A_64, %scan3A_65 : i32
      %scan3A_67 = arith.constant 1 : i32
      %scan3A_68 = scf.for %scan3A_94 = %scan3A_64 to %scan3A_66 step %scan3A_67 iter_args(%scan3A_95 = %scan3A_63) -> (i32)  : i32 {
        %mul3A_96 = arith.constant 4 : i32
        %mul3A_97 = arith.muli %mul3A_96, %scan3A_94 : i32
        %add3A_98 = arith.constant 0 : i32
        %add3A_99 = arith.addi %mul3A_97, %add3A_98 : i32
        %ge3A = arith.constant 4 : i32
        %ge3A_100 = arith.cmpi sge, %add3A_99, %ge3A : i32
        %convert_element_type3A_101 = arith.extui %ge3A_100 : i1 to i32
        %cond3A_102 = arith.constant 0 : i32
        %cond3A_103 = arith.cmpi ne, %convert_element_type3A_101, %cond3A_102 : i32
        scf.if %cond3A_103 {
          %sub3A = arith.constant 4 : i32
          %sub3A_151 = arith.subi %add3A_99, %sub3A : i32
          %dma_wait3A_152 = arith.constant 0 : i32
          %dma_wait3A_153 = tpu.memref_slice %arg5[%sub3A_151, %dma_wait3A_152] : memref<160x64xi32, #tpu.memory_space<vmem>> -> memref<1x64xi32, #tpu.memory_space<vmem>>
          %dma_wait3A_154 = tpu.memref_squeeze %dma_wait3A_153 : memref<1x64xi32, #tpu.memory_space<vmem>> -> memref<64xi32, #tpu.memory_space<vmem>>
          %dma_wait3A_155 = arith.constant 0 : i32
          %dma_wait3A_156 = tpu.memref_slice %arg8[%dma_wait3A_155] : memref<10240xf32, #tpu.memory_space<vmem_shared>> -> memref<10240xf32, #tpu.memory_space<vmem_shared>>
          tpu.wait_indirect_dma semaphore(%arg9 : memref<!tpu.dma_semaphore, #tpu.memory_space<semaphore_mem>>) src(%arg6 : memref<64xf32, #tpu.memory_space<vmem>>) dst(%dma_wait3A_156 : memref<10240xf32, #tpu.memory_space<vmem_shared>>)
        } else {
        }
        %dma_start3A = arith.constant 0 : i32
        %dma_start3A_104 = tpu.memref_slice %arg5[%add3A_99, %dma_start3A] : memref<160x64xi32, #tpu.memory_space<vmem>> -> memref<1x64xi32, #tpu.memory_space<vmem>>
        %dma_start3A_105 = tpu.memref_squeeze %dma_start3A_104 : memref<1x64xi32, #tpu.memory_space<vmem>> -> memref<64xi32, #tpu.memory_space<vmem>>
        %dma_start3A_106 = arith.constant 0 : i32
        %dma_start3A_107 = tpu.memref_slice %arg8[%dma_start3A_106] : memref<10240xf32, #tpu.memory_space<vmem_shared>> -> memref<10240xf32, #tpu.memory_space<vmem_shared>>
        tpu.enqueue_indirect_dma source(%arg6 : memref<64xf32, #tpu.memory_space<vmem>>) target(%dma_start3A_107 : memref<10240xf32, #tpu.memory_space<vmem_shared>>) offsets(%dma_start3A_105 : memref<64xi32, #tpu.memory_space<vmem>>) semaphore(%arg9 : memref<!tpu.dma_semaphore, #tpu.memory_space<semaphore_mem>>) {add = true}
        %mul3A_108 = arith.constant 4 : i32
        %mul3A_109 = arith.muli %mul3A_108, %scan3A_94 : i32
        %add3A_110 = arith.constant 1 : i32
        %add3A_111 = arith.addi %mul3A_109, %add3A_110 : i32
        %ge3A_112 = arith.constant 4 : i32
        %ge3A_113 = arith.cmpi sge, %add3A_111, %ge3A_112 : i32
        %convert_element_type3A_114 = arith.extui %ge3A_113 : i1 to i32
        %cond3A_115 = arith.constant 0 : i32
        %cond3A_116 = arith.cmpi ne, %convert_element_type3A_114, %cond3A_115 : i32
        scf.if %cond3A_116 {
          %sub3A = arith.constant 4 : i32
          %sub3A_151 = arith.subi %add3A_111, %sub3A : i32
          %dma_wait3A_152 = arith.constant 0 : i32
          %dma_wait3A_153 = tpu.memref_slice %arg5[%sub3A_151, %dma_wait3A_152] : memref<160x64xi32, #tpu.memory_space<vmem>> -> memref<1x64xi32, #tpu.memory_space<vmem>>
          %dma_wait3A_154 = tpu.memref_squeeze %dma_wait3A_153 : memref<1x64xi32, #tpu.memory_space<vmem>> -> memref<64xi32, #tpu.memory_space<vmem>>
          %dma_wait3A_155 = arith.constant 0 : i32
          %dma_wait3A_156 = tpu.memref_slice %arg8[%dma_wait3A_155] : memref<10240xf32, #tpu.memory_space<vmem_shared>> -> memref<10240xf32, #tpu.memory_space<vmem_shared>>
          tpu.wait_indirect_dma semaphore(%arg10 : memref<!tpu.dma_semaphore, #tpu.memory_space<semaphore_mem>>) src(%arg6 : memref<64xf32, #tpu.memory_space<vmem>>) dst(%dma_wait3A_156 : memref<10240xf32, #tpu.memory_space<vmem_shared>>)
        } else {
        }
        %dma_start3A_117 = arith.constant 0 : i32
        %dma_start3A_118 = tpu.memref_slice %arg5[%add3A_111, %dma_start3A_117] : memref<160x64xi32, #tpu.memory_space<vmem>> -> memref<1x64xi32, #tpu.memory_space<vmem>>
        %dma_start3A_119 = tpu.memref_squeeze %dma_start3A_118 : memref<1x64xi32, #tpu.memory_space<vmem>> -> memref<64xi32, #tpu.memory_space<vmem>>
        %dma_start3A_120 = arith.constant 0 : i32
        %dma_start3A_121 = tpu.memref_slice %arg8[%dma_start3A_120] : memref<10240xf32, #tpu.memory_space<vmem_shared>> -> memref<10240xf32, #tpu.memory_space<vmem_shared>>
        tpu.enqueue_indirect_dma source(%arg6 : memref<64xf32, #tpu.memory_space<vmem>>) target(%dma_start3A_121 : memref<10240xf32, #tpu.memory_space<vmem_shared>>) offsets(%dma_start3A_119 : memref<64xi32, #tpu.memory_space<vmem>>) semaphore(%arg10 : memref<!tpu.dma_semaphore, #tpu.memory_space<semaphore_mem>>) {add = true}
        %mul3A_122 = arith.constant 4 : i32
        %mul3A_123 = arith.muli %mul3A_122, %scan3A_94 : i32
        %add3A_124 = arith.constant 2 : i32
        %add3A_125 = arith.addi %mul3A_123, %add3A_124 : i32
        %ge3A_126 = arith.constant 4 : i32
        %ge3A_127 = arith.cmpi sge, %add3A_125, %ge3A_126 : i32
        %convert_element_type3A_128 = arith.extui %ge3A_127 : i1 to i32
        %cond3A_129 = arith.constant 0 : i32
        %cond3A_130 = arith.cmpi ne, %convert_element_type3A_128, %cond3A_129 : i32
        scf.if %cond3A_130 {
          %sub3A = arith.constant 4 : i32
          %sub3A_151 = arith.subi %add3A_125, %sub3A : i32
          %dma_wait3A_152 = arith.constant 0 : i32
          %dma_wait3A_153 = tpu.memref_slice %arg5[%sub3A_151, %dma_wait3A_152] : memref<160x64xi32, #tpu.memory_space<vmem>> -> memref<1x64xi32, #tpu.memory_space<vmem>>
          %dma_wait3A_154 = tpu.memref_squeeze %dma_wait3A_153 : memref<1x64xi32, #tpu.memory_space<vmem>> -> memref<64xi32, #tpu.memory_space<vmem>>
          %dma_wait3A_155 = arith.constant 0 : i32
          %dma_wait3A_156 = tpu.memref_slice %arg8[%dma_wait3A_155] : memref<10240xf32, #tpu.memory_space<vmem_shared>> -> memref<10240xf32, #tpu.memory_space<vmem_shared>>
          tpu.wait_indirect_dma semaphore(%arg11 : memref<!tpu.dma_semaphore, #tpu.memory_space<semaphore_mem>>) src(%arg6 : memref<64xf32, #tpu.memory_space<vmem>>) dst(%dma_wait3A_156 : memref<10240xf32, #tpu.memory_space<vmem_shared>>)
        } else {
        }
        %dma_start3A_131 = arith.constant 0 : i32
        %dma_start3A_132 = tpu.memref_slice %arg5[%add3A_125, %dma_start3A_131] : memref<160x64xi32, #tpu.memory_space<vmem>> -> memref<1x64xi32, #tpu.memory_space<vmem>>
        %dma_start3A_133 = tpu.memref_squeeze %dma_start3A_132 : memref<1x64xi32, #tpu.memory_space<vmem>> -> memref<64xi32, #tpu.memory_space<vmem>>
        %dma_start3A_134 = arith.constant 0 : i32
        %dma_start3A_135 = tpu.memref_slice %arg8[%dma_start3A_134] : memref<10240xf32, #tpu.memory_space<vmem_shared>> -> memref<10240xf32, #tpu.memory_space<vmem_shared>>
        tpu.enqueue_indirect_dma source(%arg6 : memref<64xf32, #tpu.memory_space<vmem>>) target(%dma_start3A_135 : memref<10240xf32, #tpu.memory_space<vmem_shared>>) offsets(%dma_start3A_133 : memref<64xi32, #tpu.memory_space<vmem>>) semaphore(%arg11 : memref<!tpu.dma_semaphore, #tpu.memory_space<semaphore_mem>>) {add = true}
        %mul3A_136 = arith.constant 4 : i32
        %mul3A_137 = arith.muli %mul3A_136, %scan3A_94 : i32
        %add3A_138 = arith.constant 3 : i32
        %add3A_139 = arith.addi %mul3A_137, %add3A_138 : i32
        %ge3A_140 = arith.constant 4 : i32
        %ge3A_141 = arith.cmpi sge, %add3A_139, %ge3A_140 : i32
        %convert_element_type3A_142 = arith.extui %ge3A_141 : i1 to i32
        %cond3A_143 = arith.constant 0 : i32
        %cond3A_144 = arith.cmpi ne, %convert_element_type3A_142, %cond3A_143 : i32
        scf.if %cond3A_144 {
          %sub3A = arith.constant 4 : i32
          %sub3A_151 = arith.subi %add3A_139, %sub3A : i32
          %dma_wait3A_152 = arith.constant 0 : i32
          %dma_wait3A_153 = tpu.memref_slice %arg5[%sub3A_151, %dma_wait3A_152] : memref<160x64xi32, #tpu.memory_space<vmem>> -> memref<1x64xi32, #tpu.memory_space<vmem>>
          %dma_wait3A_154 = tpu.memref_squeeze %dma_wait3A_153 : memref<1x64xi32, #tpu.memory_space<vmem>> -> memref<64xi32, #tpu.memory_space<vmem>>
          %dma_wait3A_155 = arith.constant 0 : i32
          %dma_wait3A_156 = tpu.memref_slice %arg8[%dma_wait3A_155] : memref<10240xf32, #tpu.memory_space<vmem_shared>> -> memref<10240xf32, #tpu.memory_space<vmem_shared>>
          tpu.wait_indirect_dma semaphore(%arg12 : memref<!tpu.dma_semaphore, #tpu.memory_space<semaphore_mem>>) src(%arg6 : memref<64xf32, #tpu.memory_space<vmem>>) dst(%dma_wait3A_156 : memref<10240xf32, #tpu.memory_space<vmem_shared>>)
        } else {
        }
        %dma_start3A_145 = arith.constant 0 : i32
        %dma_start3A_146 = tpu.memref_slice %arg5[%add3A_139, %dma_start3A_145] : memref<160x64xi32, #tpu.memory_space<vmem>> -> memref<1x64xi32, #tpu.memory_space<vmem>>
        %dma_start3A_147 = tpu.memref_squeeze %dma_start3A_146 : memref<1x64xi32, #tpu.memory_space<vmem>> -> memref<64xi32, #tpu.memory_space<vmem>>
        %dma_start3A_148 = arith.constant 0 : i32
        %dma_start3A_149 = tpu.memref_slice %arg8[%dma_start3A_148] : memref<10240xf32, #tpu.memory_space<vmem_shared>> -> memref<10240xf32, #tpu.memory_space<vmem_shared>>
        tpu.enqueue_indirect_dma source(%arg6 : memref<64xf32, #tpu.memory_space<vmem>>) target(%dma_start3A_149 : memref<10240xf32, #tpu.memory_space<vmem_shared>>) offsets(%dma_start3A_147 : memref<64xi32, #tpu.memory_space<vmem>>) semaphore(%arg12 : memref<!tpu.dma_semaphore, #tpu.memory_space<semaphore_mem>>) {add = true}
        %scan3A_150 = arith.constant 0 : i32
        scf.yield %scan3A_150 : i32
      }
      %scan3A_69 = arith.constant 40 : i32
      %dma_wait3A_70 = arith.constant 156 : i32
      %dma_wait3A_71 = arith.constant 0 : i32
      %dma_wait3A_72 = tpu.memref_slice %arg5[%dma_wait3A_70, %dma_wait3A_71] : memref<160x64xi32, #tpu.memory_space<vmem>> -> memref<1x64xi32, #tpu.memory_space<vmem>>
      %dma_wait3A_73 = tpu.memref_squeeze %dma_wait3A_72 : memref<1x64xi32, #tpu.memory_space<vmem>> -> memref<64xi32, #tpu.memory_space<vmem>>
      %dma_wait3A_74 = arith.constant 0 : i32
      %dma_wait3A_75 = tpu.memref_slice %arg8[%dma_wait3A_74] : memref<10240xf32, #tpu.memory_space<vmem_shared>> -> memref<10240xf32, #tpu.memory_space<vmem_shared>>
      tpu.wait_indirect_dma semaphore(%arg9 : memref<!tpu.dma_semaphore, #tpu.memory_space<semaphore_mem>>) src(%arg6 : memref<64xf32, #tpu.memory_space<vmem>>) dst(%dma_wait3A_75 : memref<10240xf32, #tpu.memory_space<vmem_shared>>)
      %dma_wait3A_76 = arith.constant 157 : i32
      %dma_wait3A_77 = arith.constant 0 : i32
      %dma_wait3A_78 = tpu.memref_slice %arg5[%dma_wait3A_76, %dma_wait3A_77] : memref<160x64xi32, #tpu.memory_space<vmem>> -> memref<1x64xi32, #tpu.memory_space<vmem>>
      %dma_wait3A_79 = tpu.memref_squeeze %dma_wait3A_78 : memref<1x64xi32, #tpu.memory_space<vmem>> -> memref<64xi32, #tpu.memory_space<vmem>>
      %dma_wait3A_80 = arith.constant 0 : i32
      %dma_wait3A_81 = tpu.memref_slice %arg8[%dma_wait3A_80] : memref<10240xf32, #tpu.memory_space<vmem_shared>> -> memref<10240xf32, #tpu.memory_space<vmem_shared>>
      tpu.wait_indirect_dma semaphore(%arg10 : memref<!tpu.dma_semaphore, #tpu.memory_space<semaphore_mem>>) src(%arg6 : memref<64xf32, #tpu.memory_space<vmem>>) dst(%dma_wait3A_81 : memref<10240xf32, #tpu.memory_space<vmem_shared>>)
      %dma_wait3A_82 = arith.constant 158 : i32
      %dma_wait3A_83 = arith.constant 0 : i32
      %dma_wait3A_84 = tpu.memref_slice %arg5[%dma_wait3A_82, %dma_wait3A_83] : memref<160x64xi32, #tpu.memory_space<vmem>> -> memref<1x64xi32, #tpu.memory_space<vmem>>
      %dma_wait3A_85 = tpu.memref_squeeze %dma_wait3A_84 : memref<1x64xi32, #tpu.memory_space<vmem>> -> memref<64xi32, #tpu.memory_space<vmem>>
      %dma_wait3A_86 = arith.constant 0 : i32
      %dma_wait3A_87 = tpu.memref_slice %arg8[%dma_wait3A_86] : memref<10240xf32, #tpu.memory_space<vmem_shared>> -> memref<10240xf32, #tpu.memory_space<vmem_shared>>
      tpu.wait_indirect_dma semaphore(%arg11 : memref<!tpu.dma_semaphore, #tpu.memory_space<semaphore_mem>>) src(%arg6 : memref<64xf32, #tpu.memory_space<vmem>>) dst(%dma_wait3A_87 : memref<10240xf32, #tpu.memory_space<vmem_shared>>)
      %dma_wait3A_88 = arith.constant 159 : i32
      %dma_wait3A_89 = arith.constant 0 : i32
      %dma_wait3A_90 = tpu.memref_slice %arg5[%dma_wait3A_88, %dma_wait3A_89] : memref<160x64xi32, #tpu.memory_space<vmem>> -> memref<1x64xi32, #tpu.memory_space<vmem>>
      %dma_wait3A_91 = tpu.memref_squeeze %dma_wait3A_90 : memref<1x64xi32, #tpu.memory_space<vmem>> -> memref<64xi32, #tpu.memory_space<vmem>>
      %dma_wait3A_92 = arith.constant 0 : i32
      %dma_wait3A_93 = tpu.memref_slice %arg8[%dma_wait3A_92] : memref<10240xf32, #tpu.memory_space<vmem_shared>> -> memref<10240xf32, #tpu.memory_space<vmem_shared>>
      tpu.wait_indirect_dma semaphore(%arg12 : memref<!tpu.dma_semaphore, #tpu.memory_space<semaphore_mem>>) src(%arg6 : memref<64xf32, #tpu.memory_space<vmem>>) dst(%dma_wait3A_93 : memref<10240xf32, #tpu.memory_space<vmem_shared>>)
    } else {
    }
    %eq3A_16 = arith.constant 1 : i32
    %eq3A_17 = arith.cmpi eq, %arg0, %eq3A_16 : i32
    %convert_element_type3A_18 = arith.extui %eq3A_17 : i1 to i32
    %cond3A_19 = arith.constant 0 : i32
    %cond3A_20 = arith.cmpi ne, %convert_element_type3A_18, %cond3A_19 : i32
    scf.if %cond3A_20 {
      %mul3A_26 = arith.constant 320 : i32
      %mul3A_27 = arith.muli %arg1, %mul3A_26 : i32
      %add3A = arith.constant 0 : i32
      %add3A_28 = arith.addi %mul3A_27, %add3A : i32
      "tpu.region"() ({
        %run_scoped3A = tpu.sem_alloc : memref<!tpu.dma_semaphore, #tpu.memory_space<semaphore_mem>>
        %dma_start3A = arith.constant 0 : i32
        %dma_start3A_94 = tpu.memref_slice %arg3[%add3A_28, %dma_start3A] : memref<5120x64xi32, #tpu.memory_space<hbm>> -> memref<160x64xi32, #tpu.memory_space<hbm>>
        %dma_start3A_95 = arith.constant 0 : i32
        %dma_start3A_96 = tpu.memref_slice %arg3[%add3A_28, %dma_start3A_95] : memref<5120x64xi32, #tpu.memory_space<hbm>> -> memref<160x64xi32, #tpu.memory_space<hbm>>
        tpu.enqueue_dma source(%dma_start3A_96 : memref<160x64xi32, #tpu.memory_space<hbm>>) target(%arg5 : memref<160x64xi32, #tpu.memory_space<vmem>>) target_semaphore(%run_scoped3A : memref<!tpu.dma_semaphore, #tpu.memory_space<semaphore_mem>>)
        %dma_wait3A_97 = arith.constant 0 : i32
        %dma_wait3A_98 = tpu.memref_slice %arg3[%add3A_28, %dma_wait3A_97] : memref<5120x64xi32, #tpu.memory_space<hbm>> -> memref<160x64xi32, #tpu.memory_space<hbm>>
        %dma_wait3A_99 = arith.constant 0 : i32
        %dma_wait3A_100 = tpu.memref_slice %arg3[%add3A_28, %dma_wait3A_99] : memref<5120x64xi32, #tpu.memory_space<hbm>> -> memref<160x64xi32, #tpu.memory_space<hbm>>
        tpu.wait_dma2 semaphore(%run_scoped3A : memref<!tpu.dma_semaphore, #tpu.memory_space<semaphore_mem>>) src(%dma_wait3A_100 : memref<160x64xi32, #tpu.memory_space<hbm>>) dst(%arg5 : memref<160x64xi32, #tpu.memory_space<vmem>>)
        tpu.yield
      }) : () -> ()
      %scan3A_29 = arith.constant 0 : i32
      %scan3A_30 = arith.constant 0 : i32
      %scan3A_31 = arith.constant 40 : i32
      %scan3A_32 = arith.addi %scan3A_30, %scan3A_31 : i32
      %scan3A_33 = arith.constant 1 : i32
      %scan3A_34 = scf.for %scan3A_94 = %scan3A_30 to %scan3A_32 step %scan3A_33 iter_args(%scan3A_95 = %scan3A_29) -> (i32)  : i32 {
        %mul3A_96 = arith.constant 4 : i32
        %mul3A_97 = arith.muli %mul3A_96, %scan3A_94 : i32
        %add3A_98 = arith.constant 0 : i32
        %add3A_99 = arith.addi %mul3A_97, %add3A_98 : i32
        %ge3A = arith.constant 4 : i32
        %ge3A_100 = arith.cmpi sge, %add3A_99, %ge3A : i32
        %convert_element_type3A_101 = arith.extui %ge3A_100 : i1 to i32
        %cond3A_102 = arith.constant 0 : i32
        %cond3A_103 = arith.cmpi ne, %convert_element_type3A_101, %cond3A_102 : i32
        scf.if %cond3A_103 {
          %sub3A = arith.constant 4 : i32
          %sub3A_151 = arith.subi %add3A_99, %sub3A : i32
          %dma_wait3A_152 = arith.constant 0 : i32
          %dma_wait3A_153 = tpu.memref_slice %arg5[%sub3A_151, %dma_wait3A_152] : memref<160x64xi32, #tpu.memory_space<vmem>> -> memref<1x64xi32, #tpu.memory_space<vmem>>
          %dma_wait3A_154 = tpu.memref_squeeze %dma_wait3A_153 : memref<1x64xi32, #tpu.memory_space<vmem>> -> memref<64xi32, #tpu.memory_space<vmem>>
          %dma_wait3A_155 = arith.constant 0 : i32
          %dma_wait3A_156 = tpu.memref_slice %arg8[%dma_wait3A_155] : memref<10240xf32, #tpu.memory_space<vmem_shared>> -> memref<10240xf32, #tpu.memory_space<vmem_shared>>
          tpu.wait_indirect_dma semaphore(%arg9 : memref<!tpu.dma_semaphore, #tpu.memory_space<semaphore_mem>>) src(%arg6 : memref<64xf32, #tpu.memory_space<vmem>>) dst(%dma_wait3A_156 : memref<10240xf32, #tpu.memory_space<vmem_shared>>)
        } else {
        }
        %dma_start3A = arith.constant 0 : i32
        %dma_start3A_104 = tpu.memref_slice %arg5[%add3A_99, %dma_start3A] : memref<160x64xi32, #tpu.memory_space<vmem>> -> memref<1x64xi32, #tpu.memory_space<vmem>>
        %dma_start3A_105 = tpu.memref_squeeze %dma_start3A_104 : memref<1x64xi32, #tpu.memory_space<vmem>> -> memref<64xi32, #tpu.memory_space<vmem>>
        %dma_start3A_106 = arith.constant 0 : i32
        %dma_start3A_107 = tpu.memref_slice %arg8[%dma_start3A_106] : memref<10240xf32, #tpu.memory_space<vmem_shared>> -> memref<10240xf32, #tpu.memory_space<vmem_shared>>
        tpu.enqueue_indirect_dma source(%arg6 : memref<64xf32, #tpu.memory_space<vmem>>) target(%dma_start3A_107 : memref<10240xf32, #tpu.memory_space<vmem_shared>>) offsets(%dma_start3A_105 : memref<64xi32, #tpu.memory_space<vmem>>) semaphore(%arg9 : memref<!tpu.dma_semaphore, #tpu.memory_space<semaphore_mem>>) {add = true}
        %mul3A_108 = arith.constant 4 : i32
        %mul3A_109 = arith.muli %mul3A_108, %scan3A_94 : i32
        %add3A_110 = arith.constant 1 : i32
        %add3A_111 = arith.addi %mul3A_109, %add3A_110 : i32
        %ge3A_112 = arith.constant 4 : i32
        %ge3A_113 = arith.cmpi sge, %add3A_111, %ge3A_112 : i32
        %convert_element_type3A_114 = arith.extui %ge3A_113 : i1 to i32
        %cond3A_115 = arith.constant 0 : i32
        %cond3A_116 = arith.cmpi ne, %convert_element_type3A_114, %cond3A_115 : i32
        scf.if %cond3A_116 {
          %sub3A = arith.constant 4 : i32
          %sub3A_151 = arith.subi %add3A_111, %sub3A : i32
          %dma_wait3A_152 = arith.constant 0 : i32
          %dma_wait3A_153 = tpu.memref_slice %arg5[%sub3A_151, %dma_wait3A_152] : memref<160x64xi32, #tpu.memory_space<vmem>> -> memref<1x64xi32, #tpu.memory_space<vmem>>
          %dma_wait3A_154 = tpu.memref_squeeze %dma_wait3A_153 : memref<1x64xi32, #tpu.memory_space<vmem>> -> memref<64xi32, #tpu.memory_space<vmem>>
          %dma_wait3A_155 = arith.constant 0 : i32
          %dma_wait3A_156 = tpu.memref_slice %arg8[%dma_wait3A_155] : memref<10240xf32, #tpu.memory_space<vmem_shared>> -> memref<10240xf32, #tpu.memory_space<vmem_shared>>
          tpu.wait_indirect_dma semaphore(%arg10 : memref<!tpu.dma_semaphore, #tpu.memory_space<semaphore_mem>>) src(%arg6 : memref<64xf32, #tpu.memory_space<vmem>>) dst(%dma_wait3A_156 : memref<10240xf32, #tpu.memory_space<vmem_shared>>)
        } else {
        }
        %dma_start3A_117 = arith.constant 0 : i32
        %dma_start3A_118 = tpu.memref_slice %arg5[%add3A_111, %dma_start3A_117] : memref<160x64xi32, #tpu.memory_space<vmem>> -> memref<1x64xi32, #tpu.memory_space<vmem>>
        %dma_start3A_119 = tpu.memref_squeeze %dma_start3A_118 : memref<1x64xi32, #tpu.memory_space<vmem>> -> memref<64xi32, #tpu.memory_space<vmem>>
        %dma_start3A_120 = arith.constant 0 : i32
        %dma_start3A_121 = tpu.memref_slice %arg8[%dma_start3A_120] : memref<10240xf32, #tpu.memory_space<vmem_shared>> -> memref<10240xf32, #tpu.memory_space<vmem_shared>>
        tpu.enqueue_indirect_dma source(%arg6 : memref<64xf32, #tpu.memory_space<vmem>>) target(%dma_start3A_121 : memref<10240xf32, #tpu.memory_space<vmem_shared>>) offsets(%dma_start3A_119 : memref<64xi32, #tpu.memory_space<vmem>>) semaphore(%arg10 : memref<!tpu.dma_semaphore, #tpu.memory_space<semaphore_mem>>) {add = true}
        %mul3A_122 = arith.constant 4 : i32
        %mul3A_123 = arith.muli %mul3A_122, %scan3A_94 : i32
        %add3A_124 = arith.constant 2 : i32
        %add3A_125 = arith.addi %mul3A_123, %add3A_124 : i32
        %ge3A_126 = arith.constant 4 : i32
        %ge3A_127 = arith.cmpi sge, %add3A_125, %ge3A_126 : i32
        %convert_element_type3A_128 = arith.extui %ge3A_127 : i1 to i32
        %cond3A_129 = arith.constant 0 : i32
        %cond3A_130 = arith.cmpi ne, %convert_element_type3A_128, %cond3A_129 : i32
        scf.if %cond3A_130 {
          %sub3A = arith.constant 4 : i32
          %sub3A_151 = arith.subi %add3A_125, %sub3A : i32
          %dma_wait3A_152 = arith.constant 0 : i32
          %dma_wait3A_153 = tpu.memref_slice %arg5[%sub3A_151, %dma_wait3A_152] : memref<160x64xi32, #tpu.memory_space<vmem>> -> memref<1x64xi32, #tpu.memory_space<vmem>>
          %dma_wait3A_154 = tpu.memref_squeeze %dma_wait3A_153 : memref<1x64xi32, #tpu.memory_space<vmem>> -> memref<64xi32, #tpu.memory_space<vmem>>
          %dma_wait3A_155 = arith.constant 0 : i32
          %dma_wait3A_156 = tpu.memref_slice %arg8[%dma_wait3A_155] : memref<10240xf32, #tpu.memory_space<vmem_shared>> -> memref<10240xf32, #tpu.memory_space<vmem_shared>>
          tpu.wait_indirect_dma semaphore(%arg11 : memref<!tpu.dma_semaphore, #tpu.memory_space<semaphore_mem>>) src(%arg6 : memref<64xf32, #tpu.memory_space<vmem>>) dst(%dma_wait3A_156 : memref<10240xf32, #tpu.memory_space<vmem_shared>>)
        } else {
        }
        %dma_start3A_131 = arith.constant 0 : i32
        %dma_start3A_132 = tpu.memref_slice %arg5[%add3A_125, %dma_start3A_131] : memref<160x64xi32, #tpu.memory_space<vmem>> -> memref<1x64xi32, #tpu.memory_space<vmem>>
        %dma_start3A_133 = tpu.memref_squeeze %dma_start3A_132 : memref<1x64xi32, #tpu.memory_space<vmem>> -> memref<64xi32, #tpu.memory_space<vmem>>
        %dma_start3A_134 = arith.constant 0 : i32
        %dma_start3A_135 = tpu.memref_slice %arg8[%dma_start3A_134] : memref<10240xf32, #tpu.memory_space<vmem_shared>> -> memref<10240xf32, #tpu.memory_space<vmem_shared>>
        tpu.enqueue_indirect_dma source(%arg6 : memref<64xf32, #tpu.memory_space<vmem>>) target(%dma_start3A_135 : memref<10240xf32, #tpu.memory_space<vmem_shared>>) offsets(%dma_start3A_133 : memref<64xi32, #tpu.memory_space<vmem>>) semaphore(%arg11 : memref<!tpu.dma_semaphore, #tpu.memory_space<semaphore_mem>>) {add = true}
        %mul3A_136 = arith.constant 4 : i32
        %mul3A_137 = arith.muli %mul3A_136, %scan3A_94 : i32
        %add3A_138 = arith.constant 3 : i32
        %add3A_139 = arith.addi %mul3A_137, %add3A_138 : i32
        %ge3A_140 = arith.constant 4 : i32
        %ge3A_141 = arith.cmpi sge, %add3A_139, %ge3A_140 : i32
        %convert_element_type3A_142 = arith.extui %ge3A_141 : i1 to i32
        %cond3A_143 = arith.constant 0 : i32
        %cond3A_144 = arith.cmpi ne, %convert_element_type3A_142, %cond3A_143 : i32
        scf.if %cond3A_144 {
          %sub3A = arith.constant 4 : i32
          %sub3A_151 = arith.subi %add3A_139, %sub3A : i32
          %dma_wait3A_152 = arith.constant 0 : i32
          %dma_wait3A_153 = tpu.memref_slice %arg5[%sub3A_151, %dma_wait3A_152] : memref<160x64xi32, #tpu.memory_space<vmem>> -> memref<1x64xi32, #tpu.memory_space<vmem>>
          %dma_wait3A_154 = tpu.memref_squeeze %dma_wait3A_153 : memref<1x64xi32, #tpu.memory_space<vmem>> -> memref<64xi32, #tpu.memory_space<vmem>>
          %dma_wait3A_155 = arith.constant 0 : i32
          %dma_wait3A_156 = tpu.memref_slice %arg8[%dma_wait3A_155] : memref<10240xf32, #tpu.memory_space<vmem_shared>> -> memref<10240xf32, #tpu.memory_space<vmem_shared>>
          tpu.wait_indirect_dma semaphore(%arg12 : memref<!tpu.dma_semaphore, #tpu.memory_space<semaphore_mem>>) src(%arg6 : memref<64xf32, #tpu.memory_space<vmem>>) dst(%dma_wait3A_156 : memref<10240xf32, #tpu.memory_space<vmem_shared>>)
        } else {
        }
        %dma_start3A_145 = arith.constant 0 : i32
        %dma_start3A_146 = tpu.memref_slice %arg5[%add3A_139, %dma_start3A_145] : memref<160x64xi32, #tpu.memory_space<vmem>> -> memref<1x64xi32, #tpu.memory_space<vmem>>
        %dma_start3A_147 = tpu.memref_squeeze %dma_start3A_146 : memref<1x64xi32, #tpu.memory_space<vmem>> -> memref<64xi32, #tpu.memory_space<vmem>>
        %dma_start3A_148 = arith.constant 0 : i32
        %dma_start3A_149 = tpu.memref_slice %arg8[%dma_start3A_148] : memref<10240xf32, #tpu.memory_space<vmem_shared>> -> memref<10240xf32, #tpu.memory_space<vmem_shared>>
        tpu.enqueue_indirect_dma source(%arg6 : memref<64xf32, #tpu.memory_space<vmem>>) target(%dma_start3A_149 : memref<10240xf32, #tpu.memory_space<vmem_shared>>) offsets(%dma_start3A_147 : memref<64xi32, #tpu.memory_space<vmem>>) semaphore(%arg12 : memref<!tpu.dma_semaphore, #tpu.memory_space<semaphore_mem>>) {add = true}
        %scan3A_150 = arith.constant 0 : i32
        scf.yield %scan3A_150 : i32
      }
      %scan3A_35 = arith.constant 40 : i32
      %dma_wait3A = arith.constant 156 : i32
      %dma_wait3A_36 = arith.constant 0 : i32
      %dma_wait3A_37 = tpu.memref_slice %arg5[%dma_wait3A, %dma_wait3A_36] : memref<160x64xi32, #tpu.memory_space<vmem>> -> memref<1x64xi32, #tpu.memory_space<vmem>>
      %dma_wait3A_38 = tpu.memref_squeeze %dma_wait3A_37 : memref<1x64xi32, #tpu.memory_space<vmem>> -> memref<64xi32, #tpu.memory_space<vmem>>
      %dma_wait3A_39 = arith.constant 0 : i32
      %dma_wait3A_40 = tpu.memref_slice %arg8[%dma_wait3A_39] : memref<10240xf32, #tpu.memory_space<vmem_shared>> -> memref<10240xf32, #tpu.memory_space<vmem_shared>>
      tpu.wait_indirect_dma semaphore(%arg9 : memref<!tpu.dma_semaphore, #tpu.memory_space<semaphore_mem>>) src(%arg6 : memref<64xf32, #tpu.memory_space<vmem>>) dst(%dma_wait3A_40 : memref<10240xf32, #tpu.memory_space<vmem_shared>>)
      %dma_wait3A_41 = arith.constant 157 : i32
      %dma_wait3A_42 = arith.constant 0 : i32
      %dma_wait3A_43 = tpu.memref_slice %arg5[%dma_wait3A_41, %dma_wait3A_42] : memref<160x64xi32, #tpu.memory_space<vmem>> -> memref<1x64xi32, #tpu.memory_space<vmem>>
      %dma_wait3A_44 = tpu.memref_squeeze %dma_wait3A_43 : memref<1x64xi32, #tpu.memory_space<vmem>> -> memref<64xi32, #tpu.memory_space<vmem>>
      %dma_wait3A_45 = arith.constant 0 : i32
      %dma_wait3A_46 = tpu.memref_slice %arg8[%dma_wait3A_45] : memref<10240xf32, #tpu.memory_space<vmem_shared>> -> memref<10240xf32, #tpu.memory_space<vmem_shared>>
      tpu.wait_indirect_dma semaphore(%arg10 : memref<!tpu.dma_semaphore, #tpu.memory_space<semaphore_mem>>) src(%arg6 : memref<64xf32, #tpu.memory_space<vmem>>) dst(%dma_wait3A_46 : memref<10240xf32, #tpu.memory_space<vmem_shared>>)
      %dma_wait3A_47 = arith.constant 158 : i32
      %dma_wait3A_48 = arith.constant 0 : i32
      %dma_wait3A_49 = tpu.memref_slice %arg5[%dma_wait3A_47, %dma_wait3A_48] : memref<160x64xi32, #tpu.memory_space<vmem>> -> memref<1x64xi32, #tpu.memory_space<vmem>>
      %dma_wait3A_50 = tpu.memref_squeeze %dma_wait3A_49 : memref<1x64xi32, #tpu.memory_space<vmem>> -> memref<64xi32, #tpu.memory_space<vmem>>
      %dma_wait3A_51 = arith.constant 0 : i32
      %dma_wait3A_52 = tpu.memref_slice %arg8[%dma_wait3A_51] : memref<10240xf32, #tpu.memory_space<vmem_shared>> -> memref<10240xf32, #tpu.memory_space<vmem_shared>>
      tpu.wait_indirect_dma semaphore(%arg11 : memref<!tpu.dma_semaphore, #tpu.memory_space<semaphore_mem>>) src(%arg6 : memref<64xf32, #tpu.memory_space<vmem>>) dst(%dma_wait3A_52 : memref<10240xf32, #tpu.memory_space<vmem_shared>>)
      %dma_wait3A_53 = arith.constant 159 : i32
      %dma_wait3A_54 = arith.constant 0 : i32
      %dma_wait3A_55 = tpu.memref_slice %arg5[%dma_wait3A_53, %dma_wait3A_54] : memref<160x64xi32, #tpu.memory_space<vmem>> -> memref<1x64xi32, #tpu.memory_space<vmem>>
      %dma_wait3A_56 = tpu.memref_squeeze %dma_wait3A_55 : memref<1x64xi32, #tpu.memory_space<vmem>> -> memref<64xi32, #tpu.memory_space<vmem>>
      %dma_wait3A_57 = arith.constant 0 : i32
      %dma_wait3A_58 = tpu.memref_slice %arg8[%dma_wait3A_57] : memref<10240xf32, #tpu.memory_space<vmem_shared>> -> memref<10240xf32, #tpu.memory_space<vmem_shared>>
      tpu.wait_indirect_dma semaphore(%arg12 : memref<!tpu.dma_semaphore, #tpu.memory_space<semaphore_mem>>) src(%arg6 : memref<64xf32, #tpu.memory_space<vmem>>) dst(%dma_wait3A_58 : memref<10240xf32, #tpu.memory_space<vmem_shared>>)
      %mul3A_59 = arith.constant 320 : i32
      %mul3A_60 = arith.muli %arg1, %mul3A_59 : i32
      %add3A_61 = arith.constant 160 : i32
      %add3A_62 = arith.addi %mul3A_60, %add3A_61 : i32
      "tpu.region"() ({
        %run_scoped3A = tpu.sem_alloc : memref<!tpu.dma_semaphore, #tpu.memory_space<semaphore_mem>>
        %dma_start3A = arith.constant 0 : i32
        %dma_start3A_94 = tpu.memref_slice %arg3[%add3A_62, %dma_start3A] : memref<5120x64xi32, #tpu.memory_space<hbm>> -> memref<160x64xi32, #tpu.memory_space<hbm>>
        %dma_start3A_95 = arith.constant 0 : i32
        %dma_start3A_96 = tpu.memref_slice %arg3[%add3A_62, %dma_start3A_95] : memref<5120x64xi32, #tpu.memory_space<hbm>> -> memref<160x64xi32, #tpu.memory_space<hbm>>
        tpu.enqueue_dma source(%dma_start3A_96 : memref<160x64xi32, #tpu.memory_space<hbm>>) target(%arg5 : memref<160x64xi32, #tpu.memory_space<vmem>>) target_semaphore(%run_scoped3A : memref<!tpu.dma_semaphore, #tpu.memory_space<semaphore_mem>>)
        %dma_wait3A_97 = arith.constant 0 : i32
        %dma_wait3A_98 = tpu.memref_slice %arg3[%add3A_62, %dma_wait3A_97] : memref<5120x64xi32, #tpu.memory_space<hbm>> -> memref<160x64xi32, #tpu.memory_space<hbm>>
        %dma_wait3A_99 = arith.constant 0 : i32
        %dma_wait3A_100 = tpu.memref_slice %arg3[%add3A_62, %dma_wait3A_99] : memref<5120x64xi32, #tpu.memory_space<hbm>> -> memref<160x64xi32, #tpu.memory_space<hbm>>
        tpu.wait_dma2 semaphore(%run_scoped3A : memref<!tpu.dma_semaphore, #tpu.memory_space<semaphore_mem>>) src(%dma_wait3A_100 : memref<160x64xi32, #tpu.memory_space<hbm>>) dst(%arg5 : memref<160x64xi32, #tpu.memory_space<vmem>>)
        tpu.yield
      }) : () -> ()
      %scan3A_63 = arith.constant 0 : i32
      %scan3A_64 = arith.constant 0 : i32
      %scan3A_65 = arith.constant 40 : i32
      %scan3A_66 = arith.addi %scan3A_64, %scan3A_65 : i32
      %scan3A_67 = arith.constant 1 : i32
      %scan3A_68 = scf.for %scan3A_94 = %scan3A_64 to %scan3A_66 step %scan3A_67 iter_args(%scan3A_95 = %scan3A_63) -> (i32)  : i32 {
        %mul3A_96 = arith.constant 4 : i32
        %mul3A_97 = arith.muli %mul3A_96, %scan3A_94 : i32
        %add3A_98 = arith.constant 0 : i32
        %add3A_99 = arith.addi %mul3A_97, %add3A_98 : i32
        %ge3A = arith.constant 4 : i32
        %ge3A_100 = arith.cmpi sge, %add3A_99, %ge3A : i32
        %convert_element_type3A_101 = arith.extui %ge3A_100 : i1 to i32
        %cond3A_102 = arith.constant 0 : i32
        %cond3A_103 = arith.cmpi ne, %convert_element_type3A_101, %cond3A_102 : i32
        scf.if %cond3A_103 {
          %sub3A = arith.constant 4 : i32
          %sub3A_151 = arith.subi %add3A_99, %sub3A : i32
          %dma_wait3A_152 = arith.constant 0 : i32
          %dma_wait3A_153 = tpu.memref_slice %arg5[%sub3A_151, %dma_wait3A_152] : memref<160x64xi32, #tpu.memory_space<vmem>> -> memref<1x64xi32, #tpu.memory_space<vmem>>
          %dma_wait3A_154 = tpu.memref_squeeze %dma_wait3A_153 : memref<1x64xi32, #tpu.memory_space<vmem>> -> memref<64xi32, #tpu.memory_space<vmem>>
          %dma_wait3A_155 = arith.constant 0 : i32
          %dma_wait3A_156 = tpu.memref_slice %arg8[%dma_wait3A_155] : memref<10240xf32, #tpu.memory_space<vmem_shared>> -> memref<10240xf32, #tpu.memory_space<vmem_shared>>
          tpu.wait_indirect_dma semaphore(%arg9 : memref<!tpu.dma_semaphore, #tpu.memory_space<semaphore_mem>>) src(%arg6 : memref<64xf32, #tpu.memory_space<vmem>>) dst(%dma_wait3A_156 : memref<10240xf32, #tpu.memory_space<vmem_shared>>)
        } else {
        }
        %dma_start3A = arith.constant 0 : i32
        %dma_start3A_104 = tpu.memref_slice %arg5[%add3A_99, %dma_start3A] : memref<160x64xi32, #tpu.memory_space<vmem>> -> memref<1x64xi32, #tpu.memory_space<vmem>>
        %dma_start3A_105 = tpu.memref_squeeze %dma_start3A_104 : memref<1x64xi32, #tpu.memory_space<vmem>> -> memref<64xi32, #tpu.memory_space<vmem>>
        %dma_start3A_106 = arith.constant 0 : i32
        %dma_start3A_107 = tpu.memref_slice %arg8[%dma_start3A_106] : memref<10240xf32, #tpu.memory_space<vmem_shared>> -> memref<10240xf32, #tpu.memory_space<vmem_shared>>
        tpu.enqueue_indirect_dma source(%arg6 : memref<64xf32, #tpu.memory_space<vmem>>) target(%dma_start3A_107 : memref<10240xf32, #tpu.memory_space<vmem_shared>>) offsets(%dma_start3A_105 : memref<64xi32, #tpu.memory_space<vmem>>) semaphore(%arg9 : memref<!tpu.dma_semaphore, #tpu.memory_space<semaphore_mem>>) {add = true}
        %mul3A_108 = arith.constant 4 : i32
        %mul3A_109 = arith.muli %mul3A_108, %scan3A_94 : i32
        %add3A_110 = arith.constant 1 : i32
        %add3A_111 = arith.addi %mul3A_109, %add3A_110 : i32
        %ge3A_112 = arith.constant 4 : i32
        %ge3A_113 = arith.cmpi sge, %add3A_111, %ge3A_112 : i32
        %convert_element_type3A_114 = arith.extui %ge3A_113 : i1 to i32
        %cond3A_115 = arith.constant 0 : i32
        %cond3A_116 = arith.cmpi ne, %convert_element_type3A_114, %cond3A_115 : i32
        scf.if %cond3A_116 {
          %sub3A = arith.constant 4 : i32
          %sub3A_151 = arith.subi %add3A_111, %sub3A : i32
          %dma_wait3A_152 = arith.constant 0 : i32
          %dma_wait3A_153 = tpu.memref_slice %arg5[%sub3A_151, %dma_wait3A_152] : memref<160x64xi32, #tpu.memory_space<vmem>> -> memref<1x64xi32, #tpu.memory_space<vmem>>
          %dma_wait3A_154 = tpu.memref_squeeze %dma_wait3A_153 : memref<1x64xi32, #tpu.memory_space<vmem>> -> memref<64xi32, #tpu.memory_space<vmem>>
          %dma_wait3A_155 = arith.constant 0 : i32
          %dma_wait3A_156 = tpu.memref_slice %arg8[%dma_wait3A_155] : memref<10240xf32, #tpu.memory_space<vmem_shared>> -> memref<10240xf32, #tpu.memory_space<vmem_shared>>
          tpu.wait_indirect_dma semaphore(%arg10 : memref<!tpu.dma_semaphore, #tpu.memory_space<semaphore_mem>>) src(%arg6 : memref<64xf32, #tpu.memory_space<vmem>>) dst(%dma_wait3A_156 : memref<10240xf32, #tpu.memory_space<vmem_shared>>)
        } else {
        }
        %dma_start3A_117 = arith.constant 0 : i32
        %dma_start3A_118 = tpu.memref_slice %arg5[%add3A_111, %dma_start3A_117] : memref<160x64xi32, #tpu.memory_space<vmem>> -> memref<1x64xi32, #tpu.memory_space<vmem>>
        %dma_start3A_119 = tpu.memref_squeeze %dma_start3A_118 : memref<1x64xi32, #tpu.memory_space<vmem>> -> memref<64xi32, #tpu.memory_space<vmem>>
        %dma_start3A_120 = arith.constant 0 : i32
        %dma_start3A_121 = tpu.memref_slice %arg8[%dma_start3A_120] : memref<10240xf32, #tpu.memory_space<vmem_shared>> -> memref<10240xf32, #tpu.memory_space<vmem_shared>>
        tpu.enqueue_indirect_dma source(%arg6 : memref<64xf32, #tpu.memory_space<vmem>>) target(%dma_start3A_121 : memref<10240xf32, #tpu.memory_space<vmem_shared>>) offsets(%dma_start3A_119 : memref<64xi32, #tpu.memory_space<vmem>>) semaphore(%arg10 : memref<!tpu.dma_semaphore, #tpu.memory_space<semaphore_mem>>) {add = true}
        %mul3A_122 = arith.constant 4 : i32
        %mul3A_123 = arith.muli %mul3A_122, %scan3A_94 : i32
        %add3A_124 = arith.constant 2 : i32
        %add3A_125 = arith.addi %mul3A_123, %add3A_124 : i32
        %ge3A_126 = arith.constant 4 : i32
        %ge3A_127 = arith.cmpi sge, %add3A_125, %ge3A_126 : i32
        %convert_element_type3A_128 = arith.extui %ge3A_127 : i1 to i32
        %cond3A_129 = arith.constant 0 : i32
        %cond3A_130 = arith.cmpi ne, %convert_element_type3A_128, %cond3A_129 : i32
        scf.if %cond3A_130 {
          %sub3A = arith.constant 4 : i32
          %sub3A_151 = arith.subi %add3A_125, %sub3A : i32
          %dma_wait3A_152 = arith.constant 0 : i32
          %dma_wait3A_153 = tpu.memref_slice %arg5[%sub3A_151, %dma_wait3A_152] : memref<160x64xi32, #tpu.memory_space<vmem>> -> memref<1x64xi32, #tpu.memory_space<vmem>>
          %dma_wait3A_154 = tpu.memref_squeeze %dma_wait3A_153 : memref<1x64xi32, #tpu.memory_space<vmem>> -> memref<64xi32, #tpu.memory_space<vmem>>
          %dma_wait3A_155 = arith.constant 0 : i32
          %dma_wait3A_156 = tpu.memref_slice %arg8[%dma_wait3A_155] : memref<10240xf32, #tpu.memory_space<vmem_shared>> -> memref<10240xf32, #tpu.memory_space<vmem_shared>>
          tpu.wait_indirect_dma semaphore(%arg11 : memref<!tpu.dma_semaphore, #tpu.memory_space<semaphore_mem>>) src(%arg6 : memref<64xf32, #tpu.memory_space<vmem>>) dst(%dma_wait3A_156 : memref<10240xf32, #tpu.memory_space<vmem_shared>>)
        } else {
        }
        %dma_start3A_131 = arith.constant 0 : i32
        %dma_start3A_132 = tpu.memref_slice %arg5[%add3A_125, %dma_start3A_131] : memref<160x64xi32, #tpu.memory_space<vmem>> -> memref<1x64xi32, #tpu.memory_space<vmem>>
        %dma_start3A_133 = tpu.memref_squeeze %dma_start3A_132 : memref<1x64xi32, #tpu.memory_space<vmem>> -> memref<64xi32, #tpu.memory_space<vmem>>
        %dma_start3A_134 = arith.constant 0 : i32
        %dma_start3A_135 = tpu.memref_slice %arg8[%dma_start3A_134] : memref<10240xf32, #tpu.memory_space<vmem_shared>> -> memref<10240xf32, #tpu.memory_space<vmem_shared>>
        tpu.enqueue_indirect_dma source(%arg6 : memref<64xf32, #tpu.memory_space<vmem>>) target(%dma_start3A_135 : memref<10240xf32, #tpu.memory_space<vmem_shared>>) offsets(%dma_start3A_133 : memref<64xi32, #tpu.memory_space<vmem>>) semaphore(%arg11 : memref<!tpu.dma_semaphore, #tpu.memory_space<semaphore_mem>>) {add = true}
        %mul3A_136 = arith.constant 4 : i32
        %mul3A_137 = arith.muli %mul3A_136, %scan3A_94 : i32
        %add3A_138 = arith.constant 3 : i32
        %add3A_139 = arith.addi %mul3A_137, %add3A_138 : i32
        %ge3A_140 = arith.constant 4 : i32
        %ge3A_141 = arith.cmpi sge, %add3A_139, %ge3A_140 : i32
        %convert_element_type3A_142 = arith.extui %ge3A_141 : i1 to i32
        %cond3A_143 = arith.constant 0 : i32
        %cond3A_144 = arith.cmpi ne, %convert_element_type3A_142, %cond3A_143 : i32
        scf.if %cond3A_144 {
          %sub3A = arith.constant 4 : i32
          %sub3A_151 = arith.subi %add3A_139, %sub3A : i32
          %dma_wait3A_152 = arith.constant 0 : i32
          %dma_wait3A_153 = tpu.memref_slice %arg5[%sub3A_151, %dma_wait3A_152] : memref<160x64xi32, #tpu.memory_space<vmem>> -> memref<1x64xi32, #tpu.memory_space<vmem>>
          %dma_wait3A_154 = tpu.memref_squeeze %dma_wait3A_153 : memref<1x64xi32, #tpu.memory_space<vmem>> -> memref<64xi32, #tpu.memory_space<vmem>>
          %dma_wait3A_155 = arith.constant 0 : i32
          %dma_wait3A_156 = tpu.memref_slice %arg8[%dma_wait3A_155] : memref<10240xf32, #tpu.memory_space<vmem_shared>> -> memref<10240xf32, #tpu.memory_space<vmem_shared>>
          tpu.wait_indirect_dma semaphore(%arg12 : memref<!tpu.dma_semaphore, #tpu.memory_space<semaphore_mem>>) src(%arg6 : memref<64xf32, #tpu.memory_space<vmem>>) dst(%dma_wait3A_156 : memref<10240xf32, #tpu.memory_space<vmem_shared>>)
        } else {
        }
        %dma_start3A_145 = arith.constant 0 : i32
        %dma_start3A_146 = tpu.memref_slice %arg5[%add3A_139, %dma_start3A_145] : memref<160x64xi32, #tpu.memory_space<vmem>> -> memref<1x64xi32, #tpu.memory_space<vmem>>
        %dma_start3A_147 = tpu.memref_squeeze %dma_start3A_146 : memref<1x64xi32, #tpu.memory_space<vmem>> -> memref<64xi32, #tpu.memory_space<vmem>>
        %dma_start3A_148 = arith.constant 0 : i32
        %dma_start3A_149 = tpu.memref_slice %arg8[%dma_start3A_148] : memref<10240xf32, #tpu.memory_space<vmem_shared>> -> memref<10240xf32, #tpu.memory_space<vmem_shared>>
        tpu.enqueue_indirect_dma source(%arg6 : memref<64xf32, #tpu.memory_space<vmem>>) target(%dma_start3A_149 : memref<10240xf32, #tpu.memory_space<vmem_shared>>) offsets(%dma_start3A_147 : memref<64xi32, #tpu.memory_space<vmem>>) semaphore(%arg12 : memref<!tpu.dma_semaphore, #tpu.memory_space<semaphore_mem>>) {add = true}
        %scan3A_150 = arith.constant 0 : i32
        scf.yield %scan3A_150 : i32
      }
      %scan3A_69 = arith.constant 40 : i32
      %dma_wait3A_70 = arith.constant 156 : i32
      %dma_wait3A_71 = arith.constant 0 : i32
      %dma_wait3A_72 = tpu.memref_slice %arg5[%dma_wait3A_70, %dma_wait3A_71] : memref<160x64xi32, #tpu.memory_space<vmem>> -> memref<1x64xi32, #tpu.memory_space<vmem>>
      %dma_wait3A_73 = tpu.memref_squeeze %dma_wait3A_72 : memref<1x64xi32, #tpu.memory_space<vmem>> -> memref<64xi32, #tpu.memory_space<vmem>>
      %dma_wait3A_74 = arith.constant 0 : i32
      %dma_wait3A_75 = tpu.memref_slice %arg8[%dma_wait3A_74] : memref<10240xf32, #tpu.memory_space<vmem_shared>> -> memref<10240xf32, #tpu.memory_space<vmem_shared>>
      tpu.wait_indirect_dma semaphore(%arg9 : memref<!tpu.dma_semaphore, #tpu.memory_space<semaphore_mem>>) src(%arg6 : memref<64xf32, #tpu.memory_space<vmem>>) dst(%dma_wait3A_75 : memref<10240xf32, #tpu.memory_space<vmem_shared>>)
      %dma_wait3A_76 = arith.constant 157 : i32
      %dma_wait3A_77 = arith.constant 0 : i32
      %dma_wait3A_78 = tpu.memref_slice %arg5[%dma_wait3A_76, %dma_wait3A_77] : memref<160x64xi32, #tpu.memory_space<vmem>> -> memref<1x64xi32, #tpu.memory_space<vmem>>
      %dma_wait3A_79 = tpu.memref_squeeze %dma_wait3A_78 : memref<1x64xi32, #tpu.memory_space<vmem>> -> memref<64xi32, #tpu.memory_space<vmem>>
      %dma_wait3A_80 = arith.constant 0 : i32
      %dma_wait3A_81 = tpu.memref_slice %arg8[%dma_wait3A_80] : memref<10240xf32, #tpu.memory_space<vmem_shared>> -> memref<10240xf32, #tpu.memory_space<vmem_shared>>
      tpu.wait_indirect_dma semaphore(%arg10 : memref<!tpu.dma_semaphore, #tpu.memory_space<semaphore_mem>>) src(%arg6 : memref<64xf32, #tpu.memory_space<vmem>>) dst(%dma_wait3A_81 : memref<10240xf32, #tpu.memory_space<vmem_shared>>)
      %dma_wait3A_82 = arith.constant 158 : i32
      %dma_wait3A_83 = arith.constant 0 : i32
      %dma_wait3A_84 = tpu.memref_slice %arg5[%dma_wait3A_82, %dma_wait3A_83] : memref<160x64xi32, #tpu.memory_space<vmem>> -> memref<1x64xi32, #tpu.memory_space<vmem>>
      %dma_wait3A_85 = tpu.memref_squeeze %dma_wait3A_84 : memref<1x64xi32, #tpu.memory_space<vmem>> -> memref<64xi32, #tpu.memory_space<vmem>>
      %dma_wait3A_86 = arith.constant 0 : i32
      %dma_wait3A_87 = tpu.memref_slice %arg8[%dma_wait3A_86] : memref<10240xf32, #tpu.memory_space<vmem_shared>> -> memref<10240xf32, #tpu.memory_space<vmem_shared>>
      tpu.wait_indirect_dma semaphore(%arg11 : memref<!tpu.dma_semaphore, #tpu.memory_space<semaphore_mem>>) src(%arg6 : memref<64xf32, #tpu.memory_space<vmem>>) dst(%dma_wait3A_87 : memref<10240xf32, #tpu.memory_space<vmem_shared>>)
      %dma_wait3A_88 = arith.constant 159 : i32
      %dma_wait3A_89 = arith.constant 0 : i32
      %dma_wait3A_90 = tpu.memref_slice %arg5[%dma_wait3A_88, %dma_wait3A_89] : memref<160x64xi32, #tpu.memory_space<vmem>> -> memref<1x64xi32, #tpu.memory_space<vmem>>
      %dma_wait3A_91 = tpu.memref_squeeze %dma_wait3A_90 : memref<1x64xi32, #tpu.memory_space<vmem>> -> memref<64xi32, #tpu.memory_space<vmem>>
      %dma_wait3A_92 = arith.constant 0 : i32
      %dma_wait3A_93 = tpu.memref_slice %arg8[%dma_wait3A_92] : memref<10240xf32, #tpu.memory_space<vmem_shared>> -> memref<10240xf32, #tpu.memory_space<vmem_shared>>
      tpu.wait_indirect_dma semaphore(%arg12 : memref<!tpu.dma_semaphore, #tpu.memory_space<semaphore_mem>>) src(%arg6 : memref<64xf32, #tpu.memory_space<vmem>>) dst(%dma_wait3A_93 : memref<10240xf32, #tpu.memory_space<vmem_shared>>)
    } else {
    }
    %barrier3A_21 = arith.constant 0 : index
    tpu.barrier barrier_id(%barrier3A_21)
    %mul3A_22 = arith.constant 640 : i32
    %mul3A_23 = arith.muli %arg1, %mul3A_22 : i32
    %mul3A_24 = arith.constant 640 : i32
    %mul3A_25 = arith.muli %arg1, %mul3A_24 : i32
    "tpu.region"() ({
      %run_scoped3A = tpu.sem_alloc : memref<!tpu.dma_semaphore, #tpu.memory_space<semaphore_mem>>
      %dma_start3A = tpu.memref_slice %arg4[%arg0, %mul3A_25] : memref<2x10240xf32, #tpu.memory_space<hbm>> -> memref<1x640xf32, #tpu.memory_space<hbm>>
      %dma_start3A_26 = tpu.memref_squeeze %dma_start3A : memref<1x640xf32, #tpu.memory_space<hbm>> -> memref<640xf32, #tpu.memory_space<hbm>>
      %dma_start3A_27 = tpu.memref_slice %arg8[%mul3A_23] : memref<10240xf32, #tpu.memory_space<vmem_shared>> -> memref<640xf32, #tpu.memory_space<vmem_shared>>
      tpu.enqueue_dma source(%dma_start3A_27 : memref<640xf32, #tpu.memory_space<vmem_shared>>) target(%dma_start3A_26 : memref<640xf32, #tpu.memory_space<hbm>>) target_semaphore(%run_scoped3A : memref<!tpu.dma_semaphore, #tpu.memory_space<semaphore_mem>>)
      %dma_wait3A = tpu.memref_slice %arg4[%arg0, %mul3A_25] : memref<2x10240xf32, #tpu.memory_space<hbm>> -> memref<1x640xf32, #tpu.memory_space<hbm>>
      %dma_wait3A_28 = tpu.memref_squeeze %dma_wait3A : memref<1x640xf32, #tpu.memory_space<hbm>> -> memref<640xf32, #tpu.memory_space<hbm>>
      %dma_wait3A_29 = tpu.memref_slice %arg8[%mul3A_23] : memref<10240xf32, #tpu.memory_space<vmem_shared>> -> memref<640xf32, #tpu.memory_space<vmem_shared>>
      tpu.wait_dma2 semaphore(%run_scoped3A : memref<!tpu.dma_semaphore, #tpu.memory_space<semaphore_mem>>) src(%dma_wait3A_29 : memref<640xf32, #tpu.memory_space<vmem_shared>>) dst(%dma_wait3A_28 : memref<640xf32, #tpu.memory_space<hbm>>)
      tpu.yield
    }) : () -> ()
    return
  }
}

#map = affine_map<(d0, d1) -> (0, 0)>
#map1 = affine_map<(d0, d1) -> (0, 0, 0)>
module attributes {stable_mosaic.version = 14 : i64} {
  func.func @_edge_kernel(%arg0: i32, %arg1: i32, %arg2: memref<10000x128xf32, #tpu.memory_space<hbm>>, %arg3: memref<5120x64xi32, #tpu.memory_space<hbm>>, %arg4: memref<5120x64xi32, #tpu.memory_space<hbm>>, %arg5: memref<2x10240x128xf32, #tpu.memory_space<hbm>>, %arg6: memref<40x64xi32, #tpu.memory_space<vmem>>, %arg7: memref<40x64xi32, #tpu.memory_space<vmem>>, %arg8: memref<64x128xf32, #tpu.memory_space<vmem>>, %arg9: memref<64x128xf32, #tpu.memory_space<vmem>>, %arg10: memref<64x128xf32, #tpu.memory_space<vmem>>, %arg11: memref<64x128xf32, #tpu.memory_space<vmem>>, %arg12: memref<16x128xf32, #tpu.memory_space<vmem>>, %arg13: memref<10240x128xf32, #tpu.memory_space<vmem_shared>>, %arg14: memref<!tpu.dma_semaphore, #tpu.memory_space<semaphore_mem>>, %arg15: memref<!tpu.dma_semaphore, #tpu.memory_space<semaphore_mem>>, %arg16: memref<!tpu.dma_semaphore, #tpu.memory_space<semaphore_mem>>, %arg17: memref<!tpu.dma_semaphore, #tpu.memory_space<semaphore_mem>>, %arg18: memref<!tpu.dma_semaphore, #tpu.memory_space<semaphore_mem>>, %arg19: memref<!tpu.dma_semaphore, #tpu.memory_space<semaphore_mem>>, %arg20: memref<!tpu.dma_semaphore, #tpu.memory_space<semaphore_mem>>, %arg21: memref<!tpu.dma_semaphore, #tpu.memory_space<semaphore_mem>>) attributes {dimension_semantics = [#tpu.dimension_semantics<core_parallel>, #tpu.dimension_semantics<subcore_parallel>], iteration_bounds = array<i64: 2, 16>, scalar_prefetch = 0 : i64, scratch_operands = 16 : i64, tpu.core_type = #tpu.core_type<sc_vector_subcore>, window_params = [{transform_indices = #map}, {transform_indices = #map}, {transform_indices = #map}, {transform_indices = #map1}]} {
    %mul3A = arith.constant 2 : i32
    %mul3A_0 = arith.muli %arg1, %mul3A : i32
    %add3A = arith.addi %mul3A_0, %arg0 : i32
    %mul3A_1 = arith.constant 160 : i32
    %mul3A_2 = arith.muli %add3A, %mul3A_1 : i32
    %scan3A = arith.constant 0 : i32
    %scan3A_3 = arith.constant 0 : i32
    %scan3A_4 = arith.constant 16 : i32
    %scan3A_5 = arith.addi %scan3A_3, %scan3A_4 : i32
    %scan3A_6 = arith.constant 1 : i32
    %scan3A_7 = scf.for %scan3A_219 = %scan3A_3 to %scan3A_5 step %scan3A_6 iter_args(%scan3A_220 = %scan3A) -> (i32)  : i32 {
      %broadcast_in_dim3A = arith.constant 0.000000e+00 : f32
      %broadcast_in_dim3A_221 = vector.broadcast %broadcast_in_dim3A : f32 to vector<16xf32>
      %swap3A = arith.index_cast %scan3A_219 : i32 to index
      %swap3A_222 = arith.constant 0 : index
      %swap3A_223 = tpu.vector_load %arg12[%swap3A, %swap3A_222] {strides = array<i32>} : memref<16x128xf32, #tpu.memory_space<vmem>>, vector<1x16xf32>,
      %swap3A_224 = vector.shape_cast %swap3A_223 : vector<1x16xf32> to vector<16xf32>
      %swap3A_225 = vector.shape_cast %broadcast_in_dim3A_221 : vector<16xf32> to vector<1x16xf32>
      tpu.vector_store %arg12[%swap3A, %swap3A_222], %swap3A_225 {strides = array<i32>} : memref<16x128xf32, #tpu.memory_space<vmem>>, vector<1x16xf32>,
      %broadcast_in_dim3A_226 = arith.constant 0.000000e+00 : f32
      %broadcast_in_dim3A_227 = vector.broadcast %broadcast_in_dim3A_226 : f32 to vector<16xf32>
      %swap3A_228 = arith.index_cast %scan3A_219 : i32 to index
      %swap3A_229 = arith.constant 16 : index
      %swap3A_230 = tpu.vector_load %arg12[%swap3A_228, %swap3A_229] {strides = array<i32>} : memref<16x128xf32, #tpu.memory_space<vmem>>, vector<1x16xf32>,
      %swap3A_231 = vector.shape_cast %swap3A_230 : vector<1x16xf32> to vector<16xf32>
      %swap3A_232 = vector.shape_cast %broadcast_in_dim3A_227 : vector<16xf32> to vector<1x16xf32>
      tpu.vector_store %arg12[%swap3A_228, %swap3A_229], %swap3A_232 {strides = array<i32>} : memref<16x128xf32, #tpu.memory_space<vmem>>, vector<1x16xf32>,
      %broadcast_in_dim3A_233 = arith.constant 0.000000e+00 : f32
      %broadcast_in_dim3A_234 = vector.broadcast %broadcast_in_dim3A_233 : f32 to vector<16xf32>
      %swap3A_235 = arith.index_cast %scan3A_219 : i32 to index
      %swap3A_236 = arith.constant 32 : index
      %swap3A_237 = tpu.vector_load %arg12[%swap3A_235, %swap3A_236] {strides = array<i32>} : memref<16x128xf32, #tpu.memory_space<vmem>>, vector<1x16xf32>,
      %swap3A_238 = vector.shape_cast %swap3A_237 : vector<1x16xf32> to vector<16xf32>
      %swap3A_239 = vector.shape_cast %broadcast_in_dim3A_234 : vector<16xf32> to vector<1x16xf32>
      tpu.vector_store %arg12[%swap3A_235, %swap3A_236], %swap3A_239 {strides = array<i32>} : memref<16x128xf32, #tpu.memory_space<vmem>>, vector<1x16xf32>,
      %broadcast_in_dim3A_240 = arith.constant 0.000000e+00 : f32
      %broadcast_in_dim3A_241 = vector.broadcast %broadcast_in_dim3A_240 : f32 to vector<16xf32>
      %swap3A_242 = arith.index_cast %scan3A_219 : i32 to index
      %swap3A_243 = arith.constant 48 : index
      %swap3A_244 = tpu.vector_load %arg12[%swap3A_242, %swap3A_243] {strides = array<i32>} : memref<16x128xf32, #tpu.memory_space<vmem>>, vector<1x16xf32>,
      %swap3A_245 = vector.shape_cast %swap3A_244 : vector<1x16xf32> to vector<16xf32>
      %swap3A_246 = vector.shape_cast %broadcast_in_dim3A_241 : vector<16xf32> to vector<1x16xf32>
      tpu.vector_store %arg12[%swap3A_242, %swap3A_243], %swap3A_246 {strides = array<i32>} : memref<16x128xf32, #tpu.memory_space<vmem>>, vector<1x16xf32>,
      %broadcast_in_dim3A_247 = arith.constant 0.000000e+00 : f32
      %broadcast_in_dim3A_248 = vector.broadcast %broadcast_in_dim3A_247 : f32 to vector<16xf32>
      %swap3A_249 = arith.index_cast %scan3A_219 : i32 to index
      %swap3A_250 = arith.constant 64 : index
      %swap3A_251 = tpu.vector_load %arg12[%swap3A_249, %swap3A_250] {strides = array<i32>} : memref<16x128xf32, #tpu.memory_space<vmem>>, vector<1x16xf32>,
      %swap3A_252 = vector.shape_cast %swap3A_251 : vector<1x16xf32> to vector<16xf32>
      %swap3A_253 = vector.shape_cast %broadcast_in_dim3A_248 : vector<16xf32> to vector<1x16xf32>
      tpu.vector_store %arg12[%swap3A_249, %swap3A_250], %swap3A_253 {strides = array<i32>} : memref<16x128xf32, #tpu.memory_space<vmem>>, vector<1x16xf32>,
      %broadcast_in_dim3A_254 = arith.constant 0.000000e+00 : f32
      %broadcast_in_dim3A_255 = vector.broadcast %broadcast_in_dim3A_254 : f32 to vector<16xf32>
      %swap3A_256 = arith.index_cast %scan3A_219 : i32 to index
      %swap3A_257 = arith.constant 80 : index
      %swap3A_258 = tpu.vector_load %arg12[%swap3A_256, %swap3A_257] {strides = array<i32>} : memref<16x128xf32, #tpu.memory_space<vmem>>, vector<1x16xf32>,
      %swap3A_259 = vector.shape_cast %swap3A_258 : vector<1x16xf32> to vector<16xf32>
      %swap3A_260 = vector.shape_cast %broadcast_in_dim3A_255 : vector<16xf32> to vector<1x16xf32>
      tpu.vector_store %arg12[%swap3A_256, %swap3A_257], %swap3A_260 {strides = array<i32>} : memref<16x128xf32, #tpu.memory_space<vmem>>, vector<1x16xf32>,
      %broadcast_in_dim3A_261 = arith.constant 0.000000e+00 : f32
      %broadcast_in_dim3A_262 = vector.broadcast %broadcast_in_dim3A_261 : f32 to vector<16xf32>
      %swap3A_263 = arith.index_cast %scan3A_219 : i32 to index
      %swap3A_264 = arith.constant 96 : index
      %swap3A_265 = tpu.vector_load %arg12[%swap3A_263, %swap3A_264] {strides = array<i32>} : memref<16x128xf32, #tpu.memory_space<vmem>>, vector<1x16xf32>,
      %swap3A_266 = vector.shape_cast %swap3A_265 : vector<1x16xf32> to vector<16xf32>
      %swap3A_267 = vector.shape_cast %broadcast_in_dim3A_262 : vector<16xf32> to vector<1x16xf32>
      tpu.vector_store %arg12[%swap3A_263, %swap3A_264], %swap3A_267 {strides = array<i32>} : memref<16x128xf32, #tpu.memory_space<vmem>>, vector<1x16xf32>,
      %broadcast_in_dim3A_268 = arith.constant 0.000000e+00 : f32
      %broadcast_in_dim3A_269 = vector.broadcast %broadcast_in_dim3A_268 : f32 to vector<16xf32>
      %swap3A_270 = arith.index_cast %scan3A_219 : i32 to index
      %swap3A_271 = arith.constant 112 : index
      %swap3A_272 = tpu.vector_load %arg12[%swap3A_270, %swap3A_271] {strides = array<i32>} : memref<16x128xf32, #tpu.memory_space<vmem>>, vector<1x16xf32>,
      %swap3A_273 = vector.shape_cast %swap3A_272 : vector<1x16xf32> to vector<16xf32>
      %swap3A_274 = vector.shape_cast %broadcast_in_dim3A_269 : vector<16xf32> to vector<1x16xf32>
      tpu.vector_store %arg12[%swap3A_270, %swap3A_271], %swap3A_274 {strides = array<i32>} : memref<16x128xf32, #tpu.memory_space<vmem>>, vector<1x16xf32>,
      %scan3A_275 = arith.constant 0 : i32
      scf.yield %scan3A_275 : i32
    }
    %scan3A_8 = arith.constant 16 : i32
    %dma_start3A = arith.constant 0 : i32
    %dma_start3A_9 = tpu.memref_slice %arg3[%mul3A_2, %dma_start3A] : memref<5120x64xi32, #tpu.memory_space<hbm>> -> memref<40x64xi32, #tpu.memory_space<hbm>>
    %dma_start3A_10 = arith.constant 0 : i32
    %dma_start3A_11 = tpu.memref_slice %arg3[%mul3A_2, %dma_start3A_10] : memref<5120x64xi32, #tpu.memory_space<hbm>> -> memref<40x64xi32, #tpu.memory_space<hbm>>
    tpu.enqueue_dma source(%dma_start3A_11 : memref<40x64xi32, #tpu.memory_space<hbm>>) target(%arg6 : memref<40x64xi32, #tpu.memory_space<vmem>>) target_semaphore(%arg18 : memref<!tpu.dma_semaphore, #tpu.memory_space<semaphore_mem>>)
    %dma_start3A_12 = arith.constant 0 : i32
    %dma_start3A_13 = tpu.memref_slice %arg4[%mul3A_2, %dma_start3A_12] : memref<5120x64xi32, #tpu.memory_space<hbm>> -> memref<40x64xi32, #tpu.memory_space<hbm>>
    %dma_start3A_14 = arith.constant 0 : i32
    %dma_start3A_15 = tpu.memref_slice %arg4[%mul3A_2, %dma_start3A_14] : memref<5120x64xi32, #tpu.memory_space<hbm>> -> memref<40x64xi32, #tpu.memory_space<hbm>>
    tpu.enqueue_dma source(%dma_start3A_15 : memref<40x64xi32, #tpu.memory_space<hbm>>) target(%arg7 : memref<40x64xi32, #tpu.memory_space<vmem>>) target_semaphore(%arg19 : memref<!tpu.dma_semaphore, #tpu.memory_space<semaphore_mem>>)
    %scan3A_16 = arith.constant 0 : i32
    %scan3A_17 = arith.constant 0 : i32
    %scan3A_18 = arith.constant 10 : i32
    %scan3A_19 = arith.addi %scan3A_17, %scan3A_18 : i32
    %scan3A_20 = arith.constant 1 : i32
    %scan3A_21 = scf.for %scan3A_219 = %scan3A_17 to %scan3A_19 step %scan3A_20 iter_args(%scan3A_220 = %scan3A_16) -> (i32)  : i32 {
      %mul3A_221 = arith.constant 4 : i32
      %mul3A_222 = arith.muli %mul3A_221, %scan3A_219 : i32
      %add3A_223 = arith.constant 0 : i32
      %add3A_224 = arith.addi %mul3A_222, %add3A_223 : i32
      %ge3A = arith.constant 4 : i32
      %ge3A_225 = arith.cmpi sge, %add3A_224, %ge3A : i32
      %convert_element_type3A = arith.extui %ge3A_225 : i1 to i32
      %cond3A = arith.constant 0 : i32
      %cond3A_226 = arith.cmpi ne, %convert_element_type3A, %cond3A : i32
      scf.if %cond3A_226 {
        %sub3A = arith.constant 4 : i32
        %sub3A_291 = arith.subi %add3A_224, %sub3A : i32
        %mul3A_292 = arith.constant 640 : i32
        %mul3A_293 = arith.muli %arg1, %mul3A_292 : i32
        %mul3A_294 = arith.constant 16 : i32
        %mul3A_295 = arith.muli %sub3A_291, %mul3A_294 : i32
        %add3A_296 = arith.addi %mul3A_293, %mul3A_295 : i32
        %dma_wait3A_297 = arith.constant 0 : i32
        %dma_wait3A_298 = tpu.memref_slice %arg13[%add3A_296, %dma_wait3A_297] : memref<10240x128xf32, #tpu.memory_space<vmem_shared>> -> memref<16x128xf32, #tpu.memory_space<vmem_shared>>
        %dma_wait3A_299 = arith.constant 0 : i32
        %dma_wait3A_300 = tpu.memref_slice %arg13[%add3A_296, %dma_wait3A_299] : memref<10240x128xf32, #tpu.memory_space<vmem_shared>> -> memref<16x128xf32, #tpu.memory_space<vmem_shared>>
        tpu.wait_dma2 semaphore(%arg14 : memref<!tpu.dma_semaphore, #tpu.memory_space<semaphore_mem>>) src(%arg12 : memref<16x128xf32, #tpu.memory_space<vmem>>) dst(%dma_wait3A_300 : memref<16x128xf32, #tpu.memory_space<vmem_shared>>)
      } else {
      }
      %mul3A_227 = arith.constant 640 : i32
      %mul3A_228 = arith.muli %arg1, %mul3A_227 : i32
      %mul3A_229 = arith.constant 16 : i32
      %mul3A_230 = arith.muli %add3A_224, %mul3A_229 : i32
      %add3A_231 = arith.addi %mul3A_228, %mul3A_230 : i32
      %dma_start3A_232 = arith.constant 0 : i32
      %dma_start3A_233 = tpu.memref_slice %arg13[%add3A_231, %dma_start3A_232] : memref<10240x128xf32, #tpu.memory_space<vmem_shared>> -> memref<16x128xf32, #tpu.memory_space<vmem_shared>>
      %dma_start3A_234 = arith.constant 0 : i32
      %dma_start3A_235 = tpu.memref_slice %arg13[%add3A_231, %dma_start3A_234] : memref<10240x128xf32, #tpu.memory_space<vmem_shared>> -> memref<16x128xf32, #tpu.memory_space<vmem_shared>>
      tpu.enqueue_dma source(%arg12 : memref<16x128xf32, #tpu.memory_space<vmem>>) target(%dma_start3A_235 : memref<16x128xf32, #tpu.memory_space<vmem_shared>>) target_semaphore(%arg14 : memref<!tpu.dma_semaphore, #tpu.memory_space<semaphore_mem>>)
      %mul3A_236 = arith.constant 4 : i32
      %mul3A_237 = arith.muli %mul3A_236, %scan3A_219 : i32
      %add3A_238 = arith.constant 1 : i32
      %add3A_239 = arith.addi %mul3A_237, %add3A_238 : i32
      %ge3A_240 = arith.constant 4 : i32
      %ge3A_241 = arith.cmpi sge, %add3A_239, %ge3A_240 : i32
      %convert_element_type3A_242 = arith.extui %ge3A_241 : i1 to i32
      %cond3A_243 = arith.constant 0 : i32
      %cond3A_244 = arith.cmpi ne, %convert_element_type3A_242, %cond3A_243 : i32
      scf.if %cond3A_244 {
        %sub3A = arith.constant 4 : i32
        %sub3A_291 = arith.subi %add3A_239, %sub3A : i32
        %mul3A_292 = arith.constant 640 : i32
        %mul3A_293 = arith.muli %arg1, %mul3A_292 : i32
        %mul3A_294 = arith.constant 16 : i32
        %mul3A_295 = arith.muli %sub3A_291, %mul3A_294 : i32
        %add3A_296 = arith.addi %mul3A_293, %mul3A_295 : i32
        %dma_wait3A_297 = arith.constant 0 : i32
        %dma_wait3A_298 = tpu.memref_slice %arg13[%add3A_296, %dma_wait3A_297] : memref<10240x128xf32, #tpu.memory_space<vmem_shared>> -> memref<16x128xf32, #tpu.memory_space<vmem_shared>>
        %dma_wait3A_299 = arith.constant 0 : i32
        %dma_wait3A_300 = tpu.memref_slice %arg13[%add3A_296, %dma_wait3A_299] : memref<10240x128xf32, #tpu.memory_space<vmem_shared>> -> memref<16x128xf32, #tpu.memory_space<vmem_shared>>
        tpu.wait_dma2 semaphore(%arg15 : memref<!tpu.dma_semaphore, #tpu.memory_space<semaphore_mem>>) src(%arg12 : memref<16x128xf32, #tpu.memory_space<vmem>>) dst(%dma_wait3A_300 : memref<16x128xf32, #tpu.memory_space<vmem_shared>>)
      } else {
      }
      %mul3A_245 = arith.constant 640 : i32
      %mul3A_246 = arith.muli %arg1, %mul3A_245 : i32
      %mul3A_247 = arith.constant 16 : i32
      %mul3A_248 = arith.muli %add3A_239, %mul3A_247 : i32
      %add3A_249 = arith.addi %mul3A_246, %mul3A_248 : i32
      %dma_start3A_250 = arith.constant 0 : i32
      %dma_start3A_251 = tpu.memref_slice %arg13[%add3A_249, %dma_start3A_250] : memref<10240x128xf32, #tpu.memory_space<vmem_shared>> -> memref<16x128xf32, #tpu.memory_space<vmem_shared>>
      %dma_start3A_252 = arith.constant 0 : i32
      %dma_start3A_253 = tpu.memref_slice %arg13[%add3A_249, %dma_start3A_252] : memref<10240x128xf32, #tpu.memory_space<vmem_shared>> -> memref<16x128xf32, #tpu.memory_space<vmem_shared>>
      tpu.enqueue_dma source(%arg12 : memref<16x128xf32, #tpu.memory_space<vmem>>) target(%dma_start3A_253 : memref<16x128xf32, #tpu.memory_space<vmem_shared>>) target_semaphore(%arg15 : memref<!tpu.dma_semaphore, #tpu.memory_space<semaphore_mem>>)
      %mul3A_254 = arith.constant 4 : i32
      %mul3A_255 = arith.muli %mul3A_254, %scan3A_219 : i32
      %add3A_256 = arith.constant 2 : i32
      %add3A_257 = arith.addi %mul3A_255, %add3A_256 : i32
      %ge3A_258 = arith.constant 4 : i32
      %ge3A_259 = arith.cmpi sge, %add3A_257, %ge3A_258 : i32
      %convert_element_type3A_260 = arith.extui %ge3A_259 : i1 to i32
      %cond3A_261 = arith.constant 0 : i32
      %cond3A_262 = arith.cmpi ne, %convert_element_type3A_260, %cond3A_261 : i32
      scf.if %cond3A_262 {
        %sub3A = arith.constant 4 : i32
        %sub3A_291 = arith.subi %add3A_257, %sub3A : i32
        %mul3A_292 = arith.constant 640 : i32
        %mul3A_293 = arith.muli %arg1, %mul3A_292 : i32
        %mul3A_294 = arith.constant 16 : i32
        %mul3A_295 = arith.muli %sub3A_291, %mul3A_294 : i32
        %add3A_296 = arith.addi %mul3A_293, %mul3A_295 : i32
        %dma_wait3A_297 = arith.constant 0 : i32
        %dma_wait3A_298 = tpu.memref_slice %arg13[%add3A_296, %dma_wait3A_297] : memref<10240x128xf32, #tpu.memory_space<vmem_shared>> -> memref<16x128xf32, #tpu.memory_space<vmem_shared>>
        %dma_wait3A_299 = arith.constant 0 : i32
        %dma_wait3A_300 = tpu.memref_slice %arg13[%add3A_296, %dma_wait3A_299] : memref<10240x128xf32, #tpu.memory_space<vmem_shared>> -> memref<16x128xf32, #tpu.memory_space<vmem_shared>>
        tpu.wait_dma2 semaphore(%arg16 : memref<!tpu.dma_semaphore, #tpu.memory_space<semaphore_mem>>) src(%arg12 : memref<16x128xf32, #tpu.memory_space<vmem>>) dst(%dma_wait3A_300 : memref<16x128xf32, #tpu.memory_space<vmem_shared>>)
      } else {
      }
      %mul3A_263 = arith.constant 640 : i32
      %mul3A_264 = arith.muli %arg1, %mul3A_263 : i32
      %mul3A_265 = arith.constant 16 : i32
      %mul3A_266 = arith.muli %add3A_257, %mul3A_265 : i32
      %add3A_267 = arith.addi %mul3A_264, %mul3A_266 : i32
      %dma_start3A_268 = arith.constant 0 : i32
      %dma_start3A_269 = tpu.memref_slice %arg13[%add3A_267, %dma_start3A_268] : memref<10240x128xf32, #tpu.memory_space<vmem_shared>> -> memref<16x128xf32, #tpu.memory_space<vmem_shared>>
      %dma_start3A_270 = arith.constant 0 : i32
      %dma_start3A_271 = tpu.memref_slice %arg13[%add3A_267, %dma_start3A_270] : memref<10240x128xf32, #tpu.memory_space<vmem_shared>> -> memref<16x128xf32, #tpu.memory_space<vmem_shared>>
      tpu.enqueue_dma source(%arg12 : memref<16x128xf32, #tpu.memory_space<vmem>>) target(%dma_start3A_271 : memref<16x128xf32, #tpu.memory_space<vmem_shared>>) target_semaphore(%arg16 : memref<!tpu.dma_semaphore, #tpu.memory_space<semaphore_mem>>)
      %mul3A_272 = arith.constant 4 : i32
      %mul3A_273 = arith.muli %mul3A_272, %scan3A_219 : i32
      %add3A_274 = arith.constant 3 : i32
      %add3A_275 = arith.addi %mul3A_273, %add3A_274 : i32
      %ge3A_276 = arith.constant 4 : i32
      %ge3A_277 = arith.cmpi sge, %add3A_275, %ge3A_276 : i32
      %convert_element_type3A_278 = arith.extui %ge3A_277 : i1 to i32
      %cond3A_279 = arith.constant 0 : i32
      %cond3A_280 = arith.cmpi ne, %convert_element_type3A_278, %cond3A_279 : i32
      scf.if %cond3A_280 {
        %sub3A = arith.constant 4 : i32
        %sub3A_291 = arith.subi %add3A_275, %sub3A : i32
        %mul3A_292 = arith.constant 640 : i32
        %mul3A_293 = arith.muli %arg1, %mul3A_292 : i32
        %mul3A_294 = arith.constant 16 : i32
        %mul3A_295 = arith.muli %sub3A_291, %mul3A_294 : i32
        %add3A_296 = arith.addi %mul3A_293, %mul3A_295 : i32
        %dma_wait3A_297 = arith.constant 0 : i32
        %dma_wait3A_298 = tpu.memref_slice %arg13[%add3A_296, %dma_wait3A_297] : memref<10240x128xf32, #tpu.memory_space<vmem_shared>> -> memref<16x128xf32, #tpu.memory_space<vmem_shared>>
        %dma_wait3A_299 = arith.constant 0 : i32
        %dma_wait3A_300 = tpu.memref_slice %arg13[%add3A_296, %dma_wait3A_299] : memref<10240x128xf32, #tpu.memory_space<vmem_shared>> -> memref<16x128xf32, #tpu.memory_space<vmem_shared>>
        tpu.wait_dma2 semaphore(%arg17 : memref<!tpu.dma_semaphore, #tpu.memory_space<semaphore_mem>>) src(%arg12 : memref<16x128xf32, #tpu.memory_space<vmem>>) dst(%dma_wait3A_300 : memref<16x128xf32, #tpu.memory_space<vmem_shared>>)
      } else {
      }
      %mul3A_281 = arith.constant 640 : i32
      %mul3A_282 = arith.muli %arg1, %mul3A_281 : i32
      %mul3A_283 = arith.constant 16 : i32
      %mul3A_284 = arith.muli %add3A_275, %mul3A_283 : i32
      %add3A_285 = arith.addi %mul3A_282, %mul3A_284 : i32
      %dma_start3A_286 = arith.constant 0 : i32
      %dma_start3A_287 = tpu.memref_slice %arg13[%add3A_285, %dma_start3A_286] : memref<10240x128xf32, #tpu.memory_space<vmem_shared>> -> memref<16x128xf32, #tpu.memory_space<vmem_shared>>
      %dma_start3A_288 = arith.constant 0 : i32
      %dma_start3A_289 = tpu.memref_slice %arg13[%add3A_285, %dma_start3A_288] : memref<10240x128xf32, #tpu.memory_space<vmem_shared>> -> memref<16x128xf32, #tpu.memory_space<vmem_shared>>
      tpu.enqueue_dma source(%arg12 : memref<16x128xf32, #tpu.memory_space<vmem>>) target(%dma_start3A_289 : memref<16x128xf32, #tpu.memory_space<vmem_shared>>) target_semaphore(%arg17 : memref<!tpu.dma_semaphore, #tpu.memory_space<semaphore_mem>>)
      %scan3A_290 = arith.constant 0 : i32
      scf.yield %scan3A_290 : i32
    }
    %scan3A_22 = arith.constant 10 : i32
    %mul3A_23 = arith.constant 640 : i32
    %mul3A_24 = arith.muli %arg1, %mul3A_23 : i32
    %add3A_25 = arith.constant 576 : i32
    %add3A_26 = arith.addi %mul3A_24, %add3A_25 : i32
    %dma_wait3A = arith.constant 0 : i32
    %dma_wait3A_27 = tpu.memref_slice %arg13[%add3A_26, %dma_wait3A] : memref<10240x128xf32, #tpu.memory_space<vmem_shared>> -> memref<16x128xf32, #tpu.memory_space<vmem_shared>>
    %dma_wait3A_28 = arith.constant 0 : i32
    %dma_wait3A_29 = tpu.memref_slice %arg13[%add3A_26, %dma_wait3A_28] : memref<10240x128xf32, #tpu.memory_space<vmem_shared>> -> memref<16x128xf32, #tpu.memory_space<vmem_shared>>
    tpu.wait_dma2 semaphore(%arg14 : memref<!tpu.dma_semaphore, #tpu.memory_space<semaphore_mem>>) src(%arg12 : memref<16x128xf32, #tpu.memory_space<vmem>>) dst(%dma_wait3A_29 : memref<16x128xf32, #tpu.memory_space<vmem_shared>>)
    %mul3A_30 = arith.constant 640 : i32
    %mul3A_31 = arith.muli %arg1, %mul3A_30 : i32
    %add3A_32 = arith.constant 592 : i32
    %add3A_33 = arith.addi %mul3A_31, %add3A_32 : i32
    %dma_wait3A_34 = arith.constant 0 : i32
    %dma_wait3A_35 = tpu.memref_slice %arg13[%add3A_33, %dma_wait3A_34] : memref<10240x128xf32, #tpu.memory_space<vmem_shared>> -> memref<16x128xf32, #tpu.memory_space<vmem_shared>>
    %dma_wait3A_36 = arith.constant 0 : i32
    %dma_wait3A_37 = tpu.memref_slice %arg13[%add3A_33, %dma_wait3A_36] : memref<10240x128xf32, #tpu.memory_space<vmem_shared>> -> memref<16x128xf32, #tpu.memory_space<vmem_shared>>
    tpu.wait_dma2 semaphore(%arg15 : memref<!tpu.dma_semaphore, #tpu.memory_space<semaphore_mem>>) src(%arg12 : memref<16x128xf32, #tpu.memory_space<vmem>>) dst(%dma_wait3A_37 : memref<16x128xf32, #tpu.memory_space<vmem_shared>>)
    %mul3A_38 = arith.constant 640 : i32
    %mul3A_39 = arith.muli %arg1, %mul3A_38 : i32
    %add3A_40 = arith.constant 608 : i32
    %add3A_41 = arith.addi %mul3A_39, %add3A_40 : i32
    %dma_wait3A_42 = arith.constant 0 : i32
    %dma_wait3A_43 = tpu.memref_slice %arg13[%add3A_41, %dma_wait3A_42] : memref<10240x128xf32, #tpu.memory_space<vmem_shared>> -> memref<16x128xf32, #tpu.memory_space<vmem_shared>>
    %dma_wait3A_44 = arith.constant 0 : i32
    %dma_wait3A_45 = tpu.memref_slice %arg13[%add3A_41, %dma_wait3A_44] : memref<10240x128xf32, #tpu.memory_space<vmem_shared>> -> memref<16x128xf32, #tpu.memory_space<vmem_shared>>
    tpu.wait_dma2 semaphore(%arg16 : memref<!tpu.dma_semaphore, #tpu.memory_space<semaphore_mem>>) src(%arg12 : memref<16x128xf32, #tpu.memory_space<vmem>>) dst(%dma_wait3A_45 : memref<16x128xf32, #tpu.memory_space<vmem_shared>>)
    %mul3A_46 = arith.constant 640 : i32
    %mul3A_47 = arith.muli %arg1, %mul3A_46 : i32
    %add3A_48 = arith.constant 624 : i32
    %add3A_49 = arith.addi %mul3A_47, %add3A_48 : i32
    %dma_wait3A_50 = arith.constant 0 : i32
    %dma_wait3A_51 = tpu.memref_slice %arg13[%add3A_49, %dma_wait3A_50] : memref<10240x128xf32, #tpu.memory_space<vmem_shared>> -> memref<16x128xf32, #tpu.memory_space<vmem_shared>>
    %dma_wait3A_52 = arith.constant 0 : i32
    %dma_wait3A_53 = tpu.memref_slice %arg13[%add3A_49, %dma_wait3A_52] : memref<10240x128xf32, #tpu.memory_space<vmem_shared>> -> memref<16x128xf32, #tpu.memory_space<vmem_shared>>
    tpu.wait_dma2 semaphore(%arg17 : memref<!tpu.dma_semaphore, #tpu.memory_space<semaphore_mem>>) src(%arg12 : memref<16x128xf32, #tpu.memory_space<vmem>>) dst(%dma_wait3A_53 : memref<16x128xf32, #tpu.memory_space<vmem_shared>>)
    %dma_wait3A_54 = arith.constant 0 : i32
    %dma_wait3A_55 = tpu.memref_slice %arg3[%mul3A_2, %dma_wait3A_54] : memref<5120x64xi32, #tpu.memory_space<hbm>> -> memref<40x64xi32, #tpu.memory_space<hbm>>
    %dma_wait3A_56 = arith.constant 0 : i32
    %dma_wait3A_57 = tpu.memref_slice %arg3[%mul3A_2, %dma_wait3A_56] : memref<5120x64xi32, #tpu.memory_space<hbm>> -> memref<40x64xi32, #tpu.memory_space<hbm>>
    tpu.wait_dma2 semaphore(%arg18 : memref<!tpu.dma_semaphore, #tpu.memory_space<semaphore_mem>>) src(%dma_wait3A_57 : memref<40x64xi32, #tpu.memory_space<hbm>>) dst(%arg6 : memref<40x64xi32, #tpu.memory_space<vmem>>)
    %dma_wait3A_58 = arith.constant 0 : i32
    %dma_wait3A_59 = tpu.memref_slice %arg4[%mul3A_2, %dma_wait3A_58] : memref<5120x64xi32, #tpu.memory_space<hbm>> -> memref<40x64xi32, #tpu.memory_space<hbm>>
    %dma_wait3A_60 = arith.constant 0 : i32
    %dma_wait3A_61 = tpu.memref_slice %arg4[%mul3A_2, %dma_wait3A_60] : memref<5120x64xi32, #tpu.memory_space<hbm>> -> memref<40x64xi32, #tpu.memory_space<hbm>>
    tpu.wait_dma2 semaphore(%arg19 : memref<!tpu.dma_semaphore, #tpu.memory_space<semaphore_mem>>) src(%dma_wait3A_61 : memref<40x64xi32, #tpu.memory_space<hbm>>) dst(%arg7 : memref<40x64xi32, #tpu.memory_space<vmem>>)
    %barrier3A = arith.constant 0 : index
    tpu.barrier barrier_id(%barrier3A)
    %dma_start3A_62 = arith.constant 0 : i32
    %dma_start3A_63 = arith.constant 0 : i32
    %dma_start3A_64 = tpu.memref_slice %arg6[%dma_start3A_62, %dma_start3A_63] : memref<40x64xi32, #tpu.memory_space<vmem>> -> memref<1x64xi32, #tpu.memory_space<vmem>>
    %dma_start3A_65 = tpu.memref_squeeze %dma_start3A_64 : memref<1x64xi32, #tpu.memory_space<vmem>> -> memref<64xi32, #tpu.memory_space<vmem>>
    %dma_start3A_66 = arith.constant 0 : i32
    %dma_start3A_67 = arith.constant 0 : i32
    %dma_start3A_68 = tpu.memref_slice %arg2[%dma_start3A_66, %dma_start3A_67] : memref<10000x128xf32, #tpu.memory_space<hbm>> -> memref<10000x128xf32, #tpu.memory_space<hbm>>
    tpu.enqueue_indirect_dma source(%dma_start3A_68 : memref<10000x128xf32, #tpu.memory_space<hbm>>) target(%arg8 : memref<64x128xf32, #tpu.memory_space<vmem>>) offsets(%dma_start3A_65 : memref<64xi32, #tpu.memory_space<vmem>>) semaphore(%arg14 : memref<!tpu.dma_semaphore, #tpu.memory_space<semaphore_mem>>)
    %dma_start3A_69 = arith.constant 1 : i32
    %dma_start3A_70 = arith.constant 0 : i32
    %dma_start3A_71 = tpu.memref_slice %arg6[%dma_start3A_69, %dma_start3A_70] : memref<40x64xi32, #tpu.memory_space<vmem>> -> memref<1x64xi32, #tpu.memory_space<vmem>>
    %dma_start3A_72 = tpu.memref_squeeze %dma_start3A_71 : memref<1x64xi32, #tpu.memory_space<vmem>> -> memref<64xi32, #tpu.memory_space<vmem>>
    %dma_start3A_73 = arith.constant 0 : i32
    %dma_start3A_74 = arith.constant 0 : i32
    %dma_start3A_75 = tpu.memref_slice %arg2[%dma_start3A_73, %dma_start3A_74] : memref<10000x128xf32, #tpu.memory_space<hbm>> -> memref<10000x128xf32, #tpu.memory_space<hbm>>
    tpu.enqueue_indirect_dma source(%dma_start3A_75 : memref<10000x128xf32, #tpu.memory_space<hbm>>) target(%arg9 : memref<64x128xf32, #tpu.memory_space<vmem>>) offsets(%dma_start3A_72 : memref<64xi32, #tpu.memory_space<vmem>>) semaphore(%arg15 : memref<!tpu.dma_semaphore, #tpu.memory_space<semaphore_mem>>)
    %dma_start3A_76 = arith.constant 2 : i32
    %dma_start3A_77 = arith.constant 0 : i32
    %dma_start3A_78 = tpu.memref_slice %arg6[%dma_start3A_76, %dma_start3A_77] : memref<40x64xi32, #tpu.memory_space<vmem>> -> memref<1x64xi32, #tpu.memory_space<vmem>>
    %dma_start3A_79 = tpu.memref_squeeze %dma_start3A_78 : memref<1x64xi32, #tpu.memory_space<vmem>> -> memref<64xi32, #tpu.memory_space<vmem>>
    %dma_start3A_80 = arith.constant 0 : i32
    %dma_start3A_81 = arith.constant 0 : i32
    %dma_start3A_82 = tpu.memref_slice %arg2[%dma_start3A_80, %dma_start3A_81] : memref<10000x128xf32, #tpu.memory_space<hbm>> -> memref<10000x128xf32, #tpu.memory_space<hbm>>
    tpu.enqueue_indirect_dma source(%dma_start3A_82 : memref<10000x128xf32, #tpu.memory_space<hbm>>) target(%arg10 : memref<64x128xf32, #tpu.memory_space<vmem>>) offsets(%dma_start3A_79 : memref<64xi32, #tpu.memory_space<vmem>>) semaphore(%arg16 : memref<!tpu.dma_semaphore, #tpu.memory_space<semaphore_mem>>)
    %scan3A_83 = arith.constant 0 : i32
    %scan3A_84 = arith.constant 0 : i32
    %scan3A_85 = arith.constant 10 : i32
    %scan3A_86 = arith.addi %scan3A_84, %scan3A_85 : i32
    %scan3A_87 = arith.constant 1 : i32
    %scan3A_88 = scf.for %scan3A_219 = %scan3A_84 to %scan3A_86 step %scan3A_87 iter_args(%scan3A_220 = %scan3A_83) -> (i32)  : i32 {
      %mul3A_221 = arith.constant 4 : i32
      %mul3A_222 = arith.muli %mul3A_221, %scan3A_219 : i32
      %add3A_223 = arith.constant 0 : i32
      %add3A_224 = arith.addi %mul3A_222, %add3A_223 : i32
      %dma_wait3A_225 = arith.constant 0 : i32
      %dma_wait3A_226 = tpu.memref_slice %arg6[%add3A_224, %dma_wait3A_225] : memref<40x64xi32, #tpu.memory_space<vmem>> -> memref<1x64xi32, #tpu.memory_space<vmem>>
      %dma_wait3A_227 = tpu.memref_squeeze %dma_wait3A_226 : memref<1x64xi32, #tpu.memory_space<vmem>> -> memref<64xi32, #tpu.memory_space<vmem>>
      %dma_wait3A_228 = arith.constant 0 : i32
      %dma_wait3A_229 = arith.constant 0 : i32
      %dma_wait3A_230 = tpu.memref_slice %arg2[%dma_wait3A_228, %dma_wait3A_229] : memref<10000x128xf32, #tpu.memory_space<hbm>> -> memref<10000x128xf32, #tpu.memory_space<hbm>>
      tpu.wait_indirect_dma semaphore(%arg14 : memref<!tpu.dma_semaphore, #tpu.memory_space<semaphore_mem>>) src(%dma_wait3A_230 : memref<10000x128xf32, #tpu.memory_space<hbm>>) dst(%arg8 : memref<64x128xf32, #tpu.memory_space<vmem>>)
      %dma_start3A_231 = arith.constant 0 : i32
      %dma_start3A_232 = tpu.memref_slice %arg7[%add3A_224, %dma_start3A_231] : memref<40x64xi32, #tpu.memory_space<vmem>> -> memref<1x64xi32, #tpu.memory_space<vmem>>
      %dma_start3A_233 = tpu.memref_squeeze %dma_start3A_232 : memref<1x64xi32, #tpu.memory_space<vmem>> -> memref<64xi32, #tpu.memory_space<vmem>>
      %dma_start3A_234 = arith.constant 0 : i32
      %dma_start3A_235 = arith.constant 0 : i32
      %dma_start3A_236 = tpu.memref_slice %arg13[%dma_start3A_234, %dma_start3A_235] : memref<10240x128xf32, #tpu.memory_space<vmem_shared>> -> memref<10240x128xf32, #tpu.memory_space<vmem_shared>>
      tpu.enqueue_indirect_dma source(%arg8 : memref<64x128xf32, #tpu.memory_space<vmem>>) target(%dma_start3A_236 : memref<10240x128xf32, #tpu.memory_space<vmem_shared>>) offsets(%dma_start3A_233 : memref<64xi32, #tpu.memory_space<vmem>>) semaphore(%arg18 : memref<!tpu.dma_semaphore, #tpu.memory_space<semaphore_mem>>) {add = true}
      %ge3A = arith.constant 1 : i32
      %ge3A_237 = arith.cmpi sge, %add3A_224, %ge3A : i32
      %convert_element_type3A = arith.extui %ge3A_237 : i1 to i32
      %cond3A = arith.constant 0 : i32
      %cond3A_238 = arith.cmpi ne, %convert_element_type3A, %cond3A : i32
      scf.if %cond3A_238 {
        %sub3A_337 = arith.constant 1 : i32
        %sub3A_338 = arith.subi %add3A_224, %sub3A_337 : i32
        %dma_wait3A_339 = arith.constant 0 : i32
        %dma_wait3A_340 = tpu.memref_slice %arg7[%sub3A_338, %dma_wait3A_339] : memref<40x64xi32, #tpu.memory_space<vmem>> -> memref<1x64xi32, #tpu.memory_space<vmem>>
        %dma_wait3A_341 = tpu.memref_squeeze %dma_wait3A_340 : memref<1x64xi32, #tpu.memory_space<vmem>> -> memref<64xi32, #tpu.memory_space<vmem>>
        %dma_wait3A_342 = arith.constant 0 : i32
        %dma_wait3A_343 = arith.constant 0 : i32
        %dma_wait3A_344 = tpu.memref_slice %arg13[%dma_wait3A_342, %dma_wait3A_343] : memref<10240x128xf32, #tpu.memory_space<vmem_shared>> -> memref<10240x128xf32, #tpu.memory_space<vmem_shared>>
        tpu.wait_indirect_dma semaphore(%arg21 : memref<!tpu.dma_semaphore, #tpu.memory_space<semaphore_mem>>) src(%arg11 : memref<64x128xf32, #tpu.memory_space<vmem>>) dst(%dma_wait3A_344 : memref<10240x128xf32, #tpu.memory_space<vmem_shared>>)
      } else {
      }
      %add3A_239 = arith.constant 4 : i32
      %add3A_240 = arith.addi %add3A_224, %add3A_239 : i32
      %sub3A = arith.constant 1 : i32
      %sub3A_241 = arith.subi %add3A_240, %sub3A : i32
      %lt3A = arith.constant 40 : i32
      %lt3A_242 = arith.cmpi slt, %sub3A_241, %lt3A : i32
      %convert_element_type3A_243 = arith.extui %lt3A_242 : i1 to i32
      %cond3A_244 = arith.constant 0 : i32
      %cond3A_245 = arith.cmpi ne, %convert_element_type3A_243, %cond3A_244 : i32
      scf.if %cond3A_245 {
        %add3A_337 = arith.constant 4 : i32
        %add3A_338 = arith.addi %add3A_224, %add3A_337 : i32
        %sub3A_339 = arith.constant 1 : i32
        %sub3A_340 = arith.subi %add3A_338, %sub3A_339 : i32
        %dma_start3A_341 = arith.constant 0 : i32
        %dma_start3A_342 = tpu.memref_slice %arg6[%sub3A_340, %dma_start3A_341] : memref<40x64xi32, #tpu.memory_space<vmem>> -> memref<1x64xi32, #tpu.memory_space<vmem>>
        %dma_start3A_343 = tpu.memref_squeeze %dma_start3A_342 : memref<1x64xi32, #tpu.memory_space<vmem>> -> memref<64xi32, #tpu.memory_space<vmem>>
        %dma_start3A_344 = arith.constant 0 : i32
        %dma_start3A_345 = arith.constant 0 : i32
        %dma_start3A_346 = tpu.memref_slice %arg2[%dma_start3A_344, %dma_start3A_345] : memref<10000x128xf32, #tpu.memory_space<hbm>> -> memref<10000x128xf32, #tpu.memory_space<hbm>>
        tpu.enqueue_indirect_dma source(%dma_start3A_346 : memref<10000x128xf32, #tpu.memory_space<hbm>>) target(%arg11 : memref<64x128xf32, #tpu.memory_space<vmem>>) offsets(%dma_start3A_343 : memref<64xi32, #tpu.memory_space<vmem>>) semaphore(%arg17 : memref<!tpu.dma_semaphore, #tpu.memory_space<semaphore_mem>>)
      } else {
      }
      %mul3A_246 = arith.constant 4 : i32
      %mul3A_247 = arith.muli %mul3A_246, %scan3A_219 : i32
      %add3A_248 = arith.constant 1 : i32
      %add3A_249 = arith.addi %mul3A_247, %add3A_248 : i32
      %dma_wait3A_250 = arith.constant 0 : i32
      %dma_wait3A_251 = tpu.memref_slice %arg6[%add3A_249, %dma_wait3A_250] : memref<40x64xi32, #tpu.memory_space<vmem>> -> memref<1x64xi32, #tpu.memory_space<vmem>>
      %dma_wait3A_252 = tpu.memref_squeeze %dma_wait3A_251 : memref<1x64xi32, #tpu.memory_space<vmem>> -> memref<64xi32, #tpu.memory_space<vmem>>
      %dma_wait3A_253 = arith.constant 0 : i32
      %dma_wait3A_254 = arith.constant 0 : i32
      %dma_wait3A_255 = tpu.memref_slice %arg2[%dma_wait3A_253, %dma_wait3A_254] : memref<10000x128xf32, #tpu.memory_space<hbm>> -> memref<10000x128xf32, #tpu.memory_space<hbm>>
      tpu.wait_indirect_dma semaphore(%arg15 : memref<!tpu.dma_semaphore, #tpu.memory_space<semaphore_mem>>) src(%dma_wait3A_255 : memref<10000x128xf32, #tpu.memory_space<hbm>>) dst(%arg9 : memref<64x128xf32, #tpu.memory_space<vmem>>)
      %dma_start3A_256 = arith.constant 0 : i32
      %dma_start3A_257 = tpu.memref_slice %arg7[%add3A_249, %dma_start3A_256] : memref<40x64xi32, #tpu.memory_space<vmem>> -> memref<1x64xi32, #tpu.memory_space<vmem>>
      %dma_start3A_258 = tpu.memref_squeeze %dma_start3A_257 : memref<1x64xi32, #tpu.memory_space<vmem>> -> memref<64xi32, #tpu.memory_space<vmem>>
      %dma_start3A_259 = arith.constant 0 : i32
      %dma_start3A_260 = arith.constant 0 : i32
      %dma_start3A_261 = tpu.memref_slice %arg13[%dma_start3A_259, %dma_start3A_260] : memref<10240x128xf32, #tpu.memory_space<vmem_shared>> -> memref<10240x128xf32, #tpu.memory_space<vmem_shared>>
      tpu.enqueue_indirect_dma source(%arg9 : memref<64x128xf32, #tpu.memory_space<vmem>>) target(%dma_start3A_261 : memref<10240x128xf32, #tpu.memory_space<vmem_shared>>) offsets(%dma_start3A_258 : memref<64xi32, #tpu.memory_space<vmem>>) semaphore(%arg19 : memref<!tpu.dma_semaphore, #tpu.memory_space<semaphore_mem>>) {add = true}
      %ge3A_262 = arith.constant 1 : i32
      %ge3A_263 = arith.cmpi sge, %add3A_249, %ge3A_262 : i32
      %convert_element_type3A_264 = arith.extui %ge3A_263 : i1 to i32
      %cond3A_265 = arith.constant 0 : i32
      %cond3A_266 = arith.cmpi ne, %convert_element_type3A_264, %cond3A_265 : i32
      scf.if %cond3A_266 {
        %sub3A_337 = arith.constant 1 : i32
        %sub3A_338 = arith.subi %add3A_249, %sub3A_337 : i32
        %dma_wait3A_339 = arith.constant 0 : i32
        %dma_wait3A_340 = tpu.memref_slice %arg7[%sub3A_338, %dma_wait3A_339] : memref<40x64xi32, #tpu.memory_space<vmem>> -> memref<1x64xi32, #tpu.memory_space<vmem>>
        %dma_wait3A_341 = tpu.memref_squeeze %dma_wait3A_340 : memref<1x64xi32, #tpu.memory_space<vmem>> -> memref<64xi32, #tpu.memory_space<vmem>>
        %dma_wait3A_342 = arith.constant 0 : i32
        %dma_wait3A_343 = arith.constant 0 : i32
        %dma_wait3A_344 = tpu.memref_slice %arg13[%dma_wait3A_342, %dma_wait3A_343] : memref<10240x128xf32, #tpu.memory_space<vmem_shared>> -> memref<10240x128xf32, #tpu.memory_space<vmem_shared>>
        tpu.wait_indirect_dma semaphore(%arg18 : memref<!tpu.dma_semaphore, #tpu.memory_space<semaphore_mem>>) src(%arg8 : memref<64x128xf32, #tpu.memory_space<vmem>>) dst(%dma_wait3A_344 : memref<10240x128xf32, #tpu.memory_space<vmem_shared>>)
      } else {
      }
      %add3A_267 = arith.constant 4 : i32
      %add3A_268 = arith.addi %add3A_249, %add3A_267 : i32
      %sub3A_269 = arith.constant 1 : i32
      %sub3A_270 = arith.subi %add3A_268, %sub3A_269 : i32
      %lt3A_271 = arith.constant 40 : i32
      %lt3A_272 = arith.cmpi slt, %sub3A_270, %lt3A_271 : i32
      %convert_element_type3A_273 = arith.extui %lt3A_272 : i1 to i32
      %cond3A_274 = arith.constant 0 : i32
      %cond3A_275 = arith.cmpi ne, %convert_element_type3A_273, %cond3A_274 : i32
      scf.if %cond3A_275 {
        %add3A_337 = arith.constant 4 : i32
        %add3A_338 = arith.addi %add3A_249, %add3A_337 : i32
        %sub3A_339 = arith.constant 1 : i32
        %sub3A_340 = arith.subi %add3A_338, %sub3A_339 : i32
        %dma_start3A_341 = arith.constant 0 : i32
        %dma_start3A_342 = tpu.memref_slice %arg6[%sub3A_340, %dma_start3A_341] : memref<40x64xi32, #tpu.memory_space<vmem>> -> memref<1x64xi32, #tpu.memory_space<vmem>>
        %dma_start3A_343 = tpu.memref_squeeze %dma_start3A_342 : memref<1x64xi32, #tpu.memory_space<vmem>> -> memref<64xi32, #tpu.memory_space<vmem>>
        %dma_start3A_344 = arith.constant 0 : i32
        %dma_start3A_345 = arith.constant 0 : i32
        %dma_start3A_346 = tpu.memref_slice %arg2[%dma_start3A_344, %dma_start3A_345] : memref<10000x128xf32, #tpu.memory_space<hbm>> -> memref<10000x128xf32, #tpu.memory_space<hbm>>
        tpu.enqueue_indirect_dma source(%dma_start3A_346 : memref<10000x128xf32, #tpu.memory_space<hbm>>) target(%arg8 : memref<64x128xf32, #tpu.memory_space<vmem>>) offsets(%dma_start3A_343 : memref<64xi32, #tpu.memory_space<vmem>>) semaphore(%arg14 : memref<!tpu.dma_semaphore, #tpu.memory_space<semaphore_mem>>)
      } else {
      }
      %mul3A_276 = arith.constant 4 : i32
      %mul3A_277 = arith.muli %mul3A_276, %scan3A_219 : i32
      %add3A_278 = arith.constant 2 : i32
      %add3A_279 = arith.addi %mul3A_277, %add3A_278 : i32
      %dma_wait3A_280 = arith.constant 0 : i32
      %dma_wait3A_281 = tpu.memref_slice %arg6[%add3A_279, %dma_wait3A_280] : memref<40x64xi32, #tpu.memory_space<vmem>> -> memref<1x64xi32, #tpu.memory_space<vmem>>
      %dma_wait3A_282 = tpu.memref_squeeze %dma_wait3A_281 : memref<1x64xi32, #tpu.memory_space<vmem>> -> memref<64xi32, #tpu.memory_space<vmem>>
      %dma_wait3A_283 = arith.constant 0 : i32
      %dma_wait3A_284 = arith.constant 0 : i32
      %dma_wait3A_285 = tpu.memref_slice %arg2[%dma_wait3A_283, %dma_wait3A_284] : memref<10000x128xf32, #tpu.memory_space<hbm>> -> memref<10000x128xf32, #tpu.memory_space<hbm>>
      tpu.wait_indirect_dma semaphore(%arg16 : memref<!tpu.dma_semaphore, #tpu.memory_space<semaphore_mem>>) src(%dma_wait3A_285 : memref<10000x128xf32, #tpu.memory_space<hbm>>) dst(%arg10 : memref<64x128xf32, #tpu.memory_space<vmem>>)
      %dma_start3A_286 = arith.constant 0 : i32
      %dma_start3A_287 = tpu.memref_slice %arg7[%add3A_279, %dma_start3A_286] : memref<40x64xi32, #tpu.memory_space<vmem>> -> memref<1x64xi32, #tpu.memory_space<vmem>>
      %dma_start3A_288 = tpu.memref_squeeze %dma_start3A_287 : memref<1x64xi32, #tpu.memory_space<vmem>> -> memref<64xi32, #tpu.memory_space<vmem>>
      %dma_start3A_289 = arith.constant 0 : i32
      %dma_start3A_290 = arith.constant 0 : i32
      %dma_start3A_291 = tpu.memref_slice %arg13[%dma_start3A_289, %dma_start3A_290] : memref<10240x128xf32, #tpu.memory_space<vmem_shared>> -> memref<10240x128xf32, #tpu.memory_space<vmem_shared>>
      tpu.enqueue_indirect_dma source(%arg10 : memref<64x128xf32, #tpu.memory_space<vmem>>) target(%dma_start3A_291 : memref<10240x128xf32, #tpu.memory_space<vmem_shared>>) offsets(%dma_start3A_288 : memref<64xi32, #tpu.memory_space<vmem>>) semaphore(%arg20 : memref<!tpu.dma_semaphore, #tpu.memory_space<semaphore_mem>>) {add = true}
      %ge3A_292 = arith.constant 1 : i32
      %ge3A_293 = arith.cmpi sge, %add3A_279, %ge3A_292 : i32
      %convert_element_type3A_294 = arith.extui %ge3A_293 : i1 to i32
      %cond3A_295 = arith.constant 0 : i32
      %cond3A_296 = arith.cmpi ne, %convert_element_type3A_294, %cond3A_295 : i32
      scf.if %cond3A_296 {
        %sub3A_337 = arith.constant 1 : i32
        %sub3A_338 = arith.subi %add3A_279, %sub3A_337 : i32
        %dma_wait3A_339 = arith.constant 0 : i32
        %dma_wait3A_340 = tpu.memref_slice %arg7[%sub3A_338, %dma_wait3A_339] : memref<40x64xi32, #tpu.memory_space<vmem>> -> memref<1x64xi32, #tpu.memory_space<vmem>>
        %dma_wait3A_341 = tpu.memref_squeeze %dma_wait3A_340 : memref<1x64xi32, #tpu.memory_space<vmem>> -> memref<64xi32, #tpu.memory_space<vmem>>
        %dma_wait3A_342 = arith.constant 0 : i32
        %dma_wait3A_343 = arith.constant 0 : i32
        %dma_wait3A_344 = tpu.memref_slice %arg13[%dma_wait3A_342, %dma_wait3A_343] : memref<10240x128xf32, #tpu.memory_space<vmem_shared>> -> memref<10240x128xf32, #tpu.memory_space<vmem_shared>>
        tpu.wait_indirect_dma semaphore(%arg19 : memref<!tpu.dma_semaphore, #tpu.memory_space<semaphore_mem>>) src(%arg9 : memref<64x128xf32, #tpu.memory_space<vmem>>) dst(%dma_wait3A_344 : memref<10240x128xf32, #tpu.memory_space<vmem_shared>>)
      } else {
      }
      %add3A_297 = arith.constant 4 : i32
      %add3A_298 = arith.addi %add3A_279, %add3A_297 : i32
      %sub3A_299 = arith.constant 1 : i32
      %sub3A_300 = arith.subi %add3A_298, %sub3A_299 : i32
      %lt3A_301 = arith.constant 40 : i32
      %lt3A_302 = arith.cmpi slt, %sub3A_300, %lt3A_301 : i32
      %convert_element_type3A_303 = arith.extui %lt3A_302 : i1 to i32
      %cond3A_304 = arith.constant 0 : i32
      %cond3A_305 = arith.cmpi ne, %convert_element_type3A_303, %cond3A_304 : i32
      scf.if %cond3A_305 {
        %add3A_337 = arith.constant 4 : i32
        %add3A_338 = arith.addi %add3A_279, %add3A_337 : i32
        %sub3A_339 = arith.constant 1 : i32
        %sub3A_340 = arith.subi %add3A_338, %sub3A_339 : i32
        %dma_start3A_341 = arith.constant 0 : i32
        %dma_start3A_342 = tpu.memref_slice %arg6[%sub3A_340, %dma_start3A_341] : memref<40x64xi32, #tpu.memory_space<vmem>> -> memref<1x64xi32, #tpu.memory_space<vmem>>
        %dma_start3A_343 = tpu.memref_squeeze %dma_start3A_342 : memref<1x64xi32, #tpu.memory_space<vmem>> -> memref<64xi32, #tpu.memory_space<vmem>>
        %dma_start3A_344 = arith.constant 0 : i32
        %dma_start3A_345 = arith.constant 0 : i32
        %dma_start3A_346 = tpu.memref_slice %arg2[%dma_start3A_344, %dma_start3A_345] : memref<10000x128xf32, #tpu.memory_space<hbm>> -> memref<10000x128xf32, #tpu.memory_space<hbm>>
        tpu.enqueue_indirect_dma source(%dma_start3A_346 : memref<10000x128xf32, #tpu.memory_space<hbm>>) target(%arg9 : memref<64x128xf32, #tpu.memory_space<vmem>>) offsets(%dma_start3A_343 : memref<64xi32, #tpu.memory_space<vmem>>) semaphore(%arg15 : memref<!tpu.dma_semaphore, #tpu.memory_space<semaphore_mem>>)
      } else {
      }
      %mul3A_306 = arith.constant 4 : i32
      %mul3A_307 = arith.muli %mul3A_306, %scan3A_219 : i32
      %add3A_308 = arith.constant 3 : i32
      %add3A_309 = arith.addi %mul3A_307, %add3A_308 : i32
      %dma_wait3A_310 = arith.constant 0 : i32
      %dma_wait3A_311 = tpu.memref_slice %arg6[%add3A_309, %dma_wait3A_310] : memref<40x64xi32, #tpu.memory_space<vmem>> -> memref<1x64xi32, #tpu.memory_space<vmem>>
      %dma_wait3A_312 = tpu.memref_squeeze %dma_wait3A_311 : memref<1x64xi32, #tpu.memory_space<vmem>> -> memref<64xi32, #tpu.memory_space<vmem>>
      %dma_wait3A_313 = arith.constant 0 : i32
      %dma_wait3A_314 = arith.constant 0 : i32
      %dma_wait3A_315 = tpu.memref_slice %arg2[%dma_wait3A_313, %dma_wait3A_314] : memref<10000x128xf32, #tpu.memory_space<hbm>> -> memref<10000x128xf32, #tpu.memory_space<hbm>>
      tpu.wait_indirect_dma semaphore(%arg17 : memref<!tpu.dma_semaphore, #tpu.memory_space<semaphore_mem>>) src(%dma_wait3A_315 : memref<10000x128xf32, #tpu.memory_space<hbm>>) dst(%arg11 : memref<64x128xf32, #tpu.memory_space<vmem>>)
      %dma_start3A_316 = arith.constant 0 : i32
      %dma_start3A_317 = tpu.memref_slice %arg7[%add3A_309, %dma_start3A_316] : memref<40x64xi32, #tpu.memory_space<vmem>> -> memref<1x64xi32, #tpu.memory_space<vmem>>
      %dma_start3A_318 = tpu.memref_squeeze %dma_start3A_317 : memref<1x64xi32, #tpu.memory_space<vmem>> -> memref<64xi32, #tpu.memory_space<vmem>>
      %dma_start3A_319 = arith.constant 0 : i32
      %dma_start3A_320 = arith.constant 0 : i32
      %dma_start3A_321 = tpu.memref_slice %arg13[%dma_start3A_319, %dma_start3A_320] : memref<10240x128xf32, #tpu.memory_space<vmem_shared>> -> memref<10240x128xf32, #tpu.memory_space<vmem_shared>>
      tpu.enqueue_indirect_dma source(%arg11 : memref<64x128xf32, #tpu.memory_space<vmem>>) target(%dma_start3A_321 : memref<10240x128xf32, #tpu.memory_space<vmem_shared>>) offsets(%dma_start3A_318 : memref<64xi32, #tpu.memory_space<vmem>>) semaphore(%arg21 : memref<!tpu.dma_semaphore, #tpu.memory_space<semaphore_mem>>) {add = true}
      %ge3A_322 = arith.constant 1 : i32
      %ge3A_323 = arith.cmpi sge, %add3A_309, %ge3A_322 : i32
      %convert_element_type3A_324 = arith.extui %ge3A_323 : i1 to i32
      %cond3A_325 = arith.constant 0 : i32
      %cond3A_326 = arith.cmpi ne, %convert_element_type3A_324, %cond3A_325 : i32
      scf.if %cond3A_326 {
        %sub3A_337 = arith.constant 1 : i32
        %sub3A_338 = arith.subi %add3A_309, %sub3A_337 : i32
        %dma_wait3A_339 = arith.constant 0 : i32
        %dma_wait3A_340 = tpu.memref_slice %arg7[%sub3A_338, %dma_wait3A_339] : memref<40x64xi32, #tpu.memory_space<vmem>> -> memref<1x64xi32, #tpu.memory_space<vmem>>
        %dma_wait3A_341 = tpu.memref_squeeze %dma_wait3A_340 : memref<1x64xi32, #tpu.memory_space<vmem>> -> memref<64xi32, #tpu.memory_space<vmem>>
        %dma_wait3A_342 = arith.constant 0 : i32
        %dma_wait3A_343 = arith.constant 0 : i32
        %dma_wait3A_344 = tpu.memref_slice %arg13[%dma_wait3A_342, %dma_wait3A_343] : memref<10240x128xf32, #tpu.memory_space<vmem_shared>> -> memref<10240x128xf32, #tpu.memory_space<vmem_shared>>
        tpu.wait_indirect_dma semaphore(%arg20 : memref<!tpu.dma_semaphore, #tpu.memory_space<semaphore_mem>>) src(%arg10 : memref<64x128xf32, #tpu.memory_space<vmem>>) dst(%dma_wait3A_344 : memref<10240x128xf32, #tpu.memory_space<vmem_shared>>)
      } else {
      }
      %add3A_327 = arith.constant 4 : i32
      %add3A_328 = arith.addi %add3A_309, %add3A_327 : i32
      %sub3A_329 = arith.constant 1 : i32
      %sub3A_330 = arith.subi %add3A_328, %sub3A_329 : i32
      %lt3A_331 = arith.constant 40 : i32
      %lt3A_332 = arith.cmpi slt, %sub3A_330, %lt3A_331 : i32
      %convert_element_type3A_333 = arith.extui %lt3A_332 : i1 to i32
      %cond3A_334 = arith.constant 0 : i32
      %cond3A_335 = arith.cmpi ne, %convert_element_type3A_333, %cond3A_334 : i32
      scf.if %cond3A_335 {
        %add3A_337 = arith.constant 4 : i32
        %add3A_338 = arith.addi %add3A_309, %add3A_337 : i32
        %sub3A_339 = arith.constant 1 : i32
        %sub3A_340 = arith.subi %add3A_338, %sub3A_339 : i32
        %dma_start3A_341 = arith.constant 0 : i32
        %dma_start3A_342 = tpu.memref_slice %arg6[%sub3A_340, %dma_start3A_341] : memref<40x64xi32, #tpu.memory_space<vmem>> -> memref<1x64xi32, #tpu.memory_space<vmem>>
        %dma_start3A_343 = tpu.memref_squeeze %dma_start3A_342 : memref<1x64xi32, #tpu.memory_space<vmem>> -> memref<64xi32, #tpu.memory_space<vmem>>
        %dma_start3A_344 = arith.constant 0 : i32
        %dma_start3A_345 = arith.constant 0 : i32
        %dma_start3A_346 = tpu.memref_slice %arg2[%dma_start3A_344, %dma_start3A_345] : memref<10000x128xf32, #tpu.memory_space<hbm>> -> memref<10000x128xf32, #tpu.memory_space<hbm>>
        tpu.enqueue_indirect_dma source(%dma_start3A_346 : memref<10000x128xf32, #tpu.memory_space<hbm>>) target(%arg10 : memref<64x128xf32, #tpu.memory_space<vmem>>) offsets(%dma_start3A_343 : memref<64xi32, #tpu.memory_space<vmem>>) semaphore(%arg16 : memref<!tpu.dma_semaphore, #tpu.memory_space<semaphore_mem>>)
      } else {
      }
      %scan3A_336 = arith.constant 0 : i32
      scf.yield %scan3A_336 : i32
    }
    %scan3A_89 = arith.constant 10 : i32
    %dma_wait3A_90 = arith.constant 39 : i32
    %dma_wait3A_91 = arith.constant 0 : i32
    %dma_wait3A_92 = tpu.memref_slice %arg7[%dma_wait3A_90, %dma_wait3A_91] : memref<40x64xi32, #tpu.memory_space<vmem>> -> memref<1x64xi32, #tpu.memory_space<vmem>>
    %dma_wait3A_93 = tpu.memref_squeeze %dma_wait3A_92 : memref<1x64xi32, #tpu.memory_space<vmem>> -> memref<64xi32, #tpu.memory_space<vmem>>
    %dma_wait3A_94 = arith.constant 0 : i32
    %dma_wait3A_95 = arith.constant 0 : i32
    %dma_wait3A_96 = tpu.memref_slice %arg13[%dma_wait3A_94, %dma_wait3A_95] : memref<10240x128xf32, #tpu.memory_space<vmem_shared>> -> memref<10240x128xf32, #tpu.memory_space<vmem_shared>>
    tpu.wait_indirect_dma semaphore(%arg21 : memref<!tpu.dma_semaphore, #tpu.memory_space<semaphore_mem>>) src(%arg11 : memref<64x128xf32, #tpu.memory_space<vmem>>) dst(%dma_wait3A_96 : memref<10240x128xf32, #tpu.memory_space<vmem_shared>>)
    %add3A_97 = arith.constant 40 : i32
    %add3A_98 = arith.addi %mul3A_2, %add3A_97 : i32
    "tpu.region"() ({
      %run_scoped3A = tpu.sem_alloc : memref<!tpu.dma_semaphore, #tpu.memory_space<semaphore_mem>>
      %dma_start3A_219 = arith.constant 0 : i32
      %dma_start3A_220 = tpu.memref_slice %arg3[%add3A_98, %dma_start3A_219] : memref<5120x64xi32, #tpu.memory_space<hbm>> -> memref<40x64xi32, #tpu.memory_space<hbm>>
      %dma_start3A_221 = arith.constant 0 : i32
      %dma_start3A_222 = tpu.memref_slice %arg3[%add3A_98, %dma_start3A_221] : memref<5120x64xi32, #tpu.memory_space<hbm>> -> memref<40x64xi32, #tpu.memory_space<hbm>>
      tpu.enqueue_dma source(%dma_start3A_222 : memref<40x64xi32, #tpu.memory_space<hbm>>) target(%arg6 : memref<40x64xi32, #tpu.memory_space<vmem>>) target_semaphore(%run_scoped3A : memref<!tpu.dma_semaphore, #tpu.memory_space<semaphore_mem>>)
      %dma_wait3A_223 = arith.constant 0 : i32
      %dma_wait3A_224 = tpu.memref_slice %arg3[%add3A_98, %dma_wait3A_223] : memref<5120x64xi32, #tpu.memory_space<hbm>> -> memref<40x64xi32, #tpu.memory_space<hbm>>
      %dma_wait3A_225 = arith.constant 0 : i32
      %dma_wait3A_226 = tpu.memref_slice %arg3[%add3A_98, %dma_wait3A_225] : memref<5120x64xi32, #tpu.memory_space<hbm>> -> memref<40x64xi32, #tpu.memory_space<hbm>>
      tpu.wait_dma2 semaphore(%run_scoped3A : memref<!tpu.dma_semaphore, #tpu.memory_space<semaphore_mem>>) src(%dma_wait3A_226 : memref<40x64xi32, #tpu.memory_space<hbm>>) dst(%arg6 : memref<40x64xi32, #tpu.memory_space<vmem>>)
      tpu.yield
    }) : () -> ()
    %add3A_99 = arith.constant 40 : i32
    %add3A_100 = arith.addi %mul3A_2, %add3A_99 : i32
    "tpu.region"() ({
      %run_scoped3A = tpu.sem_alloc : memref<!tpu.dma_semaphore, #tpu.memory_space<semaphore_mem>>
      %dma_start3A_219 = arith.constant 0 : i32
      %dma_start3A_220 = tpu.memref_slice %arg4[%add3A_100, %dma_start3A_219] : memref<5120x64xi32, #tpu.memory_space<hbm>> -> memref<40x64xi32, #tpu.memory_space<hbm>>
      %dma_start3A_221 = arith.constant 0 : i32
      %dma_start3A_222 = tpu.memref_slice %arg4[%add3A_100, %dma_start3A_221] : memref<5120x64xi32, #tpu.memory_space<hbm>> -> memref<40x64xi32, #tpu.memory_space<hbm>>
      tpu.enqueue_dma source(%dma_start3A_222 : memref<40x64xi32, #tpu.memory_space<hbm>>) target(%arg7 : memref<40x64xi32, #tpu.memory_space<vmem>>) target_semaphore(%run_scoped3A : memref<!tpu.dma_semaphore, #tpu.memory_space<semaphore_mem>>)
      %dma_wait3A_223 = arith.constant 0 : i32
      %dma_wait3A_224 = tpu.memref_slice %arg4[%add3A_100, %dma_wait3A_223] : memref<5120x64xi32, #tpu.memory_space<hbm>> -> memref<40x64xi32, #tpu.memory_space<hbm>>
      %dma_wait3A_225 = arith.constant 0 : i32
      %dma_wait3A_226 = tpu.memref_slice %arg4[%add3A_100, %dma_wait3A_225] : memref<5120x64xi32, #tpu.memory_space<hbm>> -> memref<40x64xi32, #tpu.memory_space<hbm>>
      tpu.wait_dma2 semaphore(%run_scoped3A : memref<!tpu.dma_semaphore, #tpu.memory_space<semaphore_mem>>) src(%dma_wait3A_226 : memref<40x64xi32, #tpu.memory_space<hbm>>) dst(%arg7 : memref<40x64xi32, #tpu.memory_space<vmem>>)
      tpu.yield
    }) : () -> ()
    %dma_start3A_101 = arith.constant 0 : i32
    %dma_start3A_102 = arith.constant 0 : i32
    %dma_start3A_103 = tpu.memref_slice %arg6[%dma_start3A_101, %dma_start3A_102] : memref<40x64xi32, #tpu.memory_space<vmem>> -> memref<1x64xi32, #tpu.memory_space<vmem>>
    %dma_start3A_104 = tpu.memref_squeeze %dma_start3A_103 : memref<1x64xi32, #tpu.memory_space<vmem>> -> memref<64xi32, #tpu.memory_space<vmem>>
    %dma_start3A_105 = arith.constant 0 : i32
    %dma_start3A_106 = arith.constant 0 : i32
    %dma_start3A_107 = tpu.memref_slice %arg2[%dma_start3A_105, %dma_start3A_106] : memref<10000x128xf32, #tpu.memory_space<hbm>> -> memref<10000x128xf32, #tpu.memory_space<hbm>>
    tpu.enqueue_indirect_dma source(%dma_start3A_107 : memref<10000x128xf32, #tpu.memory_space<hbm>>) target(%arg8 : memref<64x128xf32, #tpu.memory_space<vmem>>) offsets(%dma_start3A_104 : memref<64xi32, #tpu.memory_space<vmem>>) semaphore(%arg14 : memref<!tpu.dma_semaphore, #tpu.memory_space<semaphore_mem>>)
    %dma_start3A_108 = arith.constant 1 : i32
    %dma_start3A_109 = arith.constant 0 : i32
    %dma_start3A_110 = tpu.memref_slice %arg6[%dma_start3A_108, %dma_start3A_109] : memref<40x64xi32, #tpu.memory_space<vmem>> -> memref<1x64xi32, #tpu.memory_space<vmem>>
    %dma_start3A_111 = tpu.memref_squeeze %dma_start3A_110 : memref<1x64xi32, #tpu.memory_space<vmem>> -> memref<64xi32, #tpu.memory_space<vmem>>
    %dma_start3A_112 = arith.constant 0 : i32
    %dma_start3A_113 = arith.constant 0 : i32
    %dma_start3A_114 = tpu.memref_slice %arg2[%dma_start3A_112, %dma_start3A_113] : memref<10000x128xf32, #tpu.memory_space<hbm>> -> memref<10000x128xf32, #tpu.memory_space<hbm>>
    tpu.enqueue_indirect_dma source(%dma_start3A_114 : memref<10000x128xf32, #tpu.memory_space<hbm>>) target(%arg9 : memref<64x128xf32, #tpu.memory_space<vmem>>) offsets(%dma_start3A_111 : memref<64xi32, #tpu.memory_space<vmem>>) semaphore(%arg15 : memref<!tpu.dma_semaphore, #tpu.memory_space<semaphore_mem>>)
    %dma_start3A_115 = arith.constant 2 : i32
    %dma_start3A_116 = arith.constant 0 : i32
    %dma_start3A_117 = tpu.memref_slice %arg6[%dma_start3A_115, %dma_start3A_116] : memref<40x64xi32, #tpu.memory_space<vmem>> -> memref<1x64xi32, #tpu.memory_space<vmem>>
    %dma_start3A_118 = tpu.memref_squeeze %dma_start3A_117 : memref<1x64xi32, #tpu.memory_space<vmem>> -> memref<64xi32, #tpu.memory_space<vmem>>
    %dma_start3A_119 = arith.constant 0 : i32
    %dma_start3A_120 = arith.constant 0 : i32
    %dma_start3A_121 = tpu.memref_slice %arg2[%dma_start3A_119, %dma_start3A_120] : memref<10000x128xf32, #tpu.memory_space<hbm>> -> memref<10000x128xf32, #tpu.memory_space<hbm>>
    tpu.enqueue_indirect_dma source(%dma_start3A_121 : memref<10000x128xf32, #tpu.memory_space<hbm>>) target(%arg10 : memref<64x128xf32, #tpu.memory_space<vmem>>) offsets(%dma_start3A_118 : memref<64xi32, #tpu.memory_space<vmem>>) semaphore(%arg16 : memref<!tpu.dma_semaphore, #tpu.memory_space<semaphore_mem>>)
    %scan3A_122 = arith.constant 0 : i32
    %scan3A_123 = arith.constant 0 : i32
    %scan3A_124 = arith.constant 10 : i32
    %scan3A_125 = arith.addi %scan3A_123, %scan3A_124 : i32
    %scan3A_126 = arith.constant 1 : i32
    %scan3A_127 = scf.for %scan3A_219 = %scan3A_123 to %scan3A_125 step %scan3A_126 iter_args(%scan3A_220 = %scan3A_122) -> (i32)  : i32 {
      %mul3A_221 = arith.constant 4 : i32
      %mul3A_222 = arith.muli %mul3A_221, %scan3A_219 : i32
      %add3A_223 = arith.constant 0 : i32
      %add3A_224 = arith.addi %mul3A_222, %add3A_223 : i32
      %dma_wait3A_225 = arith.constant 0 : i32
      %dma_wait3A_226 = tpu.memref_slice %arg6[%add3A_224, %dma_wait3A_225] : memref<40x64xi32, #tpu.memory_space<vmem>> -> memref<1x64xi32, #tpu.memory_space<vmem>>
      %dma_wait3A_227 = tpu.memref_squeeze %dma_wait3A_226 : memref<1x64xi32, #tpu.memory_space<vmem>> -> memref<64xi32, #tpu.memory_space<vmem>>
      %dma_wait3A_228 = arith.constant 0 : i32
      %dma_wait3A_229 = arith.constant 0 : i32
      %dma_wait3A_230 = tpu.memref_slice %arg2[%dma_wait3A_228, %dma_wait3A_229] : memref<10000x128xf32, #tpu.memory_space<hbm>> -> memref<10000x128xf32, #tpu.memory_space<hbm>>
      tpu.wait_indirect_dma semaphore(%arg14 : memref<!tpu.dma_semaphore, #tpu.memory_space<semaphore_mem>>) src(%dma_wait3A_230 : memref<10000x128xf32, #tpu.memory_space<hbm>>) dst(%arg8 : memref<64x128xf32, #tpu.memory_space<vmem>>)
      %dma_start3A_231 = arith.constant 0 : i32
      %dma_start3A_232 = tpu.memref_slice %arg7[%add3A_224, %dma_start3A_231] : memref<40x64xi32, #tpu.memory_space<vmem>> -> memref<1x64xi32, #tpu.memory_space<vmem>>
      %dma_start3A_233 = tpu.memref_squeeze %dma_start3A_232 : memref<1x64xi32, #tpu.memory_space<vmem>> -> memref<64xi32, #tpu.memory_space<vmem>>
      %dma_start3A_234 = arith.constant 0 : i32
      %dma_start3A_235 = arith.constant 0 : i32
      %dma_start3A_236 = tpu.memref_slice %arg13[%dma_start3A_234, %dma_start3A_235] : memref<10240x128xf32, #tpu.memory_space<vmem_shared>> -> memref<10240x128xf32, #tpu.memory_space<vmem_shared>>
      tpu.enqueue_indirect_dma source(%arg8 : memref<64x128xf32, #tpu.memory_space<vmem>>) target(%dma_start3A_236 : memref<10240x128xf32, #tpu.memory_space<vmem_shared>>) offsets(%dma_start3A_233 : memref<64xi32, #tpu.memory_space<vmem>>) semaphore(%arg18 : memref<!tpu.dma_semaphore, #tpu.memory_space<semaphore_mem>>) {add = true}
      %ge3A = arith.constant 1 : i32
      %ge3A_237 = arith.cmpi sge, %add3A_224, %ge3A : i32
      %convert_element_type3A = arith.extui %ge3A_237 : i1 to i32
      %cond3A = arith.constant 0 : i32
      %cond3A_238 = arith.cmpi ne, %convert_element_type3A, %cond3A : i32
      scf.if %cond3A_238 {
        %sub3A_337 = arith.constant 1 : i32
        %sub3A_338 = arith.subi %add3A_224, %sub3A_337 : i32
        %dma_wait3A_339 = arith.constant 0 : i32
        %dma_wait3A_340 = tpu.memref_slice %arg7[%sub3A_338, %dma_wait3A_339] : memref<40x64xi32, #tpu.memory_space<vmem>> -> memref<1x64xi32, #tpu.memory_space<vmem>>
        %dma_wait3A_341 = tpu.memref_squeeze %dma_wait3A_340 : memref<1x64xi32, #tpu.memory_space<vmem>> -> memref<64xi32, #tpu.memory_space<vmem>>
        %dma_wait3A_342 = arith.constant 0 : i32
        %dma_wait3A_343 = arith.constant 0 : i32
        %dma_wait3A_344 = tpu.memref_slice %arg13[%dma_wait3A_342, %dma_wait3A_343] : memref<10240x128xf32, #tpu.memory_space<vmem_shared>> -> memref<10240x128xf32, #tpu.memory_space<vmem_shared>>
        tpu.wait_indirect_dma semaphore(%arg21 : memref<!tpu.dma_semaphore, #tpu.memory_space<semaphore_mem>>) src(%arg11 : memref<64x128xf32, #tpu.memory_space<vmem>>) dst(%dma_wait3A_344 : memref<10240x128xf32, #tpu.memory_space<vmem_shared>>)
      } else {
      }
      %add3A_239 = arith.constant 4 : i32
      %add3A_240 = arith.addi %add3A_224, %add3A_239 : i32
      %sub3A = arith.constant 1 : i32
      %sub3A_241 = arith.subi %add3A_240, %sub3A : i32
      %lt3A = arith.constant 40 : i32
      %lt3A_242 = arith.cmpi slt, %sub3A_241, %lt3A : i32
      %convert_element_type3A_243 = arith.extui %lt3A_242 : i1 to i32
      %cond3A_244 = arith.constant 0 : i32
      %cond3A_245 = arith.cmpi ne, %convert_element_type3A_243, %cond3A_244 : i32
      scf.if %cond3A_245 {
        %add3A_337 = arith.constant 4 : i32
        %add3A_338 = arith.addi %add3A_224, %add3A_337 : i32
        %sub3A_339 = arith.constant 1 : i32
        %sub3A_340 = arith.subi %add3A_338, %sub3A_339 : i32
        %dma_start3A_341 = arith.constant 0 : i32
        %dma_start3A_342 = tpu.memref_slice %arg6[%sub3A_340, %dma_start3A_341] : memref<40x64xi32, #tpu.memory_space<vmem>> -> memref<1x64xi32, #tpu.memory_space<vmem>>
        %dma_start3A_343 = tpu.memref_squeeze %dma_start3A_342 : memref<1x64xi32, #tpu.memory_space<vmem>> -> memref<64xi32, #tpu.memory_space<vmem>>
        %dma_start3A_344 = arith.constant 0 : i32
        %dma_start3A_345 = arith.constant 0 : i32
        %dma_start3A_346 = tpu.memref_slice %arg2[%dma_start3A_344, %dma_start3A_345] : memref<10000x128xf32, #tpu.memory_space<hbm>> -> memref<10000x128xf32, #tpu.memory_space<hbm>>
        tpu.enqueue_indirect_dma source(%dma_start3A_346 : memref<10000x128xf32, #tpu.memory_space<hbm>>) target(%arg11 : memref<64x128xf32, #tpu.memory_space<vmem>>) offsets(%dma_start3A_343 : memref<64xi32, #tpu.memory_space<vmem>>) semaphore(%arg17 : memref<!tpu.dma_semaphore, #tpu.memory_space<semaphore_mem>>)
      } else {
      }
      %mul3A_246 = arith.constant 4 : i32
      %mul3A_247 = arith.muli %mul3A_246, %scan3A_219 : i32
      %add3A_248 = arith.constant 1 : i32
      %add3A_249 = arith.addi %mul3A_247, %add3A_248 : i32
      %dma_wait3A_250 = arith.constant 0 : i32
      %dma_wait3A_251 = tpu.memref_slice %arg6[%add3A_249, %dma_wait3A_250] : memref<40x64xi32, #tpu.memory_space<vmem>> -> memref<1x64xi32, #tpu.memory_space<vmem>>
      %dma_wait3A_252 = tpu.memref_squeeze %dma_wait3A_251 : memref<1x64xi32, #tpu.memory_space<vmem>> -> memref<64xi32, #tpu.memory_space<vmem>>
      %dma_wait3A_253 = arith.constant 0 : i32
      %dma_wait3A_254 = arith.constant 0 : i32
      %dma_wait3A_255 = tpu.memref_slice %arg2[%dma_wait3A_253, %dma_wait3A_254] : memref<10000x128xf32, #tpu.memory_space<hbm>> -> memref<10000x128xf32, #tpu.memory_space<hbm>>
      tpu.wait_indirect_dma semaphore(%arg15 : memref<!tpu.dma_semaphore, #tpu.memory_space<semaphore_mem>>) src(%dma_wait3A_255 : memref<10000x128xf32, #tpu.memory_space<hbm>>) dst(%arg9 : memref<64x128xf32, #tpu.memory_space<vmem>>)
      %dma_start3A_256 = arith.constant 0 : i32
      %dma_start3A_257 = tpu.memref_slice %arg7[%add3A_249, %dma_start3A_256] : memref<40x64xi32, #tpu.memory_space<vmem>> -> memref<1x64xi32, #tpu.memory_space<vmem>>
      %dma_start3A_258 = tpu.memref_squeeze %dma_start3A_257 : memref<1x64xi32, #tpu.memory_space<vmem>> -> memref<64xi32, #tpu.memory_space<vmem>>
      %dma_start3A_259 = arith.constant 0 : i32
      %dma_start3A_260 = arith.constant 0 : i32
      %dma_start3A_261 = tpu.memref_slice %arg13[%dma_start3A_259, %dma_start3A_260] : memref<10240x128xf32, #tpu.memory_space<vmem_shared>> -> memref<10240x128xf32, #tpu.memory_space<vmem_shared>>
      tpu.enqueue_indirect_dma source(%arg9 : memref<64x128xf32, #tpu.memory_space<vmem>>) target(%dma_start3A_261 : memref<10240x128xf32, #tpu.memory_space<vmem_shared>>) offsets(%dma_start3A_258 : memref<64xi32, #tpu.memory_space<vmem>>) semaphore(%arg19 : memref<!tpu.dma_semaphore, #tpu.memory_space<semaphore_mem>>) {add = true}
      %ge3A_262 = arith.constant 1 : i32
      %ge3A_263 = arith.cmpi sge, %add3A_249, %ge3A_262 : i32
      %convert_element_type3A_264 = arith.extui %ge3A_263 : i1 to i32
      %cond3A_265 = arith.constant 0 : i32
      %cond3A_266 = arith.cmpi ne, %convert_element_type3A_264, %cond3A_265 : i32
      scf.if %cond3A_266 {
        %sub3A_337 = arith.constant 1 : i32
        %sub3A_338 = arith.subi %add3A_249, %sub3A_337 : i32
        %dma_wait3A_339 = arith.constant 0 : i32
        %dma_wait3A_340 = tpu.memref_slice %arg7[%sub3A_338, %dma_wait3A_339] : memref<40x64xi32, #tpu.memory_space<vmem>> -> memref<1x64xi32, #tpu.memory_space<vmem>>
        %dma_wait3A_341 = tpu.memref_squeeze %dma_wait3A_340 : memref<1x64xi32, #tpu.memory_space<vmem>> -> memref<64xi32, #tpu.memory_space<vmem>>
        %dma_wait3A_342 = arith.constant 0 : i32
        %dma_wait3A_343 = arith.constant 0 : i32
        %dma_wait3A_344 = tpu.memref_slice %arg13[%dma_wait3A_342, %dma_wait3A_343] : memref<10240x128xf32, #tpu.memory_space<vmem_shared>> -> memref<10240x128xf32, #tpu.memory_space<vmem_shared>>
        tpu.wait_indirect_dma semaphore(%arg18 : memref<!tpu.dma_semaphore, #tpu.memory_space<semaphore_mem>>) src(%arg8 : memref<64x128xf32, #tpu.memory_space<vmem>>) dst(%dma_wait3A_344 : memref<10240x128xf32, #tpu.memory_space<vmem_shared>>)
      } else {
      }
      %add3A_267 = arith.constant 4 : i32
      %add3A_268 = arith.addi %add3A_249, %add3A_267 : i32
      %sub3A_269 = arith.constant 1 : i32
      %sub3A_270 = arith.subi %add3A_268, %sub3A_269 : i32
      %lt3A_271 = arith.constant 40 : i32
      %lt3A_272 = arith.cmpi slt, %sub3A_270, %lt3A_271 : i32
      %convert_element_type3A_273 = arith.extui %lt3A_272 : i1 to i32
      %cond3A_274 = arith.constant 0 : i32
      %cond3A_275 = arith.cmpi ne, %convert_element_type3A_273, %cond3A_274 : i32
      scf.if %cond3A_275 {
        %add3A_337 = arith.constant 4 : i32
        %add3A_338 = arith.addi %add3A_249, %add3A_337 : i32
        %sub3A_339 = arith.constant 1 : i32
        %sub3A_340 = arith.subi %add3A_338, %sub3A_339 : i32
        %dma_start3A_341 = arith.constant 0 : i32
        %dma_start3A_342 = tpu.memref_slice %arg6[%sub3A_340, %dma_start3A_341] : memref<40x64xi32, #tpu.memory_space<vmem>> -> memref<1x64xi32, #tpu.memory_space<vmem>>
        %dma_start3A_343 = tpu.memref_squeeze %dma_start3A_342 : memref<1x64xi32, #tpu.memory_space<vmem>> -> memref<64xi32, #tpu.memory_space<vmem>>
        %dma_start3A_344 = arith.constant 0 : i32
        %dma_start3A_345 = arith.constant 0 : i32
        %dma_start3A_346 = tpu.memref_slice %arg2[%dma_start3A_344, %dma_start3A_345] : memref<10000x128xf32, #tpu.memory_space<hbm>> -> memref<10000x128xf32, #tpu.memory_space<hbm>>
        tpu.enqueue_indirect_dma source(%dma_start3A_346 : memref<10000x128xf32, #tpu.memory_space<hbm>>) target(%arg8 : memref<64x128xf32, #tpu.memory_space<vmem>>) offsets(%dma_start3A_343 : memref<64xi32, #tpu.memory_space<vmem>>) semaphore(%arg14 : memref<!tpu.dma_semaphore, #tpu.memory_space<semaphore_mem>>)
      } else {
      }
      %mul3A_276 = arith.constant 4 : i32
      %mul3A_277 = arith.muli %mul3A_276, %scan3A_219 : i32
      %add3A_278 = arith.constant 2 : i32
      %add3A_279 = arith.addi %mul3A_277, %add3A_278 : i32
      %dma_wait3A_280 = arith.constant 0 : i32
      %dma_wait3A_281 = tpu.memref_slice %arg6[%add3A_279, %dma_wait3A_280] : memref<40x64xi32, #tpu.memory_space<vmem>> -> memref<1x64xi32, #tpu.memory_space<vmem>>
      %dma_wait3A_282 = tpu.memref_squeeze %dma_wait3A_281 : memref<1x64xi32, #tpu.memory_space<vmem>> -> memref<64xi32, #tpu.memory_space<vmem>>
      %dma_wait3A_283 = arith.constant 0 : i32
      %dma_wait3A_284 = arith.constant 0 : i32
      %dma_wait3A_285 = tpu.memref_slice %arg2[%dma_wait3A_283, %dma_wait3A_284] : memref<10000x128xf32, #tpu.memory_space<hbm>> -> memref<10000x128xf32, #tpu.memory_space<hbm>>
      tpu.wait_indirect_dma semaphore(%arg16 : memref<!tpu.dma_semaphore, #tpu.memory_space<semaphore_mem>>) src(%dma_wait3A_285 : memref<10000x128xf32, #tpu.memory_space<hbm>>) dst(%arg10 : memref<64x128xf32, #tpu.memory_space<vmem>>)
      %dma_start3A_286 = arith.constant 0 : i32
      %dma_start3A_287 = tpu.memref_slice %arg7[%add3A_279, %dma_start3A_286] : memref<40x64xi32, #tpu.memory_space<vmem>> -> memref<1x64xi32, #tpu.memory_space<vmem>>
      %dma_start3A_288 = tpu.memref_squeeze %dma_start3A_287 : memref<1x64xi32, #tpu.memory_space<vmem>> -> memref<64xi32, #tpu.memory_space<vmem>>
      %dma_start3A_289 = arith.constant 0 : i32
      %dma_start3A_290 = arith.constant 0 : i32
      %dma_start3A_291 = tpu.memref_slice %arg13[%dma_start3A_289, %dma_start3A_290] : memref<10240x128xf32, #tpu.memory_space<vmem_shared>> -> memref<10240x128xf32, #tpu.memory_space<vmem_shared>>
      tpu.enqueue_indirect_dma source(%arg10 : memref<64x128xf32, #tpu.memory_space<vmem>>) target(%dma_start3A_291 : memref<10240x128xf32, #tpu.memory_space<vmem_shared>>) offsets(%dma_start3A_288 : memref<64xi32, #tpu.memory_space<vmem>>) semaphore(%arg20 : memref<!tpu.dma_semaphore, #tpu.memory_space<semaphore_mem>>) {add = true}
      %ge3A_292 = arith.constant 1 : i32
      %ge3A_293 = arith.cmpi sge, %add3A_279, %ge3A_292 : i32
      %convert_element_type3A_294 = arith.extui %ge3A_293 : i1 to i32
      %cond3A_295 = arith.constant 0 : i32
      %cond3A_296 = arith.cmpi ne, %convert_element_type3A_294, %cond3A_295 : i32
      scf.if %cond3A_296 {
        %sub3A_337 = arith.constant 1 : i32
        %sub3A_338 = arith.subi %add3A_279, %sub3A_337 : i32
        %dma_wait3A_339 = arith.constant 0 : i32
        %dma_wait3A_340 = tpu.memref_slice %arg7[%sub3A_338, %dma_wait3A_339] : memref<40x64xi32, #tpu.memory_space<vmem>> -> memref<1x64xi32, #tpu.memory_space<vmem>>
        %dma_wait3A_341 = tpu.memref_squeeze %dma_wait3A_340 : memref<1x64xi32, #tpu.memory_space<vmem>> -> memref<64xi32, #tpu.memory_space<vmem>>
        %dma_wait3A_342 = arith.constant 0 : i32
        %dma_wait3A_343 = arith.constant 0 : i32
        %dma_wait3A_344 = tpu.memref_slice %arg13[%dma_wait3A_342, %dma_wait3A_343] : memref<10240x128xf32, #tpu.memory_space<vmem_shared>> -> memref<10240x128xf32, #tpu.memory_space<vmem_shared>>
        tpu.wait_indirect_dma semaphore(%arg19 : memref<!tpu.dma_semaphore, #tpu.memory_space<semaphore_mem>>) src(%arg9 : memref<64x128xf32, #tpu.memory_space<vmem>>) dst(%dma_wait3A_344 : memref<10240x128xf32, #tpu.memory_space<vmem_shared>>)
      } else {
      }
      %add3A_297 = arith.constant 4 : i32
      %add3A_298 = arith.addi %add3A_279, %add3A_297 : i32
      %sub3A_299 = arith.constant 1 : i32
      %sub3A_300 = arith.subi %add3A_298, %sub3A_299 : i32
      %lt3A_301 = arith.constant 40 : i32
      %lt3A_302 = arith.cmpi slt, %sub3A_300, %lt3A_301 : i32
      %convert_element_type3A_303 = arith.extui %lt3A_302 : i1 to i32
      %cond3A_304 = arith.constant 0 : i32
      %cond3A_305 = arith.cmpi ne, %convert_element_type3A_303, %cond3A_304 : i32
      scf.if %cond3A_305 {
        %add3A_337 = arith.constant 4 : i32
        %add3A_338 = arith.addi %add3A_279, %add3A_337 : i32
        %sub3A_339 = arith.constant 1 : i32
        %sub3A_340 = arith.subi %add3A_338, %sub3A_339 : i32
        %dma_start3A_341 = arith.constant 0 : i32
        %dma_start3A_342 = tpu.memref_slice %arg6[%sub3A_340, %dma_start3A_341] : memref<40x64xi32, #tpu.memory_space<vmem>> -> memref<1x64xi32, #tpu.memory_space<vmem>>
        %dma_start3A_343 = tpu.memref_squeeze %dma_start3A_342 : memref<1x64xi32, #tpu.memory_space<vmem>> -> memref<64xi32, #tpu.memory_space<vmem>>
        %dma_start3A_344 = arith.constant 0 : i32
        %dma_start3A_345 = arith.constant 0 : i32
        %dma_start3A_346 = tpu.memref_slice %arg2[%dma_start3A_344, %dma_start3A_345] : memref<10000x128xf32, #tpu.memory_space<hbm>> -> memref<10000x128xf32, #tpu.memory_space<hbm>>
        tpu.enqueue_indirect_dma source(%dma_start3A_346 : memref<10000x128xf32, #tpu.memory_space<hbm>>) target(%arg9 : memref<64x128xf32, #tpu.memory_space<vmem>>) offsets(%dma_start3A_343 : memref<64xi32, #tpu.memory_space<vmem>>) semaphore(%arg15 : memref<!tpu.dma_semaphore, #tpu.memory_space<semaphore_mem>>)
      } else {
      }
      %mul3A_306 = arith.constant 4 : i32
      %mul3A_307 = arith.muli %mul3A_306, %scan3A_219 : i32
      %add3A_308 = arith.constant 3 : i32
      %add3A_309 = arith.addi %mul3A_307, %add3A_308 : i32
      %dma_wait3A_310 = arith.constant 0 : i32
      %dma_wait3A_311 = tpu.memref_slice %arg6[%add3A_309, %dma_wait3A_310] : memref<40x64xi32, #tpu.memory_space<vmem>> -> memref<1x64xi32, #tpu.memory_space<vmem>>
      %dma_wait3A_312 = tpu.memref_squeeze %dma_wait3A_311 : memref<1x64xi32, #tpu.memory_space<vmem>> -> memref<64xi32, #tpu.memory_space<vmem>>
      %dma_wait3A_313 = arith.constant 0 : i32
      %dma_wait3A_314 = arith.constant 0 : i32
      %dma_wait3A_315 = tpu.memref_slice %arg2[%dma_wait3A_313, %dma_wait3A_314] : memref<10000x128xf32, #tpu.memory_space<hbm>> -> memref<10000x128xf32, #tpu.memory_space<hbm>>
      tpu.wait_indirect_dma semaphore(%arg17 : memref<!tpu.dma_semaphore, #tpu.memory_space<semaphore_mem>>) src(%dma_wait3A_315 : memref<10000x128xf32, #tpu.memory_space<hbm>>) dst(%arg11 : memref<64x128xf32, #tpu.memory_space<vmem>>)
      %dma_start3A_316 = arith.constant 0 : i32
      %dma_start3A_317 = tpu.memref_slice %arg7[%add3A_309, %dma_start3A_316] : memref<40x64xi32, #tpu.memory_space<vmem>> -> memref<1x64xi32, #tpu.memory_space<vmem>>
      %dma_start3A_318 = tpu.memref_squeeze %dma_start3A_317 : memref<1x64xi32, #tpu.memory_space<vmem>> -> memref<64xi32, #tpu.memory_space<vmem>>
      %dma_start3A_319 = arith.constant 0 : i32
      %dma_start3A_320 = arith.constant 0 : i32
      %dma_start3A_321 = tpu.memref_slice %arg13[%dma_start3A_319, %dma_start3A_320] : memref<10240x128xf32, #tpu.memory_space<vmem_shared>> -> memref<10240x128xf32, #tpu.memory_space<vmem_shared>>
      tpu.enqueue_indirect_dma source(%arg11 : memref<64x128xf32, #tpu.memory_space<vmem>>) target(%dma_start3A_321 : memref<10240x128xf32, #tpu.memory_space<vmem_shared>>) offsets(%dma_start3A_318 : memref<64xi32, #tpu.memory_space<vmem>>) semaphore(%arg21 : memref<!tpu.dma_semaphore, #tpu.memory_space<semaphore_mem>>) {add = true}
      %ge3A_322 = arith.constant 1 : i32
      %ge3A_323 = arith.cmpi sge, %add3A_309, %ge3A_322 : i32
      %convert_element_type3A_324 = arith.extui %ge3A_323 : i1 to i32
      %cond3A_325 = arith.constant 0 : i32
      %cond3A_326 = arith.cmpi ne, %convert_element_type3A_324, %cond3A_325 : i32
      scf.if %cond3A_326 {
        %sub3A_337 = arith.constant 1 : i32
        %sub3A_338 = arith.subi %add3A_309, %sub3A_337 : i32
        %dma_wait3A_339 = arith.constant 0 : i32
        %dma_wait3A_340 = tpu.memref_slice %arg7[%sub3A_338, %dma_wait3A_339] : memref<40x64xi32, #tpu.memory_space<vmem>> -> memref<1x64xi32, #tpu.memory_space<vmem>>
        %dma_wait3A_341 = tpu.memref_squeeze %dma_wait3A_340 : memref<1x64xi32, #tpu.memory_space<vmem>> -> memref<64xi32, #tpu.memory_space<vmem>>
        %dma_wait3A_342 = arith.constant 0 : i32
        %dma_wait3A_343 = arith.constant 0 : i32
        %dma_wait3A_344 = tpu.memref_slice %arg13[%dma_wait3A_342, %dma_wait3A_343] : memref<10240x128xf32, #tpu.memory_space<vmem_shared>> -> memref<10240x128xf32, #tpu.memory_space<vmem_shared>>
        tpu.wait_indirect_dma semaphore(%arg20 : memref<!tpu.dma_semaphore, #tpu.memory_space<semaphore_mem>>) src(%arg10 : memref<64x128xf32, #tpu.memory_space<vmem>>) dst(%dma_wait3A_344 : memref<10240x128xf32, #tpu.memory_space<vmem_shared>>)
      } else {
      }
      %add3A_327 = arith.constant 4 : i32
      %add3A_328 = arith.addi %add3A_309, %add3A_327 : i32
      %sub3A_329 = arith.constant 1 : i32
      %sub3A_330 = arith.subi %add3A_328, %sub3A_329 : i32
      %lt3A_331 = arith.constant 40 : i32
      %lt3A_332 = arith.cmpi slt, %sub3A_330, %lt3A_331 : i32
      %convert_element_type3A_333 = arith.extui %lt3A_332 : i1 to i32
      %cond3A_334 = arith.constant 0 : i32
      %cond3A_335 = arith.cmpi ne, %convert_element_type3A_333, %cond3A_334 : i32
      scf.if %cond3A_335 {
        %add3A_337 = arith.constant 4 : i32
        %add3A_338 = arith.addi %add3A_309, %add3A_337 : i32
        %sub3A_339 = arith.constant 1 : i32
        %sub3A_340 = arith.subi %add3A_338, %sub3A_339 : i32
        %dma_start3A_341 = arith.constant 0 : i32
        %dma_start3A_342 = tpu.memref_slice %arg6[%sub3A_340, %dma_start3A_341] : memref<40x64xi32, #tpu.memory_space<vmem>> -> memref<1x64xi32, #tpu.memory_space<vmem>>
        %dma_start3A_343 = tpu.memref_squeeze %dma_start3A_342 : memref<1x64xi32, #tpu.memory_space<vmem>> -> memref<64xi32, #tpu.memory_space<vmem>>
        %dma_start3A_344 = arith.constant 0 : i32
        %dma_start3A_345 = arith.constant 0 : i32
        %dma_start3A_346 = tpu.memref_slice %arg2[%dma_start3A_344, %dma_start3A_345] : memref<10000x128xf32, #tpu.memory_space<hbm>> -> memref<10000x128xf32, #tpu.memory_space<hbm>>
        tpu.enqueue_indirect_dma source(%dma_start3A_346 : memref<10000x128xf32, #tpu.memory_space<hbm>>) target(%arg10 : memref<64x128xf32, #tpu.memory_space<vmem>>) offsets(%dma_start3A_343 : memref<64xi32, #tpu.memory_space<vmem>>) semaphore(%arg16 : memref<!tpu.dma_semaphore, #tpu.memory_space<semaphore_mem>>)
      } else {
      }
      %scan3A_336 = arith.constant 0 : i32
      scf.yield %scan3A_336 : i32
    }
    %scan3A_128 = arith.constant 10 : i32
    %dma_wait3A_129 = arith.constant 39 : i32
    %dma_wait3A_130 = arith.constant 0 : i32
    %dma_wait3A_131 = tpu.memref_slice %arg7[%dma_wait3A_129, %dma_wait3A_130] : memref<40x64xi32, #tpu.memory_space<vmem>> -> memref<1x64xi32, #tpu.memory_space<vmem>>
    %dma_wait3A_132 = tpu.memref_squeeze %dma_wait3A_131 : memref<1x64xi32, #tpu.memory_space<vmem>> -> memref<64xi32, #tpu.memory_space<vmem>>
    %dma_wait3A_133 = arith.constant 0 : i32
    %dma_wait3A_134 = arith.constant 0 : i32
    %dma_wait3A_135 = tpu.memref_slice %arg13[%dma_wait3A_133, %dma_wait3A_134] : memref<10240x128xf32, #tpu.memory_space<vmem_shared>> -> memref<10240x128xf32, #tpu.memory_space<vmem_shared>>
    tpu.wait_indirect_dma semaphore(%arg21 : memref<!tpu.dma_semaphore, #tpu.memory_space<semaphore_mem>>) src(%arg11 : memref<64x128xf32, #tpu.memory_space<vmem>>) dst(%dma_wait3A_135 : memref<10240x128xf32, #tpu.memory_space<vmem_shared>>)
    %add3A_136 = arith.constant 80 : i32
    %add3A_137 = arith.addi %mul3A_2, %add3A_136 : i32
    "tpu.region"() ({
      %run_scoped3A = tpu.sem_alloc : memref<!tpu.dma_semaphore, #tpu.memory_space<semaphore_mem>>
      %dma_start3A_219 = arith.constant 0 : i32
      %dma_start3A_220 = tpu.memref_slice %arg3[%add3A_137, %dma_start3A_219] : memref<5120x64xi32, #tpu.memory_space<hbm>> -> memref<40x64xi32, #tpu.memory_space<hbm>>
      %dma_start3A_221 = arith.constant 0 : i32
      %dma_start3A_222 = tpu.memref_slice %arg3[%add3A_137, %dma_start3A_221] : memref<5120x64xi32, #tpu.memory_space<hbm>> -> memref<40x64xi32, #tpu.memory_space<hbm>>
      tpu.enqueue_dma source(%dma_start3A_222 : memref<40x64xi32, #tpu.memory_space<hbm>>) target(%arg6 : memref<40x64xi32, #tpu.memory_space<vmem>>) target_semaphore(%run_scoped3A : memref<!tpu.dma_semaphore, #tpu.memory_space<semaphore_mem>>)
      %dma_wait3A_223 = arith.constant 0 : i32
      %dma_wait3A_224 = tpu.memref_slice %arg3[%add3A_137, %dma_wait3A_223] : memref<5120x64xi32, #tpu.memory_space<hbm>> -> memref<40x64xi32, #tpu.memory_space<hbm>>
      %dma_wait3A_225 = arith.constant 0 : i32
      %dma_wait3A_226 = tpu.memref_slice %arg3[%add3A_137, %dma_wait3A_225] : memref<5120x64xi32, #tpu.memory_space<hbm>> -> memref<40x64xi32, #tpu.memory_space<hbm>>
      tpu.wait_dma2 semaphore(%run_scoped3A : memref<!tpu.dma_semaphore, #tpu.memory_space<semaphore_mem>>) src(%dma_wait3A_226 : memref<40x64xi32, #tpu.memory_space<hbm>>) dst(%arg6 : memref<40x64xi32, #tpu.memory_space<vmem>>)
      tpu.yield
    }) : () -> ()
    %add3A_138 = arith.constant 80 : i32
    %add3A_139 = arith.addi %mul3A_2, %add3A_138 : i32
    "tpu.region"() ({
      %run_scoped3A = tpu.sem_alloc : memref<!tpu.dma_semaphore, #tpu.memory_space<semaphore_mem>>
      %dma_start3A_219 = arith.constant 0 : i32
      %dma_start3A_220 = tpu.memref_slice %arg4[%add3A_139, %dma_start3A_219] : memref<5120x64xi32, #tpu.memory_space<hbm>> -> memref<40x64xi32, #tpu.memory_space<hbm>>
      %dma_start3A_221 = arith.constant 0 : i32
      %dma_start3A_222 = tpu.memref_slice %arg4[%add3A_139, %dma_start3A_221] : memref<5120x64xi32, #tpu.memory_space<hbm>> -> memref<40x64xi32, #tpu.memory_space<hbm>>
      tpu.enqueue_dma source(%dma_start3A_222 : memref<40x64xi32, #tpu.memory_space<hbm>>) target(%arg7 : memref<40x64xi32, #tpu.memory_space<vmem>>) target_semaphore(%run_scoped3A : memref<!tpu.dma_semaphore, #tpu.memory_space<semaphore_mem>>)
      %dma_wait3A_223 = arith.constant 0 : i32
      %dma_wait3A_224 = tpu.memref_slice %arg4[%add3A_139, %dma_wait3A_223] : memref<5120x64xi32, #tpu.memory_space<hbm>> -> memref<40x64xi32, #tpu.memory_space<hbm>>
      %dma_wait3A_225 = arith.constant 0 : i32
      %dma_wait3A_226 = tpu.memref_slice %arg4[%add3A_139, %dma_wait3A_225] : memref<5120x64xi32, #tpu.memory_space<hbm>> -> memref<40x64xi32, #tpu.memory_space<hbm>>
      tpu.wait_dma2 semaphore(%run_scoped3A : memref<!tpu.dma_semaphore, #tpu.memory_space<semaphore_mem>>) src(%dma_wait3A_226 : memref<40x64xi32, #tpu.memory_space<hbm>>) dst(%arg7 : memref<40x64xi32, #tpu.memory_space<vmem>>)
      tpu.yield
    }) : () -> ()
    %dma_start3A_140 = arith.constant 0 : i32
    %dma_start3A_141 = arith.constant 0 : i32
    %dma_start3A_142 = tpu.memref_slice %arg6[%dma_start3A_140, %dma_start3A_141] : memref<40x64xi32, #tpu.memory_space<vmem>> -> memref<1x64xi32, #tpu.memory_space<vmem>>
    %dma_start3A_143 = tpu.memref_squeeze %dma_start3A_142 : memref<1x64xi32, #tpu.memory_space<vmem>> -> memref<64xi32, #tpu.memory_space<vmem>>
    %dma_start3A_144 = arith.constant 0 : i32
    %dma_start3A_145 = arith.constant 0 : i32
    %dma_start3A_146 = tpu.memref_slice %arg2[%dma_start3A_144, %dma_start3A_145] : memref<10000x128xf32, #tpu.memory_space<hbm>> -> memref<10000x128xf32, #tpu.memory_space<hbm>>
    tpu.enqueue_indirect_dma source(%dma_start3A_146 : memref<10000x128xf32, #tpu.memory_space<hbm>>) target(%arg8 : memref<64x128xf32, #tpu.memory_space<vmem>>) offsets(%dma_start3A_143 : memref<64xi32, #tpu.memory_space<vmem>>) semaphore(%arg14 : memref<!tpu.dma_semaphore, #tpu.memory_space<semaphore_mem>>)
    %dma_start3A_147 = arith.constant 1 : i32
    %dma_start3A_148 = arith.constant 0 : i32
    %dma_start3A_149 = tpu.memref_slice %arg6[%dma_start3A_147, %dma_start3A_148] : memref<40x64xi32, #tpu.memory_space<vmem>> -> memref<1x64xi32, #tpu.memory_space<vmem>>
    %dma_start3A_150 = tpu.memref_squeeze %dma_start3A_149 : memref<1x64xi32, #tpu.memory_space<vmem>> -> memref<64xi32, #tpu.memory_space<vmem>>
    %dma_start3A_151 = arith.constant 0 : i32
    %dma_start3A_152 = arith.constant 0 : i32
    %dma_start3A_153 = tpu.memref_slice %arg2[%dma_start3A_151, %dma_start3A_152] : memref<10000x128xf32, #tpu.memory_space<hbm>> -> memref<10000x128xf32, #tpu.memory_space<hbm>>
    tpu.enqueue_indirect_dma source(%dma_start3A_153 : memref<10000x128xf32, #tpu.memory_space<hbm>>) target(%arg9 : memref<64x128xf32, #tpu.memory_space<vmem>>) offsets(%dma_start3A_150 : memref<64xi32, #tpu.memory_space<vmem>>) semaphore(%arg15 : memref<!tpu.dma_semaphore, #tpu.memory_space<semaphore_mem>>)
    %dma_start3A_154 = arith.constant 2 : i32
    %dma_start3A_155 = arith.constant 0 : i32
    %dma_start3A_156 = tpu.memref_slice %arg6[%dma_start3A_154, %dma_start3A_155] : memref<40x64xi32, #tpu.memory_space<vmem>> -> memref<1x64xi32, #tpu.memory_space<vmem>>
    %dma_start3A_157 = tpu.memref_squeeze %dma_start3A_156 : memref<1x64xi32, #tpu.memory_space<vmem>> -> memref<64xi32, #tpu.memory_space<vmem>>
    %dma_start3A_158 = arith.constant 0 : i32
    %dma_start3A_159 = arith.constant 0 : i32
    %dma_start3A_160 = tpu.memref_slice %arg2[%dma_start3A_158, %dma_start3A_159] : memref<10000x128xf32, #tpu.memory_space<hbm>> -> memref<10000x128xf32, #tpu.memory_space<hbm>>
    tpu.enqueue_indirect_dma source(%dma_start3A_160 : memref<10000x128xf32, #tpu.memory_space<hbm>>) target(%arg10 : memref<64x128xf32, #tpu.memory_space<vmem>>) offsets(%dma_start3A_157 : memref<64xi32, #tpu.memory_space<vmem>>) semaphore(%arg16 : memref<!tpu.dma_semaphore, #tpu.memory_space<semaphore_mem>>)
    %scan3A_161 = arith.constant 0 : i32
    %scan3A_162 = arith.constant 0 : i32
    %scan3A_163 = arith.constant 10 : i32
    %scan3A_164 = arith.addi %scan3A_162, %scan3A_163 : i32
    %scan3A_165 = arith.constant 1 : i32
    %scan3A_166 = scf.for %scan3A_219 = %scan3A_162 to %scan3A_164 step %scan3A_165 iter_args(%scan3A_220 = %scan3A_161) -> (i32)  : i32 {
      %mul3A_221 = arith.constant 4 : i32
      %mul3A_222 = arith.muli %mul3A_221, %scan3A_219 : i32
      %add3A_223 = arith.constant 0 : i32
      %add3A_224 = arith.addi %mul3A_222, %add3A_223 : i32
      %dma_wait3A_225 = arith.constant 0 : i32
      %dma_wait3A_226 = tpu.memref_slice %arg6[%add3A_224, %dma_wait3A_225] : memref<40x64xi32, #tpu.memory_space<vmem>> -> memref<1x64xi32, #tpu.memory_space<vmem>>
      %dma_wait3A_227 = tpu.memref_squeeze %dma_wait3A_226 : memref<1x64xi32, #tpu.memory_space<vmem>> -> memref<64xi32, #tpu.memory_space<vmem>>
      %dma_wait3A_228 = arith.constant 0 : i32
      %dma_wait3A_229 = arith.constant 0 : i32
      %dma_wait3A_230 = tpu.memref_slice %arg2[%dma_wait3A_228, %dma_wait3A_229] : memref<10000x128xf32, #tpu.memory_space<hbm>> -> memref<10000x128xf32, #tpu.memory_space<hbm>>
      tpu.wait_indirect_dma semaphore(%arg14 : memref<!tpu.dma_semaphore, #tpu.memory_space<semaphore_mem>>) src(%dma_wait3A_230 : memref<10000x128xf32, #tpu.memory_space<hbm>>) dst(%arg8 : memref<64x128xf32, #tpu.memory_space<vmem>>)
      %dma_start3A_231 = arith.constant 0 : i32
      %dma_start3A_232 = tpu.memref_slice %arg7[%add3A_224, %dma_start3A_231] : memref<40x64xi32, #tpu.memory_space<vmem>> -> memref<1x64xi32, #tpu.memory_space<vmem>>
      %dma_start3A_233 = tpu.memref_squeeze %dma_start3A_232 : memref<1x64xi32, #tpu.memory_space<vmem>> -> memref<64xi32, #tpu.memory_space<vmem>>
      %dma_start3A_234 = arith.constant 0 : i32
      %dma_start3A_235 = arith.constant 0 : i32
      %dma_start3A_236 = tpu.memref_slice %arg13[%dma_start3A_234, %dma_start3A_235] : memref<10240x128xf32, #tpu.memory_space<vmem_shared>> -> memref<10240x128xf32, #tpu.memory_space<vmem_shared>>
      tpu.enqueue_indirect_dma source(%arg8 : memref<64x128xf32, #tpu.memory_space<vmem>>) target(%dma_start3A_236 : memref<10240x128xf32, #tpu.memory_space<vmem_shared>>) offsets(%dma_start3A_233 : memref<64xi32, #tpu.memory_space<vmem>>) semaphore(%arg18 : memref<!tpu.dma_semaphore, #tpu.memory_space<semaphore_mem>>) {add = true}
      %ge3A = arith.constant 1 : i32
      %ge3A_237 = arith.cmpi sge, %add3A_224, %ge3A : i32
      %convert_element_type3A = arith.extui %ge3A_237 : i1 to i32
      %cond3A = arith.constant 0 : i32
      %cond3A_238 = arith.cmpi ne, %convert_element_type3A, %cond3A : i32
      scf.if %cond3A_238 {
        %sub3A_337 = arith.constant 1 : i32
        %sub3A_338 = arith.subi %add3A_224, %sub3A_337 : i32
        %dma_wait3A_339 = arith.constant 0 : i32
        %dma_wait3A_340 = tpu.memref_slice %arg7[%sub3A_338, %dma_wait3A_339] : memref<40x64xi32, #tpu.memory_space<vmem>> -> memref<1x64xi32, #tpu.memory_space<vmem>>
        %dma_wait3A_341 = tpu.memref_squeeze %dma_wait3A_340 : memref<1x64xi32, #tpu.memory_space<vmem>> -> memref<64xi32, #tpu.memory_space<vmem>>
        %dma_wait3A_342 = arith.constant 0 : i32
        %dma_wait3A_343 = arith.constant 0 : i32
        %dma_wait3A_344 = tpu.memref_slice %arg13[%dma_wait3A_342, %dma_wait3A_343] : memref<10240x128xf32, #tpu.memory_space<vmem_shared>> -> memref<10240x128xf32, #tpu.memory_space<vmem_shared>>
        tpu.wait_indirect_dma semaphore(%arg21 : memref<!tpu.dma_semaphore, #tpu.memory_space<semaphore_mem>>) src(%arg11 : memref<64x128xf32, #tpu.memory_space<vmem>>) dst(%dma_wait3A_344 : memref<10240x128xf32, #tpu.memory_space<vmem_shared>>)
      } else {
      }
      %add3A_239 = arith.constant 4 : i32
      %add3A_240 = arith.addi %add3A_224, %add3A_239 : i32
      %sub3A = arith.constant 1 : i32
      %sub3A_241 = arith.subi %add3A_240, %sub3A : i32
      %lt3A = arith.constant 40 : i32
      %lt3A_242 = arith.cmpi slt, %sub3A_241, %lt3A : i32
      %convert_element_type3A_243 = arith.extui %lt3A_242 : i1 to i32
      %cond3A_244 = arith.constant 0 : i32
      %cond3A_245 = arith.cmpi ne, %convert_element_type3A_243, %cond3A_244 : i32
      scf.if %cond3A_245 {
        %add3A_337 = arith.constant 4 : i32
        %add3A_338 = arith.addi %add3A_224, %add3A_337 : i32
        %sub3A_339 = arith.constant 1 : i32
        %sub3A_340 = arith.subi %add3A_338, %sub3A_339 : i32
        %dma_start3A_341 = arith.constant 0 : i32
        %dma_start3A_342 = tpu.memref_slice %arg6[%sub3A_340, %dma_start3A_341] : memref<40x64xi32, #tpu.memory_space<vmem>> -> memref<1x64xi32, #tpu.memory_space<vmem>>
        %dma_start3A_343 = tpu.memref_squeeze %dma_start3A_342 : memref<1x64xi32, #tpu.memory_space<vmem>> -> memref<64xi32, #tpu.memory_space<vmem>>
        %dma_start3A_344 = arith.constant 0 : i32
        %dma_start3A_345 = arith.constant 0 : i32
        %dma_start3A_346 = tpu.memref_slice %arg2[%dma_start3A_344, %dma_start3A_345] : memref<10000x128xf32, #tpu.memory_space<hbm>> -> memref<10000x128xf32, #tpu.memory_space<hbm>>
        tpu.enqueue_indirect_dma source(%dma_start3A_346 : memref<10000x128xf32, #tpu.memory_space<hbm>>) target(%arg11 : memref<64x128xf32, #tpu.memory_space<vmem>>) offsets(%dma_start3A_343 : memref<64xi32, #tpu.memory_space<vmem>>) semaphore(%arg17 : memref<!tpu.dma_semaphore, #tpu.memory_space<semaphore_mem>>)
      } else {
      }
      %mul3A_246 = arith.constant 4 : i32
      %mul3A_247 = arith.muli %mul3A_246, %scan3A_219 : i32
      %add3A_248 = arith.constant 1 : i32
      %add3A_249 = arith.addi %mul3A_247, %add3A_248 : i32
      %dma_wait3A_250 = arith.constant 0 : i32
      %dma_wait3A_251 = tpu.memref_slice %arg6[%add3A_249, %dma_wait3A_250] : memref<40x64xi32, #tpu.memory_space<vmem>> -> memref<1x64xi32, #tpu.memory_space<vmem>>
      %dma_wait3A_252 = tpu.memref_squeeze %dma_wait3A_251 : memref<1x64xi32, #tpu.memory_space<vmem>> -> memref<64xi32, #tpu.memory_space<vmem>>
      %dma_wait3A_253 = arith.constant 0 : i32
      %dma_wait3A_254 = arith.constant 0 : i32
      %dma_wait3A_255 = tpu.memref_slice %arg2[%dma_wait3A_253, %dma_wait3A_254] : memref<10000x128xf32, #tpu.memory_space<hbm>> -> memref<10000x128xf32, #tpu.memory_space<hbm>>
      tpu.wait_indirect_dma semaphore(%arg15 : memref<!tpu.dma_semaphore, #tpu.memory_space<semaphore_mem>>) src(%dma_wait3A_255 : memref<10000x128xf32, #tpu.memory_space<hbm>>) dst(%arg9 : memref<64x128xf32, #tpu.memory_space<vmem>>)
      %dma_start3A_256 = arith.constant 0 : i32
      %dma_start3A_257 = tpu.memref_slice %arg7[%add3A_249, %dma_start3A_256] : memref<40x64xi32, #tpu.memory_space<vmem>> -> memref<1x64xi32, #tpu.memory_space<vmem>>
      %dma_start3A_258 = tpu.memref_squeeze %dma_start3A_257 : memref<1x64xi32, #tpu.memory_space<vmem>> -> memref<64xi32, #tpu.memory_space<vmem>>
      %dma_start3A_259 = arith.constant 0 : i32
      %dma_start3A_260 = arith.constant 0 : i32
      %dma_start3A_261 = tpu.memref_slice %arg13[%dma_start3A_259, %dma_start3A_260] : memref<10240x128xf32, #tpu.memory_space<vmem_shared>> -> memref<10240x128xf32, #tpu.memory_space<vmem_shared>>
      tpu.enqueue_indirect_dma source(%arg9 : memref<64x128xf32, #tpu.memory_space<vmem>>) target(%dma_start3A_261 : memref<10240x128xf32, #tpu.memory_space<vmem_shared>>) offsets(%dma_start3A_258 : memref<64xi32, #tpu.memory_space<vmem>>) semaphore(%arg19 : memref<!tpu.dma_semaphore, #tpu.memory_space<semaphore_mem>>) {add = true}
      %ge3A_262 = arith.constant 1 : i32
      %ge3A_263 = arith.cmpi sge, %add3A_249, %ge3A_262 : i32
      %convert_element_type3A_264 = arith.extui %ge3A_263 : i1 to i32
      %cond3A_265 = arith.constant 0 : i32
      %cond3A_266 = arith.cmpi ne, %convert_element_type3A_264, %cond3A_265 : i32
      scf.if %cond3A_266 {
        %sub3A_337 = arith.constant 1 : i32
        %sub3A_338 = arith.subi %add3A_249, %sub3A_337 : i32
        %dma_wait3A_339 = arith.constant 0 : i32
        %dma_wait3A_340 = tpu.memref_slice %arg7[%sub3A_338, %dma_wait3A_339] : memref<40x64xi32, #tpu.memory_space<vmem>> -> memref<1x64xi32, #tpu.memory_space<vmem>>
        %dma_wait3A_341 = tpu.memref_squeeze %dma_wait3A_340 : memref<1x64xi32, #tpu.memory_space<vmem>> -> memref<64xi32, #tpu.memory_space<vmem>>
        %dma_wait3A_342 = arith.constant 0 : i32
        %dma_wait3A_343 = arith.constant 0 : i32
        %dma_wait3A_344 = tpu.memref_slice %arg13[%dma_wait3A_342, %dma_wait3A_343] : memref<10240x128xf32, #tpu.memory_space<vmem_shared>> -> memref<10240x128xf32, #tpu.memory_space<vmem_shared>>
        tpu.wait_indirect_dma semaphore(%arg18 : memref<!tpu.dma_semaphore, #tpu.memory_space<semaphore_mem>>) src(%arg8 : memref<64x128xf32, #tpu.memory_space<vmem>>) dst(%dma_wait3A_344 : memref<10240x128xf32, #tpu.memory_space<vmem_shared>>)
      } else {
      }
      %add3A_267 = arith.constant 4 : i32
      %add3A_268 = arith.addi %add3A_249, %add3A_267 : i32
      %sub3A_269 = arith.constant 1 : i32
      %sub3A_270 = arith.subi %add3A_268, %sub3A_269 : i32
      %lt3A_271 = arith.constant 40 : i32
      %lt3A_272 = arith.cmpi slt, %sub3A_270, %lt3A_271 : i32
      %convert_element_type3A_273 = arith.extui %lt3A_272 : i1 to i32
      %cond3A_274 = arith.constant 0 : i32
      %cond3A_275 = arith.cmpi ne, %convert_element_type3A_273, %cond3A_274 : i32
      scf.if %cond3A_275 {
        %add3A_337 = arith.constant 4 : i32
        %add3A_338 = arith.addi %add3A_249, %add3A_337 : i32
        %sub3A_339 = arith.constant 1 : i32
        %sub3A_340 = arith.subi %add3A_338, %sub3A_339 : i32
        %dma_start3A_341 = arith.constant 0 : i32
        %dma_start3A_342 = tpu.memref_slice %arg6[%sub3A_340, %dma_start3A_341] : memref<40x64xi32, #tpu.memory_space<vmem>> -> memref<1x64xi32, #tpu.memory_space<vmem>>
        %dma_start3A_343 = tpu.memref_squeeze %dma_start3A_342 : memref<1x64xi32, #tpu.memory_space<vmem>> -> memref<64xi32, #tpu.memory_space<vmem>>
        %dma_start3A_344 = arith.constant 0 : i32
        %dma_start3A_345 = arith.constant 0 : i32
        %dma_start3A_346 = tpu.memref_slice %arg2[%dma_start3A_344, %dma_start3A_345] : memref<10000x128xf32, #tpu.memory_space<hbm>> -> memref<10000x128xf32, #tpu.memory_space<hbm>>
        tpu.enqueue_indirect_dma source(%dma_start3A_346 : memref<10000x128xf32, #tpu.memory_space<hbm>>) target(%arg8 : memref<64x128xf32, #tpu.memory_space<vmem>>) offsets(%dma_start3A_343 : memref<64xi32, #tpu.memory_space<vmem>>) semaphore(%arg14 : memref<!tpu.dma_semaphore, #tpu.memory_space<semaphore_mem>>)
      } else {
      }
      %mul3A_276 = arith.constant 4 : i32
      %mul3A_277 = arith.muli %mul3A_276, %scan3A_219 : i32
      %add3A_278 = arith.constant 2 : i32
      %add3A_279 = arith.addi %mul3A_277, %add3A_278 : i32
      %dma_wait3A_280 = arith.constant 0 : i32
      %dma_wait3A_281 = tpu.memref_slice %arg6[%add3A_279, %dma_wait3A_280] : memref<40x64xi32, #tpu.memory_space<vmem>> -> memref<1x64xi32, #tpu.memory_space<vmem>>
      %dma_wait3A_282 = tpu.memref_squeeze %dma_wait3A_281 : memref<1x64xi32, #tpu.memory_space<vmem>> -> memref<64xi32, #tpu.memory_space<vmem>>
      %dma_wait3A_283 = arith.constant 0 : i32
      %dma_wait3A_284 = arith.constant 0 : i32
      %dma_wait3A_285 = tpu.memref_slice %arg2[%dma_wait3A_283, %dma_wait3A_284] : memref<10000x128xf32, #tpu.memory_space<hbm>> -> memref<10000x128xf32, #tpu.memory_space<hbm>>
      tpu.wait_indirect_dma semaphore(%arg16 : memref<!tpu.dma_semaphore, #tpu.memory_space<semaphore_mem>>) src(%dma_wait3A_285 : memref<10000x128xf32, #tpu.memory_space<hbm>>) dst(%arg10 : memref<64x128xf32, #tpu.memory_space<vmem>>)
      %dma_start3A_286 = arith.constant 0 : i32
      %dma_start3A_287 = tpu.memref_slice %arg7[%add3A_279, %dma_start3A_286] : memref<40x64xi32, #tpu.memory_space<vmem>> -> memref<1x64xi32, #tpu.memory_space<vmem>>
      %dma_start3A_288 = tpu.memref_squeeze %dma_start3A_287 : memref<1x64xi32, #tpu.memory_space<vmem>> -> memref<64xi32, #tpu.memory_space<vmem>>
      %dma_start3A_289 = arith.constant 0 : i32
      %dma_start3A_290 = arith.constant 0 : i32
      %dma_start3A_291 = tpu.memref_slice %arg13[%dma_start3A_289, %dma_start3A_290] : memref<10240x128xf32, #tpu.memory_space<vmem_shared>> -> memref<10240x128xf32, #tpu.memory_space<vmem_shared>>
      tpu.enqueue_indirect_dma source(%arg10 : memref<64x128xf32, #tpu.memory_space<vmem>>) target(%dma_start3A_291 : memref<10240x128xf32, #tpu.memory_space<vmem_shared>>) offsets(%dma_start3A_288 : memref<64xi32, #tpu.memory_space<vmem>>) semaphore(%arg20 : memref<!tpu.dma_semaphore, #tpu.memory_space<semaphore_mem>>) {add = true}
      %ge3A_292 = arith.constant 1 : i32
      %ge3A_293 = arith.cmpi sge, %add3A_279, %ge3A_292 : i32
      %convert_element_type3A_294 = arith.extui %ge3A_293 : i1 to i32
      %cond3A_295 = arith.constant 0 : i32
      %cond3A_296 = arith.cmpi ne, %convert_element_type3A_294, %cond3A_295 : i32
      scf.if %cond3A_296 {
        %sub3A_337 = arith.constant 1 : i32
        %sub3A_338 = arith.subi %add3A_279, %sub3A_337 : i32
        %dma_wait3A_339 = arith.constant 0 : i32
        %dma_wait3A_340 = tpu.memref_slice %arg7[%sub3A_338, %dma_wait3A_339] : memref<40x64xi32, #tpu.memory_space<vmem>> -> memref<1x64xi32, #tpu.memory_space<vmem>>
        %dma_wait3A_341 = tpu.memref_squeeze %dma_wait3A_340 : memref<1x64xi32, #tpu.memory_space<vmem>> -> memref<64xi32, #tpu.memory_space<vmem>>
        %dma_wait3A_342 = arith.constant 0 : i32
        %dma_wait3A_343 = arith.constant 0 : i32
        %dma_wait3A_344 = tpu.memref_slice %arg13[%dma_wait3A_342, %dma_wait3A_343] : memref<10240x128xf32, #tpu.memory_space<vmem_shared>> -> memref<10240x128xf32, #tpu.memory_space<vmem_shared>>
        tpu.wait_indirect_dma semaphore(%arg19 : memref<!tpu.dma_semaphore, #tpu.memory_space<semaphore_mem>>) src(%arg9 : memref<64x128xf32, #tpu.memory_space<vmem>>) dst(%dma_wait3A_344 : memref<10240x128xf32, #tpu.memory_space<vmem_shared>>)
      } else {
      }
      %add3A_297 = arith.constant 4 : i32
      %add3A_298 = arith.addi %add3A_279, %add3A_297 : i32
      %sub3A_299 = arith.constant 1 : i32
      %sub3A_300 = arith.subi %add3A_298, %sub3A_299 : i32
      %lt3A_301 = arith.constant 40 : i32
      %lt3A_302 = arith.cmpi slt, %sub3A_300, %lt3A_301 : i32
      %convert_element_type3A_303 = arith.extui %lt3A_302 : i1 to i32
      %cond3A_304 = arith.constant 0 : i32
      %cond3A_305 = arith.cmpi ne, %convert_element_type3A_303, %cond3A_304 : i32
      scf.if %cond3A_305 {
        %add3A_337 = arith.constant 4 : i32
        %add3A_338 = arith.addi %add3A_279, %add3A_337 : i32
        %sub3A_339 = arith.constant 1 : i32
        %sub3A_340 = arith.subi %add3A_338, %sub3A_339 : i32
        %dma_start3A_341 = arith.constant 0 : i32
        %dma_start3A_342 = tpu.memref_slice %arg6[%sub3A_340, %dma_start3A_341] : memref<40x64xi32, #tpu.memory_space<vmem>> -> memref<1x64xi32, #tpu.memory_space<vmem>>
        %dma_start3A_343 = tpu.memref_squeeze %dma_start3A_342 : memref<1x64xi32, #tpu.memory_space<vmem>> -> memref<64xi32, #tpu.memory_space<vmem>>
        %dma_start3A_344 = arith.constant 0 : i32
        %dma_start3A_345 = arith.constant 0 : i32
        %dma_start3A_346 = tpu.memref_slice %arg2[%dma_start3A_344, %dma_start3A_345] : memref<10000x128xf32, #tpu.memory_space<hbm>> -> memref<10000x128xf32, #tpu.memory_space<hbm>>
        tpu.enqueue_indirect_dma source(%dma_start3A_346 : memref<10000x128xf32, #tpu.memory_space<hbm>>) target(%arg9 : memref<64x128xf32, #tpu.memory_space<vmem>>) offsets(%dma_start3A_343 : memref<64xi32, #tpu.memory_space<vmem>>) semaphore(%arg15 : memref<!tpu.dma_semaphore, #tpu.memory_space<semaphore_mem>>)
      } else {
      }
      %mul3A_306 = arith.constant 4 : i32
      %mul3A_307 = arith.muli %mul3A_306, %scan3A_219 : i32
      %add3A_308 = arith.constant 3 : i32
      %add3A_309 = arith.addi %mul3A_307, %add3A_308 : i32
      %dma_wait3A_310 = arith.constant 0 : i32
      %dma_wait3A_311 = tpu.memref_slice %arg6[%add3A_309, %dma_wait3A_310] : memref<40x64xi32, #tpu.memory_space<vmem>> -> memref<1x64xi32, #tpu.memory_space<vmem>>
      %dma_wait3A_312 = tpu.memref_squeeze %dma_wait3A_311 : memref<1x64xi32, #tpu.memory_space<vmem>> -> memref<64xi32, #tpu.memory_space<vmem>>
      %dma_wait3A_313 = arith.constant 0 : i32
      %dma_wait3A_314 = arith.constant 0 : i32
      %dma_wait3A_315 = tpu.memref_slice %arg2[%dma_wait3A_313, %dma_wait3A_314] : memref<10000x128xf32, #tpu.memory_space<hbm>> -> memref<10000x128xf32, #tpu.memory_space<hbm>>
      tpu.wait_indirect_dma semaphore(%arg17 : memref<!tpu.dma_semaphore, #tpu.memory_space<semaphore_mem>>) src(%dma_wait3A_315 : memref<10000x128xf32, #tpu.memory_space<hbm>>) dst(%arg11 : memref<64x128xf32, #tpu.memory_space<vmem>>)
      %dma_start3A_316 = arith.constant 0 : i32
      %dma_start3A_317 = tpu.memref_slice %arg7[%add3A_309, %dma_start3A_316] : memref<40x64xi32, #tpu.memory_space<vmem>> -> memref<1x64xi32, #tpu.memory_space<vmem>>
      %dma_start3A_318 = tpu.memref_squeeze %dma_start3A_317 : memref<1x64xi32, #tpu.memory_space<vmem>> -> memref<64xi32, #tpu.memory_space<vmem>>
      %dma_start3A_319 = arith.constant 0 : i32
      %dma_start3A_320 = arith.constant 0 : i32
      %dma_start3A_321 = tpu.memref_slice %arg13[%dma_start3A_319, %dma_start3A_320] : memref<10240x128xf32, #tpu.memory_space<vmem_shared>> -> memref<10240x128xf32, #tpu.memory_space<vmem_shared>>
      tpu.enqueue_indirect_dma source(%arg11 : memref<64x128xf32, #tpu.memory_space<vmem>>) target(%dma_start3A_321 : memref<10240x128xf32, #tpu.memory_space<vmem_shared>>) offsets(%dma_start3A_318 : memref<64xi32, #tpu.memory_space<vmem>>) semaphore(%arg21 : memref<!tpu.dma_semaphore, #tpu.memory_space<semaphore_mem>>) {add = true}
      %ge3A_322 = arith.constant 1 : i32
      %ge3A_323 = arith.cmpi sge, %add3A_309, %ge3A_322 : i32
      %convert_element_type3A_324 = arith.extui %ge3A_323 : i1 to i32
      %cond3A_325 = arith.constant 0 : i32
      %cond3A_326 = arith.cmpi ne, %convert_element_type3A_324, %cond3A_325 : i32
      scf.if %cond3A_326 {
        %sub3A_337 = arith.constant 1 : i32
        %sub3A_338 = arith.subi %add3A_309, %sub3A_337 : i32
        %dma_wait3A_339 = arith.constant 0 : i32
        %dma_wait3A_340 = tpu.memref_slice %arg7[%sub3A_338, %dma_wait3A_339] : memref<40x64xi32, #tpu.memory_space<vmem>> -> memref<1x64xi32, #tpu.memory_space<vmem>>
        %dma_wait3A_341 = tpu.memref_squeeze %dma_wait3A_340 : memref<1x64xi32, #tpu.memory_space<vmem>> -> memref<64xi32, #tpu.memory_space<vmem>>
        %dma_wait3A_342 = arith.constant 0 : i32
        %dma_wait3A_343 = arith.constant 0 : i32
        %dma_wait3A_344 = tpu.memref_slice %arg13[%dma_wait3A_342, %dma_wait3A_343] : memref<10240x128xf32, #tpu.memory_space<vmem_shared>> -> memref<10240x128xf32, #tpu.memory_space<vmem_shared>>
        tpu.wait_indirect_dma semaphore(%arg20 : memref<!tpu.dma_semaphore, #tpu.memory_space<semaphore_mem>>) src(%arg10 : memref<64x128xf32, #tpu.memory_space<vmem>>) dst(%dma_wait3A_344 : memref<10240x128xf32, #tpu.memory_space<vmem_shared>>)
      } else {
      }
      %add3A_327 = arith.constant 4 : i32
      %add3A_328 = arith.addi %add3A_309, %add3A_327 : i32
      %sub3A_329 = arith.constant 1 : i32
      %sub3A_330 = arith.subi %add3A_328, %sub3A_329 : i32
      %lt3A_331 = arith.constant 40 : i32
      %lt3A_332 = arith.cmpi slt, %sub3A_330, %lt3A_331 : i32
      %convert_element_type3A_333 = arith.extui %lt3A_332 : i1 to i32
      %cond3A_334 = arith.constant 0 : i32
      %cond3A_335 = arith.cmpi ne, %convert_element_type3A_333, %cond3A_334 : i32
      scf.if %cond3A_335 {
        %add3A_337 = arith.constant 4 : i32
        %add3A_338 = arith.addi %add3A_309, %add3A_337 : i32
        %sub3A_339 = arith.constant 1 : i32
        %sub3A_340 = arith.subi %add3A_338, %sub3A_339 : i32
        %dma_start3A_341 = arith.constant 0 : i32
        %dma_start3A_342 = tpu.memref_slice %arg6[%sub3A_340, %dma_start3A_341] : memref<40x64xi32, #tpu.memory_space<vmem>> -> memref<1x64xi32, #tpu.memory_space<vmem>>
        %dma_start3A_343 = tpu.memref_squeeze %dma_start3A_342 : memref<1x64xi32, #tpu.memory_space<vmem>> -> memref<64xi32, #tpu.memory_space<vmem>>
        %dma_start3A_344 = arith.constant 0 : i32
        %dma_start3A_345 = arith.constant 0 : i32
        %dma_start3A_346 = tpu.memref_slice %arg2[%dma_start3A_344, %dma_start3A_345] : memref<10000x128xf32, #tpu.memory_space<hbm>> -> memref<10000x128xf32, #tpu.memory_space<hbm>>
        tpu.enqueue_indirect_dma source(%dma_start3A_346 : memref<10000x128xf32, #tpu.memory_space<hbm>>) target(%arg10 : memref<64x128xf32, #tpu.memory_space<vmem>>) offsets(%dma_start3A_343 : memref<64xi32, #tpu.memory_space<vmem>>) semaphore(%arg16 : memref<!tpu.dma_semaphore, #tpu.memory_space<semaphore_mem>>)
      } else {
      }
      %scan3A_336 = arith.constant 0 : i32
      scf.yield %scan3A_336 : i32
    }
    %scan3A_167 = arith.constant 10 : i32
    %dma_wait3A_168 = arith.constant 39 : i32
    %dma_wait3A_169 = arith.constant 0 : i32
    %dma_wait3A_170 = tpu.memref_slice %arg7[%dma_wait3A_168, %dma_wait3A_169] : memref<40x64xi32, #tpu.memory_space<vmem>> -> memref<1x64xi32, #tpu.memory_space<vmem>>
    %dma_wait3A_171 = tpu.memref_squeeze %dma_wait3A_170 : memref<1x64xi32, #tpu.memory_space<vmem>> -> memref<64xi32, #tpu.memory_space<vmem>>
    %dma_wait3A_172 = arith.constant 0 : i32
    %dma_wait3A_173 = arith.constant 0 : i32
    %dma_wait3A_174 = tpu.memref_slice %arg13[%dma_wait3A_172, %dma_wait3A_173] : memref<10240x128xf32, #tpu.memory_space<vmem_shared>> -> memref<10240x128xf32, #tpu.memory_space<vmem_shared>>
    tpu.wait_indirect_dma semaphore(%arg21 : memref<!tpu.dma_semaphore, #tpu.memory_space<semaphore_mem>>) src(%arg11 : memref<64x128xf32, #tpu.memory_space<vmem>>) dst(%dma_wait3A_174 : memref<10240x128xf32, #tpu.memory_space<vmem_shared>>)
    %add3A_175 = arith.constant 120 : i32
    %add3A_176 = arith.addi %mul3A_2, %add3A_175 : i32
    "tpu.region"() ({
      %run_scoped3A = tpu.sem_alloc : memref<!tpu.dma_semaphore, #tpu.memory_space<semaphore_mem>>
      %dma_start3A_219 = arith.constant 0 : i32
      %dma_start3A_220 = tpu.memref_slice %arg3[%add3A_176, %dma_start3A_219] : memref<5120x64xi32, #tpu.memory_space<hbm>> -> memref<40x64xi32, #tpu.memory_space<hbm>>
      %dma_start3A_221 = arith.constant 0 : i32
      %dma_start3A_222 = tpu.memref_slice %arg3[%add3A_176, %dma_start3A_221] : memref<5120x64xi32, #tpu.memory_space<hbm>> -> memref<40x64xi32, #tpu.memory_space<hbm>>
      tpu.enqueue_dma source(%dma_start3A_222 : memref<40x64xi32, #tpu.memory_space<hbm>>) target(%arg6 : memref<40x64xi32, #tpu.memory_space<vmem>>) target_semaphore(%run_scoped3A : memref<!tpu.dma_semaphore, #tpu.memory_space<semaphore_mem>>)
      %dma_wait3A_223 = arith.constant 0 : i32
      %dma_wait3A_224 = tpu.memref_slice %arg3[%add3A_176, %dma_wait3A_223] : memref<5120x64xi32, #tpu.memory_space<hbm>> -> memref<40x64xi32, #tpu.memory_space<hbm>>
      %dma_wait3A_225 = arith.constant 0 : i32
      %dma_wait3A_226 = tpu.memref_slice %arg3[%add3A_176, %dma_wait3A_225] : memref<5120x64xi32, #tpu.memory_space<hbm>> -> memref<40x64xi32, #tpu.memory_space<hbm>>
      tpu.wait_dma2 semaphore(%run_scoped3A : memref<!tpu.dma_semaphore, #tpu.memory_space<semaphore_mem>>) src(%dma_wait3A_226 : memref<40x64xi32, #tpu.memory_space<hbm>>) dst(%arg6 : memref<40x64xi32, #tpu.memory_space<vmem>>)
      tpu.yield
    }) : () -> ()
    %add3A_177 = arith.constant 120 : i32
    %add3A_178 = arith.addi %mul3A_2, %add3A_177 : i32
    "tpu.region"() ({
      %run_scoped3A = tpu.sem_alloc : memref<!tpu.dma_semaphore, #tpu.memory_space<semaphore_mem>>
      %dma_start3A_219 = arith.constant 0 : i32
      %dma_start3A_220 = tpu.memref_slice %arg4[%add3A_178, %dma_start3A_219] : memref<5120x64xi32, #tpu.memory_space<hbm>> -> memref<40x64xi32, #tpu.memory_space<hbm>>
      %dma_start3A_221 = arith.constant 0 : i32
      %dma_start3A_222 = tpu.memref_slice %arg4[%add3A_178, %dma_start3A_221] : memref<5120x64xi32, #tpu.memory_space<hbm>> -> memref<40x64xi32, #tpu.memory_space<hbm>>
      tpu.enqueue_dma source(%dma_start3A_222 : memref<40x64xi32, #tpu.memory_space<hbm>>) target(%arg7 : memref<40x64xi32, #tpu.memory_space<vmem>>) target_semaphore(%run_scoped3A : memref<!tpu.dma_semaphore, #tpu.memory_space<semaphore_mem>>)
      %dma_wait3A_223 = arith.constant 0 : i32
      %dma_wait3A_224 = tpu.memref_slice %arg4[%add3A_178, %dma_wait3A_223] : memref<5120x64xi32, #tpu.memory_space<hbm>> -> memref<40x64xi32, #tpu.memory_space<hbm>>
      %dma_wait3A_225 = arith.constant 0 : i32
      %dma_wait3A_226 = tpu.memref_slice %arg4[%add3A_178, %dma_wait3A_225] : memref<5120x64xi32, #tpu.memory_space<hbm>> -> memref<40x64xi32, #tpu.memory_space<hbm>>
      tpu.wait_dma2 semaphore(%run_scoped3A : memref<!tpu.dma_semaphore, #tpu.memory_space<semaphore_mem>>) src(%dma_wait3A_226 : memref<40x64xi32, #tpu.memory_space<hbm>>) dst(%arg7 : memref<40x64xi32, #tpu.memory_space<vmem>>)
      tpu.yield
    }) : () -> ()
    %dma_start3A_179 = arith.constant 0 : i32
    %dma_start3A_180 = arith.constant 0 : i32
    %dma_start3A_181 = tpu.memref_slice %arg6[%dma_start3A_179, %dma_start3A_180] : memref<40x64xi32, #tpu.memory_space<vmem>> -> memref<1x64xi32, #tpu.memory_space<vmem>>
    %dma_start3A_182 = tpu.memref_squeeze %dma_start3A_181 : memref<1x64xi32, #tpu.memory_space<vmem>> -> memref<64xi32, #tpu.memory_space<vmem>>
    %dma_start3A_183 = arith.constant 0 : i32
    %dma_start3A_184 = arith.constant 0 : i32
    %dma_start3A_185 = tpu.memref_slice %arg2[%dma_start3A_183, %dma_start3A_184] : memref<10000x128xf32, #tpu.memory_space<hbm>> -> memref<10000x128xf32, #tpu.memory_space<hbm>>
    tpu.enqueue_indirect_dma source(%dma_start3A_185 : memref<10000x128xf32, #tpu.memory_space<hbm>>) target(%arg8 : memref<64x128xf32, #tpu.memory_space<vmem>>) offsets(%dma_start3A_182 : memref<64xi32, #tpu.memory_space<vmem>>) semaphore(%arg14 : memref<!tpu.dma_semaphore, #tpu.memory_space<semaphore_mem>>)
    %dma_start3A_186 = arith.constant 1 : i32
    %dma_start3A_187 = arith.constant 0 : i32
    %dma_start3A_188 = tpu.memref_slice %arg6[%dma_start3A_186, %dma_start3A_187] : memref<40x64xi32, #tpu.memory_space<vmem>> -> memref<1x64xi32, #tpu.memory_space<vmem>>
    %dma_start3A_189 = tpu.memref_squeeze %dma_start3A_188 : memref<1x64xi32, #tpu.memory_space<vmem>> -> memref<64xi32, #tpu.memory_space<vmem>>
    %dma_start3A_190 = arith.constant 0 : i32
    %dma_start3A_191 = arith.constant 0 : i32
    %dma_start3A_192 = tpu.memref_slice %arg2[%dma_start3A_190, %dma_start3A_191] : memref<10000x128xf32, #tpu.memory_space<hbm>> -> memref<10000x128xf32, #tpu.memory_space<hbm>>
    tpu.enqueue_indirect_dma source(%dma_start3A_192 : memref<10000x128xf32, #tpu.memory_space<hbm>>) target(%arg9 : memref<64x128xf32, #tpu.memory_space<vmem>>) offsets(%dma_start3A_189 : memref<64xi32, #tpu.memory_space<vmem>>) semaphore(%arg15 : memref<!tpu.dma_semaphore, #tpu.memory_space<semaphore_mem>>)
    %dma_start3A_193 = arith.constant 2 : i32
    %dma_start3A_194 = arith.constant 0 : i32
    %dma_start3A_195 = tpu.memref_slice %arg6[%dma_start3A_193, %dma_start3A_194] : memref<40x64xi32, #tpu.memory_space<vmem>> -> memref<1x64xi32, #tpu.memory_space<vmem>>
    %dma_start3A_196 = tpu.memref_squeeze %dma_start3A_195 : memref<1x64xi32, #tpu.memory_space<vmem>> -> memref<64xi32, #tpu.memory_space<vmem>>
    %dma_start3A_197 = arith.constant 0 : i32
    %dma_start3A_198 = arith.constant 0 : i32
    %dma_start3A_199 = tpu.memref_slice %arg2[%dma_start3A_197, %dma_start3A_198] : memref<10000x128xf32, #tpu.memory_space<hbm>> -> memref<10000x128xf32, #tpu.memory_space<hbm>>
    tpu.enqueue_indirect_dma source(%dma_start3A_199 : memref<10000x128xf32, #tpu.memory_space<hbm>>) target(%arg10 : memref<64x128xf32, #tpu.memory_space<vmem>>) offsets(%dma_start3A_196 : memref<64xi32, #tpu.memory_space<vmem>>) semaphore(%arg16 : memref<!tpu.dma_semaphore, #tpu.memory_space<semaphore_mem>>)
    %scan3A_200 = arith.constant 0 : i32
    %scan3A_201 = arith.constant 0 : i32
    %scan3A_202 = arith.constant 10 : i32
    %scan3A_203 = arith.addi %scan3A_201, %scan3A_202 : i32
    %scan3A_204 = arith.constant 1 : i32
    %scan3A_205 = scf.for %scan3A_219 = %scan3A_201 to %scan3A_203 step %scan3A_204 iter_args(%scan3A_220 = %scan3A_200) -> (i32)  : i32 {
      %mul3A_221 = arith.constant 4 : i32
      %mul3A_222 = arith.muli %mul3A_221, %scan3A_219 : i32
      %add3A_223 = arith.constant 0 : i32
      %add3A_224 = arith.addi %mul3A_222, %add3A_223 : i32
      %dma_wait3A_225 = arith.constant 0 : i32
      %dma_wait3A_226 = tpu.memref_slice %arg6[%add3A_224, %dma_wait3A_225] : memref<40x64xi32, #tpu.memory_space<vmem>> -> memref<1x64xi32, #tpu.memory_space<vmem>>
      %dma_wait3A_227 = tpu.memref_squeeze %dma_wait3A_226 : memref<1x64xi32, #tpu.memory_space<vmem>> -> memref<64xi32, #tpu.memory_space<vmem>>
      %dma_wait3A_228 = arith.constant 0 : i32
      %dma_wait3A_229 = arith.constant 0 : i32
      %dma_wait3A_230 = tpu.memref_slice %arg2[%dma_wait3A_228, %dma_wait3A_229] : memref<10000x128xf32, #tpu.memory_space<hbm>> -> memref<10000x128xf32, #tpu.memory_space<hbm>>
      tpu.wait_indirect_dma semaphore(%arg14 : memref<!tpu.dma_semaphore, #tpu.memory_space<semaphore_mem>>) src(%dma_wait3A_230 : memref<10000x128xf32, #tpu.memory_space<hbm>>) dst(%arg8 : memref<64x128xf32, #tpu.memory_space<vmem>>)
      %dma_start3A_231 = arith.constant 0 : i32
      %dma_start3A_232 = tpu.memref_slice %arg7[%add3A_224, %dma_start3A_231] : memref<40x64xi32, #tpu.memory_space<vmem>> -> memref<1x64xi32, #tpu.memory_space<vmem>>
      %dma_start3A_233 = tpu.memref_squeeze %dma_start3A_232 : memref<1x64xi32, #tpu.memory_space<vmem>> -> memref<64xi32, #tpu.memory_space<vmem>>
      %dma_start3A_234 = arith.constant 0 : i32
      %dma_start3A_235 = arith.constant 0 : i32
      %dma_start3A_236 = tpu.memref_slice %arg13[%dma_start3A_234, %dma_start3A_235] : memref<10240x128xf32, #tpu.memory_space<vmem_shared>> -> memref<10240x128xf32, #tpu.memory_space<vmem_shared>>
      tpu.enqueue_indirect_dma source(%arg8 : memref<64x128xf32, #tpu.memory_space<vmem>>) target(%dma_start3A_236 : memref<10240x128xf32, #tpu.memory_space<vmem_shared>>) offsets(%dma_start3A_233 : memref<64xi32, #tpu.memory_space<vmem>>) semaphore(%arg18 : memref<!tpu.dma_semaphore, #tpu.memory_space<semaphore_mem>>) {add = true}
      %ge3A = arith.constant 1 : i32
      %ge3A_237 = arith.cmpi sge, %add3A_224, %ge3A : i32
      %convert_element_type3A = arith.extui %ge3A_237 : i1 to i32
      %cond3A = arith.constant 0 : i32
      %cond3A_238 = arith.cmpi ne, %convert_element_type3A, %cond3A : i32
      scf.if %cond3A_238 {
        %sub3A_337 = arith.constant 1 : i32
        %sub3A_338 = arith.subi %add3A_224, %sub3A_337 : i32
        %dma_wait3A_339 = arith.constant 0 : i32
        %dma_wait3A_340 = tpu.memref_slice %arg7[%sub3A_338, %dma_wait3A_339] : memref<40x64xi32, #tpu.memory_space<vmem>> -> memref<1x64xi32, #tpu.memory_space<vmem>>
        %dma_wait3A_341 = tpu.memref_squeeze %dma_wait3A_340 : memref<1x64xi32, #tpu.memory_space<vmem>> -> memref<64xi32, #tpu.memory_space<vmem>>
        %dma_wait3A_342 = arith.constant 0 : i32
        %dma_wait3A_343 = arith.constant 0 : i32
        %dma_wait3A_344 = tpu.memref_slice %arg13[%dma_wait3A_342, %dma_wait3A_343] : memref<10240x128xf32, #tpu.memory_space<vmem_shared>> -> memref<10240x128xf32, #tpu.memory_space<vmem_shared>>
        tpu.wait_indirect_dma semaphore(%arg21 : memref<!tpu.dma_semaphore, #tpu.memory_space<semaphore_mem>>) src(%arg11 : memref<64x128xf32, #tpu.memory_space<vmem>>) dst(%dma_wait3A_344 : memref<10240x128xf32, #tpu.memory_space<vmem_shared>>)
      } else {
      }
      %add3A_239 = arith.constant 4 : i32
      %add3A_240 = arith.addi %add3A_224, %add3A_239 : i32
      %sub3A = arith.constant 1 : i32
      %sub3A_241 = arith.subi %add3A_240, %sub3A : i32
      %lt3A = arith.constant 40 : i32
      %lt3A_242 = arith.cmpi slt, %sub3A_241, %lt3A : i32
      %convert_element_type3A_243 = arith.extui %lt3A_242 : i1 to i32
      %cond3A_244 = arith.constant 0 : i32
      %cond3A_245 = arith.cmpi ne, %convert_element_type3A_243, %cond3A_244 : i32
      scf.if %cond3A_245 {
        %add3A_337 = arith.constant 4 : i32
        %add3A_338 = arith.addi %add3A_224, %add3A_337 : i32
        %sub3A_339 = arith.constant 1 : i32
        %sub3A_340 = arith.subi %add3A_338, %sub3A_339 : i32
        %dma_start3A_341 = arith.constant 0 : i32
        %dma_start3A_342 = tpu.memref_slice %arg6[%sub3A_340, %dma_start3A_341] : memref<40x64xi32, #tpu.memory_space<vmem>> -> memref<1x64xi32, #tpu.memory_space<vmem>>
        %dma_start3A_343 = tpu.memref_squeeze %dma_start3A_342 : memref<1x64xi32, #tpu.memory_space<vmem>> -> memref<64xi32, #tpu.memory_space<vmem>>
        %dma_start3A_344 = arith.constant 0 : i32
        %dma_start3A_345 = arith.constant 0 : i32
        %dma_start3A_346 = tpu.memref_slice %arg2[%dma_start3A_344, %dma_start3A_345] : memref<10000x128xf32, #tpu.memory_space<hbm>> -> memref<10000x128xf32, #tpu.memory_space<hbm>>
        tpu.enqueue_indirect_dma source(%dma_start3A_346 : memref<10000x128xf32, #tpu.memory_space<hbm>>) target(%arg11 : memref<64x128xf32, #tpu.memory_space<vmem>>) offsets(%dma_start3A_343 : memref<64xi32, #tpu.memory_space<vmem>>) semaphore(%arg17 : memref<!tpu.dma_semaphore, #tpu.memory_space<semaphore_mem>>)
      } else {
      }
      %mul3A_246 = arith.constant 4 : i32
      %mul3A_247 = arith.muli %mul3A_246, %scan3A_219 : i32
      %add3A_248 = arith.constant 1 : i32
      %add3A_249 = arith.addi %mul3A_247, %add3A_248 : i32
      %dma_wait3A_250 = arith.constant 0 : i32
      %dma_wait3A_251 = tpu.memref_slice %arg6[%add3A_249, %dma_wait3A_250] : memref<40x64xi32, #tpu.memory_space<vmem>> -> memref<1x64xi32, #tpu.memory_space<vmem>>
      %dma_wait3A_252 = tpu.memref_squeeze %dma_wait3A_251 : memref<1x64xi32, #tpu.memory_space<vmem>> -> memref<64xi32, #tpu.memory_space<vmem>>
      %dma_wait3A_253 = arith.constant 0 : i32
      %dma_wait3A_254 = arith.constant 0 : i32
      %dma_wait3A_255 = tpu.memref_slice %arg2[%dma_wait3A_253, %dma_wait3A_254] : memref<10000x128xf32, #tpu.memory_space<hbm>> -> memref<10000x128xf32, #tpu.memory_space<hbm>>
      tpu.wait_indirect_dma semaphore(%arg15 : memref<!tpu.dma_semaphore, #tpu.memory_space<semaphore_mem>>) src(%dma_wait3A_255 : memref<10000x128xf32, #tpu.memory_space<hbm>>) dst(%arg9 : memref<64x128xf32, #tpu.memory_space<vmem>>)
      %dma_start3A_256 = arith.constant 0 : i32
      %dma_start3A_257 = tpu.memref_slice %arg7[%add3A_249, %dma_start3A_256] : memref<40x64xi32, #tpu.memory_space<vmem>> -> memref<1x64xi32, #tpu.memory_space<vmem>>
      %dma_start3A_258 = tpu.memref_squeeze %dma_start3A_257 : memref<1x64xi32, #tpu.memory_space<vmem>> -> memref<64xi32, #tpu.memory_space<vmem>>
      %dma_start3A_259 = arith.constant 0 : i32
      %dma_start3A_260 = arith.constant 0 : i32
      %dma_start3A_261 = tpu.memref_slice %arg13[%dma_start3A_259, %dma_start3A_260] : memref<10240x128xf32, #tpu.memory_space<vmem_shared>> -> memref<10240x128xf32, #tpu.memory_space<vmem_shared>>
      tpu.enqueue_indirect_dma source(%arg9 : memref<64x128xf32, #tpu.memory_space<vmem>>) target(%dma_start3A_261 : memref<10240x128xf32, #tpu.memory_space<vmem_shared>>) offsets(%dma_start3A_258 : memref<64xi32, #tpu.memory_space<vmem>>) semaphore(%arg19 : memref<!tpu.dma_semaphore, #tpu.memory_space<semaphore_mem>>) {add = true}
      %ge3A_262 = arith.constant 1 : i32
      %ge3A_263 = arith.cmpi sge, %add3A_249, %ge3A_262 : i32
      %convert_element_type3A_264 = arith.extui %ge3A_263 : i1 to i32
      %cond3A_265 = arith.constant 0 : i32
      %cond3A_266 = arith.cmpi ne, %convert_element_type3A_264, %cond3A_265 : i32
      scf.if %cond3A_266 {
        %sub3A_337 = arith.constant 1 : i32
        %sub3A_338 = arith.subi %add3A_249, %sub3A_337 : i32
        %dma_wait3A_339 = arith.constant 0 : i32
        %dma_wait3A_340 = tpu.memref_slice %arg7[%sub3A_338, %dma_wait3A_339] : memref<40x64xi32, #tpu.memory_space<vmem>> -> memref<1x64xi32, #tpu.memory_space<vmem>>
        %dma_wait3A_341 = tpu.memref_squeeze %dma_wait3A_340 : memref<1x64xi32, #tpu.memory_space<vmem>> -> memref<64xi32, #tpu.memory_space<vmem>>
        %dma_wait3A_342 = arith.constant 0 : i32
        %dma_wait3A_343 = arith.constant 0 : i32
        %dma_wait3A_344 = tpu.memref_slice %arg13[%dma_wait3A_342, %dma_wait3A_343] : memref<10240x128xf32, #tpu.memory_space<vmem_shared>> -> memref<10240x128xf32, #tpu.memory_space<vmem_shared>>
        tpu.wait_indirect_dma semaphore(%arg18 : memref<!tpu.dma_semaphore, #tpu.memory_space<semaphore_mem>>) src(%arg8 : memref<64x128xf32, #tpu.memory_space<vmem>>) dst(%dma_wait3A_344 : memref<10240x128xf32, #tpu.memory_space<vmem_shared>>)
      } else {
      }
      %add3A_267 = arith.constant 4 : i32
      %add3A_268 = arith.addi %add3A_249, %add3A_267 : i32
      %sub3A_269 = arith.constant 1 : i32
      %sub3A_270 = arith.subi %add3A_268, %sub3A_269 : i32
      %lt3A_271 = arith.constant 40 : i32
      %lt3A_272 = arith.cmpi slt, %sub3A_270, %lt3A_271 : i32
      %convert_element_type3A_273 = arith.extui %lt3A_272 : i1 to i32
      %cond3A_274 = arith.constant 0 : i32
      %cond3A_275 = arith.cmpi ne, %convert_element_type3A_273, %cond3A_274 : i32
      scf.if %cond3A_275 {
        %add3A_337 = arith.constant 4 : i32
        %add3A_338 = arith.addi %add3A_249, %add3A_337 : i32
        %sub3A_339 = arith.constant 1 : i32
        %sub3A_340 = arith.subi %add3A_338, %sub3A_339 : i32
        %dma_start3A_341 = arith.constant 0 : i32
        %dma_start3A_342 = tpu.memref_slice %arg6[%sub3A_340, %dma_start3A_341] : memref<40x64xi32, #tpu.memory_space<vmem>> -> memref<1x64xi32, #tpu.memory_space<vmem>>
        %dma_start3A_343 = tpu.memref_squeeze %dma_start3A_342 : memref<1x64xi32, #tpu.memory_space<vmem>> -> memref<64xi32, #tpu.memory_space<vmem>>
        %dma_start3A_344 = arith.constant 0 : i32
        %dma_start3A_345 = arith.constant 0 : i32
        %dma_start3A_346 = tpu.memref_slice %arg2[%dma_start3A_344, %dma_start3A_345] : memref<10000x128xf32, #tpu.memory_space<hbm>> -> memref<10000x128xf32, #tpu.memory_space<hbm>>
        tpu.enqueue_indirect_dma source(%dma_start3A_346 : memref<10000x128xf32, #tpu.memory_space<hbm>>) target(%arg8 : memref<64x128xf32, #tpu.memory_space<vmem>>) offsets(%dma_start3A_343 : memref<64xi32, #tpu.memory_space<vmem>>) semaphore(%arg14 : memref<!tpu.dma_semaphore, #tpu.memory_space<semaphore_mem>>)
      } else {
      }
      %mul3A_276 = arith.constant 4 : i32
      %mul3A_277 = arith.muli %mul3A_276, %scan3A_219 : i32
      %add3A_278 = arith.constant 2 : i32
      %add3A_279 = arith.addi %mul3A_277, %add3A_278 : i32
      %dma_wait3A_280 = arith.constant 0 : i32
      %dma_wait3A_281 = tpu.memref_slice %arg6[%add3A_279, %dma_wait3A_280] : memref<40x64xi32, #tpu.memory_space<vmem>> -> memref<1x64xi32, #tpu.memory_space<vmem>>
      %dma_wait3A_282 = tpu.memref_squeeze %dma_wait3A_281 : memref<1x64xi32, #tpu.memory_space<vmem>> -> memref<64xi32, #tpu.memory_space<vmem>>
      %dma_wait3A_283 = arith.constant 0 : i32
      %dma_wait3A_284 = arith.constant 0 : i32
      %dma_wait3A_285 = tpu.memref_slice %arg2[%dma_wait3A_283, %dma_wait3A_284] : memref<10000x128xf32, #tpu.memory_space<hbm>> -> memref<10000x128xf32, #tpu.memory_space<hbm>>
      tpu.wait_indirect_dma semaphore(%arg16 : memref<!tpu.dma_semaphore, #tpu.memory_space<semaphore_mem>>) src(%dma_wait3A_285 : memref<10000x128xf32, #tpu.memory_space<hbm>>) dst(%arg10 : memref<64x128xf32, #tpu.memory_space<vmem>>)
      %dma_start3A_286 = arith.constant 0 : i32
      %dma_start3A_287 = tpu.memref_slice %arg7[%add3A_279, %dma_start3A_286] : memref<40x64xi32, #tpu.memory_space<vmem>> -> memref<1x64xi32, #tpu.memory_space<vmem>>
      %dma_start3A_288 = tpu.memref_squeeze %dma_start3A_287 : memref<1x64xi32, #tpu.memory_space<vmem>> -> memref<64xi32, #tpu.memory_space<vmem>>
      %dma_start3A_289 = arith.constant 0 : i32
      %dma_start3A_290 = arith.constant 0 : i32
      %dma_start3A_291 = tpu.memref_slice %arg13[%dma_start3A_289, %dma_start3A_290] : memref<10240x128xf32, #tpu.memory_space<vmem_shared>> -> memref<10240x128xf32, #tpu.memory_space<vmem_shared>>
      tpu.enqueue_indirect_dma source(%arg10 : memref<64x128xf32, #tpu.memory_space<vmem>>) target(%dma_start3A_291 : memref<10240x128xf32, #tpu.memory_space<vmem_shared>>) offsets(%dma_start3A_288 : memref<64xi32, #tpu.memory_space<vmem>>) semaphore(%arg20 : memref<!tpu.dma_semaphore, #tpu.memory_space<semaphore_mem>>) {add = true}
      %ge3A_292 = arith.constant 1 : i32
      %ge3A_293 = arith.cmpi sge, %add3A_279, %ge3A_292 : i32
      %convert_element_type3A_294 = arith.extui %ge3A_293 : i1 to i32
      %cond3A_295 = arith.constant 0 : i32
      %cond3A_296 = arith.cmpi ne, %convert_element_type3A_294, %cond3A_295 : i32
      scf.if %cond3A_296 {
        %sub3A_337 = arith.constant 1 : i32
        %sub3A_338 = arith.subi %add3A_279, %sub3A_337 : i32
        %dma_wait3A_339 = arith.constant 0 : i32
        %dma_wait3A_340 = tpu.memref_slice %arg7[%sub3A_338, %dma_wait3A_339] : memref<40x64xi32, #tpu.memory_space<vmem>> -> memref<1x64xi32, #tpu.memory_space<vmem>>
        %dma_wait3A_341 = tpu.memref_squeeze %dma_wait3A_340 : memref<1x64xi32, #tpu.memory_space<vmem>> -> memref<64xi32, #tpu.memory_space<vmem>>
        %dma_wait3A_342 = arith.constant 0 : i32
        %dma_wait3A_343 = arith.constant 0 : i32
        %dma_wait3A_344 = tpu.memref_slice %arg13[%dma_wait3A_342, %dma_wait3A_343] : memref<10240x128xf32, #tpu.memory_space<vmem_shared>> -> memref<10240x128xf32, #tpu.memory_space<vmem_shared>>
        tpu.wait_indirect_dma semaphore(%arg19 : memref<!tpu.dma_semaphore, #tpu.memory_space<semaphore_mem>>) src(%arg9 : memref<64x128xf32, #tpu.memory_space<vmem>>) dst(%dma_wait3A_344 : memref<10240x128xf32, #tpu.memory_space<vmem_shared>>)
      } else {
      }
      %add3A_297 = arith.constant 4 : i32
      %add3A_298 = arith.addi %add3A_279, %add3A_297 : i32
      %sub3A_299 = arith.constant 1 : i32
      %sub3A_300 = arith.subi %add3A_298, %sub3A_299 : i32
      %lt3A_301 = arith.constant 40 : i32
      %lt3A_302 = arith.cmpi slt, %sub3A_300, %lt3A_301 : i32
      %convert_element_type3A_303 = arith.extui %lt3A_302 : i1 to i32
      %cond3A_304 = arith.constant 0 : i32
      %cond3A_305 = arith.cmpi ne, %convert_element_type3A_303, %cond3A_304 : i32
      scf.if %cond3A_305 {
        %add3A_337 = arith.constant 4 : i32
        %add3A_338 = arith.addi %add3A_279, %add3A_337 : i32
        %sub3A_339 = arith.constant 1 : i32
        %sub3A_340 = arith.subi %add3A_338, %sub3A_339 : i32
        %dma_start3A_341 = arith.constant 0 : i32
        %dma_start3A_342 = tpu.memref_slice %arg6[%sub3A_340, %dma_start3A_341] : memref<40x64xi32, #tpu.memory_space<vmem>> -> memref<1x64xi32, #tpu.memory_space<vmem>>
        %dma_start3A_343 = tpu.memref_squeeze %dma_start3A_342 : memref<1x64xi32, #tpu.memory_space<vmem>> -> memref<64xi32, #tpu.memory_space<vmem>>
        %dma_start3A_344 = arith.constant 0 : i32
        %dma_start3A_345 = arith.constant 0 : i32
        %dma_start3A_346 = tpu.memref_slice %arg2[%dma_start3A_344, %dma_start3A_345] : memref<10000x128xf32, #tpu.memory_space<hbm>> -> memref<10000x128xf32, #tpu.memory_space<hbm>>
        tpu.enqueue_indirect_dma source(%dma_start3A_346 : memref<10000x128xf32, #tpu.memory_space<hbm>>) target(%arg9 : memref<64x128xf32, #tpu.memory_space<vmem>>) offsets(%dma_start3A_343 : memref<64xi32, #tpu.memory_space<vmem>>) semaphore(%arg15 : memref<!tpu.dma_semaphore, #tpu.memory_space<semaphore_mem>>)
      } else {
      }
      %mul3A_306 = arith.constant 4 : i32
      %mul3A_307 = arith.muli %mul3A_306, %scan3A_219 : i32
      %add3A_308 = arith.constant 3 : i32
      %add3A_309 = arith.addi %mul3A_307, %add3A_308 : i32
      %dma_wait3A_310 = arith.constant 0 : i32
      %dma_wait3A_311 = tpu.memref_slice %arg6[%add3A_309, %dma_wait3A_310] : memref<40x64xi32, #tpu.memory_space<vmem>> -> memref<1x64xi32, #tpu.memory_space<vmem>>
      %dma_wait3A_312 = tpu.memref_squeeze %dma_wait3A_311 : memref<1x64xi32, #tpu.memory_space<vmem>> -> memref<64xi32, #tpu.memory_space<vmem>>
      %dma_wait3A_313 = arith.constant 0 : i32
      %dma_wait3A_314 = arith.constant 0 : i32
      %dma_wait3A_315 = tpu.memref_slice %arg2[%dma_wait3A_313, %dma_wait3A_314] : memref<10000x128xf32, #tpu.memory_space<hbm>> -> memref<10000x128xf32, #tpu.memory_space<hbm>>
      tpu.wait_indirect_dma semaphore(%arg17 : memref<!tpu.dma_semaphore, #tpu.memory_space<semaphore_mem>>) src(%dma_wait3A_315 : memref<10000x128xf32, #tpu.memory_space<hbm>>) dst(%arg11 : memref<64x128xf32, #tpu.memory_space<vmem>>)
      %dma_start3A_316 = arith.constant 0 : i32
      %dma_start3A_317 = tpu.memref_slice %arg7[%add3A_309, %dma_start3A_316] : memref<40x64xi32, #tpu.memory_space<vmem>> -> memref<1x64xi32, #tpu.memory_space<vmem>>
      %dma_start3A_318 = tpu.memref_squeeze %dma_start3A_317 : memref<1x64xi32, #tpu.memory_space<vmem>> -> memref<64xi32, #tpu.memory_space<vmem>>
      %dma_start3A_319 = arith.constant 0 : i32
      %dma_start3A_320 = arith.constant 0 : i32
      %dma_start3A_321 = tpu.memref_slice %arg13[%dma_start3A_319, %dma_start3A_320] : memref<10240x128xf32, #tpu.memory_space<vmem_shared>> -> memref<10240x128xf32, #tpu.memory_space<vmem_shared>>
      tpu.enqueue_indirect_dma source(%arg11 : memref<64x128xf32, #tpu.memory_space<vmem>>) target(%dma_start3A_321 : memref<10240x128xf32, #tpu.memory_space<vmem_shared>>) offsets(%dma_start3A_318 : memref<64xi32, #tpu.memory_space<vmem>>) semaphore(%arg21 : memref<!tpu.dma_semaphore, #tpu.memory_space<semaphore_mem>>) {add = true}
      %ge3A_322 = arith.constant 1 : i32
      %ge3A_323 = arith.cmpi sge, %add3A_309, %ge3A_322 : i32
      %convert_element_type3A_324 = arith.extui %ge3A_323 : i1 to i32
      %cond3A_325 = arith.constant 0 : i32
      %cond3A_326 = arith.cmpi ne, %convert_element_type3A_324, %cond3A_325 : i32
      scf.if %cond3A_326 {
        %sub3A_337 = arith.constant 1 : i32
        %sub3A_338 = arith.subi %add3A_309, %sub3A_337 : i32
        %dma_wait3A_339 = arith.constant 0 : i32
        %dma_wait3A_340 = tpu.memref_slice %arg7[%sub3A_338, %dma_wait3A_339] : memref<40x64xi32, #tpu.memory_space<vmem>> -> memref<1x64xi32, #tpu.memory_space<vmem>>
        %dma_wait3A_341 = tpu.memref_squeeze %dma_wait3A_340 : memref<1x64xi32, #tpu.memory_space<vmem>> -> memref<64xi32, #tpu.memory_space<vmem>>
        %dma_wait3A_342 = arith.constant 0 : i32
        %dma_wait3A_343 = arith.constant 0 : i32
        %dma_wait3A_344 = tpu.memref_slice %arg13[%dma_wait3A_342, %dma_wait3A_343] : memref<10240x128xf32, #tpu.memory_space<vmem_shared>> -> memref<10240x128xf32, #tpu.memory_space<vmem_shared>>
        tpu.wait_indirect_dma semaphore(%arg20 : memref<!tpu.dma_semaphore, #tpu.memory_space<semaphore_mem>>) src(%arg10 : memref<64x128xf32, #tpu.memory_space<vmem>>) dst(%dma_wait3A_344 : memref<10240x128xf32, #tpu.memory_space<vmem_shared>>)
      } else {
      }
      %add3A_327 = arith.constant 4 : i32
      %add3A_328 = arith.addi %add3A_309, %add3A_327 : i32
      %sub3A_329 = arith.constant 1 : i32
      %sub3A_330 = arith.subi %add3A_328, %sub3A_329 : i32
      %lt3A_331 = arith.constant 40 : i32
      %lt3A_332 = arith.cmpi slt, %sub3A_330, %lt3A_331 : i32
      %convert_element_type3A_333 = arith.extui %lt3A_332 : i1 to i32
      %cond3A_334 = arith.constant 0 : i32
      %cond3A_335 = arith.cmpi ne, %convert_element_type3A_333, %cond3A_334 : i32
      scf.if %cond3A_335 {
        %add3A_337 = arith.constant 4 : i32
        %add3A_338 = arith.addi %add3A_309, %add3A_337 : i32
        %sub3A_339 = arith.constant 1 : i32
        %sub3A_340 = arith.subi %add3A_338, %sub3A_339 : i32
        %dma_start3A_341 = arith.constant 0 : i32
        %dma_start3A_342 = tpu.memref_slice %arg6[%sub3A_340, %dma_start3A_341] : memref<40x64xi32, #tpu.memory_space<vmem>> -> memref<1x64xi32, #tpu.memory_space<vmem>>
        %dma_start3A_343 = tpu.memref_squeeze %dma_start3A_342 : memref<1x64xi32, #tpu.memory_space<vmem>> -> memref<64xi32, #tpu.memory_space<vmem>>
        %dma_start3A_344 = arith.constant 0 : i32
        %dma_start3A_345 = arith.constant 0 : i32
        %dma_start3A_346 = tpu.memref_slice %arg2[%dma_start3A_344, %dma_start3A_345] : memref<10000x128xf32, #tpu.memory_space<hbm>> -> memref<10000x128xf32, #tpu.memory_space<hbm>>
        tpu.enqueue_indirect_dma source(%dma_start3A_346 : memref<10000x128xf32, #tpu.memory_space<hbm>>) target(%arg10 : memref<64x128xf32, #tpu.memory_space<vmem>>) offsets(%dma_start3A_343 : memref<64xi32, #tpu.memory_space<vmem>>) semaphore(%arg16 : memref<!tpu.dma_semaphore, #tpu.memory_space<semaphore_mem>>)
      } else {
      }
      %scan3A_336 = arith.constant 0 : i32
      scf.yield %scan3A_336 : i32
    }
    %scan3A_206 = arith.constant 10 : i32
    %dma_wait3A_207 = arith.constant 39 : i32
    %dma_wait3A_208 = arith.constant 0 : i32
    %dma_wait3A_209 = tpu.memref_slice %arg7[%dma_wait3A_207, %dma_wait3A_208] : memref<40x64xi32, #tpu.memory_space<vmem>> -> memref<1x64xi32, #tpu.memory_space<vmem>>
    %dma_wait3A_210 = tpu.memref_squeeze %dma_wait3A_209 : memref<1x64xi32, #tpu.memory_space<vmem>> -> memref<64xi32, #tpu.memory_space<vmem>>
    %dma_wait3A_211 = arith.constant 0 : i32
    %dma_wait3A_212 = arith.constant 0 : i32
    %dma_wait3A_213 = tpu.memref_slice %arg13[%dma_wait3A_211, %dma_wait3A_212] : memref<10240x128xf32, #tpu.memory_space<vmem_shared>> -> memref<10240x128xf32, #tpu.memory_space<vmem_shared>>
    tpu.wait_indirect_dma semaphore(%arg21 : memref<!tpu.dma_semaphore, #tpu.memory_space<semaphore_mem>>) src(%arg11 : memref<64x128xf32, #tpu.memory_space<vmem>>) dst(%dma_wait3A_213 : memref<10240x128xf32, #tpu.memory_space<vmem_shared>>)
    %barrier3A_214 = arith.constant 0 : index
    tpu.barrier barrier_id(%barrier3A_214)
    %mul3A_215 = arith.constant 640 : i32
    %mul3A_216 = arith.muli %arg1, %mul3A_215 : i32
    %mul3A_217 = arith.constant 640 : i32
    %mul3A_218 = arith.muli %arg1, %mul3A_217 : i32
    "tpu.region"() ({
      %run_scoped3A = tpu.sem_alloc : memref<!tpu.dma_semaphore, #tpu.memory_space<semaphore_mem>>
      %dma_start3A_219 = arith.constant 0 : i32
      %dma_start3A_220 = tpu.memref_slice %arg5[%arg0, %mul3A_218, %dma_start3A_219] : memref<2x10240x128xf32, #tpu.memory_space<hbm>> -> memref<1x640x128xf32, #tpu.memory_space<hbm>>
      %dma_start3A_221 = tpu.memref_squeeze %dma_start3A_220 : memref<1x640x128xf32, #tpu.memory_space<hbm>> -> memref<640x128xf32, #tpu.memory_space<hbm>>
      %dma_start3A_222 = arith.constant 0 : i32
      %dma_start3A_223 = tpu.memref_slice %arg13[%mul3A_216, %dma_start3A_222] : memref<10240x128xf32, #tpu.memory_space<vmem_shared>> -> memref<640x128xf32, #tpu.memory_space<vmem_shared>>
      tpu.enqueue_dma source(%dma_start3A_223 : memref<640x128xf32, #tpu.memory_space<vmem_shared>>) target(%dma_start3A_221 : memref<640x128xf32, #tpu.memory_space<hbm>>) target_semaphore(%run_scoped3A : memref<!tpu.dma_semaphore, #tpu.memory_space<semaphore_mem>>)
      %dma_wait3A_224 = arith.constant 0 : i32
      %dma_wait3A_225 = tpu.memref_slice %arg5[%arg0, %mul3A_218, %dma_wait3A_224] : memref<2x10240x128xf32, #tpu.memory_space<hbm>> -> memref<1x640x128xf32, #tpu.memory_space<hbm>>
      %dma_wait3A_226 = tpu.memref_squeeze %dma_wait3A_225 : memref<1x640x128xf32, #tpu.memory_space<hbm>> -> memref<640x128xf32, #tpu.memory_space<hbm>>
      %dma_wait3A_227 = arith.constant 0 : i32
      %dma_wait3A_228 = tpu.memref_slice %arg13[%mul3A_216, %dma_wait3A_227] : memref<10240x128xf32, #tpu.memory_space<vmem_shared>> -> memref<640x128xf32, #tpu.memory_space<vmem_shared>>
      tpu.wait_dma2 semaphore(%run_scoped3A : memref<!tpu.dma_semaphore, #tpu.memory_space<semaphore_mem>>) src(%dma_wait3A_228 : memref<640x128xf32, #tpu.memory_space<vmem_shared>>) dst(%dma_wait3A_226 : memref<640x128xf32, #tpu.memory_space<hbm>>)
      tpu.yield
    }) : () -> ()
    return
  }
}

module attributes {stable_mosaic.version = 14 : i64} {
  func.func @_norm_body(%arg0: i32, %arg1: memref<400x128xf32, #tpu.memory_space<vmem>>, %arg2: memref<400x1xf32, #tpu.memory_space<vmem>>, %arg3: memref<400x1xf32, #tpu.memory_space<vmem>>, %arg4: memref<400x1xf32, #tpu.memory_space<vmem>>, %arg5: memref<400x128xf32, #tpu.memory_space<vmem>>, %arg6: memref<400x1xf32, #tpu.memory_space<vmem>>, %arg7: memref<400x1xf32, #tpu.memory_space<vmem>>) attributes {dimension_semantics = [#tpu.dimension_semantics<arbitrary>], iteration_bounds = array<i64: 25>, scalar_prefetch = 0 : i64, scratch_operands = 0 : i64, tpu.core_type = #tpu.core_type<tc>, window_params = [{transform_indices = @transform_0, window_bounds = array<i64: 400, 128>}, {transform_indices = @transform_1, window_bounds = array<i64: 400, 1>}, {transform_indices = @transform_2, window_bounds = array<i64: 400, 1>}, {transform_indices = @transform_3, window_bounds = array<i64: 400, 1>}, {transform_indices = @transform_4, window_bounds = array<i64: 400, 128>}, {transform_indices = @transform_5, window_bounds = array<i64: 400, 1>}, {transform_indices = @transform_6, window_bounds = array<i64: 400, 1>}]} {
    %get3A = arith.constant 0 : index
    %get3A_0 = arith.constant 0 : index
    %get3A_1 = vector.load %arg2[%get3A, %get3A_0] : memref<400x1xf32, #tpu.memory_space<vmem>>, vector<400x1xf32>
    %get3A_2 = arith.constant 0 : index
    %get3A_3 = arith.constant 0 : index
    %get3A_4 = vector.load %arg4[%get3A_2, %get3A_3] : memref<400x1xf32, #tpu.memory_space<vmem>>, vector<400x1xf32>
    %sub3A = arith.subf %get3A_1, %get3A_4 : vector<400x1xf32>
    %get3A_5 = arith.constant 0 : index
    %get3A_6 = arith.constant 0 : index
    %get3A_7 = vector.load %arg3[%get3A_5, %get3A_6] : memref<400x1xf32, #tpu.memory_space<vmem>>, vector<400x1xf32>
    %gt3A = arith.constant 0.000000e+00 : f32
    %gt3A_8 = vector.broadcast %gt3A : f32 to vector<400x1xf32>
    %gt3A_9 = arith.cmpf ogt, %sub3A, %gt3A_8 : vector<400x1xf32>
    %rsqrt3A = math.rsqrt %sub3A : vector<400x1xf32>
    %jit3A = arith.constant 0.000000e+00 : f32
    %broadcast_in_dim3A = vector.broadcast %jit3A : f32 to vector<400x1xf32>
    %select_n3A = arith.select %gt3A_9, %rsqrt3A, %broadcast_in_dim3A : vector<400x1xi1>, vector<400x1xf32>
    %gt3A_10 = arith.constant 0.000000e+00 : f32
    %gt3A_11 = vector.broadcast %gt3A_10 : f32 to vector<400x1xf32>
    %gt3A_12 = arith.cmpf ogt, %get3A_7, %gt3A_11 : vector<400x1xf32>
    %rsqrt3A_13 = math.rsqrt %get3A_7 : vector<400x1xf32>
    %jit3A_14 = arith.constant 0.000000e+00 : f32
    %broadcast_in_dim3A_15 = vector.broadcast %jit3A_14 : f32 to vector<400x1xf32>
    %select_n3A_16 = arith.select %gt3A_12, %rsqrt3A_13, %broadcast_in_dim3A_15 : vector<400x1xi1>, vector<400x1xf32>
    %swap3A = arith.constant 0 : index
    %swap3A_17 = arith.constant 0 : index
    %swap3A_18 = vector.load %arg6[%swap3A, %swap3A_17] : memref<400x1xf32, #tpu.memory_space<vmem>>, vector<400x1xf32>
    tpu.vector_store %arg6[%swap3A, %swap3A_17], %select_n3A {strides = array<i32>} : memref<400x1xf32, #tpu.memory_space<vmem>>, vector<400x1xf32>,
    %swap3A_19 = arith.constant 0 : index
    %swap3A_20 = arith.constant 0 : index
    %swap3A_21 = vector.load %arg7[%swap3A_19, %swap3A_20] : memref<400x1xf32, #tpu.memory_space<vmem>>, vector<400x1xf32>
    tpu.vector_store %arg7[%swap3A_19, %swap3A_20], %select_n3A_16 {strides = array<i32>} : memref<400x1xf32, #tpu.memory_space<vmem>>, vector<400x1xf32>,
    %get3A_22 = arith.constant 0 : index
    %get3A_23 = arith.constant 0 : index
    %get3A_24 = vector.load %arg1[%get3A_22, %get3A_23] : memref<400x128xf32, #tpu.memory_space<vmem>>, vector<400x128xf32>
    %mul3A = vector.broadcast %select_n3A : vector<400x1xf32> to vector<400x128xf32>
    %mul3A_25 = arith.mulf %get3A_24, %mul3A : vector<400x128xf32>
    %swap3A_26 = arith.constant 0 : index
    %swap3A_27 = arith.constant 0 : index
    %swap3A_28 = vector.load %arg5[%swap3A_26, %swap3A_27] : memref<400x128xf32, #tpu.memory_space<vmem>>, vector<400x128xf32>
    tpu.vector_store %arg5[%swap3A_26, %swap3A_27], %mul3A_25 {strides = array<i32>} : memref<400x128xf32, #tpu.memory_space<vmem>>, vector<400x128xf32>,
    return
  }
  func.func @transform_0(%arg0: i32) -> (i32, i32) {
    %c0_i32 = arith.constant 0 : i32
    %c0_i32_0 = arith.constant 0 : i32
    return %arg0, %c0_i32 : i32, i32
  }
  func.func @transform_1(%arg0: i32) -> (i32, i32) {
    %c0_i32 = arith.constant 0 : i32
    %c0_i32_0 = arith.constant 0 : i32
    return %arg0, %c0_i32 : i32, i32
  }
  func.func @transform_2(%arg0: i32) -> (i32, i32) {
    %c0_i32 = arith.constant 0 : i32
    %c0_i32_0 = arith.constant 0 : i32
    return %arg0, %c0_i32 : i32, i32
  }
  func.func @transform_3(%arg0: i32) -> (i32, i32) {
    %c0_i32 = arith.constant 0 : i32
    %c0_i32_0 = arith.constant 0 : i32
    return %arg0, %c0_i32 : i32, i32
  }
  func.func @transform_4(%arg0: i32) -> (i32, i32) {
    %c0_i32 = arith.constant 0 : i32
    %c0_i32_0 = arith.constant 0 : i32
    return %arg0, %c0_i32 : i32, i32
  }
  func.func @transform_5(%arg0: i32) -> (i32, i32) {
    %c0_i32 = arith.constant 0 : i32
    %c0_i32_0 = arith.constant 0 : i32
    return %arg0, %c0_i32 : i32, i32
  }
  func.func @transform_6(%arg0: i32) -> (i32, i32) {
    %c0_i32 = arith.constant 0 : i32
    %c0_i32_0 = arith.constant 0 : i32
    return %arg0, %c0_i32 : i32, i32
  }
}

module attributes {stable_mosaic.version = 14 : i64} {
  func.func @_mm_body_scaled(%arg0: i32, %arg1: memref<2x400x128xf32, #tpu.memory_space<vmem>>, %arg2: memref<400x1xf32, #tpu.memory_space<vmem>>, %arg3: memref<128x128xf32, #tpu.memory_space<vmem>>, %arg4: memref<1x128xf32, #tpu.memory_space<vmem>>, %arg5: memref<400x1xf32, #tpu.memory_space<vmem>>, %arg6: memref<400x128xf32, #tpu.memory_space<vmem>>) attributes {dimension_semantics = [#tpu.dimension_semantics<arbitrary>], iteration_bounds = array<i64: 25>, scalar_prefetch = 0 : i64, scratch_operands = 0 : i64, tpu.core_type = #tpu.core_type<tc>, window_params = [{transform_indices = @transform_0, window_bounds = array<i64: 2, 400, 128>}, {transform_indices = @transform_1, window_bounds = array<i64: 400, 1>}, {pipeline_mode = #tpu.pipeline_mode<synchronous>, transform_indices = @transform_2, window_bounds = array<i64: 128, 128>}, {pipeline_mode = #tpu.pipeline_mode<synchronous>, transform_indices = @transform_3, window_bounds = array<i64: 1, 128>}, {transform_indices = @transform_4, window_bounds = array<i64: 400, 1>}, {transform_indices = @transform_5, window_bounds = array<i64: 400, 128>}]} {
    %get3A = arith.constant 0 : index
    %get3A_0 = arith.constant 0 : index
    %get3A_1 = arith.constant 0 : index
    %get3A_2 = vector.load %arg1[%get3A, %get3A_0, %get3A_1] : memref<2x400x128xf32, #tpu.memory_space<vmem>>, vector<1x400x128xf32>
    %get3A_3 = vector.shape_cast %get3A_2 : vector<1x400x128xf32> to vector<400x128xf32>
    %get3A_4 = arith.constant 1 : index
    %get3A_5 = arith.constant 0 : index
    %get3A_6 = arith.constant 0 : index
    %get3A_7 = vector.load %arg1[%get3A_4, %get3A_5, %get3A_6] : memref<2x400x128xf32, #tpu.memory_space<vmem>>, vector<1x400x128xf32>
    %get3A_8 = vector.shape_cast %get3A_7 : vector<1x400x128xf32> to vector<400x128xf32>
    %add3A = arith.addf %get3A_3, %get3A_8 : vector<400x128xf32>
    %get3A_9 = arith.constant 0 : index
    %get3A_10 = arith.constant 0 : index
    %get3A_11 = vector.load %arg2[%get3A_9, %get3A_10] : memref<400x1xf32, #tpu.memory_space<vmem>>, vector<400x1xf32>
    %mul3A = vector.broadcast %get3A_11 : vector<400x1xf32> to vector<400x128xf32>
    %mul3A_12 = arith.mulf %add3A, %mul3A : vector<400x128xf32>
    %get3A_13 = arith.constant 0 : index
    %get3A_14 = arith.constant 0 : index
    %get3A_15 = vector.load %arg3[%get3A_13, %get3A_14] : memref<128x128xf32, #tpu.memory_space<vmem>>, vector<128x128xf32>
    %dot_general3A = arith.constant dense<0.000000e+00> : vector<400x128xf32>
    %dot_general3A_16 = tpu.matmul %mul3A_12, %get3A_15, %dot_general3A {dimension_numbers = #tpu.dot_dimension_numbers<[1], [0], [0], [1], [0, 0, 1, 1], [], []>, transpose_lhs_hint = false} : vector<400x128xf32>, vector<128x128xf32>, vector<400x128xf32> -> vector<400x128xf32>
    %get3A_17 = arith.constant 0 : index
    %get3A_18 = arith.constant 0 : index
    %get3A_19 = vector.load %arg4[%get3A_17, %get3A_18] : memref<1x128xf32, #tpu.memory_space<vmem>>, vector<1x128xf32>
    %add3A_20 = vector.broadcast %get3A_19 : vector<1x128xf32> to vector<400x128xf32>
    %add3A_21 = arith.addf %dot_general3A_16, %add3A_20 : vector<400x128xf32>
    %get3A_22 = arith.constant 0 : index
    %get3A_23 = arith.constant 0 : index
    %get3A_24 = vector.load %arg5[%get3A_22, %get3A_23] : memref<400x1xf32, #tpu.memory_space<vmem>>, vector<400x1xf32>
    %mul3A_25 = vector.broadcast %get3A_24 : vector<400x1xf32> to vector<400x128xf32>
    %mul3A_26 = arith.mulf %add3A_21, %mul3A_25 : vector<400x128xf32>
    %swap3A = arith.constant 0 : index
    %swap3A_27 = arith.constant 0 : index
    %swap3A_28 = vector.load %arg6[%swap3A, %swap3A_27] : memref<400x128xf32, #tpu.memory_space<vmem>>, vector<400x128xf32>
    tpu.vector_store %arg6[%swap3A, %swap3A_27], %mul3A_26 {strides = array<i32>} : memref<400x128xf32, #tpu.memory_space<vmem>>, vector<400x128xf32>,
    return
  }
  func.func @transform_0(%arg0: i32) -> (i32, i32, i32) {
    %c0_i32 = arith.constant 0 : i32
    %c0_i32_0 = arith.constant 0 : i32
    %c0_i32_1 = arith.constant 0 : i32
    return %c0_i32, %arg0, %c0_i32_0 : i32, i32, i32
  }
  func.func @transform_1(%arg0: i32) -> (i32, i32) {
    %c0_i32 = arith.constant 0 : i32
    %c0_i32_0 = arith.constant 0 : i32
    return %arg0, %c0_i32 : i32, i32
  }
  func.func @transform_2(%arg0: i32) -> (i32, i32) {
    %c0_i32 = arith.constant 0 : i32
    %c0_i32_0 = arith.constant 0 : i32
    %c0_i32_1 = arith.constant 0 : i32
    return %c0_i32, %c0_i32_0 : i32, i32
  }
  func.func @transform_3(%arg0: i32) -> (i32, i32) {
    %c0_i32 = arith.constant 0 : i32
    %c0_i32_0 = arith.constant 0 : i32
    %c0_i32_1 = arith.constant 0 : i32
    return %c0_i32, %c0_i32_0 : i32, i32
  }
  func.func @transform_4(%arg0: i32) -> (i32, i32) {
    %c0_i32 = arith.constant 0 : i32
    %c0_i32_0 = arith.constant 0 : i32
    return %arg0, %c0_i32 : i32, i32
  }
  func.func @transform_5(%arg0: i32) -> (i32, i32) {
    %c0_i32 = arith.constant 0 : i32
    %c0_i32_0 = arith.constant 0 : i32
    return %arg0, %c0_i32 : i32, i32
  }
}

module attributes {stable_mosaic.version = 14 : i64} {
  func.func @_mm_body_plain(%arg0: i32, %arg1: memref<2x400x128xf32, #tpu.memory_space<vmem>>, %arg2: memref<400x1xf32, #tpu.memory_space<vmem>>, %arg3: memref<128x128xf32, #tpu.memory_space<vmem>>, %arg4: memref<1x128xf32, #tpu.memory_space<vmem>>, %arg5: memref<400x128xf32, #tpu.memory_space<vmem>>) attributes {dimension_semantics = [#tpu.dimension_semantics<arbitrary>], iteration_bounds = array<i64: 25>, scalar_prefetch = 0 : i64, scratch_operands = 0 : i64, tpu.core_type = #tpu.core_type<tc>, window_params = [{transform_indices = @transform_0, window_bounds = array<i64: 2, 400, 128>}, {transform_indices = @transform_1, window_bounds = array<i64: 400, 1>}, {pipeline_mode = #tpu.pipeline_mode<synchronous>, transform_indices = @transform_2, window_bounds = array<i64: 128, 128>}, {pipeline_mode = #tpu.pipeline_mode<synchronous>, transform_indices = @transform_3, window_bounds = array<i64: 1, 128>}, {transform_indices = @transform_4, window_bounds = array<i64: 400, 128>}]} {
    %get3A = arith.constant 0 : index
    %get3A_0 = arith.constant 0 : index
    %get3A_1 = arith.constant 0 : index
    %get3A_2 = vector.load %arg1[%get3A, %get3A_0, %get3A_1] : memref<2x400x128xf32, #tpu.memory_space<vmem>>, vector<1x400x128xf32>
    %get3A_3 = vector.shape_cast %get3A_2 : vector<1x400x128xf32> to vector<400x128xf32>
    %get3A_4 = arith.constant 1 : index
    %get3A_5 = arith.constant 0 : index
    %get3A_6 = arith.constant 0 : index
    %get3A_7 = vector.load %arg1[%get3A_4, %get3A_5, %get3A_6] : memref<2x400x128xf32, #tpu.memory_space<vmem>>, vector<1x400x128xf32>
    %get3A_8 = vector.shape_cast %get3A_7 : vector<1x400x128xf32> to vector<400x128xf32>
    %add3A = arith.addf %get3A_3, %get3A_8 : vector<400x128xf32>
    %get3A_9 = arith.constant 0 : index
    %get3A_10 = arith.constant 0 : index
    %get3A_11 = vector.load %arg2[%get3A_9, %get3A_10] : memref<400x1xf32, #tpu.memory_space<vmem>>, vector<400x1xf32>
    %mul3A = vector.broadcast %get3A_11 : vector<400x1xf32> to vector<400x128xf32>
    %mul3A_12 = arith.mulf %add3A, %mul3A : vector<400x128xf32>
    %get3A_13 = arith.constant 0 : index
    %get3A_14 = arith.constant 0 : index
    %get3A_15 = vector.load %arg3[%get3A_13, %get3A_14] : memref<128x128xf32, #tpu.memory_space<vmem>>, vector<128x128xf32>
    %dot_general3A = arith.constant dense<0.000000e+00> : vector<400x128xf32>
    %dot_general3A_16 = tpu.matmul %mul3A_12, %get3A_15, %dot_general3A {dimension_numbers = #tpu.dot_dimension_numbers<[1], [0], [0], [1], [0, 0, 1, 1], [], []>, transpose_lhs_hint = false} : vector<400x128xf32>, vector<128x128xf32>, vector<400x128xf32> -> vector<400x128xf32>
    %get3A_17 = arith.constant 0 : index
    %get3A_18 = arith.constant 0 : index
    %get3A_19 = vector.load %arg4[%get3A_17, %get3A_18] : memref<1x128xf32, #tpu.memory_space<vmem>>, vector<1x128xf32>
    %add3A_20 = vector.broadcast %get3A_19 : vector<1x128xf32> to vector<400x128xf32>
    %add3A_21 = arith.addf %dot_general3A_16, %add3A_20 : vector<400x128xf32>
    %swap3A = arith.constant 0 : index
    %swap3A_22 = arith.constant 0 : index
    %swap3A_23 = vector.load %arg5[%swap3A, %swap3A_22] : memref<400x128xf32, #tpu.memory_space<vmem>>, vector<400x128xf32>
    tpu.vector_store %arg5[%swap3A, %swap3A_22], %add3A_21 {strides = array<i32>} : memref<400x128xf32, #tpu.memory_space<vmem>>, vector<400x128xf32>,
    return
  }
  func.func @transform_0(%arg0: i32) -> (i32, i32, i32) {
    %c0_i32 = arith.constant 0 : i32
    %c0_i32_0 = arith.constant 0 : i32
    %c0_i32_1 = arith.constant 0 : i32
    return %c0_i32, %arg0, %c0_i32_0 : i32, i32, i32
  }
  func.func @transform_1(%arg0: i32) -> (i32, i32) {
    %c0_i32 = arith.constant 0 : i32
    %c0_i32_0 = arith.constant 0 : i32
    return %arg0, %c0_i32 : i32, i32
  }
  func.func @transform_2(%arg0: i32) -> (i32, i32) {
    %c0_i32 = arith.constant 0 : i32
    %c0_i32_0 = arith.constant 0 : i32
    %c0_i32_1 = arith.constant 0 : i32
    return %c0_i32, %c0_i32_0 : i32, i32
  }
  func.func @transform_3(%arg0: i32) -> (i32, i32) {
    %c0_i32 = arith.constant 0 : i32
    %c0_i32_0 = arith.constant 0 : i32
    %c0_i32_1 = arith.constant 0 : i32
    return %c0_i32, %c0_i32_0 : i32, i32
  }
  func.func @transform_4(%arg0: i32) -> (i32, i32) {
    %c0_i32 = arith.constant 0 : i32
    %c0_i32_0 = arith.constant 0 : i32
    return %arg0, %c0_i32 : i32, i32
  }
}

</mosaic_0001>

<sc_bundles>
// kernel: kernel.11.cloned.1.call-start
scs
__scs_entry_jumppad:
0x0: {  	(pc) =	sbr.rel $0x88, $3  }
0x1: {  	(tag) =	ssettag $0x0;
	lr =	simm.s32 $0x1  }
0x2: {  	[smem:$0x3F9B] =	sst lr;
	_ =	strace $0xD0000000  }
0x3: {  	_ = 	snop  }
0x4: {  	_ = 	snop  }
0x5: {  	_ = 	snop  }
0x6: {  	_ = 	snop  }
0x7: {  	_ = 	snop  }
__scs_overlays_trampoline_lowered:
0x8: {  	[smem:$0x3FAA] =	sst s0  }
0x9: {  	[smem:$0x3FAB] =	sst s1  }
0xa: {  	[smem:$0x3FAC] =	sst s2  }
0xb: {  	[smem:$0x3FAD] =	sst s3  }
0xc: {  	[smem:$0x3FAE] =	sst s4  }
0xd: {  	[smem:$0x3FAF] =	sst s5  }
0xe: {  	[smem:$0x3FB0] =	sst s6  }
0xf: {  	[smem:$0x3FB1] =	sst s7  }
0x10: {  	[smem:$0x3FB2] =	sst s8  }
0x11: {  	[smem:$0x3FB3] =	sst s9;
	s0 =	simm.s32 @!p0 $0x0  }
0x12: {  	s1 =	sld [smem:$0x3F99];
	s0 =	simm.s32 @p0 $0x1  }
0x13: {  	[smem:$0x3FB4] =	sst s0;
	s0 =	simm.s32 @!p1 $0x0  }
0x14: {  	s2 =	sld [smem:$0x3F98];
	s0 =	simm.s32 @p1 $0x1  }
0x15: {  	[smem:$0x3FB5] =	sst s0;
	s0 =	simm.s32 @!p2 $0x0  }
0x16: {  	s3 =	sld [smem:$0x3FDB];
	s0 =	simm.s32 @p2 $0x1  }
0x17: {  	s4 =	simm.s32 $0x1BF5;
	[smem:$0x3FB7] =	sst s0  }
0x18: {  	s0 =	sld [smem:$0x3F9A];
	_ =	swait.ge [sflag:s4], $0x0  }
0x19: {  	s7 =	sld [smem:$0x3F9B]  }
0x1a: {  	s8 =	sadd.s32 $0xFFFFE003, lr  }
0x1b: {  	s9 =	sadd.s32 $0xFFFFFEF7, lr;
	s5 =	simm.s32 $0xFFFFFFFF;
	p2 =	slt.u32 s8, $0xFFFFF086  }
0x1c: {  	p1 =	slt.u32 s9, $0xF7A;
	s5 =	simm.s32 @!p2 $0x0  }
0x1d: {  	s5 =	simm.s32 @p1 $0x1;
	p0 =	seq.s32 s7, s2  }
0x1e: {  	s7 =	smul.u32 @!p0 $0xF7A, s2;
	p2 =	seq.s32 @!p0 s5, $0x0  }
0x1f: {  	s9 =	smul.u32 $0xF7A, s1;
	s8 =	simm.s32 @!p0 $0x1BF5;
	p2 =	por !p2, p0  }
0x20: {  	[sflag:s8] =	ssyncset.s32 @!p0 $0xFFFFF086;
	s6 =	sadd.s32 @!p0 s3, s7;
	s7 =	simm.s32 @!p0 $0x108  }
0x21: {  	s3 =	sadd.s32 s3, s9;
	s6 =	sadd.s32 @!p0 $0x88, s6;
	s7 =	simm.s32 @p2 $0x1082  }
0x22: {  	[simem:s7], [sflag:s8] =	dma.local @!p0 [hbm:s6], $0xF7A  }
0x23: {  	s9 =	sor.u32 $0xD0000000, s2;
	s6 =	simm.s32 $0x108;
	_ =	swait.ge @!p0 [sflag:s8], $0x0  }
0x24: {  	s3 =	sadd.s32 $0x88, s3;
	s6 =	simm.s32 @!p1 $0x1082;
	[sflag:s4] =	ssyncset.s32 $0xFFFFF086  }
0x25: {  	[simem:s6], [sflag:s4] =	dma.local [hbm:s3], $0xF7A  }
0x26: {  	[smem:$0x3F9B] =	sst s1;
	(tag) =	ssettag s2;
	_ =	strace s9  }
0x27: {  	s1 =	sld [smem:$0x3FAB]  }
0x28: {  	s2 =	sld [smem:$0x3FAC]  }
0x29: {  	s4 =	sld [smem:$0x3FAE]  }
0x2a: {  	p0 =	seq.s32 s5, $0x0;
	s5 =	sld [smem:$0x3FAF]  }
0x2b: {  	s6 =	sld [smem:$0x3FB0]  }
0x2c: {  	s7 =	sld [smem:$0x3FB1]  }
0x2d: {  	s3 =	simm.s32 $0x108;
	s8 =	sld [smem:$0x3FB2]  }
0x2e: {  	s3 =	simm.s32 @!p0 $0x1082;
	s9 =	sld [smem:$0x3FB3]  }
0x2f: {  	lr =	sadd.s32 s0, s3;
	s0 =	sld [smem:$0x3FAA]  }
0x30: {  	s3 =	sld [smem:$0x3FAD]  }
0x31: {  	[smem:$0x3FB6] =	sst s10  }
0x32: {  	s10 =	sld [smem:$0x3FB4];
	_ =	sdelay $0x3  }
0x33: {  	p0 =	seq.s32 s10, $0x1;
	s10 =	sld [smem:$0x3FB6];
	_ =	sdelay $0x3  }
0x34: {  	[smem:$0x3FB6] =	sst s10  }
0x35: {  	s10 =	sld [smem:$0x3FB5];
	_ =	sdelay $0x3  }
0x36: {  	p1 =	seq.s32 s10, $0x1;
	s10 =	sld [smem:$0x3FB6];
	_ =	sdelay $0x3  }
0x37: {  	[smem:$0x3FB6] =	sst s10  }
0x38: {  	s10 =	sld [smem:$0x3FB7]  }
0x39: {  	_ = 	snop;
	(pc) =	sbr.ind lr, $3  }
0x3a: {  	_ = 	snop  }
0x3b: {  	_ = 	snop  }
0x3c: {  	p2 =	seq.s32 s10, $0x1;
	s10 =	sld [smem:$0x3FB6]  }
0x3d: {  	_ =	shalt  }
0x3e: {  	_ =	shalt  }
0x3f: {  	_ =	shalt  }
0x40: {  	_ =	shalt  }
0x41: {  	_ =	shalt  }
0x42: {  	_ =	shalt  }
0x43: {  	_ =	shalt  }
0x44: {  	_ =	shalt  }
0x45: {  	_ =	shalt  }
0x46: {  	_ =	shalt  }
0x47: {  	_ =	shalt  }
0x48: {  	_ =	shalt  }
0x49: {  	_ =	shalt  }
0x4a: {  	_ =	shalt  }
0x4b: {  	_ =	shalt  }
0x4c: {  	_ =	shalt  }
0x4d: {  	_ =	shalt  }
0x4e: {  	_ =	shalt  }
0x4f: {  	_ =	shalt  }
0x50: {  	_ =	shalt  }
0x51: {  	_ =	shalt  }
0x52: {  	_ =	shalt  }
0x53: {  	_ =	shalt  }
0x54: {  	_ =	shalt  }
0x55: {  	_ =	shalt  }
0x56: {  	_ =	shalt  }
0x57: {  	_ =	shalt  }
0x58: {  	_ =	shalt  }
0x59: {  	_ =	shalt  }
0x5a: {  	_ =	shalt  }
0x5b: {  	_ =	shalt  }
0x5c: {  	_ =	shalt  }
0x5d: {  	_ =	shalt  }
0x5e: {  	_ =	shalt  }
0x5f: {  	_ =	shalt  }
0x60: {  	_ =	shalt  }
0x61: {  	_ =	shalt  }
0x62: {  	_ =	shalt  }
0x63: {  	_ =	shalt  }
0x64: {  	_ =	shalt  }
0x65: {  	_ =	shalt  }
0x66: {  	_ =	shalt  }
0x67: {  	_ =	shalt  }
0x68: {  	_ =	shalt  }
0x69: {  	_ =	shalt  }
0x6a: {  	_ =	shalt  }
0x6b: {  	_ =	shalt  }
0x6c: {  	_ =	shalt  }
0x6d: {  	_ =	shalt  }
0x6e: {  	_ =	shalt  }
0x6f: {  	_ =	shalt  }
0x70: {  	_ =	shalt  }
0x71: {  	_ =	shalt  }
0x72: {  	_ =	shalt  }
0x73: {  	_ =	shalt  }
0x74: {  	_ =	shalt  }
0x75: {  	_ =	shalt  }
0x76: {  	_ =	shalt  }
0x77: {  	_ =	shalt  }
0x78: {  	_ =	shalt  }
0x79: {  	_ =	shalt  }
0x7a: {  	_ =	shalt  }
0x7b: {  	_ =	shalt  }
0x7c: {  	_ =	shalt  }
0x7d: {  	_ =	shalt  }
0x7e: {  	_ =	shalt  }
0x7f: {  	_ =	shalt  }
0x80: {  	_ =	shalt  }
0x81: {  	_ =	shalt  }
0x82: {  	_ =	shalt  }
0x83: {  	_ =	shalt  }
0x84: {  	_ =	shalt  }
0x85: {  	_ =	shalt  }
0x86: {  	_ =	shalt  }
0x87: {  	_ =	shalt  }
.Lfunc_end0:
.L_simem_size_0:
called_computation.1_lowered:
.L_overlay_start_0:
0x88: {  	s2 =	sld [smem:$0x3FD9]  }
0x89: {  	s3 =	sld [smem:$0x3FFE];
	_ =	sdelay $0x1  }
0x8a: {  	s1 =	srdreg.scid  }
0x8b: {  	s0 =	sand.u32 $0x1, s1  }
0x8c: {  	s17 =	sshll.u32 s0, $0xA;
	s2 =	sadd.s32 s3, s2  }
0x8d: {  	s2 =	sadd.s32 s2, s17  }
0x8e: {  	[smem:$0x3FC2] =	sst s2  }
0x8f: {  	_ = 	snop  }
0x90: {  	s2 =	sld [smem:$0x3FD0];
	(tm) =	ssettm $0x1  }
0x91: {  	s18 =	sld [smem:$0x3FFB];
	_ =	sdelay $0x3  }
0x92: {  	_ =	strace s18  }
0x93: {  	s3 =	sld [smem:$0x3FFC];
	_ =	sdelay $0x3  }
0x94: {  	_ =	strace s3  }
0x95: {  	s3 =	sld [smem:$0x3FFD];
	_ =	sdelay $0x3  }
0x96: {  	_ =	strace s3  }
0x97: {  	_ =	strace $0x8FFFFFFF  }
0x98: {  	s19 =	sld [smem:$0x3FDB];
	_ =	sdelay $0x1  }
0x99: {  	s4 =	simm.s32 $_scs_section_size  }
0x9a: {  	s5 =	simm.s32 $_size__tile_overlayer_lowered;
	s6 =	simm.s32 $_tile_overlayer_lowered  }
0x9b: {  	s22 =	simm.s32 $0x1BFF;
	s21 =	sshll.u32 s6, $0x1;
	s3 =	sadd.s32 s4, s19  }
0x9c: {  	s7 =	simm.s32 $0x0;
	s20 =	sshll.u32 s5, $0x1;
	s5 =	sadd.s32 s21, s3  }
0x9d: {  	[timem:s7], [sflag:s22] =	dma.local [hbm:s5], s20  }
0x9e: {  	_ =	swait.ge [sflag:s22], s20  }
0x9f: {  	s4 =	ssub.s32 $0x0, s20;
	[sflag:s22] =	ssyncset.done $0x0  }
0xa0: {  	[sflag:s22] =	ssyncadd.s32 s4;
	_ =	sdelay $0x1  }
0xa1: {  	s23 =	simm.s32 $0x1B8B  }
0xa2: {  	_ =	swait.ge [sflag:s23], $0x1  }
0xa3: {  	[sflag:s23] =	ssyncset.done $0x0  }
0xa4: {  	s25 =	simm.s32 $0x1B8E;
	s24 =	sld [smem:$0x3FFE];
	[sflag:s23] =	ssyncadd.s32 $0xFFFFFFFF  }
0xa5: {  	s26 =	simm.s32 $execute0_lowered;
	[smem:$0x3FD2] =	sst s25  }
0xa6: {  	s5 =	sshll.u32 s26, $0x1;
	_ =	strace $0x80000049;
	[dreg:$0x1] =	wrdreg $0xFFFFFFFF  }
0xa7: {  	s28 =	simm.s32 $_size_execute0_lowered;
	s3 =	sadd.s32 s3, s5;
	[dreg:$0x0] =	wrdreg $0x0  }
0xa8: {  	s5 =	sshll.u32 s28, $0x1;
	[dreg:$0x2] =	wrdreg s3  }
0xa9: {  	[dreg:$0x3] =	wrdreg s5  }
0xaa: {  	[dreg:$0x4] =	wrdreg $0xC0  }
0xab: {  	_ =	task [dreg:s7], $0x5FFFF  }
0xac: {  	[dreg:$0x1] =	wrdreg $0xFFFFFFFF  }
0xad: {  	[dreg:$0x0] =	wrdreg $0x60  }
0xae: {  	[dreg:$0x2] =	wrdreg s2  }
0xaf: {  	[dreg:$0x3] =	wrdreg s24  }
0xb0: {  	[dreg:$0x4] =	wrdreg $0xB0000  }
0xb1: {  	[dreg:$0x5] =	wrdreg $0x9  }
0xb2: {  	_ =	task.clear_ibuf [dreg:s7], $0x6FFFF;
	_ =	strace $0x90000049  }
0xb3: {  	s29 =	simm.s32 $0x9;
	_ =	strace $0x8000004B  }
0xb4: {  	_ =	swait.ge [sflag:s29], $0x1  }
0xb5: {  	[sflag:s29] =	ssyncadd.s32 $0xFFFFFFFF  }
0xb6: {  	_ =	strace $0x9000004B  }
0xb7: {  	_ =	sfence  }
0xb8: {  	s30 =	sld [smem:$0x0];
	_ =	sdelay $0x2  }
0xb9: {  	s31 =	sshll.u32 s1, $0xD;
	s1 =	sshrl.u32 s1, $0x2  }
0xba: {  	s3 =	sand.u32 $0x4000, s31;
	s1 =	sadd.s32 s1, s30  }
0xbb: {  	s0 =	sor.u32 s3, s0;
	s1 =	sshll.u32 s1, $0x11  }
0xbc: {  	s0 =	sor.u32 s1, s0  }
0xbd: {  	s0 =	sadd.s32 $0x8F2B, s0  }
0xbe: {  	[sflag:s0] =	ssyncadd.remote.s32 $0x1  }
0xbf: {  	_ =	sfence.sel $0xFFFF  }
0xc0: {  	[dreg:$0x0] =	wrdreg $0xFFFFFFFF;
	(pc) =	sbr.abs _section_cstart, $3  }
0xc1: {  	[dreg:$0x1] =	wrdreg $0xFFFFFFFF  }
0xc2: {  	_ =	task.clear_ibuf [dreg:s7], $0x2FFFF;
	_ =	strace $0x9FFFFFFF  }
0xc3: {  	(tm) =	ssettm $0x7FFFFFFF  }
tec
execute0_lowered:
.L_overlay_start_1:
0x0: {  	(tag) =	ssettag $0x1  }
0x1: {  	s1 =	rddreg [dreg:$0x0]  }
0x2: {  	s0 =	rddreg [dreg:$0x1]  }
0x3: {  	s3 =	rddreg [dreg:$0x2];
	s2 =	srdreg.scid  }
0x4: {  	s9 =	stileid.u32;
	s6 =	simm.s32 $0x0;
	s28 =	simm.s32 $0x40  }
0x5: {  	s29 =	simm.s32 $0x2800;
	s31 =	simm.s32 $0x4800;
	s11 =	simm.s32 $0x1580  }
0x6: {  	s2 =	sand.u32 $0x1, s2;
	s5 =	sshll.u32 s9, $0x1;
	s12 =	smul.u32 $0x14000, s9  }
0x7: {  	[smem:$0x7FF] =	sst s6;
	s8 =	sadd.s32 $0x1E00, s0;
	s13 =	smul.u32 $0x50000, s9  }
0x8: {  	s10 =	sadd.s32 $0x15E00, s0;
	s4 =	smul.u32 $0x140000, s2;
	s5 =	sor.u32 s2, s5  }
0x9: {  	s9 =	simm.s32 $0x1500;
	s2 =	ssub.s32 $0x2, s2;
	s7 =	smul.u32 $0xA00, s5  }
0xa: {  	_ =	strace $0x8000004A;
	s14 =	sshrl.u32 s2, $0x1;
	s5 =	smul.u32 $0x5000, s5  }
0xb: {  	s16 =	sshrl.u32 s13, $0x2;
	s13 =	simm.s32 $0x300;
	s4 =	sadd.s32 s12, s4  }
0xc: {  	s2 =	ssub.s32 s2, s14;
	s12 =	simm.s32 $0x7;
	s14 =	simm.s32 $0x8  }
0xd: {  	s4 =	sshrl.u32 s4, $0x3;
	s15 =	sadd.s32 s8, s7;
	s5 =	sshrl.u32 s5, $0x3  }
0xe: {  	s17 =	sadd.s32 s10, s7;
	s7 =	sadd.s32 s16, s3;
	s26 =	smax.u32 s2, $0x1  }
0xf: {  	s2 =	simm.s32 $0x6800;
	s16 =	simm.s32 $0x0;
	[dreg:$0x4] =	wrdreg s15  }
0x10: {  	s0 =	sadd.s32 s4, s0;
	[dreg:$0x5] =	wrdreg s17;
	s18 =	sadd.s32 $0x280, s5  }
0x11: {  	s19 =	sadd.s32 $0x800, s7;
	s20 =	sadd.s32 $0x1000, s7;
	[dreg:$0xf] =	wrdreg s26  }
0x12: {  	s22 =	sadd.s32 $0x500, s5;
	s5 =	sadd.s32 $0x780, s5;
	[dreg:$0x6] =	wrdreg s19  }
0x13: {  	s30 =	sadd.s32 $0x1800, s7;
	s26 =	simm.s32 $0x6;
	[dreg:$0x7] =	wrdreg s20  }
0x14: {  	s15 =	simm.s32 $0x9;
	s21 =	sadd.s32 s8, s18;
	[dreg:$0x10] =	wrdreg s30  }
0x15: {  	s4 =	sadd.s32 s10, s18;
	s23 =	sadd.s32 s8, s22;
	[dreg:$0x8] =	wrdreg s21  }
0x16: {  	s24 =	sadd.s32 s8, s5;
	s25 =	sadd.s32 s10, s5;
	[dreg:$0x9] =	wrdreg s4  }
0x17: {  	s0 =	sadd.s32 $0x29E00, s0;
	s19 =	simm.s32 $0x1400;
	[dreg:$0xa] =	wrdreg s23  }
.Ltmp0:
0x18: {  	s20 =	simm.s32 $0xA800;
	[dreg:$0xc] =	wrdreg s24;
	(pc) =	sbr.rel .LBB2_1-.Ltmp0, $4  }
0x19: {  	s5 =	simm.s32 $0x8800;
	s8 =	simm.s32 $0x200;
	[dreg:$0xd] =	wrdreg s25  }
0x1a: {  	s4 =	sadd.s32 s10, s22;
	[dreg:$0xe] =	wrdreg s0;
	s21 =	simm.s32 $0x1  }
0x1b: {  	s22 =	simm.s32 $0x2;
	s23 =	simm.s32 $0x3;
	s24 =	simm.s32 $0x4  }
0x1c: {  	v0 =	vimm.f32 $0.0e+00;
	s25 =	simm.s32 $0x5;
	s10 =	simm.s32 $0x280;
	[dreg:$0xb] =	wrdreg s4  }
.LBB2_17:
0x1d: {  	_ =	swait.ge [sflag:s14], $0x2000  }
0x1e: {  	[sflag:s14] =	ssyncset.done $0x0  }
0x1f: {  	s0 =	stileid.u32;
	[sflag:s14] =	ssyncadd.s32 $0xFFFFE000  }
0x20: {  	s0 =	sshll.u32 s0, $0x6;
	[bflag:$0x0] =	sbarrier.arrive $0xFFFF  }
0x21: {  	s4 =	sshrl.u32 s7, $0x3;
	s0 =	sor.u32 $0x1C09, s0;
	s6 =	rddreg [dreg:$0xe]  }
0x22: {  	[hbm:s6], [sflag:s0] =	dma.local [spmem:s4], $0x2800  }
0x23: {  	_ =	swait.ge [sflag:s15], $0x2800  }
0x24: {  	s16 =	sadd.s32 $0x1, s16;
	s30 =	rddreg [dreg:$0xf]  }
0x25: {  	p0 =	sne.s32 s16, s30  }
.Ltmp1:
0x26: {  	_ = 	snop;
	(pc) =	sbr.rel @!p0 .LBB2_18-.Ltmp1, $3  }
0x27: {  	_ =	sdelay $0x1  }
0x28: {  	[sflag:s15] =	ssyncset.done $0x0  }
0x29: {  	[sflag:s15] =	ssyncadd.s32 $0xFFFFD800  }
.LBB2_1:
0x2a: {  	s17 =	simm.s32 $0x0;
	s18 =	simm.s32 $0x200  }
.LBB2_2:
0x2b: {  	p0 =	sne.s32 s18, $0x1E00;
	[tilespmem:s17+$0xA870] =	vst v0  }
0x2c: {  	[tilespmem:s17+$0xA800] =	vst v0  }
0x2d: {  	[tilespmem:s17+$0xA810] =	vst v0  }
.Ltmp2:
0x2e: {  	[tilespmem:s17+$0xA820] =	vst v0;
	(pc) =	sbr.rel @p0 .LBB2_2-.Ltmp2, $4  }
0x2f: {  	[tilespmem:s17+$0xA830] =	vst v0  }
0x30: {  	[tilespmem:s17+$0xA840] =	vst v0  }
0x31: {  	[tilespmem:s17+$0xA850] =	vst v0  }
0x32: {  	[tilespmem:s17+$0xA860] =	vst v0;
	s17 =	sshra.s32 s18, $0x2;
	s18 =	sadd.s32 $0x200, s18  }
0x33: {  	[tilespmem:s17+$0xA870] =	vst v0  }
0x34: {  	[tilespmem:s17+$0xA800] =	vst v0  }
0x35: {  	[tilespmem:s17+$0xA810] =	vst v0  }
0x36: {  	[tilespmem:s17+$0xA820] =	vst v0  }
0x37: {  	[tilespmem:s17+$0xA830] =	vst v0  }
0x38: {  	[tilespmem:s17+$0xA840] =	vst v0  }
0x39: {  	[tilespmem:s17+$0xA850] =	vst v0  }
0x3a: {  	[tilespmem:s17+$0xA860] =	vst v0;
	s0 =	simm.s32 $0x0;
	s4 =	rddreg [dreg:$0x4]  }
0x3b: {  	[tilespmem:s0], [sflag:$0x5] =	stream.linear.gather [hbm4b:s4+s0], $0x1400, $0x38;
	[tilespmem:$0x1F000] =	vst v63  }
0x3c: {  	s6 =	rddreg [dreg:$0x5]  }
0x3d: {  	[tilespmem:s19], [sflag:$0x6] =	stream.linear.gather [hbm4b:s6+s0], $0x1400, $0x38;
	[tilespmem:$0x1F000] =	vst v63  }
0x3e: {  	_ = 	snop  }
0x3f: {  	[spmem:s7] =	stream.linear.scatter [tilespmem:s20], [sflag:$0x1], $0x800, $0x38;
	[tilespmem:$0x1F000] =	vst v63  }
0x40: {  	s17 =	rddreg [dreg:$0x6]  }
0x41: {  	[spmem:s17] =	stream.linear.scatter [tilespmem:s20], [sflag:$0x2], $0x800, $0x38;
	[tilespmem:$0x1F000] =	vst v63  }
0x42: {  	s18 =	rddreg [dreg:$0x7]  }
0x43: {  	[spmem:s18] =	stream.linear.scatter [tilespmem:s20], [sflag:$0x3], $0x800, $0x38;
	[tilespmem:$0x1F000] =	vst v63  }
0x44: {  	s30 =	rddreg [dreg:$0x10]  }
0x45: {  	[spmem:s30] =	stream.linear.scatter [tilespmem:s20], [sflag:$0x4], $0x800, $0x38;
	[tilespmem:$0x1F000] =	vst v63  }
0x46: {  	_ =	swait.ge [sflag:s21], $0x800  }
0x47: {  	s18 =	sadd.s32 $0xFFFEE000, s7;
	[sflag:s21] =	ssyncset.done $0x0  }
0x48: {  	s4 =	sadd.s32 $0x14000, s18;
	[sflag:s21] =	ssyncadd.s32 $0xFFFFF800  }
0x49: {  	[spmem:s4] =	stream.linear.scatter [tilespmem:s20], [sflag:$0x1], $0x800, $0x38;
	[tilespmem:$0x1F000] =	vst v63  }
0x4a: {  	_ =	swait.ge [sflag:s22], $0x800  }
0x4b: {  	[sflag:s22] =	ssyncset.done $0x0  }
0x4c: {  	s6 =	sadd.s32 $0x14800, s18;
	[sflag:s22] =	ssyncadd.s32 $0xFFFFF800  }
0x4d: {  	[spmem:s6] =	stream.linear.scatter [tilespmem:s20], [sflag:$0x2], $0x800, $0x38;
	[tilespmem:$0x1F000] =	vst v63  }
0x4e: {  	_ =	swait.ge [sflag:s23], $0x800  }
0x4f: {  	[sflag:s23] =	ssyncset.done $0x0  }
0x50: {  	s30 =	sadd.s32 $0x15000, s18;
	[sflag:s23] =	ssyncadd.s32 $0xFFFFF800  }
0x51: {  	[spmem:s30] =	stream.linear.scatter [tilespmem:s20], [sflag:$0x3], $0x800, $0x38;
	[tilespmem:$0x1F000] =	vst v63  }
0x52: {  	_ =	swait.ge [sflag:s24], $0x800  }
0x53: {  	[sflag:s24] =	ssyncset.done $0x0  }
0x54: {  	s17 =	simm.s32 $0xFFFC0000;
	s18 =	sadd.s32 $0x15800, s18;
	[sflag:s24] =	ssyncadd.s32 $0xFFFFF800  }
.LBB2_4:
0x55: {  	[spmem:s18] =	stream.linear.scatter [tilespmem:s20], [sflag:$0x4], $0x800, $0x38;
	[tilespmem:$0x1F000] =	vst v63  }
0x56: {  	s18 =	sshra.s32 s17, $0x2;
	p0 =	sne.s32 s17, $0xFFFF8000;
	_ =	swait.ge [sflag:s21], $0x800  }
0x57: {  	s17 =	sadd.s32 $0x8000, s17;
	s18 =	sadd.s32 s18, s7;
	[sflag:s21] =	ssyncset.done $0x0  }
0x58: {  	s30 =	sadd.s32 $0x14000, s18;
	[sflag:s21] =	ssyncadd.s32 $0xFFFFF800  }
0x59: {  	[spmem:s30] =	stream.linear.scatter [tilespmem:s20], [sflag:$0x1], $0x800, $0x38;
	[tilespmem:$0x1F000] =	vst v63  }
0x5a: {  	_ =	swait.ge [sflag:s22], $0x800  }
0x5b: {  	[sflag:s22] =	ssyncset.done $0x0  }
0x5c: {  	s30 =	sadd.s32 $0x14800, s18;
	[sflag:s22] =	ssyncadd.s32 $0xFFFFF800  }
0x5d: {  	[spmem:s30] =	stream.linear.scatter [tilespmem:s20], [sflag:$0x2], $0x800, $0x38;
	[tilespmem:$0x1F000] =	vst v63  }
0x5e: {  	_ =	swait.ge [sflag:s23], $0x800  }
0x5f: {  	[sflag:s23] =	ssyncset.done $0x0  }
.Ltmp3:
0x60: {  	s30 =	sadd.s32 $0x15000, s18;
	[sflag:s23] =	ssyncadd.s32 $0xFFFFF800;
	(pc) =	sbr.rel @p0 .LBB2_4-.Ltmp3, $4  }
0x61: {  	[spmem:s30] =	stream.linear.scatter [tilespmem:s20], [sflag:$0x3], $0x800, $0x38;
	[tilespmem:$0x1F000] =	vst v63  }
0x62: {  	_ =	swait.ge [sflag:s24], $0x800  }
0x63: {  	[sflag:s24] =	ssyncset.done $0x0  }
0x64: {  	s18 =	sadd.s32 $0x15800, s18;
	[sflag:s24] =	ssyncadd.s32 $0xFFFFF800  }
0x65: {  	[spmem:s18] =	stream.linear.scatter [tilespmem:s20], [sflag:$0x4], $0x800, $0x38;
	[tilespmem:$0x1F000] =	vst v63  }
0x66: {  	_ =	swait.ge [sflag:s21], $0x800  }
0x67: {  	[sflag:s21] =	ssyncset.done $0x0  }
0x68: {  	[sflag:s21] =	ssyncadd.s32 $0xFFFFF800  }
0x69: {  	_ =	swait.ge [sflag:s22], $0x800  }
0x6a: {  	[sflag:s22] =	ssyncset.done $0x0  }
0x6b: {  	[sflag:s22] =	ssyncadd.s32 $0xFFFFF800  }
0x6c: {  	_ =	swait.ge [sflag:s23], $0x800  }
0x6d: {  	[sflag:s23] =	ssyncset.done $0x0  }
0x6e: {  	[sflag:s23] =	ssyncadd.s32 $0xFFFFF800  }
0x6f: {  	_ =	swait.ge [sflag:s24], $0x800  }
0x70: {  	[sflag:s24] =	ssyncset.done $0x0  }
0x71: {  	[sflag:s24] =	ssyncadd.s32 $0xFFFFF800  }
0x72: {  	_ =	swait.ge [sflag:s25], $0x1400  }
0x73: {  	[sflag:s25] =	ssyncset.done $0x0  }
0x74: {  	[sflag:s25] =	ssyncadd.s32 $0xFFFFEC00  }
0x75: {  	_ =	swait.ge [sflag:s26], $0x1400  }
0x76: {  	[sflag:s26] =	ssyncset.done $0x0  }
0x77: {  	[sflag:s26] =	ssyncadd.s32 $0xFFFFEC00  }
0x78: {  	s17 =	simm.s32 $0x0;
	[bflag:$0x0] =	sbarrier.arrive $0xFFFF  }
0x79: {  	[tilespmem:s29], [sflag:$0x1] =	stream.indirect.gather [hbm4b:s1+s28], $0x80, s17, s28, $0xb8;
	[tilespmem:$0x1F000] =	vst v63  }
0x7a: {  	s0 =	simm.s32 $0x80  }
0x7b: {  	[tilespmem:s31], [sflag:$0x2] =	stream.indirect.gather [hbm4b:s1+s28], $0x80, s0, s28, $0xb8;
	[tilespmem:$0x1F000] =	vst v63  }
0x7c: {  	s6 =	simm.s32 $0x100  }
0x7d: {  	[tilespmem:s2], [sflag:$0x3] =	stream.indirect.gather [hbm4b:s1+s28], $0x80, s6, s28, $0xb8;
	[tilespmem:$0x1F000] =	vst v63  }
0x7e: {  	_ =	swait.ge [sflag:s21], $0x2000  }
0x7f: {  	[sflag:s21] =	ssyncset.done $0x0  }
0x80: {  	[sflag:s21] =	ssyncadd.s32 $0xFFFFE000  }
0x81: {  	[spmem:s3] =	stream.indirect.scatter.add.f32 [tilespmem:s29], [sflag:$0x5], $0x80, s19, s28, $0xb8;
	[tilespmem:$0x1F000] =	vst v63  }
0x82: {  	s18 =	simm.s32 $0x180  }
0x83: {  	[tilespmem:s5], [sflag:$0x4] =	stream.indirect.gather [hbm4b:s1+s28], $0x80, s18, s28, $0xb8;
	[tilespmem:$0x1F000] =	vst v63  }
0x84: {  	_ =	swait.ge [sflag:s22], $0x2000  }
0x85: {  	[sflag:s22] =	ssyncset.done $0x0  }
0x86: {  	s30 =	simm.s32 $0x1480;
	[sflag:s22] =	ssyncadd.s32 $0xFFFFE000  }
0x87: {  	[spmem:s3] =	stream.indirect.scatter.add.f32 [tilespmem:s31], [sflag:$0x6], $0x80, s30, s28, $0xb8;
	[tilespmem:$0x1F000] =	vst v63  }
0x88: {  	_ =	swait.ge [sflag:s25], $0x2000  }
0x89: {  	[sflag:s25] =	ssyncset.done $0x0  }
0x8a: {  	[sflag:s25] =	ssyncadd.s32 $0xFFFFE000  }
0x8b: {  	[tilespmem:s29], [sflag:$0x1] =	stream.indirect.gather [hbm4b:s1+s28], $0x80, s8, s28, $0xb8;
	[tilespmem:$0x1F000] =	vst v63  }
0x8c: {  	_ =	swait.ge [sflag:s23], $0x2000  }
0x8d: {  	[sflag:s23] =	ssyncset.done $0x0  }
0x8e: {  	[sflag:s23] =	ssyncadd.s32 $0xFFFFE000  }
0x8f: {  	[spmem:s3] =	stream.indirect.scatter.add.f32 [tilespmem:s2], [sflag:$0x7], $0x80, s9, s28, $0xb8;
	[tilespmem:$0x1F000] =	vst v63  }
0x90: {  	_ =	swait.ge [sflag:s26], $0x2000  }
0x91: {  	[sflag:s26] =	ssyncset.done $0x0  }
0x92: {  	[sflag:s26] =	ssyncadd.s32 $0xFFFFE000  }
0x93: {  	[tilespmem:s31], [sflag:$0x2] =	stream.indirect.gather [hbm4b:s1+s28], $0x80, s10, s28, $0xb8;
	[tilespmem:$0x1F000] =	vst v63  }
0x94: {  	_ =	swait.ge [sflag:s24], $0x2000  }
0x95: {  	[sflag:s24] =	ssyncset.done $0x0  }
0x96: {  	[sflag:s24] =	ssyncadd.s32 $0xFFFFE000  }
0x97: {  	[spmem:s3] =	stream.indirect.scatter.add.f32 [tilespmem:s5], [sflag:$0x8], $0x80, s11, s28, $0xb8;
	[tilespmem:$0x1F000] =	vst v63  }
0x98: {  	_ =	swait.ge [sflag:s12], $0x2000  }
0x99: {  	[sflag:s12] =	ssyncset.done $0x0  }
0x9a: {  	[sflag:s12] =	ssyncadd.s32 $0xFFFFE000  }
0x9b: {  	[tilespmem:s2], [sflag:$0x3] =	stream.indirect.gather [hbm4b:s1+s28], $0x80, s13, s28, $0xb8;
	[tilespmem:$0x1F000] =	vst v63  }
.LBB2_6:
0x9c: {  	_ =	swait.ge [sflag:s21], $0x2000  }
0x9d: {  	s18 =	sshra.s32 s17, $0x2;
	[sflag:s21] =	ssyncset.done $0x0  }
0x9e: {  	s30 =	sadd.s32 $0x1600, s18;
	[sflag:s21] =	ssyncadd.s32 $0xFFFFE000  }
0x9f: {  	[spmem:s3] =	stream.indirect.scatter.add.f32 [tilespmem:s29], [sflag:$0x5], $0x80, s30, s28, $0xb8;
	[tilespmem:$0x1F000] =	vst v63  }
0xa0: {  	_ =	swait.ge [sflag:s14], $0x2000  }
0xa1: {  	[sflag:s14] =	ssyncset.done $0x0  }
0xa2: {  	s4 =	sadd.s32 $0x380, s18;
	[sflag:s14] =	ssyncadd.s32 $0xFFFFE000  }
0xa3: {  	[tilespmem:s5], [sflag:$0x4] =	stream.indirect.gather [hbm4b:s1+s28], $0x80, s4, s28, $0xb8;
	[tilespmem:$0x1F000] =	vst v63  }
0xa4: {  	_ =	swait.ge [sflag:s22], $0x2000  }
0xa5: {  	[sflag:s22] =	ssyncset.done $0x0  }
0xa6: {  	s6 =	sadd.s32 $0x1680, s18;
	[sflag:s22] =	ssyncadd.s32 $0xFFFFE000  }
0xa7: {  	[spmem:s3] =	stream.indirect.scatter.add.f32 [tilespmem:s31], [sflag:$0x6], $0x80, s6, s28, $0xb8;
	[tilespmem:$0x1F000] =	vst v63  }
0xa8: {  	_ =	swait.ge [sflag:s25], $0x2000  }
0xa9: {  	p0 =	seq.s32 s17, $0x4000;
	[sflag:s25] =	ssyncset.done $0x0  }
0xaa: {  	s30 =	simm.s32 @p0 $0x3;
	[sflag:s25] =	ssyncadd.s32 $0xFFFFE000  }
0xab: {  	_ =	swait.ge @p0 [sflag:s30], $0x2000  }
0xac: {  	[sflag:s30] =	ssyncset.done @p0 $0x0  }
0xad: {  	[sflag:s30] =	ssyncadd.s32 @p0 $0xFFFFE000;
	s30 =	sshra.s32 @p0 s17, $0x2  }
0xae: {  	s0 =	simm.s32 @p0 $0x40;
	s4 =	simm.s32 @p0 $0x6800;
	s30 =	sadd.s32 @p0 $0x1700, s30  }
0xaf: {  	[spmem:s3] =	stream.indirect.scatter.add.f32 @p0 [tilespmem:s4], [sflag:$0x7], $0x80, s30, s0, $0xb8;
	[tilespmem:$0x1F000] =	vst v63  }
0xb0: {  	s0 =	simm.s32 @p0 $0x6  }
0xb1: {  	_ =	swait.ge @p0 [sflag:s0], $0x2000  }
0xb2: {  	[sflag:s0] =	ssyncset.done @p0 $0x0  }
0xb3: {  	[sflag:s0] =	ssyncadd.s32 @p0 $0xFFFFE000;
	s0 =	sshra.s32 @!p0 s17, $0x2  }
0xb4: {  	s6 =	simm.s32 @!p0 $0x2800;
	s30 =	simm.s32 @!p0 $0x40;
	s4 =	sadd.s32 @!p0 $0x400, s0  }
0xb5: {  	[tilespmem:s6], [sflag:$0x1] =	stream.indirect.gather @!p0 [hbm4b:s1+s30], $0x80, s4, s30, $0xb8;
	[tilespmem:$0x1F000] =	vst v63  }
0xb6: {  	s4 =	simm.s32 @!p0 $0x3  }
0xb7: {  	_ =	swait.ge @!p0 [sflag:s4], $0x2000  }
0xb8: {  	[sflag:s4] =	ssyncset.done @!p0 $0x0  }
0xb9: {  	s6 =	simm.s32 @!p0 $0x6800;
	[sflag:s4] =	ssyncadd.s32 @!p0 $0xFFFFE000;
	s4 =	sadd.s32 @!p0 $0x1700, s0  }
0xba: {  	[spmem:s3] =	stream.indirect.scatter.add.f32 @!p0 [tilespmem:s6], [sflag:$0x7], $0x80, s4, s30, $0xb8;
	[tilespmem:$0x1F000] =	vst v63  }
0xbb: {  	s4 =	simm.s32 @!p0 $0x6  }
0xbc: {  	_ =	swait.ge @!p0 [sflag:s4], $0x2000  }
0xbd: {  	[sflag:s4] =	ssyncset.done @!p0 $0x0  }
0xbe: {  	s0 =	sadd.s32 @!p0 $0x480, s0;
	[sflag:s4] =	ssyncadd.s32 @!p0 $0xFFFFE000;
	s4 =	simm.s32 @!p0 $0x4800  }
0xbf: {  	[tilespmem:s4], [sflag:$0x2] =	stream.indirect.gather @!p0 [hbm4b:s1+s30], $0x80, s0, s30, $0xb8;
	[tilespmem:$0x1F000] =	vst v63  }
0xc0: {  	_ =	swait.ge [sflag:s24], $0x2000  }
0xc1: {  	[sflag:s24] =	ssyncset.done $0x0  }
.Ltmp4:
0xc2: {  	s30 =	sadd.s32 $0x1780, s18;
	[sflag:s24] =	ssyncadd.s32 $0xFFFFE000;
	(pc) =	sbr.rel @p0 .LBB2_8-.Ltmp4, $4  }
0xc3: {  	[spmem:s3] =	stream.indirect.scatter.add.f32 [tilespmem:s5], [sflag:$0x8], $0x80, s30, s28, $0xb8;
	[tilespmem:$0x1F000] =	vst v63  }
0xc4: {  	_ =	swait.ge [sflag:s12], $0x2000  }
0xc5: {  	[sflag:s12] =	ssyncset.done $0x0  }
0xc6: {  	[sflag:s12] =	ssyncadd.s32 $0xFFFFE000  }
.Ltmp5:
0xc7: {  	(pc) =	sbr.rel .LBB2_6-.Ltmp5, $3  }
0xc8: {  	_ =	sdelay $0x1  }
0xc9: {  	s0 =	sadd.s32 $0x500, s18;
	s17 =	sadd.s32 $0x800, s17  }
0xca: {  	[tilespmem:s2], [sflag:$0x3] =	stream.indirect.gather [hbm4b:s1+s28], $0x80, s0, s28, $0xb8;
	[tilespmem:$0x1F000] =	vst v63  }
.LBB2_8:
0xcb: {  	_ =	swait.ge [sflag:s14], $0x2000  }
0xcc: {  	[sflag:s14] =	ssyncset.done $0x0  }
0xcd: {  	s17 =	simm.s32 $0x0;
	s0 =	rddreg [dreg:$0x8];
	[sflag:s14] =	ssyncadd.s32 $0xFFFFE000  }
0xce: {  	[tilespmem:s17], [sflag:$0x9] =	stream.linear.gather [hbm4b:s0+s17], $0x1400, $0x38;
	[tilespmem:$0x1F000] =	vst v63  }
0xcf: {  	_ =	swait.ge [sflag:s15], $0x1400  }
0xd0: {  	[sflag:s15] =	ssyncset.done $0x0  }
0xd1: {  	s30 =	rddreg [dreg:$0x9];
	[sflag:s15] =	ssyncadd.s32 $0xFFFFEC00  }
0xd2: {  	[tilespmem:s19], [sflag:$0x9] =	stream.linear.gather [hbm4b:s30+s17], $0x1400, $0x38;
	[tilespmem:$0x1F000] =	vst v63  }
0xd3: {  	_ =	swait.ge [sflag:s15], $0x1400  }
0xd4: {  	[sflag:s15] =	ssyncset.done $0x0  }
0xd5: {  	[sflag:s15] =	ssyncadd.s32 $0xFFFFEC00  }
0xd6: {  	[tilespmem:s29], [sflag:$0x1] =	stream.indirect.gather [hbm4b:s1+s28], $0x80, s17, s28, $0xb8;
	[tilespmem:$0x1F000] =	vst v63  }
0xd7: {  	s4 =	simm.s32 $0x80  }
0xd8: {  	[tilespmem:s31], [sflag:$0x2] =	stream.indirect.gather [hbm4b:s1+s28], $0x80, s4, s28, $0xb8;
	[tilespmem:$0x1F000] =	vst v63  }
0xd9: {  	s6 =	simm.s32 $0x100  }
0xda: {  	[tilespmem:s2], [sflag:$0x3] =	stream.indirect.gather [hbm4b:s1+s28], $0x80, s6, s28, $0xb8;
	[tilespmem:$0x1F000] =	vst v63  }
0xdb: {  	_ =	swait.ge [sflag:s21], $0x2000  }
0xdc: {  	[sflag:s21] =	ssyncset.done $0x0  }
0xdd: {  	[sflag:s21] =	ssyncadd.s32 $0xFFFFE000  }
0xde: {  	[spmem:s3] =	stream.indirect.scatter.add.f32 [tilespmem:s29], [sflag:$0x5], $0x80, s19, s28, $0xb8;
	[tilespmem:$0x1F000] =	vst v63  }
0xdf: {  	s18 =	simm.s32 $0x180  }
0xe0: {  	[tilespmem:s5], [sflag:$0x4] =	stream.indirect.gather [hbm4b:s1+s28], $0x80, s18, s28, $0xb8;
	[tilespmem:$0x1F000] =	vst v63  }
0xe1: {  	_ =	swait.ge [sflag:s22], $0x2000  }
0xe2: {  	[sflag:s22] =	ssyncset.done $0x0  }
0xe3: {  	s30 =	simm.s32 $0x1480;
	[sflag:s22] =	ssyncadd.s32 $0xFFFFE000  }
0xe4: {  	[spmem:s3] =	stream.indirect.scatter.add.f32 [tilespmem:s31], [sflag:$0x6], $0x80, s30, s28, $0xb8;
	[tilespmem:$0x1F000] =	vst v63  }
0xe5: {  	_ =	swait.ge [sflag:s25], $0x2000  }
0xe6: {  	[sflag:s25] =	ssyncset.done $0x0  }
0xe7: {  	[sflag:s25] =	ssyncadd.s32 $0xFFFFE000  }
0xe8: {  	[tilespmem:s29], [sflag:$0x1] =	stream.indirect.gather [hbm4b:s1+s28], $0x80, s8, s28, $0xb8;
	[tilespmem:$0x1F000] =	vst v63  }
0xe9: {  	_ =	swait.ge [sflag:s23], $0x2000  }
0xea: {  	[sflag:s23] =	ssyncset.done $0x0  }
0xeb: {  	[sflag:s23] =	ssyncadd.s32 $0xFFFFE000  }
0xec: {  	[spmem:s3] =	stream.indirect.scatter.add.f32 [tilespmem:s2], [sflag:$0x7], $0x80, s9, s28, $0xb8;
	[tilespmem:$0x1F000] =	vst v63  }
0xed: {  	_ =	swait.ge [sflag:s26], $0x2000  }
0xee: {  	[sflag:s26] =	ssyncset.done $0x0  }
0xef: {  	[sflag:s26] =	ssyncadd.s32 $0xFFFFE000  }
0xf0: {  	[tilespmem:s31], [sflag:$0x2] =	stream.indirect.gather [hbm4b:s1+s28], $0x80, s10, s28, $0xb8;
	[tilespmem:$0x1F000] =	vst v63  }
0xf1: {  	_ =	swait.ge [sflag:s24], $0x2000  }
0xf2: {  	[sflag:s24] =	ssyncset.done $0x0  }
0xf3: {  	[sflag:s24] =	ssyncadd.s32 $0xFFFFE000  }
0xf4: {  	[spmem:s3] =	stream.indirect.scatter.add.f32 [tilespmem:s5], [sflag:$0x8], $0x80, s11, s28, $0xb8;
	[tilespmem:$0x1F000] =	vst v63  }
0xf5: {  	_ =	swait.ge [sflag:s12], $0x2000  }
0xf6: {  	[sflag:s12] =	ssyncset.done $0x0  }
0xf7: {  	[sflag:s12] =	ssyncadd.s32 $0xFFFFE000  }
0xf8: {  	[tilespmem:s2], [sflag:$0x3] =	stream.indirect.gather [hbm4b:s1+s28], $0x80, s13, s28, $0xb8;
	[tilespmem:$0x1F000] =	vst v63  }
.LBB2_9:
0xf9: {  	_ =	swait.ge [sflag:s21], $0x2000  }
0xfa: {  	s18 =	sshra.s32 s17, $0x2;
	[sflag:s21] =	ssyncset.done $0x0  }
0xfb: {  	s0 =	sadd.s32 $0x1600, s18;
	[sflag:s21] =	ssyncadd.s32 $0xFFFFE000  }
0xfc: {  	[spmem:s3] =	stream.indirect.scatter.add.f32 [tilespmem:s29], [sflag:$0x5], $0x80, s0, s28, $0xb8;
	[tilespmem:$0x1F000] =	vst v63  }
0xfd: {  	_ =	swait.ge [sflag:s14], $0x2000  }
0xfe: {  	[sflag:s14] =	ssyncset.done $0x0  }
0xff: {  	s4 =	sadd.s32 $0x380, s18;
	[sflag:s14] =	ssyncadd.s32 $0xFFFFE000  }
0x100: {  	[tilespmem:s5], [sflag:$0x4] =	stream.indirect.gather [hbm4b:s1+s28], $0x80, s4, s28, $0xb8;
	[tilespmem:$0x1F000] =	vst v63  }
0x101: {  	_ =	swait.ge [sflag:s22], $0x2000  }
0x102: {  	[sflag:s22] =	ssyncset.done $0x0  }
0x103: {  	s6 =	sadd.s32 $0x1680, s18;
	[sflag:s22] =	ssyncadd.s32 $0xFFFFE000  }
0x104: {  	[spmem:s3] =	stream.indirect.scatter.add.f32 [tilespmem:s31], [sflag:$0x6], $0x80, s6, s28, $0xb8;
	[tilespmem:$0x1F000] =	vst v63  }
0x105: {  	_ =	swait.ge [sflag:s25], $0x2000  }
0x106: {  	p0 =	seq.s32 s17, $0x4000;
	[sflag:s25] =	ssyncset.done $0x0  }
0x107: {  	s0 =	simm.s32 @p0 $0x3;
	[sflag:s25] =	ssyncadd.s32 $0xFFFFE000  }
0x108: {  	_ =	swait.ge @p0 [sflag:s0], $0x2000  }
0x109: {  	[sflag:s0] =	ssyncset.done @p0 $0x0  }
0x10a: {  	[sflag:s0] =	ssyncadd.s32 @p0 $0xFFFFE000;
	s0 =	sshra.s32 @p0 s17, $0x2  }
0x10b: {  	s4 =	simm.s32 @p0 $0x40;
	s6 =	simm.s32 @p0 $0x6800;
	s0 =	sadd.s32 @p0 $0x1700, s0  }
0x10c: {  	[spmem:s3] =	stream.indirect.scatter.add.f32 @p0 [tilespmem:s6], [sflag:$0x7], $0x80, s0, s4, $0xb8;
	[tilespmem:$0x1F000] =	vst v63  }
0x10d: {  	s0 =	simm.s32 @p0 $0x6  }
0x10e: {  	_ =	swait.ge @p0 [sflag:s0], $0x2000  }
0x10f: {  	[sflag:s0] =	ssyncset.done @p0 $0x0  }
0x110: {  	[sflag:s0] =	ssyncadd.s32 @p0 $0xFFFFE000;
	s0 =	sshra.s32 @!p0 s17, $0x2  }
0x111: {  	s30 =	simm.s32 @!p0 $0x2800;
	s6 =	simm.s32 @!p0 $0x40;
	s4 =	sadd.s32 @!p0 $0x400, s0  }
0x112: {  	[tilespmem:s30], [sflag:$0x1] =	stream.indirect.gather @!p0 [hbm4b:s1+s6], $0x80, s4, s6, $0xb8;
	[tilespmem:$0x1F000] =	vst v63  }
0x113: {  	s4 =	simm.s32 @!p0 $0x3  }
0x114: {  	_ =	swait.ge @!p0 [sflag:s4], $0x2000  }
0x115: {  	[sflag:s4] =	ssyncset.done @!p0 $0x0  }
0x116: {  	s30 =	simm.s32 @!p0 $0x6800;
	[sflag:s4] =	ssyncadd.s32 @!p0 $0xFFFFE000;
	s4 =	sadd.s32 @!p0 $0x1700, s0  }
0x117: {  	[spmem:s3] =	stream.indirect.scatter.add.f32 @!p0 [tilespmem:s30], [sflag:$0x7], $0x80, s4, s6, $0xb8;
	[tilespmem:$0x1F000] =	vst v63  }
0x118: {  	s4 =	simm.s32 @!p0 $0x6  }
0x119: {  	_ =	swait.ge @!p0 [sflag:s4], $0x2000  }
0x11a: {  	[sflag:s4] =	ssyncset.done @!p0 $0x0  }
0x11b: {  	s0 =	sadd.s32 @!p0 $0x480, s0;
	[sflag:s4] =	ssyncadd.s32 @!p0 $0xFFFFE000;
	s4 =	simm.s32 @!p0 $0x4800  }
0x11c: {  	[tilespmem:s4], [sflag:$0x2] =	stream.indirect.gather @!p0 [hbm4b:s1+s6], $0x80, s0, s6, $0xb8;
	[tilespmem:$0x1F000] =	vst v63  }
0x11d: {  	_ =	swait.ge [sflag:s24], $0x2000  }
0x11e: {  	[sflag:s24] =	ssyncset.done $0x0  }
.Ltmp6:
0x11f: {  	s30 =	sadd.s32 $0x1780, s18;
	[sflag:s24] =	ssyncadd.s32 $0xFFFFE000;
	(pc) =	sbr.rel @p0 .LBB2_11-.Ltmp6, $4  }
0x120: {  	[spmem:s3] =	stream.indirect.scatter.add.f32 [tilespmem:s5], [sflag:$0x8], $0x80, s30, s28, $0xb8;
	[tilespmem:$0x1F000] =	vst v63  }
0x121: {  	_ =	swait.ge [sflag:s12], $0x2000  }
0x122: {  	[sflag:s12] =	ssyncset.done $0x0  }
0x123: {  	[sflag:s12] =	ssyncadd.s32 $0xFFFFE000  }
.Ltmp7:
0x124: {  	(pc) =	sbr.rel .LBB2_9-.Ltmp7, $3  }
0x125: {  	_ =	sdelay $0x1  }
0x126: {  	s0 =	sadd.s32 $0x500, s18;
	s17 =	sadd.s32 $0x800, s17  }
0x127: {  	[tilespmem:s2], [sflag:$0x3] =	stream.indirect.gather [hbm4b:s1+s28], $0x80, s0, s28, $0xb8;
	[tilespmem:$0x1F000] =	vst v63  }
.LBB2_11:
0x128: {  	_ =	swait.ge [sflag:s14], $0x2000  }
0x129: {  	[sflag:s14] =	ssyncset.done $0x0  }
0x12a: {  	s17 =	simm.s32 $0x0;
	s0 =	rddreg [dreg:$0xa];
	[sflag:s14] =	ssyncadd.s32 $0xFFFFE000  }
0x12b: {  	[tilespmem:s17], [sflag:$0x9] =	stream.linear.gather [hbm4b:s0+s17], $0x1400, $0x38;
	[tilespmem:$0x1F000] =	vst v63  }
0x12c: {  	_ =	swait.ge [sflag:s15], $0x1400  }
0x12d: {  	[sflag:s15] =	ssyncset.done $0x0  }
0x12e: {  	s30 =	rddreg [dreg:$0xb];
	[sflag:s15] =	ssyncadd.s32 $0xFFFFEC00  }
0x12f: {  	[tilespmem:s19], [sflag:$0x9] =	stream.linear.gather [hbm4b:s30+s17], $0x1400, $0x38;
	[tilespmem:$0x1F000] =	vst v63  }
0x130: {  	_ =	swait.ge [sflag:s15], $0x1400  }
0x131: {  	[sflag:s15] =	ssyncset.done $0x0  }
0x132: {  	[sflag:s15] =	ssyncadd.s32 $0xFFFFEC00  }
0x133: {  	[tilespmem:s29], [sflag:$0x1] =	stream.indirect.gather [hbm4b:s1+s28], $0x80, s17, s28, $0xb8;
	[tilespmem:$0x1F000] =	vst v63  }
0x134: {  	s4 =	simm.s32 $0x80  }
0x135: {  	[tilespmem:s31], [sflag:$0x2] =	stream.indirect.gather [hbm4b:s1+s28], $0x80, s4, s28, $0xb8;
	[tilespmem:$0x1F000] =	vst v63  }
0x136: {  	s6 =	simm.s32 $0x100  }
0x137: {  	[tilespmem:s2], [sflag:$0x3] =	stream.indirect.gather [hbm4b:s1+s28], $0x80, s6, s28, $0xb8;
	[tilespmem:$0x1F000] =	vst v63  }
0x138: {  	_ =	swait.ge [sflag:s21], $0x2000  }
0x139: {  	[sflag:s21] =	ssyncset.done $0x0  }
0x13a: {  	[sflag:s21] =	ssyncadd.s32 $0xFFFFE000  }
0x13b: {  	[spmem:s3] =	stream.indirect.scatter.add.f32 [tilespmem:s29], [sflag:$0x5], $0x80, s19, s28, $0xb8;
	[tilespmem:$0x1F000] =	vst v63  }
0x13c: {  	s18 =	simm.s32 $0x180  }
0x13d: {  	[tilespmem:s5], [sflag:$0x4] =	stream.indirect.gather [hbm4b:s1+s28], $0x80, s18, s28, $0xb8;
	[tilespmem:$0x1F000] =	vst v63  }
0x13e: {  	_ =	swait.ge [sflag:s22], $0x2000  }
0x13f: {  	[sflag:s22] =	ssyncset.done $0x0  }
0x140: {  	s30 =	simm.s32 $0x1480;
	[sflag:s22] =	ssyncadd.s32 $0xFFFFE000  }
0x141: {  	[spmem:s3] =	stream.indirect.scatter.add.f32 [tilespmem:s31], [sflag:$0x6], $0x80, s30, s28, $0xb8;
	[tilespmem:$0x1F000] =	vst v63  }
0x142: {  	_ =	swait.ge [sflag:s25], $0x2000  }
0x143: {  	[sflag:s25] =	ssyncset.done $0x0  }
0x144: {  	[sflag:s25] =	ssyncadd.s32 $0xFFFFE000  }
0x145: {  	[tilespmem:s29], [sflag:$0x1] =	stream.indirect.gather [hbm4b:s1+s28], $0x80, s8, s28, $0xb8;
	[tilespmem:$0x1F000] =	vst v63  }
0x146: {  	_ =	swait.ge [sflag:s23], $0x2000  }
0x147: {  	[sflag:s23] =	ssyncset.done $0x0  }
0x148: {  	[sflag:s23] =	ssyncadd.s32 $0xFFFFE000  }
0x149: {  	[spmem:s3] =	stream.indirect.scatter.add.f32 [tilespmem:s2], [sflag:$0x7], $0x80, s9, s28, $0xb8;
	[tilespmem:$0x1F000] =	vst v63  }
0x14a: {  	_ =	swait.ge [sflag:s26], $0x2000  }
0x14b: {  	[sflag:s26] =	ssyncset.done $0x0  }
0x14c: {  	[sflag:s26] =	ssyncadd.s32 $0xFFFFE000  }
0x14d: {  	[tilespmem:s31], [sflag:$0x2] =	stream.indirect.gather [hbm4b:s1+s28], $0x80, s10, s28, $0xb8;
	[tilespmem:$0x1F000] =	vst v63  }
0x14e: {  	_ =	swait.ge [sflag:s24], $0x2000  }
0x14f: {  	[sflag:s24] =	ssyncset.done $0x0  }
0x150: {  	[sflag:s24] =	ssyncadd.s32 $0xFFFFE000  }
0x151: {  	[spmem:s3] =	stream.indirect.scatter.add.f32 [tilespmem:s5], [sflag:$0x8], $0x80, s11, s28, $0xb8;
	[tilespmem:$0x1F000] =	vst v63  }
0x152: {  	_ =	swait.ge [sflag:s12], $0x2000  }
0x153: {  	[sflag:s12] =	ssyncset.done $0x0  }
0x154: {  	[sflag:s12] =	ssyncadd.s32 $0xFFFFE000  }
0x155: {  	[tilespmem:s2], [sflag:$0x3] =	stream.indirect.gather [hbm4b:s1+s28], $0x80, s13, s28, $0xb8;
	[tilespmem:$0x1F000] =	vst v63  }
.LBB2_12:
0x156: {  	_ =	swait.ge [sflag:s21], $0x2000  }
0x157: {  	s18 =	sshra.s32 s17, $0x2;
	[sflag:s21] =	ssyncset.done $0x0  }
0x158: {  	s0 =	sadd.s32 $0x1600, s18;
	[sflag:s21] =	ssyncadd.s32 $0xFFFFE000  }
0x159: {  	[spmem:s3] =	stream.indirect.scatter.add.f32 [tilespmem:s29], [sflag:$0x5], $0x80, s0, s28, $0xb8;
	[tilespmem:$0x1F000] =	vst v63  }
0x15a: {  	_ =	swait.ge [sflag:s14], $0x2000  }
0x15b: {  	[sflag:s14] =	ssyncset.done $0x0  }
0x15c: {  	s4 =	sadd.s32 $0x380, s18;
	[sflag:s14] =	ssyncadd.s32 $0xFFFFE000  }
0x15d: {  	[tilespmem:s5], [sflag:$0x4] =	stream.indirect.gather [hbm4b:s1+s28], $0x80, s4, s28, $0xb8;
	[tilespmem:$0x1F000] =	vst v63  }
0x15e: {  	_ =	swait.ge [sflag:s22], $0x2000  }
0x15f: {  	[sflag:s22] =	ssyncset.done $0x0  }
0x160: {  	s6 =	sadd.s32 $0x1680, s18;
	[sflag:s22] =	ssyncadd.s32 $0xFFFFE000  }
0x161: {  	[spmem:s3] =	stream.indirect.scatter.add.f32 [tilespmem:s31], [sflag:$0x6], $0x80, s6, s28, $0xb8;
	[tilespmem:$0x1F000] =	vst v63  }
0x162: {  	_ =	swait.ge [sflag:s25], $0x2000  }
0x163: {  	p0 =	seq.s32 s17, $0x4000;
	[sflag:s25] =	ssyncset.done $0x0  }
0x164: {  	s0 =	simm.s32 @p0 $0x3;
	[sflag:s25] =	ssyncadd.s32 $0xFFFFE000  }
0x165: {  	_ =	swait.ge @p0 [sflag:s0], $0x2000  }
0x166: {  	[sflag:s0] =	ssyncset.done @p0 $0x0  }
0x167: {  	[sflag:s0] =	ssyncadd.s32 @p0 $0xFFFFE000;
	s0 =	sshra.s32 @p0 s17, $0x2  }
0x168: {  	s4 =	simm.s32 @p0 $0x40;
	s6 =	simm.s32 @p0 $0x6800;
	s0 =	sadd.s32 @p0 $0x1700, s0  }
0x169: {  	[spmem:s3] =	stream.indirect.scatter.add.f32 @p0 [tilespmem:s6], [sflag:$0x7], $0x80, s0, s4, $0xb8;
	[tilespmem:$0x1F000] =	vst v63  }
0x16a: {  	s0 =	simm.s32 @p0 $0x6  }
0x16b: {  	_ =	swait.ge @p0 [sflag:s0], $0x2000  }
0x16c: {  	[sflag:s0] =	ssyncset.done @p0 $0x0  }
0x16d: {  	[sflag:s0] =	ssyncadd.s32 @p0 $0xFFFFE000;
	s0 =	sshra.s32 @!p0 s17, $0x2  }
0x16e: {  	s30 =	simm.s32 @!p0 $0x2800;
	s6 =	simm.s32 @!p0 $0x40;
	s4 =	sadd.s32 @!p0 $0x400, s0  }
0x16f: {  	[tilespmem:s30], [sflag:$0x1] =	stream.indirect.gather @!p0 [hbm4b:s1+s6], $0x80, s4, s6, $0xb8;
	[tilespmem:$0x1F000] =	vst v63  }
0x170: {  	s4 =	simm.s32 @!p0 $0x3  }
0x171: {  	_ =	swait.ge @!p0 [sflag:s4], $0x2000  }
0x172: {  	[sflag:s4] =	ssyncset.done @!p0 $0x0  }
0x173: {  	s30 =	simm.s32 @!p0 $0x6800;
	[sflag:s4] =	ssyncadd.s32 @!p0 $0xFFFFE000;
	s4 =	sadd.s32 @!p0 $0x1700, s0  }
0x174: {  	[spmem:s3] =	stream.indirect.scatter.add.f32 @!p0 [tilespmem:s30], [sflag:$0x7], $0x80, s4, s6, $0xb8;
	[tilespmem:$0x1F000] =	vst v63  }
0x175: {  	s4 =	simm.s32 @!p0 $0x6  }
0x176: {  	_ =	swait.ge @!p0 [sflag:s4], $0x2000  }
0x177: {  	[sflag:s4] =	ssyncset.done @!p0 $0x0  }
0x178: {  	s0 =	sadd.s32 @!p0 $0x480, s0;
	[sflag:s4] =	ssyncadd.s32 @!p0 $0xFFFFE000;
	s4 =	simm.s32 @!p0 $0x4800  }
0x179: {  	[tilespmem:s4], [sflag:$0x2] =	stream.indirect.gather @!p0 [hbm4b:s1+s6], $0x80, s0, s6, $0xb8;
	[tilespmem:$0x1F000] =	vst v63  }
0x17a: {  	_ =	swait.ge [sflag:s24], $0x2000  }
0x17b: {  	[sflag:s24] =	ssyncset.done $0x0  }
.Ltmp8:
0x17c: {  	s30 =	sadd.s32 $0x1780, s18;
	[sflag:s24] =	ssyncadd.s32 $0xFFFFE000;
	(pc) =	sbr.rel @p0 .LBB2_14-.Ltmp8, $4  }
0x17d: {  	[spmem:s3] =	stream.indirect.scatter.add.f32 [tilespmem:s5], [sflag:$0x8], $0x80, s30, s28, $0xb8;
	[tilespmem:$0x1F000] =	vst v63  }
0x17e: {  	_ =	swait.ge [sflag:s12], $0x2000  }
0x17f: {  	[sflag:s12] =	ssyncset.done $0x0  }
0x180: {  	[sflag:s12] =	ssyncadd.s32 $0xFFFFE000  }
.Ltmp9:
0x181: {  	(pc) =	sbr.rel .LBB2_12-.Ltmp9, $3  }
0x182: {  	_ =	sdelay $0x1  }
0x183: {  	s0 =	sadd.s32 $0x500, s18;
	s17 =	sadd.s32 $0x800, s17  }
0x184: {  	[tilespmem:s2], [sflag:$0x3] =	stream.indirect.gather [hbm4b:s1+s28], $0x80, s0, s28, $0xb8;
	[tilespmem:$0x1F000] =	vst v63  }
.LBB2_14:
0x185: {  	_ =	swait.ge [sflag:s14], $0x2000  }
0x186: {  	[sflag:s14] =	ssyncset.done $0x0  }
0x187: {  	s17 =	simm.s32 $0x0;
	s0 =	rddreg [dreg:$0xc];
	[sflag:s14] =	ssyncadd.s32 $0xFFFFE000  }
0x188: {  	[tilespmem:s17], [sflag:$0x9] =	stream.linear.gather [hbm4b:s0+s17], $0x1400, $0x38;
	[tilespmem:$0x1F000] =	vst v63  }
0x189: {  	_ =	swait.ge [sflag:s15], $0x1400  }
0x18a: {  	[sflag:s15] =	ssyncset.done $0x0  }
0x18b: {  	s30 =	rddreg [dreg:$0xd];
	[sflag:s15] =	ssyncadd.s32 $0xFFFFEC00  }
0x18c: {  	[tilespmem:s19], [sflag:$0x9] =	stream.linear.gather [hbm4b:s30+s17], $0x1400, $0x38;
	[tilespmem:$0x1F000] =	vst v63  }
0x18d: {  	_ =	swait.ge [sflag:s15], $0x1400  }
0x18e: {  	[sflag:s15] =	ssyncset.done $0x0  }
0x18f: {  	[sflag:s15] =	ssyncadd.s32 $0xFFFFEC00  }
0x190: {  	[tilespmem:s29], [sflag:$0x1] =	stream.indirect.gather [hbm4b:s1+s28], $0x80, s17, s28, $0xb8;
	[tilespmem:$0x1F000] =	vst v63  }
0x191: {  	s4 =	simm.s32 $0x80  }
0x192: {  	[tilespmem:s31], [sflag:$0x2] =	stream.indirect.gather [hbm4b:s1+s28], $0x80, s4, s28, $0xb8;
	[tilespmem:$0x1F000] =	vst v63  }
0x193: {  	s6 =	simm.s32 $0x100  }
0x194: {  	[tilespmem:s2], [sflag:$0x3] =	stream.indirect.gather [hbm4b:s1+s28], $0x80, s6, s28, $0xb8;
	[tilespmem:$0x1F000] =	vst v63  }
0x195: {  	_ =	swait.ge [sflag:s21], $0x2000  }
0x196: {  	[sflag:s21] =	ssyncset.done $0x0  }
0x197: {  	[sflag:s21] =	ssyncadd.s32 $0xFFFFE000  }
0x198: {  	[spmem:s3] =	stream.indirect.scatter.add.f32 [tilespmem:s29], [sflag:$0x5], $0x80, s19, s28, $0xb8;
	[tilespmem:$0x1F000] =	vst v63  }
0x199: {  	s18 =	simm.s32 $0x180  }
0x19a: {  	[tilespmem:s5], [sflag:$0x4] =	stream.indirect.gather [hbm4b:s1+s28], $0x80, s18, s28, $0xb8;
	[tilespmem:$0x1F000] =	vst v63  }
0x19b: {  	_ =	swait.ge [sflag:s22], $0x2000  }
0x19c: {  	[sflag:s22] =	ssyncset.done $0x0  }
0x19d: {  	s30 =	simm.s32 $0x1480;
	[sflag:s22] =	ssyncadd.s32 $0xFFFFE000  }
0x19e: {  	[spmem:s3] =	stream.indirect.scatter.add.f32 [tilespmem:s31], [sflag:$0x6], $0x80, s30, s28, $0xb8;
	[tilespmem:$0x1F000] =	vst v63  }
0x19f: {  	_ =	swait.ge [sflag:s25], $0x2000  }
0x1a0: {  	[sflag:s25] =	ssyncset.done $0x0  }
0x1a1: {  	[sflag:s25] =	ssyncadd.s32 $0xFFFFE000  }
0x1a2: {  	[tilespmem:s29], [sflag:$0x1] =	stream.indirect.gather [hbm4b:s1+s28], $0x80, s8, s28, $0xb8;
	[tilespmem:$0x1F000] =	vst v63  }
0x1a3: {  	_ =	swait.ge [sflag:s23], $0x2000  }
0x1a4: {  	[sflag:s23] =	ssyncset.done $0x0  }
0x1a5: {  	[sflag:s23] =	ssyncadd.s32 $0xFFFFE000  }
0x1a6: {  	[spmem:s3] =	stream.indirect.scatter.add.f32 [tilespmem:s2], [sflag:$0x7], $0x80, s9, s28, $0xb8;
	[tilespmem:$0x1F000] =	vst v63  }
0x1a7: {  	_ =	swait.ge [sflag:s26], $0x2000  }
0x1a8: {  	[sflag:s26] =	ssyncset.done $0x0  }
0x1a9: {  	[sflag:s26] =	ssyncadd.s32 $0xFFFFE000  }
0x1aa: {  	[tilespmem:s31], [sflag:$0x2] =	stream.indirect.gather [hbm4b:s1+s28], $0x80, s10, s28, $0xb8;
	[tilespmem:$0x1F000] =	vst v63  }
0x1ab: {  	_ =	swait.ge [sflag:s24], $0x2000  }
0x1ac: {  	[sflag:s24] =	ssyncset.done $0x0  }
0x1ad: {  	[sflag:s24] =	ssyncadd.s32 $0xFFFFE000  }
0x1ae: {  	[spmem:s3] =	stream.indirect.scatter.add.f32 [tilespmem:s5], [sflag:$0x8], $0x80, s11, s28, $0xb8;
	[tilespmem:$0x1F000] =	vst v63  }
0x1af: {  	_ =	swait.ge [sflag:s12], $0x2000  }
0x1b0: {  	[sflag:s12] =	ssyncset.done $0x0  }
0x1b1: {  	[sflag:s12] =	ssyncadd.s32 $0xFFFFE000  }
0x1b2: {  	[tilespmem:s2], [sflag:$0x3] =	stream.indirect.gather [hbm4b:s1+s28], $0x80, s13, s28, $0xb8;
	[tilespmem:$0x1F000] =	vst v63  }
.LBB2_15:
0x1b3: {  	_ =	swait.ge [sflag:s21], $0x2000  }
0x1b4: {  	s18 =	sshra.s32 s17, $0x2;
	[sflag:s21] =	ssyncset.done $0x0  }
0x1b5: {  	s0 =	sadd.s32 $0x1600, s18;
	[sflag:s21] =	ssyncadd.s32 $0xFFFFE000  }
0x1b6: {  	[spmem:s3] =	stream.indirect.scatter.add.f32 [tilespmem:s29], [sflag:$0x5], $0x80, s0, s28, $0xb8;
	[tilespmem:$0x1F000] =	vst v63  }
0x1b7: {  	_ =	swait.ge [sflag:s14], $0x2000  }
0x1b8: {  	[sflag:s14] =	ssyncset.done $0x0  }
0x1b9: {  	s4 =	sadd.s32 $0x380, s18;
	[sflag:s14] =	ssyncadd.s32 $0xFFFFE000  }
0x1ba: {  	[tilespmem:s5], [sflag:$0x4] =	stream.indirect.gather [hbm4b:s1+s28], $0x80, s4, s28, $0xb8;
	[tilespmem:$0x1F000] =	vst v63  }
0x1bb: {  	_ =	swait.ge [sflag:s22], $0x2000  }
0x1bc: {  	[sflag:s22] =	ssyncset.done $0x0  }
0x1bd: {  	s6 =	sadd.s32 $0x1680, s18;
	[sflag:s22] =	ssyncadd.s32 $0xFFFFE000  }
0x1be: {  	[spmem:s3] =	stream.indirect.scatter.add.f32 [tilespmem:s31], [sflag:$0x6], $0x80, s6, s28, $0xb8;
	[tilespmem:$0x1F000] =	vst v63  }
0x1bf: {  	_ =	swait.ge [sflag:s25], $0x2000  }
0x1c0: {  	p0 =	seq.s32 s17, $0x4000;
	[sflag:s25] =	ssyncset.done $0x0  }
0x1c1: {  	s0 =	simm.s32 @p0 $0x3;
	[sflag:s25] =	ssyncadd.s32 $0xFFFFE000  }
0x1c2: {  	_ =	swait.ge @p0 [sflag:s0], $0x2000  }
0x1c3: {  	[sflag:s0] =	ssyncset.done @p0 $0x0  }
0x1c4: {  	[sflag:s0] =	ssyncadd.s32 @p0 $0xFFFFE000;
	s0 =	sshra.s32 @p0 s17, $0x2  }
0x1c5: {  	s4 =	simm.s32 @p0 $0x40;
	s6 =	simm.s32 @p0 $0x6800;
	s0 =	sadd.s32 @p0 $0x1700, s0  }
0x1c6: {  	[spmem:s3] =	stream.indirect.scatter.add.f32 @p0 [tilespmem:s6], [sflag:$0x7], $0x80, s0, s4, $0xb8;
	[tilespmem:$0x1F000] =	vst v63  }
0x1c7: {  	s0 =	simm.s32 @p0 $0x6  }
0x1c8: {  	_ =	swait.ge @p0 [sflag:s0], $0x2000  }
0x1c9: {  	[sflag:s0] =	ssyncset.done @p0 $0x0  }
0x1ca: {  	[sflag:s0] =	ssyncadd.s32 @p0 $0xFFFFE000;
	s0 =	sshra.s32 @!p0 s17, $0x2  }
0x1cb: {  	s30 =	simm.s32 @!p0 $0x2800;
	s6 =	simm.s32 @!p0 $0x40;
	s4 =	sadd.s32 @!p0 $0x400, s0  }
0x1cc: {  	[tilespmem:s30], [sflag:$0x1] =	stream.indirect.gather @!p0 [hbm4b:s1+s6], $0x80, s4, s6, $0xb8;
	[tilespmem:$0x1F000] =	vst v63  }
0x1cd: {  	s4 =	simm.s32 @!p0 $0x3  }
0x1ce: {  	_ =	swait.ge @!p0 [sflag:s4], $0x2000  }
0x1cf: {  	[sflag:s4] =	ssyncset.done @!p0 $0x0  }
0x1d0: {  	s30 =	simm.s32 @!p0 $0x6800;
	[sflag:s4] =	ssyncadd.s32 @!p0 $0xFFFFE000;
	s4 =	sadd.s32 @!p0 $0x1700, s0  }
0x1d1: {  	[spmem:s3] =	stream.indirect.scatter.add.f32 @!p0 [tilespmem:s30], [sflag:$0x7], $0x80, s4, s6, $0xb8;
	[tilespmem:$0x1F000] =	vst v63  }
0x1d2: {  	s4 =	simm.s32 @!p0 $0x6  }
0x1d3: {  	_ =	swait.ge @!p0 [sflag:s4], $0x2000  }
0x1d4: {  	[sflag:s4] =	ssyncset.done @!p0 $0x0  }
0x1d5: {  	s0 =	sadd.s32 @!p0 $0x480, s0;
	[sflag:s4] =	ssyncadd.s32 @!p0 $0xFFFFE000;
	s4 =	simm.s32 @!p0 $0x4800  }
0x1d6: {  	[tilespmem:s4], [sflag:$0x2] =	stream.indirect.gather @!p0 [hbm4b:s1+s6], $0x80, s0, s6, $0xb8;
	[tilespmem:$0x1F000] =	vst v63  }
0x1d7: {  	_ =	swait.ge [sflag:s24], $0x2000  }
0x1d8: {  	[sflag:s24] =	ssyncset.done $0x0  }
.Ltmp10:
0x1d9: {  	s30 =	sadd.s32 $0x1780, s18;
	[sflag:s24] =	ssyncadd.s32 $0xFFFFE000;
	(pc) =	sbr.rel @p0 .LBB2_17-.Ltmp10, $4  }
0x1da: {  	[spmem:s3] =	stream.indirect.scatter.add.f32 [tilespmem:s5], [sflag:$0x8], $0x80, s30, s28, $0xb8;
	[tilespmem:$0x1F000] =	vst v63  }
0x1db: {  	_ =	swait.ge [sflag:s12], $0x2000  }
0x1dc: {  	[sflag:s12] =	ssyncset.done $0x0  }
0x1dd: {  	[sflag:s12] =	ssyncadd.s32 $0xFFFFE000  }
.Ltmp11:
0x1de: {  	(pc) =	sbr.rel .LBB2_15-.Ltmp11, $3  }
0x1df: {  	_ =	sdelay $0x1  }
0x1e0: {  	s0 =	sadd.s32 $0x500, s18;
	s17 =	sadd.s32 $0x800, s17  }
0x1e1: {  	[tilespmem:s2], [sflag:$0x3] =	stream.indirect.gather [hbm4b:s1+s28], $0x80, s0, s28, $0xb8;
	[tilespmem:$0x1F000] =	vst v63  }
.LBB2_18:
0x1e2: {  	_ =	sfence.sel $0x180000  }
0x1e3: {  	[bflag:$0x0] =	sbarrier.arrive $0xFFFF  }
0x1e4: {  	_ =	strace $0x9000004A  }
0x1e5: {  	s0 =	stileid.u32;
	[bflag:$0x2] =	sbarrier.arrive $0xFFFF  }
0x1e6: {  	p0 =	sne.s32 s0, $0x0;
	s0 =	rddreg [dreg:$0x3]  }
0x1e7: {  	s0 =	sadd.s32 @!p0 $0x100000, s0  }
0x1e8: {  	[sflag:s0] =	ssyncadd.tile.s32 @!p0 $0x1;
	_ =	shalt  }
.Lfunc_end2:
_tile_overlayer_lowered:
.L_overlay_start_2:
0x1e9: {  	(tag) =	ssettag $0x2  }
0x1ea: {  	s0 =	rddreg [dreg:$0x0];
	s2 =	stileid.u32  }
0x1eb: {  	s1 =	rddreg [dreg:$0x1];
	p0 =	sne.s32 s2, $0x0  }
0x1ec: {  	s3 =	rddreg [dreg:$0x2];
	[bflag:$0x3] =	sbarrier.arrive $0xFFFF;
	s2 =	simm.s32 @!p0 $0x1C09  }
0x1ed: {  	[timem:s3], [sflag:s2] =	dma.local @!p0 [hbm:s0], s1  }
0x1ee: {  	s0 =	simm.s32 @!p0 $0x9  }
0x1ef: {  	_ =	swait.ge @!p0 [sflag:s0], s1  }
0x1f0: {  	s1 =	ssub.s32 @!p0 $0x0, s1;
	[sflag:s0] =	ssyncset.done @!p0 $0x0  }
0x1f1: {  	[sflag:s0] =	ssyncadd.s32 @!p0 s1  }
0x1f2: {  	[bflag:$0x3] =	sbarrier.arrive $0xFFFF  }
0x1f3: {  	_ =	shalt  }

// kernel: kernel.14.cloned.1.call-start
scs
__scs_entry_jumppad:
0x0: {  	(pc) =	sbr.rel $0x88, $3  }
0x1: {  	(tag) =	ssettag $0x0;
	lr =	simm.s32 $0x1  }
0x2: {  	[smem:$0x3F9B] =	sst lr;
	_ =	strace $0xD0000000  }
0x3: {  	_ = 	snop  }
0x4: {  	_ = 	snop  }
0x5: {  	_ = 	snop  }
0x6: {  	_ = 	snop  }
0x7: {  	_ = 	snop  }
__scs_overlays_trampoline_lowered:
0x8: {  	[smem:$0x3FAA] =	sst s0  }
0x9: {  	[smem:$0x3FAB] =	sst s1  }
0xa: {  	[smem:$0x3FAC] =	sst s2  }
0xb: {  	[smem:$0x3FAD] =	sst s3  }
0xc: {  	[smem:$0x3FAE] =	sst s4  }
0xd: {  	[smem:$0x3FAF] =	sst s5  }
0xe: {  	[smem:$0x3FB0] =	sst s6  }
0xf: {  	[smem:$0x3FB1] =	sst s7  }
0x10: {  	[smem:$0x3FB2] =	sst s8  }
0x11: {  	[smem:$0x3FB3] =	sst s9;
	s0 =	simm.s32 @!p0 $0x0  }
0x12: {  	s1 =	sld [smem:$0x3F99];
	s0 =	simm.s32 @p0 $0x1  }
0x13: {  	[smem:$0x3FB4] =	sst s0;
	s0 =	simm.s32 @!p1 $0x0  }
0x14: {  	s2 =	sld [smem:$0x3F98];
	s0 =	simm.s32 @p1 $0x1  }
0x15: {  	[smem:$0x3FB5] =	sst s0;
	s0 =	simm.s32 @!p2 $0x0  }
0x16: {  	s3 =	sld [smem:$0x3FDB];
	s0 =	simm.s32 @p2 $0x1  }
0x17: {  	s4 =	simm.s32 $0x1BF5;
	[smem:$0x3FB7] =	sst s0  }
0x18: {  	s0 =	sld [smem:$0x3F9A];
	_ =	swait.ge [sflag:s4], $0x0  }
0x19: {  	s7 =	sld [smem:$0x3F9B]  }
0x1a: {  	s8 =	sadd.s32 $0xFFFFE003, lr  }
0x1b: {  	s9 =	sadd.s32 $0xFFFFFEF7, lr;
	s5 =	simm.s32 $0xFFFFFFFF;
	p2 =	slt.u32 s8, $0xFFFFF086  }
0x1c: {  	p1 =	slt.u32 s9, $0xF7A;
	s5 =	simm.s32 @!p2 $0x0  }
0x1d: {  	s5 =	simm.s32 @p1 $0x1;
	p0 =	seq.s32 s7, s2  }
0x1e: {  	s7 =	smul.u32 @!p0 $0xF7A, s2;
	p2 =	seq.s32 @!p0 s5, $0x0  }
0x1f: {  	s9 =	smul.u32 $0xF7A, s1;
	s8 =	simm.s32 @!p0 $0x1BF5;
	p2 =	por !p2, p0  }
0x20: {  	[sflag:s8] =	ssyncset.s32 @!p0 $0xFFFFF086;
	s6 =	sadd.s32 @!p0 s3, s7;
	s7 =	simm.s32 @!p0 $0x108  }
0x21: {  	s3 =	sadd.s32 s3, s9;
	s6 =	sadd.s32 @!p0 $0x88, s6;
	s7 =	simm.s32 @p2 $0x1082  }
0x22: {  	[simem:s7], [sflag:s8] =	dma.local @!p0 [hbm:s6], $0xF7A  }
0x23: {  	s9 =	sor.u32 $0xD0000000, s2;
	s6 =	simm.s32 $0x108;
	_ =	swait.ge @!p0 [sflag:s8], $0x0  }
0x24: {  	s3 =	sadd.s32 $0x88, s3;
	s6 =	simm.s32 @!p1 $0x1082;
	[sflag:s4] =	ssyncset.s32 $0xFFFFF086  }
0x25: {  	[simem:s6], [sflag:s4] =	dma.local [hbm:s3], $0xF7A  }
0x26: {  	[smem:$0x3F9B] =	sst s1;
	(tag) =	ssettag s2;
	_ =	strace s9  }
0x27: {  	s1 =	sld [smem:$0x3FAB]  }
0x28: {  	s2 =	sld [smem:$0x3FAC]  }
0x29: {  	s4 =	sld [smem:$0x3FAE]  }
0x2a: {  	p0 =	seq.s32 s5, $0x0;
	s5 =	sld [smem:$0x3FAF]  }
0x2b: {  	s6 =	sld [smem:$0x3FB0]  }
0x2c: {  	s7 =	sld [smem:$0x3FB1]  }
0x2d: {  	s3 =	simm.s32 $0x108;
	s8 =	sld [smem:$0x3FB2]  }
0x2e: {  	s3 =	simm.s32 @!p0 $0x1082;
	s9 =	sld [smem:$0x3FB3]  }
0x2f: {  	lr =	sadd.s32 s0, s3;
	s0 =	sld [smem:$0x3FAA]  }
0x30: {  	s3 =	sld [smem:$0x3FAD]  }
0x31: {  	[smem:$0x3FB6] =	sst s10  }
0x32: {  	s10 =	sld [smem:$0x3FB4];
	_ =	sdelay $0x3  }
0x33: {  	p0 =	seq.s32 s10, $0x1;
	s10 =	sld [smem:$0x3FB6];
	_ =	sdelay $0x3  }
0x34: {  	[smem:$0x3FB6] =	sst s10  }
0x35: {  	s10 =	sld [smem:$0x3FB5];
	_ =	sdelay $0x3  }
0x36: {  	p1 =	seq.s32 s10, $0x1;
	s10 =	sld [smem:$0x3FB6];
	_ =	sdelay $0x3  }
0x37: {  	[smem:$0x3FB6] =	sst s10  }
0x38: {  	s10 =	sld [smem:$0x3FB7]  }
0x39: {  	_ = 	snop;
	(pc) =	sbr.ind lr, $3  }
0x3a: {  	_ = 	snop  }
0x3b: {  	_ = 	snop  }
0x3c: {  	p2 =	seq.s32 s10, $0x1;
	s10 =	sld [smem:$0x3FB6]  }
0x3d: {  	_ =	shalt  }
0x3e: {  	_ =	shalt  }
0x3f: {  	_ =	shalt  }
0x40: {  	_ =	shalt  }
0x41: {  	_ =	shalt  }
0x42: {  	_ =	shalt  }
0x43: {  	_ =	shalt  }
0x44: {  	_ =	shalt  }
0x45: {  	_ =	shalt  }
0x46: {  	_ =	shalt  }
0x47: {  	_ =	shalt  }
0x48: {  	_ =	shalt  }
0x49: {  	_ =	shalt  }
0x4a: {  	_ =	shalt  }
0x4b: {  	_ =	shalt  }
0x4c: {  	_ =	shalt  }
0x4d: {  	_ =	shalt  }
0x4e: {  	_ =	shalt  }
0x4f: {  	_ =	shalt  }
0x50: {  	_ =	shalt  }
0x51: {  	_ =	shalt  }
0x52: {  	_ =	shalt  }
0x53: {  	_ =	shalt  }
0x54: {  	_ =	shalt  }
0x55: {  	_ =	shalt  }
0x56: {  	_ =	shalt  }
0x57: {  	_ =	shalt  }
0x58: {  	_ =	shalt  }
0x59: {  	_ =	shalt  }
0x5a: {  	_ =	shalt  }
0x5b: {  	_ =	shalt  }
0x5c: {  	_ =	shalt  }
0x5d: {  	_ =	shalt  }
0x5e: {  	_ =	shalt  }
0x5f: {  	_ =	shalt  }
0x60: {  	_ =	shalt  }
0x61: {  	_ =	shalt  }
0x62: {  	_ =	shalt  }
0x63: {  	_ =	shalt  }
0x64: {  	_ =	shalt  }
0x65: {  	_ =	shalt  }
0x66: {  	_ =	shalt  }
0x67: {  	_ =	shalt  }
0x68: {  	_ =	shalt  }
0x69: {  	_ =	shalt  }
0x6a: {  	_ =	shalt  }
0x6b: {  	_ =	shalt  }
0x6c: {  	_ =	shalt  }
0x6d: {  	_ =	shalt  }
0x6e: {  	_ =	shalt  }
0x6f: {  	_ =	shalt  }
0x70: {  	_ =	shalt  }
0x71: {  	_ =	shalt  }
0x72: {  	_ =	shalt  }
0x73: {  	_ =	shalt  }
0x74: {  	_ =	shalt  }
0x75: {  	_ =	shalt  }
0x76: {  	_ =	shalt  }
0x77: {  	_ =	shalt  }
0x78: {  	_ =	shalt  }
0x79: {  	_ =	shalt  }
0x7a: {  	_ =	shalt  }
0x7b: {  	_ =	shalt  }
0x7c: {  	_ =	shalt  }
0x7d: {  	_ =	shalt  }
0x7e: {  	_ =	shalt  }
0x7f: {  	_ =	shalt  }
0x80: {  	_ =	shalt  }
0x81: {  	_ =	shalt  }
0x82: {  	_ =	shalt  }
0x83: {  	_ =	shalt  }
0x84: {  	_ =	shalt  }
0x85: {  	_ =	shalt  }
0x86: {  	_ =	shalt  }
0x87: {  	_ =	shalt  }
.Lfunc_end0:
.L_simem_size_0:
called_computation.2_lowered:
.L_overlay_start_0:
0x88: {  	s2 =	sld [smem:$0x3FD9]  }
0x89: {  	s3 =	sld [smem:$0x3FFE];
	_ =	sdelay $0x1  }
0x8a: {  	s1 =	srdreg.scid  }
0x8b: {  	s0 =	sand.u32 $0x1, s1  }
0x8c: {  	s17 =	sshll.u32 s0, $0xA;
	s2 =	sadd.s32 s3, s2  }
0x8d: {  	s2 =	sadd.s32 s2, s17  }
0x8e: {  	[smem:$0x3FC2] =	sst s2  }
0x8f: {  	_ = 	snop  }
0x90: {  	s2 =	sld [smem:$0x3FD0];
	(tm) =	ssettm $0x1  }
0x91: {  	s18 =	sld [smem:$0x3FFB];
	_ =	sdelay $0x3  }
0x92: {  	_ =	strace s18  }
0x93: {  	s3 =	sld [smem:$0x3FFC];
	_ =	sdelay $0x3  }
0x94: {  	_ =	strace s3  }
0x95: {  	s3 =	sld [smem:$0x3FFD];
	_ =	sdelay $0x3  }
0x96: {  	_ =	strace s3  }
0x97: {  	_ =	strace $0x8FFFFFFF  }
0x98: {  	s19 =	sld [smem:$0x3FDB];
	_ =	sdelay $0x1  }
0x99: {  	s4 =	simm.s32 $_scs_section_size  }
0x9a: {  	s5 =	simm.s32 $_size__tile_overlayer_lowered;
	s6 =	simm.s32 $_tile_overlayer_lowered  }
0x9b: {  	s22 =	simm.s32 $0x1BFF;
	s21 =	sshll.u32 s6, $0x1;
	s3 =	sadd.s32 s4, s19  }
0x9c: {  	s7 =	simm.s32 $0x0;
	s20 =	sshll.u32 s5, $0x1;
	s5 =	sadd.s32 s21, s3  }
0x9d: {  	[timem:s7], [sflag:s22] =	dma.local [hbm:s5], s20  }
0x9e: {  	_ =	swait.ge [sflag:s22], s20  }
0x9f: {  	s4 =	ssub.s32 $0x0, s20;
	[sflag:s22] =	ssyncset.done $0x0  }
0xa0: {  	[sflag:s22] =	ssyncadd.s32 s4;
	_ =	sdelay $0x1  }
0xa1: {  	s23 =	simm.s32 $0x1B8B  }
0xa2: {  	_ =	swait.ge [sflag:s23], $0x1  }
0xa3: {  	[sflag:s23] =	ssyncset.done $0x0  }
0xa4: {  	s25 =	simm.s32 $0x1B8E;
	s24 =	sld [smem:$0x3FFE];
	[sflag:s23] =	ssyncadd.s32 $0xFFFFFFFF  }
0xa5: {  	s26 =	simm.s32 $execute0_lowered;
	[smem:$0x3FD2] =	sst s25  }
0xa6: {  	s5 =	sshll.u32 s26, $0x1;
	_ =	strace $0x8000004C;
	[dreg:$0x1] =	wrdreg $0xFFFFFFFF  }
0xa7: {  	s28 =	simm.s32 $_size_execute0_lowered;
	s3 =	sadd.s32 s3, s5;
	[dreg:$0x0] =	wrdreg $0x0  }
0xa8: {  	s5 =	sshll.u32 s28, $0x1;
	[dreg:$0x2] =	wrdreg s3  }
0xa9: {  	[dreg:$0x3] =	wrdreg s5  }
0xaa: {  	[dreg:$0x4] =	wrdreg $0xC0  }
0xab: {  	_ =	task [dreg:s7], $0x5FFFF  }
0xac: {  	[dreg:$0x1] =	wrdreg $0xFFFFFFFF  }
0xad: {  	[dreg:$0x0] =	wrdreg $0x60  }
0xae: {  	[dreg:$0x2] =	wrdreg s2  }
0xaf: {  	[dreg:$0x3] =	wrdreg s24  }
0xb0: {  	[dreg:$0x4] =	wrdreg $0xB0000  }
0xb1: {  	[dreg:$0x5] =	wrdreg $0x9  }
0xb2: {  	_ =	task.clear_ibuf [dreg:s7], $0x6FFFF;
	_ =	strace $0x9000004C  }
0xb3: {  	s29 =	simm.s32 $0x9;
	_ =	strace $0x8000004E  }
0xb4: {  	_ =	swait.ge [sflag:s29], $0x1  }
0xb5: {  	[sflag:s29] =	ssyncadd.s32 $0xFFFFFFFF  }
0xb6: {  	_ =	strace $0x9000004E  }
0xb7: {  	_ =	sfence  }
0xb8: {  	s30 =	sld [smem:$0x0];
	_ =	sdelay $0x2  }
0xb9: {  	s31 =	sshll.u32 s1, $0xD;
	s1 =	sshrl.u32 s1, $0x2  }
0xba: {  	s3 =	sand.u32 $0x4000, s31;
	s1 =	sadd.s32 s1, s30  }
0xbb: {  	s0 =	sor.u32 s3, s0;
	s1 =	sshll.u32 s1, $0x11  }
0xbc: {  	s0 =	sor.u32 s1, s0  }
0xbd: {  	s0 =	sadd.s32 $0x8F2B, s0  }
0xbe: {  	[sflag:s0] =	ssyncadd.remote.s32 $0x1  }
0xbf: {  	_ =	sfence.sel $0xFFFF  }
0xc0: {  	[dreg:$0x0] =	wrdreg $0xFFFFFFFF;
	(pc) =	sbr.abs _section_cstart, $3  }
0xc1: {  	[dreg:$0x1] =	wrdreg $0xFFFFFFFF  }
0xc2: {  	_ =	task.clear_ibuf [dreg:s7], $0x2FFFF;
	_ =	strace $0x9FFFFFFF  }
0xc3: {  	(tm) =	ssettm $0x7FFFFFFF  }
tec
execute0_lowered:
.L_overlay_start_1:
0x0: {  	(tag) =	ssettag $0x1  }
0x1: {  	s1 =	rddreg [dreg:$0x0]  }
0x2: {  	s0 =	rddreg [dreg:$0x1]  }
0x3: {  	s3 =	rddreg [dreg:$0x2];
	s2 =	srdreg.scid  }
0x4: {  	s9 =	stileid.u32;
	s6 =	simm.s32 $0x0;
	s28 =	simm.s32 $0x40  }
0x5: {  	s29 =	simm.s32 $0x2800;
	s31 =	simm.s32 $0x4800;
	s11 =	simm.s32 $0x1580  }
0x6: {  	s2 =	sand.u32 $0x1, s2;
	s5 =	sshll.u32 s9, $0x1;
	s12 =	smul.u32 $0x14000, s9  }
0x7: {  	[smem:$0x7FF] =	sst s6;
	s8 =	sadd.s32 $0x1E00, s0;
	s13 =	smul.u32 $0x50000, s9  }
0x8: {  	s10 =	sadd.s32 $0x15E00, s0;
	s4 =	smul.u32 $0x140000, s2;
	s5 =	sor.u32 s2, s5  }
0x9: {  	s9 =	simm.s32 $0x1500;
	s2 =	ssub.s32 $0x2, s2;
	s7 =	smul.u32 $0xA00, s5  }
0xa: {  	_ =	strace $0x8000004D;
	s14 =	sshrl.u32 s2, $0x1;
	s5 =	smul.u32 $0x5000, s5  }
0xb: {  	s16 =	sshrl.u32 s13, $0x2;
	s13 =	simm.s32 $0x300;
	s4 =	sadd.s32 s12, s4  }
0xc: {  	s2 =	ssub.s32 s2, s14;
	s12 =	simm.s32 $0x7;
	s14 =	simm.s32 $0x8  }
0xd: {  	s4 =	sshrl.u32 s4, $0x3;
	s15 =	sadd.s32 s8, s7;
	s5 =	sshrl.u32 s5, $0x3  }
0xe: {  	s17 =	sadd.s32 s10, s7;
	s7 =	sadd.s32 s16, s3;
	s26 =	smax.u32 s2, $0x1  }
0xf: {  	s2 =	simm.s32 $0x6800;
	s16 =	simm.s32 $0x0;
	[dreg:$0x4] =	wrdreg s15  }
0x10: {  	s0 =	sadd.s32 s4, s0;
	[dreg:$0x5] =	wrdreg s17;
	s18 =	sadd.s32 $0x280, s5  }
0x11: {  	s19 =	sadd.s32 $0x800, s7;
	s20 =	sadd.s32 $0x1000, s7;
	[dreg:$0xf] =	wrdreg s26  }
0x12: {  	s22 =	sadd.s32 $0x500, s5;
	s5 =	sadd.s32 $0x780, s5;
	[dreg:$0x6] =	wrdreg s19  }
0x13: {  	s30 =	sadd.s32 $0x1800, s7;
	s26 =	simm.s32 $0x6;
	[dreg:$0x7] =	wrdreg s20  }
0x14: {  	s15 =	simm.s32 $0x9;
	s21 =	sadd.s32 s8, s18;
	[dreg:$0x10] =	wrdreg s30  }
0x15: {  	s4 =	sadd.s32 s10, s18;
	s23 =	sadd.s32 s8, s22;
	[dreg:$0x8] =	wrdreg s21  }
0x16: {  	s24 =	sadd.s32 s8, s5;
	s25 =	sadd.s32 s10, s5;
	[dreg:$0x9] =	wrdreg s4  }
0x17: {  	s0 =	sadd.s32 $0x29E00, s0;
	s19 =	simm.s32 $0x1400;
	[dreg:$0xa] =	wrdreg s23  }
.Ltmp0:
0x18: {  	s20 =	simm.s32 $0xA800;
	[dreg:$0xc] =	wrdreg s24;
	(pc) =	sbr.rel .LBB2_1-.Ltmp0, $4  }
0x19: {  	s5 =	simm.s32 $0x8800;
	s8 =	simm.s32 $0x200;
	[dreg:$0xd] =	wrdreg s25  }
0x1a: {  	s4 =	sadd.s32 s10, s22;
	[dreg:$0xe] =	wrdreg s0;
	s21 =	simm.s32 $0x1  }
0x1b: {  	s22 =	simm.s32 $0x2;
	s23 =	simm.s32 $0x3;
	s24 =	simm.s32 $0x4  }
0x1c: {  	v0 =	vimm.f32 $0.0e+00;
	s25 =	simm.s32 $0x5;
	s10 =	simm.s32 $0x280;
	[dreg:$0xb] =	wrdreg s4  }
.LBB2_17:
0x1d: {  	_ =	swait.ge [sflag:s14], $0x2000  }
0x1e: {  	[sflag:s14] =	ssyncset.done $0x0  }
0x1f: {  	s0 =	stileid.u32;
	[sflag:s14] =	ssyncadd.s32 $0xFFFFE000  }
0x20: {  	s0 =	sshll.u32 s0, $0x6;
	[bflag:$0x0] =	sbarrier.arrive $0xFFFF  }
0x21: {  	s4 =	sshrl.u32 s7, $0x3;
	s0 =	sor.u32 $0x1C09, s0;
	s6 =	rddreg [dreg:$0xe]  }
0x22: {  	[hbm:s6], [sflag:s0] =	dma.local [spmem:s4], $0x2800  }
0x23: {  	_ =	swait.ge [sflag:s15], $0x2800  }
0x24: {  	s16 =	sadd.s32 $0x1, s16;
	s30 =	rddreg [dreg:$0xf]  }
0x25: {  	p0 =	sne.s32 s16, s30  }
.Ltmp1:
0x26: {  	_ = 	snop;
	(pc) =	sbr.rel @!p0 .LBB2_18-.Ltmp1, $3  }
0x27: {  	_ =	sdelay $0x1  }
0x28: {  	[sflag:s15] =	ssyncset.done $0x0  }
0x29: {  	[sflag:s15] =	ssyncadd.s32 $0xFFFFD800  }
.LBB2_1:
0x2a: {  	s17 =	simm.s32 $0x0;
	s18 =	simm.s32 $0x200  }
.LBB2_2:
0x2b: {  	p0 =	sne.s32 s18, $0x1E00;
	[tilespmem:s17+$0xA870] =	vst v0  }
0x2c: {  	[tilespmem:s17+$0xA800] =	vst v0  }
0x2d: {  	[tilespmem:s17+$0xA810] =	vst v0  }
.Ltmp2:
0x2e: {  	[tilespmem:s17+$0xA820] =	vst v0;
	(pc) =	sbr.rel @p0 .LBB2_2-.Ltmp2, $4  }
0x2f: {  	[tilespmem:s17+$0xA830] =	vst v0  }
0x30: {  	[tilespmem:s17+$0xA840] =	vst v0  }
0x31: {  	[tilespmem:s17+$0xA850] =	vst v0  }
0x32: {  	[tilespmem:s17+$0xA860] =	vst v0;
	s17 =	sshra.s32 s18, $0x2;
	s18 =	sadd.s32 $0x200, s18  }
0x33: {  	[tilespmem:s17+$0xA870] =	vst v0  }
0x34: {  	[tilespmem:s17+$0xA800] =	vst v0  }
0x35: {  	[tilespmem:s17+$0xA810] =	vst v0  }
0x36: {  	[tilespmem:s17+$0xA820] =	vst v0  }
0x37: {  	[tilespmem:s17+$0xA830] =	vst v0  }
0x38: {  	[tilespmem:s17+$0xA840] =	vst v0  }
0x39: {  	[tilespmem:s17+$0xA850] =	vst v0  }
0x3a: {  	[tilespmem:s17+$0xA860] =	vst v0;
	s0 =	simm.s32 $0x0;
	s4 =	rddreg [dreg:$0x4]  }
0x3b: {  	[tilespmem:s0], [sflag:$0x5] =	stream.linear.gather [hbm4b:s4+s0], $0x1400, $0x38;
	[tilespmem:$0x1F000] =	vst v63  }
0x3c: {  	s6 =	rddreg [dreg:$0x5]  }
0x3d: {  	[tilespmem:s19], [sflag:$0x6] =	stream.linear.gather [hbm4b:s6+s0], $0x1400, $0x38;
	[tilespmem:$0x1F000] =	vst v63  }
0x3e: {  	_ = 	snop  }
0x3f: {  	[spmem:s7] =	stream.linear.scatter [tilespmem:s20], [sflag:$0x1], $0x800, $0x38;
	[tilespmem:$0x1F000] =	vst v63  }
0x40: {  	s17 =	rddreg [dreg:$0x6]  }
0x41: {  	[spmem:s17] =	stream.linear.scatter [tilespmem:s20], [sflag:$0x2], $0x800, $0x38;
	[tilespmem:$0x1F000] =	vst v63  }
0x42: {  	s18 =	rddreg [dreg:$0x7]  }
0x43: {  	[spmem:s18] =	stream.linear.scatter [tilespmem:s20], [sflag:$0x3], $0x800, $0x38;
	[tilespmem:$0x1F000] =	vst v63  }
0x44: {  	s30 =	rddreg [dreg:$0x10]  }
0x45: {  	[spmem:s30] =	stream.linear.scatter [tilespmem:s20], [sflag:$0x4], $0x800, $0x38;
	[tilespmem:$0x1F000] =	vst v63  }
0x46: {  	_ =	swait.ge [sflag:s21], $0x800  }
0x47: {  	s18 =	sadd.s32 $0xFFFEE000, s7;
	[sflag:s21] =	ssyncset.done $0x0  }
0x48: {  	s4 =	sadd.s32 $0x14000, s18;
	[sflag:s21] =	ssyncadd.s32 $0xFFFFF800  }
0x49: {  	[spmem:s4] =	stream.linear.scatter [tilespmem:s20], [sflag:$0x1], $0x800, $0x38;
	[tilespmem:$0x1F000] =	vst v63  }
0x4a: {  	_ =	swait.ge [sflag:s22], $0x800  }
0x4b: {  	[sflag:s22] =	ssyncset.done $0x0  }
0x4c: {  	s6 =	sadd.s32 $0x14800, s18;
	[sflag:s22] =	ssyncadd.s32 $0xFFFFF800  }
0x4d: {  	[spmem:s6] =	stream.linear.scatter [tilespmem:s20], [sflag:$0x2], $0x800, $0x38;
	[tilespmem:$0x1F000] =	vst v63  }
0x4e: {  	_ =	swait.ge [sflag:s23], $0x800  }
0x4f: {  	[sflag:s23] =	ssyncset.done $0x0  }
0x50: {  	s30 =	sadd.s32 $0x15000, s18;
	[sflag:s23] =	ssyncadd.s32 $0xFFFFF800  }
0x51: {  	[spmem:s30] =	stream.linear.scatter [tilespmem:s20], [sflag:$0x3], $0x800, $0x38;
	[tilespmem:$0x1F000] =	vst v63  }
0x52: {  	_ =	swait.ge [sflag:s24], $0x800  }
0x53: {  	[sflag:s24] =	ssyncset.done $0x0  }
0x54: {  	s17 =	simm.s32 $0xFFFC0000;
	s18 =	sadd.s32 $0x15800, s18;
	[sflag:s24] =	ssyncadd.s32 $0xFFFFF800  }
.LBB2_4:
0x55: {  	[spmem:s18] =	stream.linear.scatter [tilespmem:s20], [sflag:$0x4], $0x800, $0x38;
	[tilespmem:$0x1F000] =	vst v63  }
0x56: {  	s18 =	sshra.s32 s17, $0x2;
	p0 =	sne.s32 s17, $0xFFFF8000;
	_ =	swait.ge [sflag:s21], $0x800  }
0x57: {  	s17 =	sadd.s32 $0x8000, s17;
	s18 =	sadd.s32 s18, s7;
	[sflag:s21] =	ssyncset.done $0x0  }
0x58: {  	s30 =	sadd.s32 $0x14000, s18;
	[sflag:s21] =	ssyncadd.s32 $0xFFFFF800  }
0x59: {  	[spmem:s30] =	stream.linear.scatter [tilespmem:s20], [sflag:$0x1], $0x800, $0x38;
	[tilespmem:$0x1F000] =	vst v63  }
0x5a: {  	_ =	swait.ge [sflag:s22], $0x800  }
0x5b: {  	[sflag:s22] =	ssyncset.done $0x0  }
0x5c: {  	s30 =	sadd.s32 $0x14800, s18;
	[sflag:s22] =	ssyncadd.s32 $0xFFFFF800  }
0x5d: {  	[spmem:s30] =	stream.linear.scatter [tilespmem:s20], [sflag:$0x2], $0x800, $0x38;
	[tilespmem:$0x1F000] =	vst v63  }
0x5e: {  	_ =	swait.ge [sflag:s23], $0x800  }
0x5f: {  	[sflag:s23] =	ssyncset.done $0x0  }
.Ltmp3:
0x60: {  	s30 =	sadd.s32 $0x15000, s18;
	[sflag:s23] =	ssyncadd.s32 $0xFFFFF800;
	(pc) =	sbr.rel @p0 .LBB2_4-.Ltmp3, $4  }
0x61: {  	[spmem:s30] =	stream.linear.scatter [tilespmem:s20], [sflag:$0x3], $0x800, $0x38;
	[tilespmem:$0x1F000] =	vst v63  }
0x62: {  	_ =	swait.ge [sflag:s24], $0x800  }
0x63: {  	[sflag:s24] =	ssyncset.done $0x0  }
0x64: {  	s18 =	sadd.s32 $0x15800, s18;
	[sflag:s24] =	ssyncadd.s32 $0xFFFFF800  }
0x65: {  	[spmem:s18] =	stream.linear.scatter [tilespmem:s20], [sflag:$0x4], $0x800, $0x38;
	[tilespmem:$0x1F000] =	vst v63  }
0x66: {  	_ =	swait.ge [sflag:s21], $0x800  }
0x67: {  	[sflag:s21] =	ssyncset.done $0x0  }
0x68: {  	[sflag:s21] =	ssyncadd.s32 $0xFFFFF800  }
0x69: {  	_ =	swait.ge [sflag:s22], $0x800  }
0x6a: {  	[sflag:s22] =	ssyncset.done $0x0  }
0x6b: {  	[sflag:s22] =	ssyncadd.s32 $0xFFFFF800  }
0x6c: {  	_ =	swait.ge [sflag:s23], $0x800  }
0x6d: {  	[sflag:s23] =	ssyncset.done $0x0  }
0x6e: {  	[sflag:s23] =	ssyncadd.s32 $0xFFFFF800  }
0x6f: {  	_ =	swait.ge [sflag:s24], $0x800  }
0x70: {  	[sflag:s24] =	ssyncset.done $0x0  }
0x71: {  	[sflag:s24] =	ssyncadd.s32 $0xFFFFF800  }
0x72: {  	_ =	swait.ge [sflag:s25], $0x1400  }
0x73: {  	[sflag:s25] =	ssyncset.done $0x0  }
0x74: {  	[sflag:s25] =	ssyncadd.s32 $0xFFFFEC00  }
0x75: {  	_ =	swait.ge [sflag:s26], $0x1400  }
0x76: {  	[sflag:s26] =	ssyncset.done $0x0  }
0x77: {  	[sflag:s26] =	ssyncadd.s32 $0xFFFFEC00  }
0x78: {  	s17 =	simm.s32 $0x0;
	[bflag:$0x0] =	sbarrier.arrive $0xFFFF  }
0x79: {  	[tilespmem:s29], [sflag:$0x1] =	stream.indirect.gather [hbm4b:s1+s28], $0x80, s17, s28, $0xb8;
	[tilespmem:$0x1F000] =	vst v63  }
0x7a: {  	s0 =	simm.s32 $0x80  }
0x7b: {  	[tilespmem:s31], [sflag:$0x2] =	stream.indirect.gather [hbm4b:s1+s28], $0x80, s0, s28, $0xb8;
	[tilespmem:$0x1F000] =	vst v63  }
0x7c: {  	s6 =	simm.s32 $0x100  }
0x7d: {  	[tilespmem:s2], [sflag:$0x3] =	stream.indirect.gather [hbm4b:s1+s28], $0x80, s6, s28, $0xb8;
	[tilespmem:$0x1F000] =	vst v63  }
0x7e: {  	_ =	swait.ge [sflag:s21], $0x2000  }
0x7f: {  	[sflag:s21] =	ssyncset.done $0x0  }
0x80: {  	[sflag:s21] =	ssyncadd.s32 $0xFFFFE000  }
0x81: {  	[spmem:s3] =	stream.indirect.scatter.add.f32 [tilespmem:s29], [sflag:$0x5], $0x80, s19, s28, $0xb8;
	[tilespmem:$0x1F000] =	vst v63  }
0x82: {  	s18 =	simm.s32 $0x180  }
0x83: {  	[tilespmem:s5], [sflag:$0x4] =	stream.indirect.gather [hbm4b:s1+s28], $0x80, s18, s28, $0xb8;
	[tilespmem:$0x1F000] =	vst v63  }
0x84: {  	_ =	swait.ge [sflag:s22], $0x2000  }
0x85: {  	[sflag:s22] =	ssyncset.done $0x0  }
0x86: {  	s30 =	simm.s32 $0x1480;
	[sflag:s22] =	ssyncadd.s32 $0xFFFFE000  }
0x87: {  	[spmem:s3] =	stream.indirect.scatter.add.f32 [tilespmem:s31], [sflag:$0x6], $0x80, s30, s28, $0xb8;
	[tilespmem:$0x1F000] =	vst v63  }
0x88: {  	_ =	swait.ge [sflag:s25], $0x2000  }
0x89: {  	[sflag:s25] =	ssyncset.done $0x0  }
0x8a: {  	[sflag:s25] =	ssyncadd.s32 $0xFFFFE000  }
0x8b: {  	[tilespmem:s29], [sflag:$0x1] =	stream.indirect.gather [hbm4b:s1+s28], $0x80, s8, s28, $0xb8;
	[tilespmem:$0x1F000] =	vst v63  }
0x8c: {  	_ =	swait.ge [sflag:s23], $0x2000  }
0x8d: {  	[sflag:s23] =	ssyncset.done $0x0  }
0x8e: {  	[sflag:s23] =	ssyncadd.s32 $0xFFFFE000  }
0x8f: {  	[spmem:s3] =	stream.indirect.scatter.add.f32 [tilespmem:s2], [sflag:$0x7], $0x80, s9, s28, $0xb8;
	[tilespmem:$0x1F000] =	vst v63  }
0x90: {  	_ =	swait.ge [sflag:s26], $0x2000  }
0x91: {  	[sflag:s26] =	ssyncset.done $0x0  }
0x92: {  	[sflag:s26] =	ssyncadd.s32 $0xFFFFE000  }
0x93: {  	[tilespmem:s31], [sflag:$0x2] =	stream.indirect.gather [hbm4b:s1+s28], $0x80, s10, s28, $0xb8;
	[tilespmem:$0x1F000] =	vst v63  }
0x94: {  	_ =	swait.ge [sflag:s24], $0x2000  }
0x95: {  	[sflag:s24] =	ssyncset.done $0x0  }
0x96: {  	[sflag:s24] =	ssyncadd.s32 $0xFFFFE000  }
0x97: {  	[spmem:s3] =	stream.indirect.scatter.add.f32 [tilespmem:s5], [sflag:$0x8], $0x80, s11, s28, $0xb8;
	[tilespmem:$0x1F000] =	vst v63  }
0x98: {  	_ =	swait.ge [sflag:s12], $0x2000  }
0x99: {  	[sflag:s12] =	ssyncset.done $0x0  }
0x9a: {  	[sflag:s12] =	ssyncadd.s32 $0xFFFFE000  }
0x9b: {  	[tilespmem:s2], [sflag:$0x3] =	stream.indirect.gather [hbm4b:s1+s28], $0x80, s13, s28, $0xb8;
	[tilespmem:$0x1F000] =	vst v63  }
.LBB2_6:
0x9c: {  	_ =	swait.ge [sflag:s21], $0x2000  }
0x9d: {  	s18 =	sshra.s32 s17, $0x2;
	[sflag:s21] =	ssyncset.done $0x0  }
0x9e: {  	s30 =	sadd.s32 $0x1600, s18;
	[sflag:s21] =	ssyncadd.s32 $0xFFFFE000  }
0x9f: {  	[spmem:s3] =	stream.indirect.scatter.add.f32 [tilespmem:s29], [sflag:$0x5], $0x80, s30, s28, $0xb8;
	[tilespmem:$0x1F000] =	vst v63  }
0xa0: {  	_ =	swait.ge [sflag:s14], $0x2000  }
0xa1: {  	[sflag:s14] =	ssyncset.done $0x0  }
0xa2: {  	s4 =	sadd.s32 $0x380, s18;
	[sflag:s14] =	ssyncadd.s32 $0xFFFFE000  }
0xa3: {  	[tilespmem:s5], [sflag:$0x4] =	stream.indirect.gather [hbm4b:s1+s28], $0x80, s4, s28, $0xb8;
	[tilespmem:$0x1F000] =	vst v63  }
0xa4: {  	_ =	swait.ge [sflag:s22], $0x2000  }
0xa5: {  	[sflag:s22] =	ssyncset.done $0x0  }
0xa6: {  	s6 =	sadd.s32 $0x1680, s18;
	[sflag:s22] =	ssyncadd.s32 $0xFFFFE000  }
0xa7: {  	[spmem:s3] =	stream.indirect.scatter.add.f32 [tilespmem:s31], [sflag:$0x6], $0x80, s6, s28, $0xb8;
	[tilespmem:$0x1F000] =	vst v63  }
0xa8: {  	_ =	swait.ge [sflag:s25], $0x2000  }
0xa9: {  	p0 =	seq.s32 s17, $0x4000;
	[sflag:s25] =	ssyncset.done $0x0  }
0xaa: {  	s30 =	simm.s32 @p0 $0x3;
	[sflag:s25] =	ssyncadd.s32 $0xFFFFE000  }
0xab: {  	_ =	swait.ge @p0 [sflag:s30], $0x2000  }
0xac: {  	[sflag:s30] =	ssyncset.done @p0 $0x0  }
0xad: {  	[sflag:s30] =	ssyncadd.s32 @p0 $0xFFFFE000;
	s30 =	sshra.s32 @p0 s17, $0x2  }
0xae: {  	s0 =	simm.s32 @p0 $0x40;
	s4 =	simm.s32 @p0 $0x6800;
	s30 =	sadd.s32 @p0 $0x1700, s30  }
0xaf: {  	[spmem:s3] =	stream.indirect.scatter.add.f32 @p0 [tilespmem:s4], [sflag:$0x7], $0x80, s30, s0, $0xb8;
	[tilespmem:$0x1F000] =	vst v63  }
0xb0: {  	s0 =	simm.s32 @p0 $0x6  }
0xb1: {  	_ =	swait.ge @p0 [sflag:s0], $0x2000  }
0xb2: {  	[sflag:s0] =	ssyncset.done @p0 $0x0  }
0xb3: {  	[sflag:s0] =	ssyncadd.s32 @p0 $0xFFFFE000;
	s0 =	sshra.s32 @!p0 s17, $0x2  }
0xb4: {  	s6 =	simm.s32 @!p0 $0x2800;
	s30 =	simm.s32 @!p0 $0x40;
	s4 =	sadd.s32 @!p0 $0x400, s0  }
0xb5: {  	[tilespmem:s6], [sflag:$0x1] =	stream.indirect.gather @!p0 [hbm4b:s1+s30], $0x80, s4, s30, $0xb8;
	[tilespmem:$0x1F000] =	vst v63  }
0xb6: {  	s4 =	simm.s32 @!p0 $0x3  }
0xb7: {  	_ =	swait.ge @!p0 [sflag:s4], $0x2000  }
0xb8: {  	[sflag:s4] =	ssyncset.done @!p0 $0x0  }
0xb9: {  	s6 =	simm.s32 @!p0 $0x6800;
	[sflag:s4] =	ssyncadd.s32 @!p0 $0xFFFFE000;
	s4 =	sadd.s32 @!p0 $0x1700, s0  }
0xba: {  	[spmem:s3] =	stream.indirect.scatter.add.f32 @!p0 [tilespmem:s6], [sflag:$0x7], $0x80, s4, s30, $0xb8;
	[tilespmem:$0x1F000] =	vst v63  }
0xbb: {  	s4 =	simm.s32 @!p0 $0x6  }
0xbc: {  	_ =	swait.ge @!p0 [sflag:s4], $0x2000  }
0xbd: {  	[sflag:s4] =	ssyncset.done @!p0 $0x0  }
0xbe: {  	s0 =	sadd.s32 @!p0 $0x480, s0;
	[sflag:s4] =	ssyncadd.s32 @!p0 $0xFFFFE000;
	s4 =	simm.s32 @!p0 $0x4800  }
0xbf: {  	[tilespmem:s4], [sflag:$0x2] =	stream.indirect.gather @!p0 [hbm4b:s1+s30], $0x80, s0, s30, $0xb8;
	[tilespmem:$0x1F000] =	vst v63  }
0xc0: {  	_ =	swait.ge [sflag:s24], $0x2000  }
0xc1: {  	[sflag:s24] =	ssyncset.done $0x0  }
.Ltmp4:
0xc2: {  	s30 =	sadd.s32 $0x1780, s18;
	[sflag:s24] =	ssyncadd.s32 $0xFFFFE000;
	(pc) =	sbr.rel @p0 .LBB2_8-.Ltmp4, $4  }
0xc3: {  	[spmem:s3] =	stream.indirect.scatter.add.f32 [tilespmem:s5], [sflag:$0x8], $0x80, s30, s28, $0xb8;
	[tilespmem:$0x1F000] =	vst v63  }
0xc4: {  	_ =	swait.ge [sflag:s12], $0x2000  }
0xc5: {  	[sflag:s12] =	ssyncset.done $0x0  }
0xc6: {  	[sflag:s12] =	ssyncadd.s32 $0xFFFFE000  }
.Ltmp5:
0xc7: {  	(pc) =	sbr.rel .LBB2_6-.Ltmp5, $3  }
0xc8: {  	_ =	sdelay $0x1  }
0xc9: {  	s0 =	sadd.s32 $0x500, s18;
	s17 =	sadd.s32 $0x800, s17  }
0xca: {  	[tilespmem:s2], [sflag:$0x3] =	stream.indirect.gather [hbm4b:s1+s28], $0x80, s0, s28, $0xb8;
	[tilespmem:$0x1F000] =	vst v63  }
.LBB2_8:
0xcb: {  	_ =	swait.ge [sflag:s14], $0x2000  }
0xcc: {  	[sflag:s14] =	ssyncset.done $0x0  }
0xcd: {  	s17 =	simm.s32 $0x0;
	s0 =	rddreg [dreg:$0x8];
	[sflag:s14] =	ssyncadd.s32 $0xFFFFE000  }
0xce: {  	[tilespmem:s17], [sflag:$0x9] =	stream.linear.gather [hbm4b:s0+s17], $0x1400, $0x38;
	[tilespmem:$0x1F000] =	vst v63  }
0xcf: {  	_ =	swait.ge [sflag:s15], $0x1400  }
0xd0: {  	[sflag:s15] =	ssyncset.done $0x0  }
0xd1: {  	s30 =	rddreg [dreg:$0x9];
	[sflag:s15] =	ssyncadd.s32 $0xFFFFEC00  }
0xd2: {  	[tilespmem:s19], [sflag:$0x9] =	stream.linear.gather [hbm4b:s30+s17], $0x1400, $0x38;
	[tilespmem:$0x1F000] =	vst v63  }
0xd3: {  	_ =	swait.ge [sflag:s15], $0x1400  }
0xd4: {  	[sflag:s15] =	ssyncset.done $0x0  }
0xd5: {  	[sflag:s15] =	ssyncadd.s32 $0xFFFFEC00  }
0xd6: {  	[tilespmem:s29], [sflag:$0x1] =	stream.indirect.gather [hbm4b:s1+s28], $0x80, s17, s28, $0xb8;
	[tilespmem:$0x1F000] =	vst v63  }
0xd7: {  	s4 =	simm.s32 $0x80  }
0xd8: {  	[tilespmem:s31], [sflag:$0x2] =	stream.indirect.gather [hbm4b:s1+s28], $0x80, s4, s28, $0xb8;
	[tilespmem:$0x1F000] =	vst v63  }
0xd9: {  	s6 =	simm.s32 $0x100  }
0xda: {  	[tilespmem:s2], [sflag:$0x3] =	stream.indirect.gather [hbm4b:s1+s28], $0x80, s6, s28, $0xb8;
	[tilespmem:$0x1F000] =	vst v63  }
0xdb: {  	_ =	swait.ge [sflag:s21], $0x2000  }
0xdc: {  	[sflag:s21] =	ssyncset.done $0x0  }
0xdd: {  	[sflag:s21] =	ssyncadd.s32 $0xFFFFE000  }
0xde: {  	[spmem:s3] =	stream.indirect.scatter.add.f32 [tilespmem:s29], [sflag:$0x5], $0x80, s19, s28, $0xb8;
	[tilespmem:$0x1F000] =	vst v63  }
0xdf: {  	s18 =	simm.s32 $0x180  }
0xe0: {  	[tilespmem:s5], [sflag:$0x4] =	stream.indirect.gather [hbm4b:s1+s28], $0x80, s18, s28, $0xb8;
	[tilespmem:$0x1F000] =	vst v63  }
0xe1: {  	_ =	swait.ge [sflag:s22], $0x2000  }
0xe2: {  	[sflag:s22] =	ssyncset.done $0x0  }
0xe3: {  	s30 =	simm.s32 $0x1480;
	[sflag:s22] =	ssyncadd.s32 $0xFFFFE000  }
0xe4: {  	[spmem:s3] =	stream.indirect.scatter.add.f32 [tilespmem:s31], [sflag:$0x6], $0x80, s30, s28, $0xb8;
	[tilespmem:$0x1F000] =	vst v63  }
0xe5: {  	_ =	swait.ge [sflag:s25], $0x2000  }
0xe6: {  	[sflag:s25] =	ssyncset.done $0x0  }
0xe7: {  	[sflag:s25] =	ssyncadd.s32 $0xFFFFE000  }
0xe8: {  	[tilespmem:s29], [sflag:$0x1] =	stream.indirect.gather [hbm4b:s1+s28], $0x80, s8, s28, $0xb8;
	[tilespmem:$0x1F000] =	vst v63  }
0xe9: {  	_ =	swait.ge [sflag:s23], $0x2000  }
0xea: {  	[sflag:s23] =	ssyncset.done $0x0  }
0xeb: {  	[sflag:s23] =	ssyncadd.s32 $0xFFFFE000  }
0xec: {  	[spmem:s3] =	stream.indirect.scatter.add.f32 [tilespmem:s2], [sflag:$0x7], $0x80, s9, s28, $0xb8;
	[tilespmem:$0x1F000] =	vst v63  }
0xed: {  	_ =	swait.ge [sflag:s26], $0x2000  }
0xee: {  	[sflag:s26] =	ssyncset.done $0x0  }
0xef: {  	[sflag:s26] =	ssyncadd.s32 $0xFFFFE000  }
0xf0: {  	[tilespmem:s31], [sflag:$0x2] =	stream.indirect.gather [hbm4b:s1+s28], $0x80, s10, s28, $0xb8;
	[tilespmem:$0x1F000] =	vst v63  }
0xf1: {  	_ =	swait.ge [sflag:s24], $0x2000  }
0xf2: {  	[sflag:s24] =	ssyncset.done $0x0  }
0xf3: {  	[sflag:s24] =	ssyncadd.s32 $0xFFFFE000  }
0xf4: {  	[spmem:s3] =	stream.indirect.scatter.add.f32 [tilespmem:s5], [sflag:$0x8], $0x80, s11, s28, $0xb8;
	[tilespmem:$0x1F000] =	vst v63  }
0xf5: {  	_ =	swait.ge [sflag:s12], $0x2000  }
0xf6: {  	[sflag:s12] =	ssyncset.done $0x0  }
0xf7: {  	[sflag:s12] =	ssyncadd.s32 $0xFFFFE000  }
0xf8: {  	[tilespmem:s2], [sflag:$0x3] =	stream.indirect.gather [hbm4b:s1+s28], $0x80, s13, s28, $0xb8;
	[tilespmem:$0x1F000] =	vst v63  }
.LBB2_9:
0xf9: {  	_ =	swait.ge [sflag:s21], $0x2000  }
0xfa: {  	s18 =	sshra.s32 s17, $0x2;
	[sflag:s21] =	ssyncset.done $0x0  }
0xfb: {  	s0 =	sadd.s32 $0x1600, s18;
	[sflag:s21] =	ssyncadd.s32 $0xFFFFE000  }
0xfc: {  	[spmem:s3] =	stream.indirect.scatter.add.f32 [tilespmem:s29], [sflag:$0x5], $0x80, s0, s28, $0xb8;
	[tilespmem:$0x1F000] =	vst v63  }
0xfd: {  	_ =	swait.ge [sflag:s14], $0x2000  }
0xfe: {  	[sflag:s14] =	ssyncset.done $0x0  }
0xff: {  	s4 =	sadd.s32 $0x380, s18;
	[sflag:s14] =	ssyncadd.s32 $0xFFFFE000  }
0x100: {  	[tilespmem:s5], [sflag:$0x4] =	stream.indirect.gather [hbm4b:s1+s28], $0x80, s4, s28, $0xb8;
	[tilespmem:$0x1F000] =	vst v63  }
0x101: {  	_ =	swait.ge [sflag:s22], $0x2000  }
0x102: {  	[sflag:s22] =	ssyncset.done $0x0  }
0x103: {  	s6 =	sadd.s32 $0x1680, s18;
	[sflag:s22] =	ssyncadd.s32 $0xFFFFE000  }
0x104: {  	[spmem:s3] =	stream.indirect.scatter.add.f32 [tilespmem:s31], [sflag:$0x6], $0x80, s6, s28, $0xb8;
	[tilespmem:$0x1F000] =	vst v63  }
0x105: {  	_ =	swait.ge [sflag:s25], $0x2000  }
0x106: {  	p0 =	seq.s32 s17, $0x4000;
	[sflag:s25] =	ssyncset.done $0x0  }
0x107: {  	s0 =	simm.s32 @p0 $0x3;
	[sflag:s25] =	ssyncadd.s32 $0xFFFFE000  }
0x108: {  	_ =	swait.ge @p0 [sflag:s0], $0x2000  }
0x109: {  	[sflag:s0] =	ssyncset.done @p0 $0x0  }
0x10a: {  	[sflag:s0] =	ssyncadd.s32 @p0 $0xFFFFE000;
	s0 =	sshra.s32 @p0 s17, $0x2  }
0x10b: {  	s4 =	simm.s32 @p0 $0x40;
	s6 =	simm.s32 @p0 $0x6800;
	s0 =	sadd.s32 @p0 $0x1700, s0  }
0x10c: {  	[spmem:s3] =	stream.indirect.scatter.add.f32 @p0 [tilespmem:s6], [sflag:$0x7], $0x80, s0, s4, $0xb8;
	[tilespmem:$0x1F000] =	vst v63  }
0x10d: {  	s0 =	simm.s32 @p0 $0x6  }
0x10e: {  	_ =	swait.ge @p0 [sflag:s0], $0x2000  }
0x10f: {  	[sflag:s0] =	ssyncset.done @p0 $0x0  }
0x110: {  	[sflag:s0] =	ssyncadd.s32 @p0 $0xFFFFE000;
	s0 =	sshra.s32 @!p0 s17, $0x2  }
0x111: {  	s30 =	simm.s32 @!p0 $0x2800;
	s6 =	simm.s32 @!p0 $0x40;
	s4 =	sadd.s32 @!p0 $0x400, s0  }
0x112: {  	[tilespmem:s30], [sflag:$0x1] =	stream.indirect.gather @!p0 [hbm4b:s1+s6], $0x80, s4, s6, $0xb8;
	[tilespmem:$0x1F000] =	vst v63  }
0x113: {  	s4 =	simm.s32 @!p0 $0x3  }
0x114: {  	_ =	swait.ge @!p0 [sflag:s4], $0x2000  }
0x115: {  	[sflag:s4] =	ssyncset.done @!p0 $0x0  }
0x116: {  	s30 =	simm.s32 @!p0 $0x6800;
	[sflag:s4] =	ssyncadd.s32 @!p0 $0xFFFFE000;
	s4 =	sadd.s32 @!p0 $0x1700, s0  }
0x117: {  	[spmem:s3] =	stream.indirect.scatter.add.f32 @!p0 [tilespmem:s30], [sflag:$0x7], $0x80, s4, s6, $0xb8;
	[tilespmem:$0x1F000] =	vst v63  }
0x118: {  	s4 =	simm.s32 @!p0 $0x6  }
0x119: {  	_ =	swait.ge @!p0 [sflag:s4], $0x2000  }
0x11a: {  	[sflag:s4] =	ssyncset.done @!p0 $0x0  }
0x11b: {  	s0 =	sadd.s32 @!p0 $0x480, s0;
	[sflag:s4] =	ssyncadd.s32 @!p0 $0xFFFFE000;
	s4 =	simm.s32 @!p0 $0x4800  }
0x11c: {  	[tilespmem:s4], [sflag:$0x2] =	stream.indirect.gather @!p0 [hbm4b:s1+s6], $0x80, s0, s6, $0xb8;
	[tilespmem:$0x1F000] =	vst v63  }
0x11d: {  	_ =	swait.ge [sflag:s24], $0x2000  }
0x11e: {  	[sflag:s24] =	ssyncset.done $0x0  }
.Ltmp6:
0x11f: {  	s30 =	sadd.s32 $0x1780, s18;
	[sflag:s24] =	ssyncadd.s32 $0xFFFFE000;
	(pc) =	sbr.rel @p0 .LBB2_11-.Ltmp6, $4  }
0x120: {  	[spmem:s3] =	stream.indirect.scatter.add.f32 [tilespmem:s5], [sflag:$0x8], $0x80, s30, s28, $0xb8;
	[tilespmem:$0x1F000] =	vst v63  }
0x121: {  	_ =	swait.ge [sflag:s12], $0x2000  }
0x122: {  	[sflag:s12] =	ssyncset.done $0x0  }
0x123: {  	[sflag:s12] =	ssyncadd.s32 $0xFFFFE000  }
.Ltmp7:
0x124: {  	(pc) =	sbr.rel .LBB2_9-.Ltmp7, $3  }
0x125: {  	_ =	sdelay $0x1  }
0x126: {  	s0 =	sadd.s32 $0x500, s18;
	s17 =	sadd.s32 $0x800, s17  }
0x127: {  	[tilespmem:s2], [sflag:$0x3] =	stream.indirect.gather [hbm4b:s1+s28], $0x80, s0, s28, $0xb8;
	[tilespmem:$0x1F000] =	vst v63  }
.LBB2_11:
0x128: {  	_ =	swait.ge [sflag:s14], $0x2000  }
0x129: {  	[sflag:s14] =	ssyncset.done $0x0  }
0x12a: {  	s17 =	simm.s32 $0x0;
	s0 =	rddreg [dreg:$0xa];
	[sflag:s14] =	ssyncadd.s32 $0xFFFFE000  }
0x12b: {  	[tilespmem:s17], [sflag:$0x9] =	stream.linear.gather [hbm4b:s0+s17], $0x1400, $0x38;
	[tilespmem:$0x1F000] =	vst v63  }
0x12c: {  	_ =	swait.ge [sflag:s15], $0x1400  }
0x12d: {  	[sflag:s15] =	ssyncset.done $0x0  }
0x12e: {  	s30 =	rddreg [dreg:$0xb];
	[sflag:s15] =	ssyncadd.s32 $0xFFFFEC00  }
0x12f: {  	[tilespmem:s19], [sflag:$0x9] =	stream.linear.gather [hbm4b:s30+s17], $0x1400, $0x38;
	[tilespmem:$0x1F000] =	vst v63  }
0x130: {  	_ =	swait.ge [sflag:s15], $0x1400  }
0x131: {  	[sflag:s15] =	ssyncset.done $0x0  }
0x132: {  	[sflag:s15] =	ssyncadd.s32 $0xFFFFEC00  }
0x133: {  	[tilespmem:s29], [sflag:$0x1] =	stream.indirect.gather [hbm4b:s1+s28], $0x80, s17, s28, $0xb8;
	[tilespmem:$0x1F000] =	vst v63  }
0x134: {  	s4 =	simm.s32 $0x80  }
0x135: {  	[tilespmem:s31], [sflag:$0x2] =	stream.indirect.gather [hbm4b:s1+s28], $0x80, s4, s28, $0xb8;
	[tilespmem:$0x1F000] =	vst v63  }
0x136: {  	s6 =	simm.s32 $0x100  }
0x137: {  	[tilespmem:s2], [sflag:$0x3] =	stream.indirect.gather [hbm4b:s1+s28], $0x80, s6, s28, $0xb8;
	[tilespmem:$0x1F000] =	vst v63  }
0x138: {  	_ =	swait.ge [sflag:s21], $0x2000  }
0x139: {  	[sflag:s21] =	ssyncset.done $0x0  }
0x13a: {  	[sflag:s21] =	ssyncadd.s32 $0xFFFFE000  }
0x13b: {  	[spmem:s3] =	stream.indirect.scatter.add.f32 [tilespmem:s29], [sflag:$0x5], $0x80, s19, s28, $0xb8;
	[tilespmem:$0x1F000] =	vst v63  }
0x13c: {  	s18 =	simm.s32 $0x180  }
0x13d: {  	[tilespmem:s5], [sflag:$0x4] =	stream.indirect.gather [hbm4b:s1+s28], $0x80, s18, s28, $0xb8;
	[tilespmem:$0x1F000] =	vst v63  }
0x13e: {  	_ =	swait.ge [sflag:s22], $0x2000  }
0x13f: {  	[sflag:s22] =	ssyncset.done $0x0  }
0x140: {  	s30 =	simm.s32 $0x1480;
	[sflag:s22] =	ssyncadd.s32 $0xFFFFE000  }
0x141: {  	[spmem:s3] =	stream.indirect.scatter.add.f32 [tilespmem:s31], [sflag:$0x6], $0x80, s30, s28, $0xb8;
	[tilespmem:$0x1F000] =	vst v63  }
0x142: {  	_ =	swait.ge [sflag:s25], $0x2000  }
0x143: {  	[sflag:s25] =	ssyncset.done $0x0  }
0x144: {  	[sflag:s25] =	ssyncadd.s32 $0xFFFFE000  }
0x145: {  	[tilespmem:s29], [sflag:$0x1] =	stream.indirect.gather [hbm4b:s1+s28], $0x80, s8, s28, $0xb8;
	[tilespmem:$0x1F000] =	vst v63  }
0x146: {  	_ =	swait.ge [sflag:s23], $0x2000  }
0x147: {  	[sflag:s23] =	ssyncset.done $0x0  }
0x148: {  	[sflag:s23] =	ssyncadd.s32 $0xFFFFE000  }
0x149: {  	[spmem:s3] =	stream.indirect.scatter.add.f32 [tilespmem:s2], [sflag:$0x7], $0x80, s9, s28, $0xb8;
	[tilespmem:$0x1F000] =	vst v63  }
0x14a: {  	_ =	swait.ge [sflag:s26], $0x2000  }
0x14b: {  	[sflag:s26] =	ssyncset.done $0x0  }
0x14c: {  	[sflag:s26] =	ssyncadd.s32 $0xFFFFE000  }
0x14d: {  	[tilespmem:s31], [sflag:$0x2] =	stream.indirect.gather [hbm4b:s1+s28], $0x80, s10, s28, $0xb8;
	[tilespmem:$0x1F000] =	vst v63  }
0x14e: {  	_ =	swait.ge [sflag:s24], $0x2000  }
0x14f: {  	[sflag:s24] =	ssyncset.done $0x0  }
0x150: {  	[sflag:s24] =	ssyncadd.s32 $0xFFFFE000  }
0x151: {  	[spmem:s3] =	stream.indirect.scatter.add.f32 [tilespmem:s5], [sflag:$0x8], $0x80, s11, s28, $0xb8;
	[tilespmem:$0x1F000] =	vst v63  }
0x152: {  	_ =	swait.ge [sflag:s12], $0x2000  }
0x153: {  	[sflag:s12] =	ssyncset.done $0x0  }
0x154: {  	[sflag:s12] =	ssyncadd.s32 $0xFFFFE000  }
0x155: {  	[tilespmem:s2], [sflag:$0x3] =	stream.indirect.gather [hbm4b:s1+s28], $0x80, s13, s28, $0xb8;
	[tilespmem:$0x1F000] =	vst v63  }
.LBB2_12:
0x156: {  	_ =	swait.ge [sflag:s21], $0x2000  }
0x157: {  	s18 =	sshra.s32 s17, $0x2;
	[sflag:s21] =	ssyncset.done $0x0  }
0x158: {  	s0 =	sadd.s32 $0x1600, s18;
	[sflag:s21] =	ssyncadd.s32 $0xFFFFE000  }
0x159: {  	[spmem:s3] =	stream.indirect.scatter.add.f32 [tilespmem:s29], [sflag:$0x5], $0x80, s0, s28, $0xb8;
	[tilespmem:$0x1F000] =	vst v63  }
0x15a: {  	_ =	swait.ge [sflag:s14], $0x2000  }
0x15b: {  	[sflag:s14] =	ssyncset.done $0x0  }
0x15c: {  	s4 =	sadd.s32 $0x380, s18;
	[sflag:s14] =	ssyncadd.s32 $0xFFFFE000  }
0x15d: {  	[tilespmem:s5], [sflag:$0x4] =	stream.indirect.gather [hbm4b:s1+s28], $0x80, s4, s28, $0xb8;
	[tilespmem:$0x1F000] =	vst v63  }
0x15e: {  	_ =	swait.ge [sflag:s22], $0x2000  }
0x15f: {  	[sflag:s22] =	ssyncset.done $0x0  }
0x160: {  	s6 =	sadd.s32 $0x1680, s18;
	[sflag:s22] =	ssyncadd.s32 $0xFFFFE000  }
0x161: {  	[spmem:s3] =	stream.indirect.scatter.add.f32 [tilespmem:s31], [sflag:$0x6], $0x80, s6, s28, $0xb8;
	[tilespmem:$0x1F000] =	vst v63  }
0x162: {  	_ =	swait.ge [sflag:s25], $0x2000  }
0x163: {  	p0 =	seq.s32 s17, $0x4000;
	[sflag:s25] =	ssyncset.done $0x0  }
0x164: {  	s0 =	simm.s32 @p0 $0x3;
	[sflag:s25] =	ssyncadd.s32 $0xFFFFE000  }
0x165: {  	_ =	swait.ge @p0 [sflag:s0], $0x2000  }
0x166: {  	[sflag:s0] =	ssyncset.done @p0 $0x0  }
0x167: {  	[sflag:s0] =	ssyncadd.s32 @p0 $0xFFFFE000;
	s0 =	sshra.s32 @p0 s17, $0x2  }
0x168: {  	s4 =	simm.s32 @p0 $0x40;
	s6 =	simm.s32 @p0 $0x6800;
	s0 =	sadd.s32 @p0 $0x1700, s0  }
0x169: {  	[spmem:s3] =	stream.indirect.scatter.add.f32 @p0 [tilespmem:s6], [sflag:$0x7], $0x80, s0, s4, $0xb8;
	[tilespmem:$0x1F000] =	vst v63  }
0x16a: {  	s0 =	simm.s32 @p0 $0x6  }
0x16b: {  	_ =	swait.ge @p0 [sflag:s0], $0x2000  }
0x16c: {  	[sflag:s0] =	ssyncset.done @p0 $0x0  }
0x16d: {  	[sflag:s0] =	ssyncadd.s32 @p0 $0xFFFFE000;
	s0 =	sshra.s32 @!p0 s17, $0x2  }
0x16e: {  	s30 =	simm.s32 @!p0 $0x2800;
	s6 =	simm.s32 @!p0 $0x40;
	s4 =	sadd.s32 @!p0 $0x400, s0  }
0x16f: {  	[tilespmem:s30], [sflag:$0x1] =	stream.indirect.gather @!p0 [hbm4b:s1+s6], $0x80, s4, s6, $0xb8;
	[tilespmem:$0x1F000] =	vst v63  }
0x170: {  	s4 =	simm.s32 @!p0 $0x3  }
0x171: {  	_ =	swait.ge @!p0 [sflag:s4], $0x2000  }
0x172: {  	[sflag:s4] =	ssyncset.done @!p0 $0x0  }
0x173: {  	s30 =	simm.s32 @!p0 $0x6800;
	[sflag:s4] =	ssyncadd.s32 @!p0 $0xFFFFE000;
	s4 =	sadd.s32 @!p0 $0x1700, s0  }
0x174: {  	[spmem:s3] =	stream.indirect.scatter.add.f32 @!p0 [tilespmem:s30], [sflag:$0x7], $0x80, s4, s6, $0xb8;
	[tilespmem:$0x1F000] =	vst v63  }
0x175: {  	s4 =	simm.s32 @!p0 $0x6  }
0x176: {  	_ =	swait.ge @!p0 [sflag:s4], $0x2000  }
0x177: {  	[sflag:s4] =	ssyncset.done @!p0 $0x0  }
0x178: {  	s0 =	sadd.s32 @!p0 $0x480, s0;
	[sflag:s4] =	ssyncadd.s32 @!p0 $0xFFFFE000;
	s4 =	simm.s32 @!p0 $0x4800  }
0x179: {  	[tilespmem:s4], [sflag:$0x2] =	stream.indirect.gather @!p0 [hbm4b:s1+s6], $0x80, s0, s6, $0xb8;
	[tilespmem:$0x1F000] =	vst v63  }
0x17a: {  	_ =	swait.ge [sflag:s24], $0x2000  }
0x17b: {  	[sflag:s24] =	ssyncset.done $0x0  }
.Ltmp8:
0x17c: {  	s30 =	sadd.s32 $0x1780, s18;
	[sflag:s24] =	ssyncadd.s32 $0xFFFFE000;
	(pc) =	sbr.rel @p0 .LBB2_14-.Ltmp8, $4  }
0x17d: {  	[spmem:s3] =	stream.indirect.scatter.add.f32 [tilespmem:s5], [sflag:$0x8], $0x80, s30, s28, $0xb8;
	[tilespmem:$0x1F000] =	vst v63  }
0x17e: {  	_ =	swait.ge [sflag:s12], $0x2000  }
0x17f: {  	[sflag:s12] =	ssyncset.done $0x0  }
0x180: {  	[sflag:s12] =	ssyncadd.s32 $0xFFFFE000  }
.Ltmp9:
0x181: {  	(pc) =	sbr.rel .LBB2_12-.Ltmp9, $3  }
0x182: {  	_ =	sdelay $0x1  }
0x183: {  	s0 =	sadd.s32 $0x500, s18;
	s17 =	sadd.s32 $0x800, s17  }
0x184: {  	[tilespmem:s2], [sflag:$0x3] =	stream.indirect.gather [hbm4b:s1+s28], $0x80, s0, s28, $0xb8;
	[tilespmem:$0x1F000] =	vst v63  }
.LBB2_14:
0x185: {  	_ =	swait.ge [sflag:s14], $0x2000  }
0x186: {  	[sflag:s14] =	ssyncset.done $0x0  }
0x187: {  	s17 =	simm.s32 $0x0;
	s0 =	rddreg [dreg:$0xc];
	[sflag:s14] =	ssyncadd.s32 $0xFFFFE000  }
0x188: {  	[tilespmem:s17], [sflag:$0x9] =	stream.linear.gather [hbm4b:s0+s17], $0x1400, $0x38;
	[tilespmem:$0x1F000] =	vst v63  }
0x189: {  	_ =	swait.ge [sflag:s15], $0x1400  }
0x18a: {  	[sflag:s15] =	ssyncset.done $0x0  }
0x18b: {  	s30 =	rddreg [dreg:$0xd];
	[sflag:s15] =	ssyncadd.s32 $0xFFFFEC00  }
0x18c: {  	[tilespmem:s19], [sflag:$0x9] =	stream.linear.gather [hbm4b:s30+s17], $0x1400, $0x38;
	[tilespmem:$0x1F000] =	vst v63  }
0x18d: {  	_ =	swait.ge [sflag:s15], $0x1400  }
0x18e: {  	[sflag:s15] =	ssyncset.done $0x0  }
0x18f: {  	[sflag:s15] =	ssyncadd.s32 $0xFFFFEC00  }
0x190: {  	[tilespmem:s29], [sflag:$0x1] =	stream.indirect.gather [hbm4b:s1+s28], $0x80, s17, s28, $0xb8;
	[tilespmem:$0x1F000] =	vst v63  }
0x191: {  	s4 =	simm.s32 $0x80  }
0x192: {  	[tilespmem:s31], [sflag:$0x2] =	stream.indirect.gather [hbm4b:s1+s28], $0x80, s4, s28, $0xb8;
	[tilespmem:$0x1F000] =	vst v63  }
0x193: {  	s6 =	simm.s32 $0x100  }
0x194: {  	[tilespmem:s2], [sflag:$0x3] =	stream.indirect.gather [hbm4b:s1+s28], $0x80, s6, s28, $0xb8;
	[tilespmem:$0x1F000] =	vst v63  }
0x195: {  	_ =	swait.ge [sflag:s21], $0x2000  }
0x196: {  	[sflag:s21] =	ssyncset.done $0x0  }
0x197: {  	[sflag:s21] =	ssyncadd.s32 $0xFFFFE000  }
0x198: {  	[spmem:s3] =	stream.indirect.scatter.add.f32 [tilespmem:s29], [sflag:$0x5], $0x80, s19, s28, $0xb8;
	[tilespmem:$0x1F000] =	vst v63  }
0x199: {  	s18 =	simm.s32 $0x180  }
0x19a: {  	[tilespmem:s5], [sflag:$0x4] =	stream.indirect.gather [hbm4b:s1+s28], $0x80, s18, s28, $0xb8;
	[tilespmem:$0x1F000] =	vst v63  }
0x19b: {  	_ =	swait.ge [sflag:s22], $0x2000  }
0x19c: {  	[sflag:s22] =	ssyncset.done $0x0  }
0x19d: {  	s30 =	simm.s32 $0x1480;
	[sflag:s22] =	ssyncadd.s32 $0xFFFFE000  }
0x19e: {  	[spmem:s3] =	stream.indirect.scatter.add.f32 [tilespmem:s31], [sflag:$0x6], $0x80, s30, s28, $0xb8;
	[tilespmem:$0x1F000] =	vst v63  }
0x19f: {  	_ =	swait.ge [sflag:s25], $0x2000  }
0x1a0: {  	[sflag:s25] =	ssyncset.done $0x0  }
0x1a1: {  	[sflag:s25] =	ssyncadd.s32 $0xFFFFE000  }
0x1a2: {  	[tilespmem:s29], [sflag:$0x1] =	stream.indirect.gather [hbm4b:s1+s28], $0x80, s8, s28, $0xb8;
	[tilespmem:$0x1F000] =	vst v63  }
0x1a3: {  	_ =	swait.ge [sflag:s23], $0x2000  }
0x1a4: {  	[sflag:s23] =	ssyncset.done $0x0  }
0x1a5: {  	[sflag:s23] =	ssyncadd.s32 $0xFFFFE000  }
0x1a6: {  	[spmem:s3] =	stream.indirect.scatter.add.f32 [tilespmem:s2], [sflag:$0x7], $0x80, s9, s28, $0xb8;
	[tilespmem:$0x1F000] =	vst v63  }
0x1a7: {  	_ =	swait.ge [sflag:s26], $0x2000  }
0x1a8: {  	[sflag:s26] =	ssyncset.done $0x0  }
0x1a9: {  	[sflag:s26] =	ssyncadd.s32 $0xFFFFE000  }
0x1aa: {  	[tilespmem:s31], [sflag:$0x2] =	stream.indirect.gather [hbm4b:s1+s28], $0x80, s10, s28, $0xb8;
	[tilespmem:$0x1F000] =	vst v63  }
0x1ab: {  	_ =	swait.ge [sflag:s24], $0x2000  }
0x1ac: {  	[sflag:s24] =	ssyncset.done $0x0  }
0x1ad: {  	[sflag:s24] =	ssyncadd.s32 $0xFFFFE000  }
0x1ae: {  	[spmem:s3] =	stream.indirect.scatter.add.f32 [tilespmem:s5], [sflag:$0x8], $0x80, s11, s28, $0xb8;
	[tilespmem:$0x1F000] =	vst v63  }
0x1af: {  	_ =	swait.ge [sflag:s12], $0x2000  }
0x1b0: {  	[sflag:s12] =	ssyncset.done $0x0  }
0x1b1: {  	[sflag:s12] =	ssyncadd.s32 $0xFFFFE000  }
0x1b2: {  	[tilespmem:s2], [sflag:$0x3] =	stream.indirect.gather [hbm4b:s1+s28], $0x80, s13, s28, $0xb8;
	[tilespmem:$0x1F000] =	vst v63  }
.LBB2_15:
0x1b3: {  	_ =	swait.ge [sflag:s21], $0x2000  }
0x1b4: {  	s18 =	sshra.s32 s17, $0x2;
	[sflag:s21] =	ssyncset.done $0x0  }
0x1b5: {  	s0 =	sadd.s32 $0x1600, s18;
	[sflag:s21] =	ssyncadd.s32 $0xFFFFE000  }
0x1b6: {  	[spmem:s3] =	stream.indirect.scatter.add.f32 [tilespmem:s29], [sflag:$0x5], $0x80, s0, s28, $0xb8;
	[tilespmem:$0x1F000] =	vst v63  }
0x1b7: {  	_ =	swait.ge [sflag:s14], $0x2000  }
0x1b8: {  	[sflag:s14] =	ssyncset.done $0x0  }
0x1b9: {  	s4 =	sadd.s32 $0x380, s18;
	[sflag:s14] =	ssyncadd.s32 $0xFFFFE000  }
0x1ba: {  	[tilespmem:s5], [sflag:$0x4] =	stream.indirect.gather [hbm4b:s1+s28], $0x80, s4, s28, $0xb8;
	[tilespmem:$0x1F000] =	vst v63  }
0x1bb: {  	_ =	swait.ge [sflag:s22], $0x2000  }
0x1bc: {  	[sflag:s22] =	ssyncset.done $0x0  }
0x1bd: {  	s6 =	sadd.s32 $0x1680, s18;
	[sflag:s22] =	ssyncadd.s32 $0xFFFFE000  }
0x1be: {  	[spmem:s3] =	stream.indirect.scatter.add.f32 [tilespmem:s31], [sflag:$0x6], $0x80, s6, s28, $0xb8;
	[tilespmem:$0x1F000] =	vst v63  }
0x1bf: {  	_ =	swait.ge [sflag:s25], $0x2000  }
0x1c0: {  	p0 =	seq.s32 s17, $0x4000;
	[sflag:s25] =	ssyncset.done $0x0  }
0x1c1: {  	s0 =	simm.s32 @p0 $0x3;
	[sflag:s25] =	ssyncadd.s32 $0xFFFFE000  }
0x1c2: {  	_ =	swait.ge @p0 [sflag:s0], $0x2000  }
0x1c3: {  	[sflag:s0] =	ssyncset.done @p0 $0x0  }
0x1c4: {  	[sflag:s0] =	ssyncadd.s32 @p0 $0xFFFFE000;
	s0 =	sshra.s32 @p0 s17, $0x2  }
0x1c5: {  	s4 =	simm.s32 @p0 $0x40;
	s6 =	simm.s32 @p0 $0x6800;
	s0 =	sadd.s32 @p0 $0x1700, s0  }
0x1c6: {  	[spmem:s3] =	stream.indirect.scatter.add.f32 @p0 [tilespmem:s6], [sflag:$0x7], $0x80, s0, s4, $0xb8;
	[tilespmem:$0x1F000] =	vst v63  }
0x1c7: {  	s0 =	simm.s32 @p0 $0x6  }
0x1c8: {  	_ =	swait.ge @p0 [sflag:s0], $0x2000  }
0x1c9: {  	[sflag:s0] =	ssyncset.done @p0 $0x0  }
0x1ca: {  	[sflag:s0] =	ssyncadd.s32 @p0 $0xFFFFE000;
	s0 =	sshra.s32 @!p0 s17, $0x2  }
0x1cb: {  	s30 =	simm.s32 @!p0 $0x2800;
	s6 =	simm.s32 @!p0 $0x40;
	s4 =	sadd.s32 @!p0 $0x400, s0  }
0x1cc: {  	[tilespmem:s30], [sflag:$0x1] =	stream.indirect.gather @!p0 [hbm4b:s1+s6], $0x80, s4, s6, $0xb8;
	[tilespmem:$0x1F000] =	vst v63  }
0x1cd: {  	s4 =	simm.s32 @!p0 $0x3  }
0x1ce: {  	_ =	swait.ge @!p0 [sflag:s4], $0x2000  }
0x1cf: {  	[sflag:s4] =	ssyncset.done @!p0 $0x0  }
0x1d0: {  	s30 =	simm.s32 @!p0 $0x6800;
	[sflag:s4] =	ssyncadd.s32 @!p0 $0xFFFFE000;
	s4 =	sadd.s32 @!p0 $0x1700, s0  }
0x1d1: {  	[spmem:s3] =	stream.indirect.scatter.add.f32 @!p0 [tilespmem:s30], [sflag:$0x7], $0x80, s4, s6, $0xb8;
	[tilespmem:$0x1F000] =	vst v63  }
0x1d2: {  	s4 =	simm.s32 @!p0 $0x6  }
0x1d3: {  	_ =	swait.ge @!p0 [sflag:s4], $0x2000  }
0x1d4: {  	[sflag:s4] =	ssyncset.done @!p0 $0x0  }
0x1d5: {  	s0 =	sadd.s32 @!p0 $0x480, s0;
	[sflag:s4] =	ssyncadd.s32 @!p0 $0xFFFFE000;
	s4 =	simm.s32 @!p0 $0x4800  }
0x1d6: {  	[tilespmem:s4], [sflag:$0x2] =	stream.indirect.gather @!p0 [hbm4b:s1+s6], $0x80, s0, s6, $0xb8;
	[tilespmem:$0x1F000] =	vst v63  }
0x1d7: {  	_ =	swait.ge [sflag:s24], $0x2000  }
0x1d8: {  	[sflag:s24] =	ssyncset.done $0x0  }
.Ltmp10:
0x1d9: {  	s30 =	sadd.s32 $0x1780, s18;
	[sflag:s24] =	ssyncadd.s32 $0xFFFFE000;
	(pc) =	sbr.rel @p0 .LBB2_17-.Ltmp10, $4  }
0x1da: {  	[spmem:s3] =	stream.indirect.scatter.add.f32 [tilespmem:s5], [sflag:$0x8], $0x80, s30, s28, $0xb8;
	[tilespmem:$0x1F000] =	vst v63  }
0x1db: {  	_ =	swait.ge [sflag:s12], $0x2000  }
0x1dc: {  	[sflag:s12] =	ssyncset.done $0x0  }
0x1dd: {  	[sflag:s12] =	ssyncadd.s32 $0xFFFFE000  }
.Ltmp11:
0x1de: {  	(pc) =	sbr.rel .LBB2_15-.Ltmp11, $3  }
0x1df: {  	_ =	sdelay $0x1  }
0x1e0: {  	s0 =	sadd.s32 $0x500, s18;
	s17 =	sadd.s32 $0x800, s17  }
0x1e1: {  	[tilespmem:s2], [sflag:$0x3] =	stream.indirect.gather [hbm4b:s1+s28], $0x80, s0, s28, $0xb8;
	[tilespmem:$0x1F000] =	vst v63  }
.LBB2_18:
0x1e2: {  	_ =	sfence.sel $0x180000  }
0x1e3: {  	[bflag:$0x0] =	sbarrier.arrive $0xFFFF  }
0x1e4: {  	_ =	strace $0x9000004D  }
0x1e5: {  	s0 =	stileid.u32;
	[bflag:$0x2] =	sbarrier.arrive $0xFFFF  }
0x1e6: {  	p0 =	sne.s32 s0, $0x0;
	s0 =	rddreg [dreg:$0x3]  }
0x1e7: {  	s0 =	sadd.s32 @!p0 $0x100000, s0  }
0x1e8: {  	[sflag:s0] =	ssyncadd.tile.s32 @!p0 $0x1;
	_ =	shalt  }
.Lfunc_end2:
_tile_overlayer_lowered:
.L_overlay_start_2:
0x1e9: {  	(tag) =	ssettag $0x2  }
0x1ea: {  	s0 =	rddreg [dreg:$0x0];
	s2 =	stileid.u32  }
0x1eb: {  	s1 =	rddreg [dreg:$0x1];
	p0 =	sne.s32 s2, $0x0  }
0x1ec: {  	s3 =	rddreg [dreg:$0x2];
	[bflag:$0x3] =	sbarrier.arrive $0xFFFF;
	s2 =	simm.s32 @!p0 $0x1C09  }
0x1ed: {  	[timem:s3], [sflag:s2] =	dma.local @!p0 [hbm:s0], s1  }
0x1ee: {  	s0 =	simm.s32 @!p0 $0x9  }
0x1ef: {  	_ =	swait.ge @!p0 [sflag:s0], s1  }
0x1f0: {  	s1 =	ssub.s32 @!p0 $0x0, s1;
	[sflag:s0] =	ssyncset.done @!p0 $0x0  }
0x1f1: {  	[sflag:s0] =	ssyncadd.s32 @!p0 s1  }
0x1f2: {  	[bflag:$0x3] =	sbarrier.arrive $0xFFFF  }
0x1f3: {  	_ =	shalt  }

// kernel: kernel.8.cloned.1.call-start
scs
__scs_entry_jumppad:
0x0: {  	(pc) =	sbr.rel $0x88, $3  }
0x1: {  	(tag) =	ssettag $0x0;
	lr =	simm.s32 $0x1  }
0x2: {  	[smem:$0x3F9B] =	sst lr;
	_ =	strace $0xD0000000  }
0x3: {  	_ = 	snop  }
0x4: {  	_ = 	snop  }
0x5: {  	_ = 	snop  }
0x6: {  	_ = 	snop  }
0x7: {  	_ = 	snop  }
__scs_overlays_trampoline_lowered:
0x8: {  	[smem:$0x3FAA] =	sst s0  }
0x9: {  	[smem:$0x3FAB] =	sst s1  }
0xa: {  	[smem:$0x3FAC] =	sst s2  }
0xb: {  	[smem:$0x3FAD] =	sst s3  }
0xc: {  	[smem:$0x3FAE] =	sst s4  }
0xd: {  	[smem:$0x3FAF] =	sst s5  }
0xe: {  	[smem:$0x3FB0] =	sst s6  }
0xf: {  	[smem:$0x3FB1] =	sst s7  }
0x10: {  	[smem:$0x3FB2] =	sst s8  }
0x11: {  	[smem:$0x3FB3] =	sst s9;
	s0 =	simm.s32 @!p0 $0x0  }
0x12: {  	s1 =	sld [smem:$0x3F99];
	s0 =	simm.s32 @p0 $0x1  }
0x13: {  	[smem:$0x3FB4] =	sst s0;
	s0 =	simm.s32 @!p1 $0x0  }
0x14: {  	s2 =	sld [smem:$0x3F98];
	s0 =	simm.s32 @p1 $0x1  }
0x15: {  	[smem:$0x3FB5] =	sst s0;
	s0 =	simm.s32 @!p2 $0x0  }
0x16: {  	s3 =	sld [smem:$0x3FDB];
	s0 =	simm.s32 @p2 $0x1  }
0x17: {  	s4 =	simm.s32 $0x1BF5;
	[smem:$0x3FB7] =	sst s0  }
0x18: {  	s0 =	sld [smem:$0x3F9A];
	_ =	swait.ge [sflag:s4], $0x0  }
0x19: {  	s7 =	sld [smem:$0x3F9B]  }
0x1a: {  	s8 =	sadd.s32 $0xFFFFE003, lr  }
0x1b: {  	s9 =	sadd.s32 $0xFFFFFEF7, lr;
	s5 =	simm.s32 $0xFFFFFFFF;
	p2 =	slt.u32 s8, $0xFFFFF086  }
0x1c: {  	p1 =	slt.u32 s9, $0xF7A;
	s5 =	simm.s32 @!p2 $0x0  }
0x1d: {  	s5 =	simm.s32 @p1 $0x1;
	p0 =	seq.s32 s7, s2  }
0x1e: {  	s7 =	smul.u32 @!p0 $0xF7A, s2;
	p2 =	seq.s32 @!p0 s5, $0x0  }
0x1f: {  	s9 =	smul.u32 $0xF7A, s1;
	s8 =	simm.s32 @!p0 $0x1BF5;
	p2 =	por !p2, p0  }
0x20: {  	[sflag:s8] =	ssyncset.s32 @!p0 $0xFFFFF086;
	s6 =	sadd.s32 @!p0 s3, s7;
	s7 =	simm.s32 @!p0 $0x108  }
0x21: {  	s3 =	sadd.s32 s3, s9;
	s6 =	sadd.s32 @!p0 $0x88, s6;
	s7 =	simm.s32 @p2 $0x1082  }
0x22: {  	[simem:s7], [sflag:s8] =	dma.local @!p0 [hbm:s6], $0xF7A  }
0x23: {  	s9 =	sor.u32 $0xD0000000, s2;
	s6 =	simm.s32 $0x108;
	_ =	swait.ge @!p0 [sflag:s8], $0x0  }
0x24: {  	s3 =	sadd.s32 $0x88, s3;
	s6 =	simm.s32 @!p1 $0x1082;
	[sflag:s4] =	ssyncset.s32 $0xFFFFF086  }
0x25: {  	[simem:s6], [sflag:s4] =	dma.local [hbm:s3], $0xF7A  }
0x26: {  	[smem:$0x3F9B] =	sst s1;
	(tag) =	ssettag s2;
	_ =	strace s9  }
0x27: {  	s1 =	sld [smem:$0x3FAB]  }
0x28: {  	s2 =	sld [smem:$0x3FAC]  }
0x29: {  	s4 =	sld [smem:$0x3FAE]  }
0x2a: {  	p0 =	seq.s32 s5, $0x0;
	s5 =	sld [smem:$0x3FAF]  }
0x2b: {  	s6 =	sld [smem:$0x3FB0]  }
0x2c: {  	s7 =	sld [smem:$0x3FB1]  }
0x2d: {  	s3 =	simm.s32 $0x108;
	s8 =	sld [smem:$0x3FB2]  }
0x2e: {  	s3 =	simm.s32 @!p0 $0x1082;
	s9 =	sld [smem:$0x3FB3]  }
0x2f: {  	lr =	sadd.s32 s0, s3;
	s0 =	sld [smem:$0x3FAA]  }
0x30: {  	s3 =	sld [smem:$0x3FAD]  }
0x31: {  	[smem:$0x3FB6] =	sst s10  }
0x32: {  	s10 =	sld [smem:$0x3FB4];
	_ =	sdelay $0x3  }
0x33: {  	p0 =	seq.s32 s10, $0x1;
	s10 =	sld [smem:$0x3FB6];
	_ =	sdelay $0x3  }
0x34: {  	[smem:$0x3FB6] =	sst s10  }
0x35: {  	s10 =	sld [smem:$0x3FB5];
	_ =	sdelay $0x3  }
0x36: {  	p1 =	seq.s32 s10, $0x1;
	s10 =	sld [smem:$0x3FB6];
	_ =	sdelay $0x3  }
0x37: {  	[smem:$0x3FB6] =	sst s10  }
0x38: {  	s10 =	sld [smem:$0x3FB7]  }
0x39: {  	_ = 	snop;
	(pc) =	sbr.ind lr, $3  }
0x3a: {  	_ = 	snop  }
0x3b: {  	_ = 	snop  }
0x3c: {  	p2 =	seq.s32 s10, $0x1;
	s10 =	sld [smem:$0x3FB6]  }
0x3d: {  	_ =	shalt  }
0x3e: {  	_ =	shalt  }
0x3f: {  	_ =	shalt  }
0x40: {  	_ =	shalt  }
0x41: {  	_ =	shalt  }
0x42: {  	_ =	shalt  }
0x43: {  	_ =	shalt  }
0x44: {  	_ =	shalt  }
0x45: {  	_ =	shalt  }
0x46: {  	_ =	shalt  }
0x47: {  	_ =	shalt  }
0x48: {  	_ =	shalt  }
0x49: {  	_ =	shalt  }
0x4a: {  	_ =	shalt  }
0x4b: {  	_ =	shalt  }
0x4c: {  	_ =	shalt  }
0x4d: {  	_ =	shalt  }
0x4e: {  	_ =	shalt  }
0x4f: {  	_ =	shalt  }
0x50: {  	_ =	shalt  }
0x51: {  	_ =	shalt  }
0x52: {  	_ =	shalt  }
0x53: {  	_ =	shalt  }
0x54: {  	_ =	shalt  }
0x55: {  	_ =	shalt  }
0x56: {  	_ =	shalt  }
0x57: {  	_ =	shalt  }
0x58: {  	_ =	shalt  }
0x59: {  	_ =	shalt  }
0x5a: {  	_ =	shalt  }
0x5b: {  	_ =	shalt  }
0x5c: {  	_ =	shalt  }
0x5d: {  	_ =	shalt  }
0x5e: {  	_ =	shalt  }
0x5f: {  	_ =	shalt  }
0x60: {  	_ =	shalt  }
0x61: {  	_ =	shalt  }
0x62: {  	_ =	shalt  }
0x63: {  	_ =	shalt  }
0x64: {  	_ =	shalt  }
0x65: {  	_ =	shalt  }
0x66: {  	_ =	shalt  }
0x67: {  	_ =	shalt  }
0x68: {  	_ =	shalt  }
0x69: {  	_ =	shalt  }
0x6a: {  	_ =	shalt  }
0x6b: {  	_ =	shalt  }
0x6c: {  	_ =	shalt  }
0x6d: {  	_ =	shalt  }
0x6e: {  	_ =	shalt  }
0x6f: {  	_ =	shalt  }
0x70: {  	_ =	shalt  }
0x71: {  	_ =	shalt  }
0x72: {  	_ =	shalt  }
0x73: {  	_ =	shalt  }
0x74: {  	_ =	shalt  }
0x75: {  	_ =	shalt  }
0x76: {  	_ =	shalt  }
0x77: {  	_ =	shalt  }
0x78: {  	_ =	shalt  }
0x79: {  	_ =	shalt  }
0x7a: {  	_ =	shalt  }
0x7b: {  	_ =	shalt  }
0x7c: {  	_ =	shalt  }
0x7d: {  	_ =	shalt  }
0x7e: {  	_ =	shalt  }
0x7f: {  	_ =	shalt  }
0x80: {  	_ =	shalt  }
0x81: {  	_ =	shalt  }
0x82: {  	_ =	shalt  }
0x83: {  	_ =	shalt  }
0x84: {  	_ =	shalt  }
0x85: {  	_ =	shalt  }
0x86: {  	_ =	shalt  }
0x87: {  	_ =	shalt  }
.Lfunc_end0:
.L_simem_size_0:
called_computation_lowered:
.L_overlay_start_0:
0x88: {  	s2 =	sld [smem:$0x3FD9]  }
0x89: {  	s3 =	sld [smem:$0x3FFE];
	_ =	sdelay $0x1  }
0x8a: {  	s1 =	srdreg.scid  }
0x8b: {  	s0 =	sand.u32 $0x1, s1  }
0x8c: {  	s17 =	sshll.u32 s0, $0xA;
	s2 =	sadd.s32 s3, s2  }
0x8d: {  	s2 =	sadd.s32 s2, s17  }
0x8e: {  	[smem:$0x3FC2] =	sst s2  }
0x8f: {  	_ = 	snop  }
0x90: {  	s2 =	sld [smem:$0x3FD0];
	(tm) =	ssettm $0x1  }
0x91: {  	s18 =	sld [smem:$0x3FFB];
	_ =	sdelay $0x3  }
0x92: {  	_ =	strace s18  }
0x93: {  	s3 =	sld [smem:$0x3FFC];
	_ =	sdelay $0x3  }
0x94: {  	_ =	strace s3  }
0x95: {  	s3 =	sld [smem:$0x3FFD];
	_ =	sdelay $0x3  }
0x96: {  	_ =	strace s3  }
0x97: {  	_ =	strace $0x8FFFFFFF  }
0x98: {  	s19 =	sld [smem:$0x3FDB];
	_ =	sdelay $0x1  }
0x99: {  	s4 =	simm.s32 $_scs_section_size  }
0x9a: {  	s5 =	simm.s32 $_size__tile_overlayer_lowered;
	s6 =	simm.s32 $_tile_overlayer_lowered  }
0x9b: {  	s22 =	simm.s32 $0x1BFF;
	s21 =	sshll.u32 s6, $0x1;
	s3 =	sadd.s32 s4, s19  }
0x9c: {  	s7 =	simm.s32 $0x0;
	s20 =	sshll.u32 s5, $0x1;
	s5 =	sadd.s32 s21, s3  }
0x9d: {  	[timem:s7], [sflag:s22] =	dma.local [hbm:s5], s20  }
0x9e: {  	_ =	swait.ge [sflag:s22], s20  }
0x9f: {  	s4 =	ssub.s32 $0x0, s20;
	[sflag:s22] =	ssyncset.done $0x0  }
0xa0: {  	[sflag:s22] =	ssyncadd.s32 s4;
	_ =	sdelay $0x1  }
0xa1: {  	s23 =	simm.s32 $0x1B8B  }
0xa2: {  	_ =	swait.ge [sflag:s23], $0x1  }
0xa3: {  	[sflag:s23] =	ssyncset.done $0x0  }
0xa4: {  	s25 =	simm.s32 $0x1B8E;
	s24 =	sld [smem:$0x3FFE];
	[sflag:s23] =	ssyncadd.s32 $0xFFFFFFFF  }
0xa5: {  	s26 =	simm.s32 $execute0_lowered;
	[smem:$0x3FD2] =	sst s25  }
0xa6: {  	s5 =	sshll.u32 s26, $0x1;
	_ =	strace $0x80000046;
	[dreg:$0x1] =	wrdreg $0xFFFFFFFF  }
0xa7: {  	s28 =	simm.s32 $_size_execute0_lowered;
	s3 =	sadd.s32 s3, s5;
	[dreg:$0x0] =	wrdreg $0x0  }
0xa8: {  	s5 =	sshll.u32 s28, $0x1;
	[dreg:$0x2] =	wrdreg s3  }
0xa9: {  	[dreg:$0x3] =	wrdreg s5  }
0xaa: {  	[dreg:$0x4] =	wrdreg $0xC0  }
0xab: {  	_ =	task [dreg:s7], $0x5FFFF  }
0xac: {  	[dreg:$0x1] =	wrdreg $0xFFFFFFFF  }
0xad: {  	[dreg:$0x0] =	wrdreg $0x60  }
0xae: {  	[dreg:$0x2] =	wrdreg s24  }
0xaf: {  	[dreg:$0x3] =	wrdreg s2  }
0xb0: {  	[dreg:$0x4] =	wrdreg $0x53000  }
0xb1: {  	[dreg:$0x5] =	wrdreg $0x9  }
0xb2: {  	_ =	task.clear_ibuf [dreg:s7], $0x6FFFF;
	_ =	strace $0x90000046  }
0xb3: {  	s29 =	simm.s32 $0x9;
	_ =	strace $0x80000048  }
0xb4: {  	_ =	swait.ge [sflag:s29], $0x1  }
0xb5: {  	[sflag:s29] =	ssyncadd.s32 $0xFFFFFFFF  }
0xb6: {  	_ =	strace $0x90000048  }
0xb7: {  	_ =	sfence  }
0xb8: {  	s30 =	sld [smem:$0x0];
	_ =	sdelay $0x2  }
0xb9: {  	s31 =	sshll.u32 s1, $0xD;
	s1 =	sshrl.u32 s1, $0x2  }
0xba: {  	s3 =	sand.u32 $0x4000, s31;
	s1 =	sadd.s32 s1, s30  }
0xbb: {  	s0 =	sor.u32 s3, s0;
	s1 =	sshll.u32 s1, $0x11  }
0xbc: {  	s0 =	sor.u32 s1, s0  }
0xbd: {  	s0 =	sadd.s32 $0x8F2B, s0  }
0xbe: {  	[sflag:s0] =	ssyncadd.remote.s32 $0x1  }
0xbf: {  	_ =	sfence.sel $0xFFFF  }
0xc0: {  	[dreg:$0x0] =	wrdreg $0xFFFFFFFF;
	(pc) =	sbr.abs _section_cstart, $3  }
0xc1: {  	[dreg:$0x1] =	wrdreg $0xFFFFFFFF  }
0xc2: {  	_ =	task.clear_ibuf [dreg:s7], $0x2FFFF;
	_ =	strace $0x9FFFFFFF  }
0xc3: {  	(tm) =	ssettm $0x7FFFFFFF  }
tec
execute0_lowered:
.L_overlay_start_1:
0x0: {  	(tag) =	ssettag $0x1  }
0x1: {  	s4 =	rddreg [dreg:$0x0]  }
0x2: {  	s9 =	rddreg [dreg:$0x1]  }
0x3: {  	s1 =	rddreg [dreg:$0x2]  }
0x4: {  	s0 =	rddreg [dreg:$0x3];
	s3 =	simm.s32 $0x0;
	s5 =	srdreg.scid  }
0x5: {  	s2 =	stileid.u32;
	s14 =	simm.s32 $0x5000;
	s15 =	simm.s32 $0x80  }
0x6: {  	s16 =	simm.s32 $0x100;
	s17 =	simm.s32 $0x180;
	s18 =	simm.s32 $0x1  }
0x7: {  	s19 =	simm.s32 $0x2;
	s20 =	simm.s32 $0x3;
	s21 =	simm.s32 $0x4  }
0x8: {  	s22 =	simm.s32 $0x20;
	s23 =	simm.s32 $0x10;
	s6 =	smul.u32 $0xA00, s2  }
0x9: {  	s24 =	simm.s32 $0x0;
	[smem:$0x7FF] =	sst s3;
	s11 =	smul.u32 $0xA000, s2  }
0xa: {  	s5 =	sand.u32 $0x1, s5;
	s7 =	sadd.s32 $0x1E00, s4;
	s31 =	smul.u32 $0x500, s2  }
0xb: {  	s8 =	sadd.s32 $0x15E00, s4;
	s12 =	smul.u32 $0x1400, s2;
	_ =	strace $0x80000047  }
0xc: {  	s30 =	ssub.s32 $0x2, s5;
	s13 =	sshll.u32 s5, $0x7;
	p0 =	seq.s32 s5, $0x1  }
0xd: {  	s10 =	sshrl.u32 s30, $0x1;
	s6 =	sshrl.u32 s6, $0x2;
	s11 =	sshrl.u32 s11, $0x3  }
.Ltmp0:
0xe: {  	s13 =	sor.u32 s13, s31;
	s5 =	sadd.s32 s7, s12;
	(pc) =	sbr.rel .LBB2_1-.Ltmp0, $4  }
0xf: {  	s10 =	ssub.s32 s30, s10;
	s4 =	sadd.s32 s6, s1;
	s11 =	sadd.s32 $0xA00, s11  }
0x10: {  	s13 =	sshrl.u32 s13, $0x3;
	s6 =	sadd.s32 s7, s11;
	s7 =	sadd.s32 s8, s12  }
0x11: {  	s8 =	sadd.s32 s8, s11;
	s9 =	sadd.s32 s9, s13;
	s10 =	smax.u32 s10, $0x1  }
0x12: {  	v0 =	vimm.f32 $1.000000000e+00;
	v1 =	vimm.f32 $0.0e+00;
	s11 =	simm.s32 $0x5080;
	s12 =	simm.s32 $0x5;
	s13 =	simm.s32 $0x40  }
.LBB2_11:
0x13: {  	[spmem:s1] =	stream.indirect.scatter.add.f32 [tilespmem:s14], [sflag:$0x4], $0x1, s26, s13, $0xb8;
	[tilespmem:$0x5580] =	vst v63  }
.LBB2_12:
0x14: {  	_ =	swait.ge [sflag:s18], $0x40  }
0x15: {  	[sflag:s18] =	ssyncset.done $0x0  }
0x16: {  	[sflag:s18] =	ssyncadd.s32 $0xFFFFFFC0  }
0x17: {  	_ =	swait.ge [sflag:s19], $0x40  }
0x18: {  	[sflag:s19] =	ssyncset.done $0x0  }
0x19: {  	[sflag:s19] =	ssyncadd.s32 $0xFFFFFFC0  }
0x1a: {  	_ =	swait.ge [sflag:s20], $0x40  }
0x1b: {  	[sflag:s20] =	ssyncset.done $0x0  }
0x1c: {  	[sflag:s20] =	ssyncadd.s32 $0xFFFFFFC0  }
0x1d: {  	_ =	swait.ge [sflag:s21], $0x40  }
0x1e: {  	s25 =	sshll.u32 s2, $0x6;
	s24 =	sadd.s32 $0x1, s24;
	[sflag:s21] =	ssyncset.done $0x0  }
0x1f: {  	s26 =	sshrl.u32 s4, $0x3;
	p1 =	sne.s32 s24, s10;
	[sflag:s21] =	ssyncadd.s32 $0xFFFFFFC0  }
.Ltmp1:
0x20: {  	s25 =	sor.u32 $0x1C05, s25;
	[bflag:$0x0] =	sbarrier.arrive $0xFFFF;
	(pc) =	sbr.rel @!p1 .LBB2_13-.Ltmp1, $4  }
0x21: {  	[hbm:s9@s22], [sflag:s25] =	dma.strided [spmem:s26@s23], $0x50, s18, $0x10   }
0x22: {  	_ =	swait.ge [sflag:s12], $0x50  }
0x23: {  	[sflag:s12] =	ssyncset.done $0x0  }
0x24: {  	[sflag:s12] =	ssyncadd.s32 $0xFFFFFFB0  }
.LBB2_1:
0x25: {  	[tilespmem:$0x5000] =	vst v0  }
0x26: {  	[tilespmem:$0x5010] =	vst v0  }
0x27: {  	[tilespmem:$0x5020] =	vst v0  }
0x28: {  	[tilespmem:$0x5030] =	vst v0  }
0x29: {  	[tilespmem:$0x5080] =	vst v1  }
0x2a: {  	[tilespmem:$0x5090] =	vst v1  }
0x2b: {  	[tilespmem:$0x50A0] =	vst v1  }
0x2c: {  	[tilespmem:$0x50B0] =	vst v1  }
0x2d: {  	[tilespmem:$0x50C0] =	vst v1  }
0x2e: {  	[tilespmem:$0x50D0] =	vst v1  }
0x2f: {  	[tilespmem:$0x50E0] =	vst v1  }
0x30: {  	[tilespmem:$0x50F0] =	vst v1  }
0x31: {  	[tilespmem:$0x5100] =	vst v1  }
0x32: {  	[tilespmem:$0x5110] =	vst v1  }
0x33: {  	[tilespmem:$0x5120] =	vst v1  }
0x34: {  	[tilespmem:$0x5130] =	vst v1  }
0x35: {  	[tilespmem:$0x5140] =	vst v1  }
0x36: {  	[tilespmem:$0x5150] =	vst v1  }
0x37: {  	[tilespmem:$0x5160] =	vst v1  }
0x38: {  	[tilespmem:$0x5170] =	vst v1  }
0x39: {  	[tilespmem:$0x5180] =	vst v1  }
0x3a: {  	[tilespmem:$0x5190] =	vst v1  }
0x3b: {  	[tilespmem:$0x51A0] =	vst v1  }
0x3c: {  	[tilespmem:$0x51B0] =	vst v1  }
0x3d: {  	[tilespmem:$0x51C0] =	vst v1  }
0x3e: {  	[tilespmem:$0x51D0] =	vst v1  }
0x3f: {  	[tilespmem:$0x51E0] =	vst v1  }
0x40: {  	[tilespmem:$0x51F0] =	vst v1  }
0x41: {  	[tilespmem:$0x5200] =	vst v1  }
0x42: {  	[tilespmem:$0x5210] =	vst v1  }
0x43: {  	[tilespmem:$0x5220] =	vst v1  }
0x44: {  	[tilespmem:$0x5230] =	vst v1  }
0x45: {  	[tilespmem:$0x5240] =	vst v1  }
0x46: {  	[tilespmem:$0x5250] =	vst v1  }
0x47: {  	[tilespmem:$0x5260] =	vst v1  }
0x48: {  	[tilespmem:$0x5270] =	vst v1  }
0x49: {  	[tilespmem:$0x5280] =	vst v1  }
0x4a: {  	[tilespmem:$0x5290] =	vst v1  }
0x4b: {  	[tilespmem:$0x52A0] =	vst v1  }
0x4c: {  	[tilespmem:$0x52B0] =	vst v1  }
0x4d: {  	[tilespmem:$0x52C0] =	vst v1  }
0x4e: {  	[tilespmem:$0x52D0] =	vst v1  }
0x4f: {  	[tilespmem:$0x52E0] =	vst v1  }
0x50: {  	[tilespmem:$0x52F0] =	vst v1  }
0x51: {  	[spmem:s4] =	stream.linear.scatter [tilespmem:s11], [sflag:$0x5], $0x280, $0x38;
	[tilespmem:$0x5580] =	vst v63  }
.Ltmp2:
0x52: {  	_ =	swait.ge [sflag:s12], $0x280;
	(pc) =	sbr.rel @!p0 .LBB2_2-.Ltmp2, $3  }
0x53: {  	[sflag:s12] =	ssyncset.done $0x0  }
0x54: {  	[sflag:s12] =	ssyncadd.s32 $0xFFFFFD80  }
0x55: {  	[bflag:$0x0] =	sbarrier.arrive $0xFFFF;
	_ =	sdelay $0x1  }
0x56: {  	[tilespmem:s3], [sflag:$0x5] =	stream.linear.gather [hbm4b:s7+s3], $0x5000, $0x38;
	[tilespmem:$0x5580] =	vst v63  }
0x57: {  	_ =	swait.ge [sflag:s12], $0x5000  }
0x58: {  	[sflag:s12] =	ssyncset.done $0x0  }
0x59: {  	[sflag:s12] =	ssyncadd.s32 $0xFFFFB000  }
0x5a: {  	[spmem:s1] =	stream.indirect.scatter.add.f32 [tilespmem:s14], [sflag:$0x1], $0x1, s3, s13, $0xb8;
	[tilespmem:$0x5580] =	vst v63  }
0x5b: {  	_ = 	snop  }
0x5c: {  	[spmem:s1] =	stream.indirect.scatter.add.f32 [tilespmem:s14], [sflag:$0x2], $0x1, s15, s13, $0xb8;
	[tilespmem:$0x5580] =	vst v63  }
0x5d: {  	_ = 	snop  }
0x5e: {  	[spmem:s1] =	stream.indirect.scatter.add.f32 [tilespmem:s14], [sflag:$0x3], $0x1, s16, s13, $0xb8;
	[tilespmem:$0x5580] =	vst v63  }
0x5f: {  	_ = 	snop  }
0x60: {  	[spmem:s1] =	stream.indirect.scatter.add.f32 [tilespmem:s14], [sflag:$0x4], $0x1, s17, s13, $0xb8;
	[tilespmem:$0x5580] =	vst v63  }
0x61: {  	_ =	swait.ge [sflag:s18], $0x40  }
0x62: {  	[sflag:s18] =	ssyncset.done $0x0  }
0x63: {  	s25 =	simm.s32 $0x200;
	[sflag:s18] =	ssyncadd.s32 $0xFFFFFFC0  }
0x64: {  	[spmem:s1] =	stream.indirect.scatter.add.f32 [tilespmem:s14], [sflag:$0x1], $0x1, s25, s13, $0xb8;
	[tilespmem:$0x5580] =	vst v63  }
0x65: {  	_ =	swait.ge [sflag:s19], $0x40  }
0x66: {  	[sflag:s19] =	ssyncset.done $0x0  }
0x67: {  	s30 =	simm.s32 $0x280;
	[sflag:s19] =	ssyncadd.s32 $0xFFFFFFC0  }
0x68: {  	[spmem:s1] =	stream.indirect.scatter.add.f32 [tilespmem:s14], [sflag:$0x2], $0x1, s30, s13, $0xb8;
	[tilespmem:$0x5580] =	vst v63  }
0x69: {  	_ =	swait.ge [sflag:s20], $0x40  }
0x6a: {  	[sflag:s20] =	ssyncset.done $0x0  }
0x6b: {  	s31 =	simm.s32 $0x300;
	[sflag:s20] =	ssyncadd.s32 $0xFFFFFFC0  }
0x6c: {  	[spmem:s1] =	stream.indirect.scatter.add.f32 [tilespmem:s14], [sflag:$0x3], $0x1, s31, s13, $0xb8;
	[tilespmem:$0x5580] =	vst v63  }
0x6d: {  	_ =	swait.ge [sflag:s21], $0x40  }
0x6e: {  	[sflag:s21] =	ssyncset.done $0x0  }
0x6f: {  	s26 =	simm.s32 $0x380;
	s25 =	simm.s32 $0xFFFED000;
	[sflag:s21] =	ssyncadd.s32 $0xFFFFFFC0  }
.LBB2_8:
0x70: {  	[spmem:s1] =	stream.indirect.scatter.add.f32 [tilespmem:s14], [sflag:$0x4], $0x1, s26, s13, $0xb8;
	[tilespmem:$0x5580] =	vst v63  }
0x71: {  	s26 =	smov.u32 s25  }
0x72: {  	p1 =	sne.s32 s25, $0xFFFFF800;
	s25 =	sadd.s32 $0x800, s25;
	_ =	swait.ge [sflag:s18], $0x40  }
0x73: {  	s26 =	sshra.s32 s26, $0x2;
	[sflag:s18] =	ssyncset.done $0x0  }
0x74: {  	s28 =	sadd.s32 $0x5000, s26;
	[sflag:s18] =	ssyncadd.s32 $0xFFFFFFC0  }
0x75: {  	[spmem:s1] =	stream.indirect.scatter.add.f32 [tilespmem:s14], [sflag:$0x1], $0x1, s28, s13, $0xb8;
	[tilespmem:$0x5580] =	vst v63  }
0x76: {  	_ =	swait.ge [sflag:s19], $0x40  }
0x77: {  	[sflag:s19] =	ssyncset.done $0x0  }
0x78: {  	s28 =	sadd.s32 $0x5080, s26;
	[sflag:s19] =	ssyncadd.s32 $0xFFFFFFC0  }
0x79: {  	[spmem:s1] =	stream.indirect.scatter.add.f32 [tilespmem:s14], [sflag:$0x2], $0x1, s28, s13, $0xb8;
	[tilespmem:$0x5580] =	vst v63  }
0x7a: {  	_ =	swait.ge [sflag:s20], $0x40  }
0x7b: {  	[sflag:s20] =	ssyncset.done $0x0  }
.Ltmp3:
0x7c: {  	s28 =	sadd.s32 $0x5100, s26;
	[sflag:s20] =	ssyncadd.s32 $0xFFFFFFC0;
	(pc) =	sbr.rel @p1 .LBB2_8-.Ltmp3, $4  }
0x7d: {  	[spmem:s1] =	stream.indirect.scatter.add.f32 [tilespmem:s14], [sflag:$0x3], $0x1, s28, s13, $0xb8;
	[tilespmem:$0x5580] =	vst v63  }
0x7e: {  	_ =	swait.ge [sflag:s21], $0x40  }
0x7f: {  	[sflag:s21] =	ssyncset.done $0x0  }
0x80: {  	s26 =	sadd.s32 $0x5180, s26;
	[sflag:s21] =	ssyncadd.s32 $0xFFFFFFC0  }
0x81: {  	[spmem:s1] =	stream.indirect.scatter.add.f32 [tilespmem:s14], [sflag:$0x4], $0x1, s26, s13, $0xb8;
	[tilespmem:$0x5580] =	vst v63  }
0x82: {  	_ =	swait.ge [sflag:s18], $0x40  }
0x83: {  	[sflag:s18] =	ssyncset.done $0x0  }
0x84: {  	[sflag:s18] =	ssyncadd.s32 $0xFFFFFFC0  }
0x85: {  	_ =	swait.ge [sflag:s19], $0x40  }
0x86: {  	[sflag:s19] =	ssyncset.done $0x0  }
0x87: {  	[sflag:s19] =	ssyncadd.s32 $0xFFFFFFC0  }
0x88: {  	_ =	swait.ge [sflag:s20], $0x40  }
0x89: {  	[sflag:s20] =	ssyncset.done $0x0  }
0x8a: {  	[sflag:s20] =	ssyncadd.s32 $0xFFFFFFC0  }
0x8b: {  	_ =	swait.ge [sflag:s21], $0x40  }
0x8c: {  	[sflag:s21] =	ssyncset.done $0x0  }
0x8d: {  	[sflag:s21] =	ssyncadd.s32 $0xFFFFFFC0  }
0x8e: {  	[tilespmem:s3], [sflag:$0x5] =	stream.linear.gather [hbm4b:s8+s3], $0x5000, $0x38;
	[tilespmem:$0x5580] =	vst v63  }
0x8f: {  	_ =	swait.ge [sflag:s12], $0x5000  }
0x90: {  	[sflag:s12] =	ssyncset.done $0x0  }
0x91: {  	[sflag:s12] =	ssyncadd.s32 $0xFFFFB000  }
0x92: {  	[spmem:s1] =	stream.indirect.scatter.add.f32 [tilespmem:s14], [sflag:$0x1], $0x1, s3, s13, $0xb8;
	[tilespmem:$0x5580] =	vst v63  }
0x93: {  	_ = 	snop  }
0x94: {  	[spmem:s1] =	stream.indirect.scatter.add.f32 [tilespmem:s14], [sflag:$0x2], $0x1, s15, s13, $0xb8;
	[tilespmem:$0x5580] =	vst v63  }
0x95: {  	_ = 	snop  }
0x96: {  	[spmem:s1] =	stream.indirect.scatter.add.f32 [tilespmem:s14], [sflag:$0x3], $0x1, s16, s13, $0xb8;
	[tilespmem:$0x5580] =	vst v63  }
0x97: {  	_ = 	snop  }
0x98: {  	[spmem:s1] =	stream.indirect.scatter.add.f32 [tilespmem:s14], [sflag:$0x4], $0x1, s17, s13, $0xb8;
	[tilespmem:$0x5580] =	vst v63  }
0x99: {  	_ =	swait.ge [sflag:s18], $0x40  }
0x9a: {  	[sflag:s18] =	ssyncset.done $0x0  }
0x9b: {  	s25 =	simm.s32 $0x200;
	[sflag:s18] =	ssyncadd.s32 $0xFFFFFFC0  }
0x9c: {  	[spmem:s1] =	stream.indirect.scatter.add.f32 [tilespmem:s14], [sflag:$0x1], $0x1, s25, s13, $0xb8;
	[tilespmem:$0x5580] =	vst v63  }
0x9d: {  	_ =	swait.ge [sflag:s19], $0x40  }
0x9e: {  	[sflag:s19] =	ssyncset.done $0x0  }
0x9f: {  	s30 =	simm.s32 $0x280;
	[sflag:s19] =	ssyncadd.s32 $0xFFFFFFC0  }
0xa0: {  	[spmem:s1] =	stream.indirect.scatter.add.f32 [tilespmem:s14], [sflag:$0x2], $0x1, s30, s13, $0xb8;
	[tilespmem:$0x5580] =	vst v63  }
0xa1: {  	_ =	swait.ge [sflag:s20], $0x40  }
0xa2: {  	[sflag:s20] =	ssyncset.done $0x0  }
0xa3: {  	s31 =	simm.s32 $0x300;
	[sflag:s20] =	ssyncadd.s32 $0xFFFFFFC0  }
0xa4: {  	[spmem:s1] =	stream.indirect.scatter.add.f32 [tilespmem:s14], [sflag:$0x3], $0x1, s31, s13, $0xb8;
	[tilespmem:$0x5580] =	vst v63  }
0xa5: {  	_ =	swait.ge [sflag:s21], $0x40  }
0xa6: {  	[sflag:s21] =	ssyncset.done $0x0  }
0xa7: {  	s26 =	simm.s32 $0x380;
	s25 =	simm.s32 $0xFFFED000;
	[sflag:s21] =	ssyncadd.s32 $0xFFFFFFC0  }
.LBB2_10:
0xa8: {  	[spmem:s1] =	stream.indirect.scatter.add.f32 [tilespmem:s14], [sflag:$0x4], $0x1, s26, s13, $0xb8;
	[tilespmem:$0x5580] =	vst v63  }
0xa9: {  	s26 =	smov.u32 s25  }
0xaa: {  	p1 =	sne.s32 s25, $0xFFFFF800;
	s25 =	sadd.s32 $0x800, s25;
	_ =	swait.ge [sflag:s18], $0x40  }
0xab: {  	s26 =	sshra.s32 s26, $0x2;
	[sflag:s18] =	ssyncset.done $0x0  }
0xac: {  	s28 =	sadd.s32 $0x5000, s26;
	[sflag:s18] =	ssyncadd.s32 $0xFFFFFFC0  }
0xad: {  	[spmem:s1] =	stream.indirect.scatter.add.f32 [tilespmem:s14], [sflag:$0x1], $0x1, s28, s13, $0xb8;
	[tilespmem:$0x5580] =	vst v63  }
0xae: {  	_ =	swait.ge [sflag:s19], $0x40  }
0xaf: {  	[sflag:s19] =	ssyncset.done $0x0  }
0xb0: {  	s28 =	sadd.s32 $0x5080, s26;
	[sflag:s19] =	ssyncadd.s32 $0xFFFFFFC0  }
0xb1: {  	[spmem:s1] =	stream.indirect.scatter.add.f32 [tilespmem:s14], [sflag:$0x2], $0x1, s28, s13, $0xb8;
	[tilespmem:$0x5580] =	vst v63  }
0xb2: {  	_ =	swait.ge [sflag:s20], $0x40  }
0xb3: {  	[sflag:s20] =	ssyncset.done $0x0  }
.Ltmp4:
0xb4: {  	s28 =	sadd.s32 $0x5100, s26;
	[sflag:s20] =	ssyncadd.s32 $0xFFFFFFC0;
	(pc) =	sbr.rel @p1 .LBB2_10-.Ltmp4, $4  }
0xb5: {  	[spmem:s1] =	stream.indirect.scatter.add.f32 [tilespmem:s14], [sflag:$0x3], $0x1, s28, s13, $0xb8;
	[tilespmem:$0x5580] =	vst v63  }
0xb6: {  	_ =	swait.ge [sflag:s21], $0x40  }
0xb7: {  	[sflag:s21] =	ssyncset.done $0x0  }
0xb8: {  	s26 =	sadd.s32 $0x5180, s26;
	[sflag:s21] =	ssyncadd.s32 $0xFFFFFFC0  }
.Ltmp5:
0xb9: {  	_ = 	snop;
	(pc) =	sbr.rel .LBB2_11-.Ltmp5, $1  }
0xba: {  	_ =	sdelay $0x3  }
.LBB2_2:
0xbb: {  	[tilespmem:s3], [sflag:$0x5] =	stream.linear.gather [hbm4b:s5+s3], $0x5000, $0x38;
	[tilespmem:$0x5580] =	vst v63  }
0xbc: {  	_ =	swait.ge [sflag:s12], $0x5000  }
0xbd: {  	[sflag:s12] =	ssyncset.done $0x0  }
0xbe: {  	[sflag:s12] =	ssyncadd.s32 $0xFFFFB000  }
0xbf: {  	[spmem:s1] =	stream.indirect.scatter.add.f32 [tilespmem:s14], [sflag:$0x1], $0x1, s3, s13, $0xb8;
	[tilespmem:$0x5580] =	vst v63  }
0xc0: {  	_ = 	snop  }
0xc1: {  	[spmem:s1] =	stream.indirect.scatter.add.f32 [tilespmem:s14], [sflag:$0x2], $0x1, s15, s13, $0xb8;
	[tilespmem:$0x5580] =	vst v63  }
0xc2: {  	_ = 	snop  }
0xc3: {  	[spmem:s1] =	stream.indirect.scatter.add.f32 [tilespmem:s14], [sflag:$0x3], $0x1, s16, s13, $0xb8;
	[tilespmem:$0x5580] =	vst v63  }
0xc4: {  	_ = 	snop  }
0xc5: {  	[spmem:s1] =	stream.indirect.scatter.add.f32 [tilespmem:s14], [sflag:$0x4], $0x1, s17, s13, $0xb8;
	[tilespmem:$0x5580] =	vst v63  }
0xc6: {  	_ =	swait.ge [sflag:s18], $0x40  }
0xc7: {  	[sflag:s18] =	ssyncset.done $0x0  }
0xc8: {  	s25 =	simm.s32 $0x200;
	[sflag:s18] =	ssyncadd.s32 $0xFFFFFFC0  }
0xc9: {  	[spmem:s1] =	stream.indirect.scatter.add.f32 [tilespmem:s14], [sflag:$0x1], $0x1, s25, s13, $0xb8;
	[tilespmem:$0x5580] =	vst v63  }
0xca: {  	_ =	swait.ge [sflag:s19], $0x40  }
0xcb: {  	[sflag:s19] =	ssyncset.done $0x0  }
0xcc: {  	s30 =	simm.s32 $0x280;
	[sflag:s19] =	ssyncadd.s32 $0xFFFFFFC0  }
0xcd: {  	[spmem:s1] =	stream.indirect.scatter.add.f32 [tilespmem:s14], [sflag:$0x2], $0x1, s30, s13, $0xb8;
	[tilespmem:$0x5580] =	vst v63  }
0xce: {  	_ =	swait.ge [sflag:s20], $0x40  }
0xcf: {  	[sflag:s20] =	ssyncset.done $0x0  }
0xd0: {  	s31 =	simm.s32 $0x300;
	[sflag:s20] =	ssyncadd.s32 $0xFFFFFFC0  }
0xd1: {  	[spmem:s1] =	stream.indirect.scatter.add.f32 [tilespmem:s14], [sflag:$0x3], $0x1, s31, s13, $0xb8;
	[tilespmem:$0x5580] =	vst v63  }
0xd2: {  	_ =	swait.ge [sflag:s21], $0x40  }
0xd3: {  	[sflag:s21] =	ssyncset.done $0x0  }
0xd4: {  	s26 =	simm.s32 $0x380;
	s25 =	simm.s32 $0xFFFED000;
	[sflag:s21] =	ssyncadd.s32 $0xFFFFFFC0  }
.LBB2_3:
0xd5: {  	[spmem:s1] =	stream.indirect.scatter.add.f32 [tilespmem:s14], [sflag:$0x4], $0x1, s26, s13, $0xb8;
	[tilespmem:$0x5580] =	vst v63  }
0xd6: {  	s26 =	smov.u32 s25  }
0xd7: {  	p1 =	sne.s32 s25, $0xFFFFF800;
	s25 =	sadd.s32 $0x800, s25;
	_ =	swait.ge [sflag:s18], $0x40  }
0xd8: {  	s26 =	sshra.s32 s26, $0x2;
	[sflag:s18] =	ssyncset.done $0x0  }
0xd9: {  	s28 =	sadd.s32 $0x5000, s26;
	[sflag:s18] =	ssyncadd.s32 $0xFFFFFFC0  }
0xda: {  	[spmem:s1] =	stream.indirect.scatter.add.f32 [tilespmem:s14], [sflag:$0x1], $0x1, s28, s13, $0xb8;
	[tilespmem:$0x5580] =	vst v63  }
0xdb: {  	_ =	swait.ge [sflag:s19], $0x40  }
0xdc: {  	[sflag:s19] =	ssyncset.done $0x0  }
0xdd: {  	s28 =	sadd.s32 $0x5080, s26;
	[sflag:s19] =	ssyncadd.s32 $0xFFFFFFC0  }
0xde: {  	[spmem:s1] =	stream.indirect.scatter.add.f32 [tilespmem:s14], [sflag:$0x2], $0x1, s28, s13, $0xb8;
	[tilespmem:$0x5580] =	vst v63  }
0xdf: {  	_ =	swait.ge [sflag:s20], $0x40  }
0xe0: {  	[sflag:s20] =	ssyncset.done $0x0  }
.Ltmp6:
0xe1: {  	s28 =	sadd.s32 $0x5100, s26;
	[sflag:s20] =	ssyncadd.s32 $0xFFFFFFC0;
	(pc) =	sbr.rel @p1 .LBB2_3-.Ltmp6, $4  }
0xe2: {  	[spmem:s1] =	stream.indirect.scatter.add.f32 [tilespmem:s14], [sflag:$0x3], $0x1, s28, s13, $0xb8;
	[tilespmem:$0x5580] =	vst v63  }
0xe3: {  	_ =	swait.ge [sflag:s21], $0x40  }
0xe4: {  	[sflag:s21] =	ssyncset.done $0x0  }
0xe5: {  	s26 =	sadd.s32 $0x5180, s26;
	[sflag:s21] =	ssyncadd.s32 $0xFFFFFFC0  }
0xe6: {  	[spmem:s1] =	stream.indirect.scatter.add.f32 [tilespmem:s14], [sflag:$0x4], $0x1, s26, s13, $0xb8;
	[tilespmem:$0x5580] =	vst v63  }
0xe7: {  	_ =	swait.ge [sflag:s18], $0x40  }
0xe8: {  	[sflag:s18] =	ssyncset.done $0x0  }
0xe9: {  	[sflag:s18] =	ssyncadd.s32 $0xFFFFFFC0  }
0xea: {  	_ =	swait.ge [sflag:s19], $0x40  }
0xeb: {  	[sflag:s19] =	ssyncset.done $0x0  }
0xec: {  	[sflag:s19] =	ssyncadd.s32 $0xFFFFFFC0  }
0xed: {  	_ =	swait.ge [sflag:s20], $0x40  }
0xee: {  	[sflag:s20] =	ssyncset.done $0x0  }
0xef: {  	[sflag:s20] =	ssyncadd.s32 $0xFFFFFFC0  }
0xf0: {  	_ =	swait.ge [sflag:s21], $0x40  }
0xf1: {  	[sflag:s21] =	ssyncset.done $0x0  }
0xf2: {  	[sflag:s21] =	ssyncadd.s32 $0xFFFFFFC0  }
0xf3: {  	[tilespmem:s3], [sflag:$0x5] =	stream.linear.gather [hbm4b:s6+s3], $0x5000, $0x38;
	[tilespmem:$0x5580] =	vst v63  }
0xf4: {  	_ =	swait.ge [sflag:s12], $0x5000  }
0xf5: {  	[sflag:s12] =	ssyncset.done $0x0  }
0xf6: {  	[sflag:s12] =	ssyncadd.s32 $0xFFFFB000  }
0xf7: {  	[spmem:s1] =	stream.indirect.scatter.add.f32 [tilespmem:s14], [sflag:$0x1], $0x1, s3, s13, $0xb8;
	[tilespmem:$0x5580] =	vst v63  }
0xf8: {  	_ = 	snop  }
0xf9: {  	[spmem:s1] =	stream.indirect.scatter.add.f32 [tilespmem:s14], [sflag:$0x2], $0x1, s15, s13, $0xb8;
	[tilespmem:$0x5580] =	vst v63  }
0xfa: {  	_ = 	snop  }
0xfb: {  	[spmem:s1] =	stream.indirect.scatter.add.f32 [tilespmem:s14], [sflag:$0x3], $0x1, s16, s13, $0xb8;
	[tilespmem:$0x5580] =	vst v63  }
0xfc: {  	_ = 	snop  }
0xfd: {  	[spmem:s1] =	stream.indirect.scatter.add.f32 [tilespmem:s14], [sflag:$0x4], $0x1, s17, s13, $0xb8;
	[tilespmem:$0x5580] =	vst v63  }
0xfe: {  	_ =	swait.ge [sflag:s18], $0x40  }
0xff: {  	[sflag:s18] =	ssyncset.done $0x0  }
0x100: {  	s25 =	simm.s32 $0x200;
	[sflag:s18] =	ssyncadd.s32 $0xFFFFFFC0  }
0x101: {  	[spmem:s1] =	stream.indirect.scatter.add.f32 [tilespmem:s14], [sflag:$0x1], $0x1, s25, s13, $0xb8;
	[tilespmem:$0x5580] =	vst v63  }
0x102: {  	_ =	swait.ge [sflag:s19], $0x40  }
0x103: {  	[sflag:s19] =	ssyncset.done $0x0  }
0x104: {  	s30 =	simm.s32 $0x280;
	[sflag:s19] =	ssyncadd.s32 $0xFFFFFFC0  }
0x105: {  	[spmem:s1] =	stream.indirect.scatter.add.f32 [tilespmem:s14], [sflag:$0x2], $0x1, s30, s13, $0xb8;
	[tilespmem:$0x5580] =	vst v63  }
0x106: {  	_ =	swait.ge [sflag:s20], $0x40  }
0x107: {  	[sflag:s20] =	ssyncset.done $0x0  }
0x108: {  	s31 =	simm.s32 $0x300;
	[sflag:s20] =	ssyncadd.s32 $0xFFFFFFC0  }
0x109: {  	[spmem:s1] =	stream.indirect.scatter.add.f32 [tilespmem:s14], [sflag:$0x3], $0x1, s31, s13, $0xb8;
	[tilespmem:$0x5580] =	vst v63  }
0x10a: {  	_ =	swait.ge [sflag:s21], $0x40  }
0x10b: {  	[sflag:s21] =	ssyncset.done $0x0  }
0x10c: {  	s26 =	simm.s32 $0x380;
	s25 =	simm.s32 $0xFFFED000;
	[sflag:s21] =	ssyncadd.s32 $0xFFFFFFC0  }
.LBB2_5:
0x10d: {  	[spmem:s1] =	stream.indirect.scatter.add.f32 [tilespmem:s14], [sflag:$0x4], $0x1, s26, s13, $0xb8;
	[tilespmem:$0x5580] =	vst v63  }
0x10e: {  	s26 =	smov.u32 s25  }
0x10f: {  	p1 =	seq.s32 s25, $0xFFFFF800;
	s25 =	sadd.s32 $0x800, s25;
	_ =	swait.ge [sflag:s18], $0x40  }
0x110: {  	s26 =	sshra.s32 s26, $0x2;
	[sflag:s18] =	ssyncset.done $0x0  }
0x111: {  	s28 =	sadd.s32 $0x5000, s26;
	[sflag:s18] =	ssyncadd.s32 $0xFFFFFFC0  }
0x112: {  	[spmem:s1] =	stream.indirect.scatter.add.f32 [tilespmem:s14], [sflag:$0x1], $0x1, s28, s13, $0xb8;
	[tilespmem:$0x5580] =	vst v63  }
0x113: {  	_ =	swait.ge [sflag:s19], $0x40  }
0x114: {  	[sflag:s19] =	ssyncset.done $0x0  }
0x115: {  	s28 =	sadd.s32 $0x5080, s26;
	[sflag:s19] =	ssyncadd.s32 $0xFFFFFFC0  }
0x116: {  	[spmem:s1] =	stream.indirect.scatter.add.f32 [tilespmem:s14], [sflag:$0x2], $0x1, s28, s13, $0xb8;
	[tilespmem:$0x5580] =	vst v63  }
0x117: {  	_ =	swait.ge [sflag:s20], $0x40  }
0x118: {  	[sflag:s20] =	ssyncset.done $0x0  }
.Ltmp7:
0x119: {  	s28 =	sadd.s32 $0x5100, s26;
	[sflag:s20] =	ssyncadd.s32 $0xFFFFFFC0;
	(pc) =	sbr.rel @!p1 .LBB2_5-.Ltmp7, $4  }
0x11a: {  	[spmem:s1] =	stream.indirect.scatter.add.f32 [tilespmem:s14], [sflag:$0x3], $0x1, s28, s13, $0xb8;
	[tilespmem:$0x5580] =	vst v63  }
0x11b: {  	_ =	swait.ge [sflag:s21], $0x40  }
0x11c: {  	[sflag:s21] =	ssyncset.done $0x0  }
0x11d: {  	s26 =	sadd.s32 $0x5180, s26;
	[sflag:s21] =	ssyncadd.s32 $0xFFFFFFC0  }
.Ltmp8:
0x11e: {  	(pc) =	sbr.rel .LBB2_12-.Ltmp8, $2  }
0x11f: {  	_ =	sdelay $0x2  }
0x120: {  	[spmem:s1] =	stream.indirect.scatter.add.f32 [tilespmem:s14], [sflag:$0x4], $0x1, s26, s13, $0xb8;
	[tilespmem:$0x5580] =	vst v63  }
.LBB2_13:
0x121: {  	_ =	sfence.sel $0x180000  }
0x122: {  	[bflag:$0x0] =	sbarrier.arrive $0xFFFF  }
0x123: {  	p0 =	sne.s32 s2, $0x0;
	_ =	strace $0x90000047  }
0x124: {  	s0 =	sadd.s32 @!p0 $0x100000, s0;
	[bflag:$0x2] =	sbarrier.arrive $0xFFFF  }
0x125: {  	[sflag:s0] =	ssyncadd.tile.s32 @!p0 $0x1;
	_ =	shalt  }
.Lfunc_end2:
_tile_overlayer_lowered:
.L_overlay_start_2:
0x126: {  	(tag) =	ssettag $0x2  }
0x127: {  	s0 =	rddreg [dreg:$0x0];
	s2 =	stileid.u32  }
0x128: {  	s1 =	rddreg [dreg:$0x1];
	p0 =	sne.s32 s2, $0x0  }
0x129: {  	s3 =	rddreg [dreg:$0x2];
	[bflag:$0x3] =	sbarrier.arrive $0xFFFF;
	s2 =	simm.s32 @!p0 $0x1C05  }
0x12a: {  	[timem:s3], [sflag:s2] =	dma.local @!p0 [hbm:s0], s1  }
0x12b: {  	s0 =	simm.s32 @!p0 $0x5  }
0x12c: {  	_ =	swait.ge @!p0 [sflag:s0], s1  }
0x12d: {  	s1 =	ssub.s32 @!p0 $0x0, s1;
	[sflag:s0] =	ssyncset.done @!p0 $0x0  }
0x12e: {  	[sflag:s0] =	ssyncadd.s32 @!p0 s1  }
0x12f: {  	[bflag:$0x3] =	sbarrier.arrive $0xFFFF  }
0x130: {  	_ =	shalt  }

</sc_bundles>
